<compile_context>
chip_gen: v7x
topology: tpu7x:2x2x1
jax: 0.10.2.dev20260603
libtpu: 0.0.44.dev20260713+nightly
codegen_flags: <defaults>
</compile_context>

<pallas_src>
import functools

import jax
import jax.numpy as jnp
from jax import lax
from jax.experimental import pallas as pl
from jax.experimental.pallas import tpu as pltpu
from jax.experimental.pallas import tpu_sc as plsc

_NS = 16
_NC = 2
_B = 128


def _ceil_to(a, m):
    return (a + m - 1) // m * m



def _proj1_body(x_ref, w_ref, b_ref, p_ref, r_ref):
    y = jnp.dot(x_ref[...], w_ref[...], preferred_element_type=jnp.float32)
    wp = p_ref.shape[1]
    p_ref[...] = y[:, :wp]
    r_ref[...] = y[:, wp:] + b_ref[...]


def _mid_body(acc_a, acc_b, c_a, c_b, r1, w2, b2, p2, r2, cnt_out):
    cnt = c_a[...] + c_b[...]
    cnt_out[...] = cnt
    mean = (acc_a[...] + acc_b[...]) / jnp.maximum(cnt, 1.0)
    hid = jnp.maximum(mean + r1[...], 0.0)
    y = jnp.dot(hid, w2[...], preferred_element_type=jnp.float32)
    o = p2.shape[1]
    p2[...] = y[:, :o]
    r2[...] = y[:, o:] + b2[...]


def _final_body(acc_a, acc_b, cnt, r2, out):
    out[...] = (acc_a[...] + acc_b[...]) / jnp.maximum(cnt[...], 1.0) + r2[...]



_SUP = 8


def _make_segsum(n_pad, width, chunks_per_tile, with_cnt=False):
    rows_per_sub = n_pad // _NS
    n_sup = chunks_per_tile // _SUP
    mesh = plsc.VectorSubcoreMesh(core_axis_name="c", subcore_axis_name="s")

    out_type = [jax.ShapeDtypeStruct((_NC, n_pad, width), jnp.float32)]
    scratch = [
        pltpu.VMEM_SHARED((n_pad, width), jnp.float32),
        [pltpu.VMEM((2 * _SUP, _B), jnp.int32) for _ in range(2)],
        [[pltpu.VMEM((_B, width), jnp.float32) for _ in range(_SUP)]
         for _ in range(2)],
        [[pltpu.SemaphoreType.DMA for _ in range(_SUP)]
         for _ in range(2)],
    ]
    if with_cnt:
        out_type.append(jax.ShapeDtypeStruct((_NC, n_pad, 8), jnp.float32))
        scratch += [
            pltpu.VMEM_SHARED((n_pad, 8), jnp.float32),
            pltpu.VMEM((_B, 8), jnp.float32),
        ]

    def body(*refs):
        if with_cnt:
            (p_hbm, edge_hbm, z2, z1, ones_h, acc_out, cnt_out,
             acc_sh, edge_v, rows, gsem, cnt_sh, ones_v) = refs
        else:
            (p_hbm, edge_hbm, z2, acc_out,
             acc_sh, edge_v, rows, gsem) = refs
        cid = lax.axis_index("c")
        sid = lax.axis_index("s")
        sl = pl.ds(sid * rows_per_sub, rows_per_sub)

        pltpu.sync_copy(z2.at[sl], acc_sh.at[sl])
        if with_cnt:
            pltpu.sync_copy(z1.at[sl], cnt_sh.at[sl])
            pltpu.sync_copy(ones_h, ones_v)
        plsc.subcore_barrier()

        sup_base = (cid * _NS + sid) * n_sup
        n_pairs = n_sup // 2

        def load_and_fire(s, par):
            pltpu.sync_copy(edge_hbm.at[s], edge_v[par])
            for j in range(_SUP):
                pltpu.async_copy(p_hbm.at[edge_v[par].at[j]],
                                 rows[par][j], gsem[par][j])

        def drain_and_scatter(par):
            for j in range(_SUP):
                pltpu.make_async_copy(p_hbm.at[edge_v[par].at[j]],
                                      rows[par][j], gsem[par][j]).wait()
                pltpu.sync_copy(rows[par][j],
                                acc_sh.at[edge_v[par].at[_SUP + j]], add=True)
                if with_cnt:
                    pltpu.sync_copy(ones_v,
                                    cnt_sh.at[edge_v[par].at[_SUP + j]], add=True)

        load_and_fire(sup_base, 0)

        def pair(i, carry):
            load_and_fire(sup_base + 2 * i + 1, 1)
            drain_and_scatter(0)

            @pl.when(i < n_pairs - 1)
            def _():
                load_and_fire(sup_base + 2 * i + 2, 0)
            drain_and_scatter(1)
            return carry

        lax.fori_loop(0, n_pairs, pair, 0)
        plsc.subcore_barrier()

        pltpu.sync_copy(acc_sh.at[sl], acc_out.at[cid, sl])
        if with_cnt:
            pltpu.sync_copy(cnt_sh.at[sl], cnt_out.at[cid, sl])

    return pl.kernel(
        body, out_type=out_type, mesh=mesh, scratch_types=scratch,
        compiler_params=pltpu.CompilerParams(use_tc_tiling_on_sc=False))



def kernel(x, edge_index, W1l, b1, W1r, W2l, b2, W2r):
    n, d = x.shape
    h = W1l.shape[0]
    o = W2l.shape[0]
    e = edge_index.shape[1]

    n_chunks = _ceil_to(-(-e // _B), _NC * _NS * _SUP * 2)
    ep = n_chunks * _B
    cpt = n_chunks // (_NC * _NS)
    n_sups = n_chunks // _SUP
    n_pad = _ceil_to(n + 1, _NS * 8)

    src = edge_index[0]
    dst = edge_index[1]
    pad = ep - e
    srcp = jnp.concatenate([src, jnp.zeros((pad,), jnp.int32)]).reshape(n_sups, _SUP, _B)
    dstp = jnp.concatenate([dst, jnp.full((pad,), n, jnp.int32)]).reshape(n_sups, _SUP, _B)
    edges = jnp.concatenate([srcp, dstp], axis=1)

    z_h = jnp.zeros((n_pad, h), jnp.float32)
    z_o = jnp.zeros((n_pad, o), jnp.float32)
    z_1 = jnp.zeros((n_pad, 8), jnp.float32)

    w1 = jnp.concatenate([W1l, W1r], axis=0).T
    p1, r1 = pl.pallas_call(
        _proj1_body,
        out_shape=[jax.ShapeDtypeStruct((n, h), jnp.float32),
                   jax.ShapeDtypeStruct((n, h), jnp.float32)],
    )(x, w1, b1.reshape(1, h))

    ones_e = jnp.ones((_B, 8), jnp.float32)
    acc1, cnt1 = _make_segsum(n_pad, h, cpt, True)(p1, edges, z_h, z_1, ones_e)

    w2 = jnp.concatenate([W2l, W2r], axis=0).T
    p2, r2, cnt = pl.pallas_call(
        _mid_body,
        out_shape=[jax.ShapeDtypeStruct((n, o), jnp.float32),
                   jax.ShapeDtypeStruct((n, o), jnp.float32),
                   jax.ShapeDtypeStruct((n, 1), jnp.float32)],
    )(acc1[0, :n], acc1[1, :n], cnt1[0, :n, :1], cnt1[1, :n, :1],
      r1, w2, b2.reshape(1, o))

    (acc2,) = _make_segsum(n_pad, o, cpt)(p2, edges, z_o)

    out = pl.pallas_call(
        _final_body,
        out_shape=jax.ShapeDtypeStruct((n, o), jnp.float32),
    )(acc2[0, :n], acc2[1, :n], cnt, r2)
    return out

# --- scband reference (transcript-rebuilt; emitter-appended) ---
"""Pipeline reference for scband-tiny-sage-38869454028882 (READ-ONLY COPY).

The authoritative reference and input builder live on the scoring server;
editing this copy changes nothing except your own understanding.
"""

import jax, jax.numpy as jnp
import numpy as np

N = 10000
E = 320000
D = 128
H = 16
O = 8


def setup_inputs(seed: int = 0) -> dict:
    key = jax.random.key(seed)
    ks = jax.random.split(key, 9)
    x = jax.random.normal(ks[0], (N, D), dtype=jnp.float32)
    edge_index = jax.random.randint(ks[1], (2, E), 0, N, dtype=jnp.int32)
    # SAGEConv layer 1 params (PyG: lin_l acts on aggregated neighbors, has bias; lin_r on root, no bias)
    W1l = jax.random.normal(ks[2], (H, D), dtype=jnp.float32) * (1.0 / np.sqrt(D))
    b1 = jnp.zeros((H,), dtype=jnp.float32)
    W1r = jax.random.normal(ks[3], (H, D), dtype=jnp.float32) * (1.0 / np.sqrt(D))
    # SAGEConv layer 2 params
    W2l = jax.random.normal(ks[4], (O, H), dtype=jnp.float32) * (1.0 / np.sqrt(H))
    b2 = jnp.zeros((O,), dtype=jnp.float32)
    W2r = jax.random.normal(ks[5], (O, H), dtype=jnp.float32) * (1.0 / np.sqrt(H))
    return {"x": x, "edge_index": edge_index, "W1l": W1l, "b1": b1, "W1r": W1r,
            "W2l": W2l, "b2": b2, "W2r": W2r}


def _sage_conv(x, edge_index, Wl, bl, Wr, num_nodes):
    # PyG SAGEConv with mean aggregation:
    # out_i = Wl @ mean_{j in N(i)} x_j + bl + Wr @ x_i
    src = edge_index[0]
    dst = edge_index[1]
    msg = jnp.take(x, src, axis=0)                       # gather (SparseCore)
    summed = jax.ops.segment_sum(msg, dst, num_segments=num_nodes)   # scatter-add
    ones = jnp.ones((edge_index.shape[1],), dtype=x.dtype)
    cnt = jax.ops.segment_sum(ones, dst, num_segments=num_nodes)
    mean = summed / jnp.clip(cnt, 1.0)[:, None]
    return mean @ Wl.T + bl + x @ Wr.T


def reference(x, edge_index, W1l, b1, W1r, W2l, b2, W2r):
    h = jax.nn.relu(_sage_conv(x, edge_index, W1l, b1, W1r, N))
    out = _sage_conv(h, edge_index, W2l, b2, W2r, N)
    return out

if __name__ == "__main__":
    import jax
    _d = setup_inputs()
    print(jax.jit(kernel)(*tuple(_d.values())))

</pallas_src>

<mosaic_0001>
#map = affine_map<(d0, d1) -> (0, 0)>
#map1 = affine_map<(d0, d1) -> (0, 0, 0)>
module attributes {stable_mosaic.version = 14 : i64} {
  func.func @body(%arg0: i32, %arg1: i32, %arg2: memref<10000x16xf32, #tpu.memory_space<hbm>>, %arg3: memref<320x16x128xi32, #tpu.memory_space<hbm>>, %arg4: memref<10112x16xf32, #tpu.memory_space<hbm>>, %arg5: memref<10112x8xf32, #tpu.memory_space<hbm>>, %arg6: memref<128x8xf32, #tpu.memory_space<hbm>>, %arg7: memref<2x10112x16xf32, #tpu.memory_space<hbm>>, %arg8: memref<2x10112x8xf32, #tpu.memory_space<hbm>>, %arg9: memref<10112x16xf32, #tpu.memory_space<vmem_shared>>, %arg10: memref<16x128xi32, #tpu.memory_space<vmem>>, %arg11: memref<16x128xi32, #tpu.memory_space<vmem>>, %arg12: memref<128x16xf32, #tpu.memory_space<vmem>>, %arg13: memref<128x16xf32, #tpu.memory_space<vmem>>, %arg14: memref<128x16xf32, #tpu.memory_space<vmem>>, %arg15: memref<128x16xf32, #tpu.memory_space<vmem>>, %arg16: memref<128x16xf32, #tpu.memory_space<vmem>>, %arg17: memref<128x16xf32, #tpu.memory_space<vmem>>, %arg18: memref<128x16xf32, #tpu.memory_space<vmem>>, %arg19: memref<128x16xf32, #tpu.memory_space<vmem>>, %arg20: memref<128x16xf32, #tpu.memory_space<vmem>>, %arg21: memref<128x16xf32, #tpu.memory_space<vmem>>, %arg22: memref<128x16xf32, #tpu.memory_space<vmem>>, %arg23: memref<128x16xf32, #tpu.memory_space<vmem>>, %arg24: memref<128x16xf32, #tpu.memory_space<vmem>>, %arg25: memref<128x16xf32, #tpu.memory_space<vmem>>, %arg26: memref<128x16xf32, #tpu.memory_space<vmem>>, %arg27: memref<128x16xf32, #tpu.memory_space<vmem>>, %arg28: memref<!tpu.dma_semaphore, #tpu.memory_space<semaphore_mem>>, %arg29: memref<!tpu.dma_semaphore, #tpu.memory_space<semaphore_mem>>, %arg30: memref<!tpu.dma_semaphore, #tpu.memory_space<semaphore_mem>>, %arg31: memref<!tpu.dma_semaphore, #tpu.memory_space<semaphore_mem>>, %arg32: memref<!tpu.dma_semaphore, #tpu.memory_space<semaphore_mem>>, %arg33: memref<!tpu.dma_semaphore, #tpu.memory_space<semaphore_mem>>, %arg34: memref<!tpu.dma_semaphore, #tpu.memory_space<semaphore_mem>>, %arg35: memref<!tpu.dma_semaphore, #tpu.memory_space<semaphore_mem>>, %arg36: memref<!tpu.dma_semaphore, #tpu.memory_space<semaphore_mem>>, %arg37: memref<!tpu.dma_semaphore, #tpu.memory_space<semaphore_mem>>, %arg38: memref<!tpu.dma_semaphore, #tpu.memory_space<semaphore_mem>>, %arg39: memref<!tpu.dma_semaphore, #tpu.memory_space<semaphore_mem>>, %arg40: memref<!tpu.dma_semaphore, #tpu.memory_space<semaphore_mem>>, %arg41: memref<!tpu.dma_semaphore, #tpu.memory_space<semaphore_mem>>, %arg42: memref<!tpu.dma_semaphore, #tpu.memory_space<semaphore_mem>>, %arg43: memref<!tpu.dma_semaphore, #tpu.memory_space<semaphore_mem>>, %arg44: memref<10112x8xf32, #tpu.memory_space<vmem_shared>>, %arg45: memref<128x8xf32, #tpu.memory_space<vmem>>) attributes {dimension_semantics = [#tpu.dimension_semantics<core_parallel>, #tpu.dimension_semantics<subcore_parallel>], iteration_bounds = array<i64: 2, 16>, scalar_prefetch = 0 : i64, scratch_operands = 37 : i64, tpu.core_type = #tpu.core_type<sc_vector_subcore>, window_params = [{transform_indices = #map}, {transform_indices = #map1}, {transform_indices = #map}, {transform_indices = #map}, {transform_indices = #map}, {transform_indices = #map1}, {transform_indices = #map1}]} {
    %mul3A = arith.constant 632 : i32
    %mul3A_0 = arith.muli %arg1, %mul3A : i32
    "tpu.region"() ({
      %run_scoped3A = tpu.sem_alloc : memref<!tpu.dma_semaphore, #tpu.memory_space<semaphore_mem>>
      %dma_start3A_66 = arith.constant 0 : i32
      %dma_start3A_67 = tpu.memref_slice %arg9[%mul3A_0, %dma_start3A_66] : memref<10112x16xf32, #tpu.memory_space<vmem_shared>> -> memref<632x16xf32, #tpu.memory_space<vmem_shared>>
      %dma_start3A_68 = arith.constant 0 : i32
      %dma_start3A_69 = tpu.memref_slice %arg4[%mul3A_0, %dma_start3A_68] : memref<10112x16xf32, #tpu.memory_space<hbm>> -> memref<632x16xf32, #tpu.memory_space<hbm>>
      tpu.enqueue_dma source(%dma_start3A_69 : memref<632x16xf32, #tpu.memory_space<hbm>>) target(%dma_start3A_67 : memref<632x16xf32, #tpu.memory_space<vmem_shared>>) target_semaphore(%run_scoped3A : memref<!tpu.dma_semaphore, #tpu.memory_space<semaphore_mem>>)
      %dma_wait3A = arith.constant 0 : i32
      %dma_wait3A_70 = tpu.memref_slice %arg9[%mul3A_0, %dma_wait3A] : memref<10112x16xf32, #tpu.memory_space<vmem_shared>> -> memref<632x16xf32, #tpu.memory_space<vmem_shared>>
      %dma_wait3A_71 = arith.constant 0 : i32
      %dma_wait3A_72 = tpu.memref_slice %arg4[%mul3A_0, %dma_wait3A_71] : memref<10112x16xf32, #tpu.memory_space<hbm>> -> memref<632x16xf32, #tpu.memory_space<hbm>>
      tpu.wait_dma2 semaphore(%run_scoped3A : memref<!tpu.dma_semaphore, #tpu.memory_space<semaphore_mem>>) src(%dma_wait3A_72 : memref<632x16xf32, #tpu.memory_space<hbm>>) dst(%dma_wait3A_70 : memref<632x16xf32, #tpu.memory_space<vmem_shared>>)
      tpu.yield
    }) : () -> ()
    "tpu.region"() ({
      %run_scoped3A = tpu.sem_alloc : memref<!tpu.dma_semaphore, #tpu.memory_space<semaphore_mem>>
      %dma_start3A_66 = arith.constant 0 : i32
      %dma_start3A_67 = tpu.memref_slice %arg44[%mul3A_0, %dma_start3A_66] : memref<10112x8xf32, #tpu.memory_space<vmem_shared>> -> memref<632x8xf32, #tpu.memory_space<vmem_shared>>
      %dma_start3A_68 = arith.constant 0 : i32
      %dma_start3A_69 = tpu.memref_slice %arg5[%mul3A_0, %dma_start3A_68] : memref<10112x8xf32, #tpu.memory_space<hbm>> -> memref<632x8xf32, #tpu.memory_space<hbm>>
      tpu.enqueue_dma source(%dma_start3A_69 : memref<632x8xf32, #tpu.memory_space<hbm>>) target(%dma_start3A_67 : memref<632x8xf32, #tpu.memory_space<vmem_shared>>) target_semaphore(%run_scoped3A : memref<!tpu.dma_semaphore, #tpu.memory_space<semaphore_mem>>)
      %dma_wait3A = arith.constant 0 : i32
      %dma_wait3A_70 = tpu.memref_slice %arg44[%mul3A_0, %dma_wait3A] : memref<10112x8xf32, #tpu.memory_space<vmem_shared>> -> memref<632x8xf32, #tpu.memory_space<vmem_shared>>
      %dma_wait3A_71 = arith.constant 0 : i32
      %dma_wait3A_72 = tpu.memref_slice %arg5[%mul3A_0, %dma_wait3A_71] : memref<10112x8xf32, #tpu.memory_space<hbm>> -> memref<632x8xf32, #tpu.memory_space<hbm>>
      tpu.wait_dma2 semaphore(%run_scoped3A : memref<!tpu.dma_semaphore, #tpu.memory_space<semaphore_mem>>) src(%dma_wait3A_72 : memref<632x8xf32, #tpu.memory_space<hbm>>) dst(%dma_wait3A_70 : memref<632x8xf32, #tpu.memory_space<vmem_shared>>)
      tpu.yield
    }) : () -> ()
    "tpu.region"() ({
      %run_scoped3A = tpu.sem_alloc : memref<!tpu.dma_semaphore, #tpu.memory_space<semaphore_mem>>
      tpu.enqueue_dma source(%arg6 : memref<128x8xf32, #tpu.memory_space<hbm>>) target(%arg45 : memref<128x8xf32, #tpu.memory_space<vmem>>) target_semaphore(%run_scoped3A : memref<!tpu.dma_semaphore, #tpu.memory_space<semaphore_mem>>)
      tpu.wait_dma2 semaphore(%run_scoped3A : memref<!tpu.dma_semaphore, #tpu.memory_space<semaphore_mem>>) src(%arg6 : memref<128x8xf32, #tpu.memory_space<hbm>>) dst(%arg45 : memref<128x8xf32, #tpu.memory_space<vmem>>)
      tpu.yield
    }) : () -> ()
    %barrier3A = arith.constant 0 : index
    tpu.barrier barrier_id(%barrier3A)
    %mul3A_1 = arith.constant 16 : i32
    %mul3A_2 = arith.muli %arg0, %mul3A_1 : i32
    %add3A = arith.addi %mul3A_2, %arg1 : i32
    %mul3A_3 = arith.constant 10 : i32
    %mul3A_4 = arith.muli %add3A, %mul3A_3 : i32
    "tpu.region"() ({
      %run_scoped3A = tpu.sem_alloc : memref<!tpu.dma_semaphore, #tpu.memory_space<semaphore_mem>>
      %dma_start3A_66 = arith.constant 0 : i32
      %dma_start3A_67 = arith.constant 0 : i32
      %dma_start3A_68 = tpu.memref_slice %arg3[%mul3A_4, %dma_start3A_66, %dma_start3A_67] : memref<320x16x128xi32, #tpu.memory_space<hbm>> -> memref<1x16x128xi32, #tpu.memory_space<hbm>>
      %dma_start3A_69 = tpu.memref_squeeze %dma_start3A_68 : memref<1x16x128xi32, #tpu.memory_space<hbm>> -> memref<16x128xi32, #tpu.memory_space<hbm>>
      %dma_start3A_70 = arith.constant 0 : i32
      %dma_start3A_71 = arith.constant 0 : i32
      %dma_start3A_72 = tpu.memref_slice %arg3[%mul3A_4, %dma_start3A_70, %dma_start3A_71] : memref<320x16x128xi32, #tpu.memory_space<hbm>> -> memref<1x16x128xi32, #tpu.memory_space<hbm>>
      %dma_start3A_73 = tpu.memref_squeeze %dma_start3A_72 : memref<1x16x128xi32, #tpu.memory_space<hbm>> -> memref<16x128xi32, #tpu.memory_space<hbm>>
      tpu.enqueue_dma source(%dma_start3A_73 : memref<16x128xi32, #tpu.memory_space<hbm>>) target(%arg10 : memref<16x128xi32, #tpu.memory_space<vmem>>) target_semaphore(%run_scoped3A : memref<!tpu.dma_semaphore, #tpu.memory_space<semaphore_mem>>)
      %dma_wait3A = arith.constant 0 : i32
      %dma_wait3A_74 = arith.constant 0 : i32
      %dma_wait3A_75 = tpu.memref_slice %arg3[%mul3A_4, %dma_wait3A, %dma_wait3A_74] : memref<320x16x128xi32, #tpu.memory_space<hbm>> -> memref<1x16x128xi32, #tpu.memory_space<hbm>>
      %dma_wait3A_76 = tpu.memref_squeeze %dma_wait3A_75 : memref<1x16x128xi32, #tpu.memory_space<hbm>> -> memref<16x128xi32, #tpu.memory_space<hbm>>
      %dma_wait3A_77 = arith.constant 0 : i32
      %dma_wait3A_78 = arith.constant 0 : i32
      %dma_wait3A_79 = tpu.memref_slice %arg3[%mul3A_4, %dma_wait3A_77, %dma_wait3A_78] : memref<320x16x128xi32, #tpu.memory_space<hbm>> -> memref<1x16x128xi32, #tpu.memory_space<hbm>>
      %dma_wait3A_80 = tpu.memref_squeeze %dma_wait3A_79 : memref<1x16x128xi32, #tpu.memory_space<hbm>> -> memref<16x128xi32, #tpu.memory_space<hbm>>
      tpu.wait_dma2 semaphore(%run_scoped3A : memref<!tpu.dma_semaphore, #tpu.memory_space<semaphore_mem>>) src(%dma_wait3A_80 : memref<16x128xi32, #tpu.memory_space<hbm>>) dst(%arg10 : memref<16x128xi32, #tpu.memory_space<vmem>>)
      tpu.yield
    }) : () -> ()
    %dma_start3A = arith.constant 0 : i32
    %dma_start3A_5 = arith.constant 0 : i32
    %dma_start3A_6 = tpu.memref_slice %arg10[%dma_start3A, %dma_start3A_5] : memref<16x128xi32, #tpu.memory_space<vmem>> -> memref<1x128xi32, #tpu.memory_space<vmem>>
    %dma_start3A_7 = tpu.memref_squeeze %dma_start3A_6 : memref<1x128xi32, #tpu.memory_space<vmem>> -> memref<128xi32, #tpu.memory_space<vmem>>
    %dma_start3A_8 = arith.constant 0 : i32
    %dma_start3A_9 = arith.constant 0 : i32
    %dma_start3A_10 = tpu.memref_slice %arg2[%dma_start3A_8, %dma_start3A_9] : memref<10000x16xf32, #tpu.memory_space<hbm>> -> memref<10000x16xf32, #tpu.memory_space<hbm>>
    tpu.enqueue_indirect_dma source(%dma_start3A_10 : memref<10000x16xf32, #tpu.memory_space<hbm>>) target(%arg12 : memref<128x16xf32, #tpu.memory_space<vmem>>) offsets(%dma_start3A_7 : memref<128xi32, #tpu.memory_space<vmem>>) semaphore(%arg28 : memref<!tpu.dma_semaphore, #tpu.memory_space<semaphore_mem>>)
    %dma_start3A_11 = arith.constant 1 : i32
    %dma_start3A_12 = arith.constant 0 : i32
    %dma_start3A_13 = tpu.memref_slice %arg10[%dma_start3A_11, %dma_start3A_12] : memref<16x128xi32, #tpu.memory_space<vmem>> -> memref<1x128xi32, #tpu.memory_space<vmem>>
    %dma_start3A_14 = tpu.memref_squeeze %dma_start3A_13 : memref<1x128xi32, #tpu.memory_space<vmem>> -> memref<128xi32, #tpu.memory_space<vmem>>
    %dma_start3A_15 = arith.constant 0 : i32
    %dma_start3A_16 = arith.constant 0 : i32
    %dma_start3A_17 = tpu.memref_slice %arg2[%dma_start3A_15, %dma_start3A_16] : memref<10000x16xf32, #tpu.memory_space<hbm>> -> memref<10000x16xf32, #tpu.memory_space<hbm>>
    tpu.enqueue_indirect_dma source(%dma_start3A_17 : memref<10000x16xf32, #tpu.memory_space<hbm>>) target(%arg13 : memref<128x16xf32, #tpu.memory_space<vmem>>) offsets(%dma_start3A_14 : memref<128xi32, #tpu.memory_space<vmem>>) semaphore(%arg29 : memref<!tpu.dma_semaphore, #tpu.memory_space<semaphore_mem>>)
    %dma_start3A_18 = arith.constant 2 : i32
    %dma_start3A_19 = arith.constant 0 : i32
    %dma_start3A_20 = tpu.memref_slice %arg10[%dma_start3A_18, %dma_start3A_19] : memref<16x128xi32, #tpu.memory_space<vmem>> -> memref<1x128xi32, #tpu.memory_space<vmem>>
    %dma_start3A_21 = tpu.memref_squeeze %dma_start3A_20 : memref<1x128xi32, #tpu.memory_space<vmem>> -> memref<128xi32, #tpu.memory_space<vmem>>
    %dma_start3A_22 = arith.constant 0 : i32
    %dma_start3A_23 = arith.constant 0 : i32
    %dma_start3A_24 = tpu.memref_slice %arg2[%dma_start3A_22, %dma_start3A_23] : memref<10000x16xf32, #tpu.memory_space<hbm>> -> memref<10000x16xf32, #tpu.memory_space<hbm>>
    tpu.enqueue_indirect_dma source(%dma_start3A_24 : memref<10000x16xf32, #tpu.memory_space<hbm>>) target(%arg14 : memref<128x16xf32, #tpu.memory_space<vmem>>) offsets(%dma_start3A_21 : memref<128xi32, #tpu.memory_space<vmem>>) semaphore(%arg30 : memref<!tpu.dma_semaphore, #tpu.memory_space<semaphore_mem>>)
    %dma_start3A_25 = arith.constant 3 : i32
    %dma_start3A_26 = arith.constant 0 : i32
    %dma_start3A_27 = tpu.memref_slice %arg10[%dma_start3A_25, %dma_start3A_26] : memref<16x128xi32, #tpu.memory_space<vmem>> -> memref<1x128xi32, #tpu.memory_space<vmem>>
    %dma_start3A_28 = tpu.memref_squeeze %dma_start3A_27 : memref<1x128xi32, #tpu.memory_space<vmem>> -> memref<128xi32, #tpu.memory_space<vmem>>
    %dma_start3A_29 = arith.constant 0 : i32
    %dma_start3A_30 = arith.constant 0 : i32
    %dma_start3A_31 = tpu.memref_slice %arg2[%dma_start3A_29, %dma_start3A_30] : memref<10000x16xf32, #tpu.memory_space<hbm>> -> memref<10000x16xf32, #tpu.memory_space<hbm>>
    tpu.enqueue_indirect_dma source(%dma_start3A_31 : memref<10000x16xf32, #tpu.memory_space<hbm>>) target(%arg15 : memref<128x16xf32, #tpu.memory_space<vmem>>) offsets(%dma_start3A_28 : memref<128xi32, #tpu.memory_space<vmem>>) semaphore(%arg31 : memref<!tpu.dma_semaphore, #tpu.memory_space<semaphore_mem>>)
    %dma_start3A_32 = arith.constant 4 : i32
    %dma_start3A_33 = arith.constant 0 : i32
    %dma_start3A_34 = tpu.memref_slice %arg10[%dma_start3A_32, %dma_start3A_33] : memref<16x128xi32, #tpu.memory_space<vmem>> -> memref<1x128xi32, #tpu.memory_space<vmem>>
    %dma_start3A_35 = tpu.memref_squeeze %dma_start3A_34 : memref<1x128xi32, #tpu.memory_space<vmem>> -> memref<128xi32, #tpu.memory_space<vmem>>
    %dma_start3A_36 = arith.constant 0 : i32
    %dma_start3A_37 = arith.constant 0 : i32
    %dma_start3A_38 = tpu.memref_slice %arg2[%dma_start3A_36, %dma_start3A_37] : memref<10000x16xf32, #tpu.memory_space<hbm>> -> memref<10000x16xf32, #tpu.memory_space<hbm>>
    tpu.enqueue_indirect_dma source(%dma_start3A_38 : memref<10000x16xf32, #tpu.memory_space<hbm>>) target(%arg16 : memref<128x16xf32, #tpu.memory_space<vmem>>) offsets(%dma_start3A_35 : memref<128xi32, #tpu.memory_space<vmem>>) semaphore(%arg32 : memref<!tpu.dma_semaphore, #tpu.memory_space<semaphore_mem>>)
    %dma_start3A_39 = arith.constant 5 : i32
    %dma_start3A_40 = arith.constant 0 : i32
    %dma_start3A_41 = tpu.memref_slice %arg10[%dma_start3A_39, %dma_start3A_40] : memref<16x128xi32, #tpu.memory_space<vmem>> -> memref<1x128xi32, #tpu.memory_space<vmem>>
    %dma_start3A_42 = tpu.memref_squeeze %dma_start3A_41 : memref<1x128xi32, #tpu.memory_space<vmem>> -> memref<128xi32, #tpu.memory_space<vmem>>
    %dma_start3A_43 = arith.constant 0 : i32
    %dma_start3A_44 = arith.constant 0 : i32
    %dma_start3A_45 = tpu.memref_slice %arg2[%dma_start3A_43, %dma_start3A_44] : memref<10000x16xf32, #tpu.memory_space<hbm>> -> memref<10000x16xf32, #tpu.memory_space<hbm>>
    tpu.enqueue_indirect_dma source(%dma_start3A_45 : memref<10000x16xf32, #tpu.memory_space<hbm>>) target(%arg17 : memref<128x16xf32, #tpu.memory_space<vmem>>) offsets(%dma_start3A_42 : memref<128xi32, #tpu.memory_space<vmem>>) semaphore(%arg33 : memref<!tpu.dma_semaphore, #tpu.memory_space<semaphore_mem>>)
    %dma_start3A_46 = arith.constant 6 : i32
    %dma_start3A_47 = arith.constant 0 : i32
    %dma_start3A_48 = tpu.memref_slice %arg10[%dma_start3A_46, %dma_start3A_47] : memref<16x128xi32, #tpu.memory_space<vmem>> -> memref<1x128xi32, #tpu.memory_space<vmem>>
    %dma_start3A_49 = tpu.memref_squeeze %dma_start3A_48 : memref<1x128xi32, #tpu.memory_space<vmem>> -> memref<128xi32, #tpu.memory_space<vmem>>
    %dma_start3A_50 = arith.constant 0 : i32
    %dma_start3A_51 = arith.constant 0 : i32
    %dma_start3A_52 = tpu.memref_slice %arg2[%dma_start3A_50, %dma_start3A_51] : memref<10000x16xf32, #tpu.memory_space<hbm>> -> memref<10000x16xf32, #tpu.memory_space<hbm>>
    tpu.enqueue_indirect_dma source(%dma_start3A_52 : memref<10000x16xf32, #tpu.memory_space<hbm>>) target(%arg18 : memref<128x16xf32, #tpu.memory_space<vmem>>) offsets(%dma_start3A_49 : memref<128xi32, #tpu.memory_space<vmem>>) semaphore(%arg34 : memref<!tpu.dma_semaphore, #tpu.memory_space<semaphore_mem>>)
    %dma_start3A_53 = arith.constant 7 : i32
    %dma_start3A_54 = arith.constant 0 : i32
    %dma_start3A_55 = tpu.memref_slice %arg10[%dma_start3A_53, %dma_start3A_54] : memref<16x128xi32, #tpu.memory_space<vmem>> -> memref<1x128xi32, #tpu.memory_space<vmem>>
    %dma_start3A_56 = tpu.memref_squeeze %dma_start3A_55 : memref<1x128xi32, #tpu.memory_space<vmem>> -> memref<128xi32, #tpu.memory_space<vmem>>
    %dma_start3A_57 = arith.constant 0 : i32
    %dma_start3A_58 = arith.constant 0 : i32
    %dma_start3A_59 = tpu.memref_slice %arg2[%dma_start3A_57, %dma_start3A_58] : memref<10000x16xf32, #tpu.memory_space<hbm>> -> memref<10000x16xf32, #tpu.memory_space<hbm>>
    tpu.enqueue_indirect_dma source(%dma_start3A_59 : memref<10000x16xf32, #tpu.memory_space<hbm>>) target(%arg19 : memref<128x16xf32, #tpu.memory_space<vmem>>) offsets(%dma_start3A_56 : memref<128xi32, #tpu.memory_space<vmem>>) semaphore(%arg35 : memref<!tpu.dma_semaphore, #tpu.memory_space<semaphore_mem>>)
    %scan3A = arith.constant 0 : i32
    %scan3A_60 = arith.constant 0 : i32
    %scan3A_61 = arith.constant 5 : i32
    %scan3A_62 = arith.addi %scan3A_60, %scan3A_61 : i32
    %scan3A_63 = arith.constant 1 : i32
    scf.for %scan3A_66 = %scan3A_60 to %scan3A_62 step %scan3A_63  : i32 {
      %mul3A_67 = arith.constant 2 : i32
      %mul3A_68 = arith.muli %mul3A_67, %scan3A_66 : i32
      %add3A_69 = arith.addi %mul3A_4, %mul3A_68 : i32
      %add3A_70 = arith.constant 1 : i32
      %add3A_71 = arith.addi %add3A_69, %add3A_70 : i32
      "tpu.region"() ({
        %run_scoped3A_272 = tpu.sem_alloc : memref<!tpu.dma_semaphore, #tpu.memory_space<semaphore_mem>>
        %dma_start3A_273 = arith.constant 0 : i32
        %dma_start3A_274 = arith.constant 0 : i32
        %dma_start3A_275 = tpu.memref_slice %arg3[%add3A_71, %dma_start3A_273, %dma_start3A_274] : memref<320x16x128xi32, #tpu.memory_space<hbm>> -> memref<1x16x128xi32, #tpu.memory_space<hbm>>
        %dma_start3A_276 = tpu.memref_squeeze %dma_start3A_275 : memref<1x16x128xi32, #tpu.memory_space<hbm>> -> memref<16x128xi32, #tpu.memory_space<hbm>>
        %dma_start3A_277 = arith.constant 0 : i32
        %dma_start3A_278 = arith.constant 0 : i32
        %dma_start3A_279 = tpu.memref_slice %arg3[%add3A_71, %dma_start3A_277, %dma_start3A_278] : memref<320x16x128xi32, #tpu.memory_space<hbm>> -> memref<1x16x128xi32, #tpu.memory_space<hbm>>
        %dma_start3A_280 = tpu.memref_squeeze %dma_start3A_279 : memref<1x16x128xi32, #tpu.memory_space<hbm>> -> memref<16x128xi32, #tpu.memory_space<hbm>>
        tpu.enqueue_dma source(%dma_start3A_280 : memref<16x128xi32, #tpu.memory_space<hbm>>) target(%arg11 : memref<16x128xi32, #tpu.memory_space<vmem>>) target_semaphore(%run_scoped3A_272 : memref<!tpu.dma_semaphore, #tpu.memory_space<semaphore_mem>>)
        %dma_wait3A_281 = arith.constant 0 : i32
        %dma_wait3A_282 = arith.constant 0 : i32
        %dma_wait3A_283 = tpu.memref_slice %arg3[%add3A_71, %dma_wait3A_281, %dma_wait3A_282] : memref<320x16x128xi32, #tpu.memory_space<hbm>> -> memref<1x16x128xi32, #tpu.memory_space<hbm>>
        %dma_wait3A_284 = tpu.memref_squeeze %dma_wait3A_283 : memref<1x16x128xi32, #tpu.memory_space<hbm>> -> memref<16x128xi32, #tpu.memory_space<hbm>>
        %dma_wait3A_285 = arith.constant 0 : i32
        %dma_wait3A_286 = arith.constant 0 : i32
        %dma_wait3A_287 = tpu.memref_slice %arg3[%add3A_71, %dma_wait3A_285, %dma_wait3A_286] : memref<320x16x128xi32, #tpu.memory_space<hbm>> -> memref<1x16x128xi32, #tpu.memory_space<hbm>>
        %dma_wait3A_288 = tpu.memref_squeeze %dma_wait3A_287 : memref<1x16x128xi32, #tpu.memory_space<hbm>> -> memref<16x128xi32, #tpu.memory_space<hbm>>
        tpu.wait_dma2 semaphore(%run_scoped3A_272 : memref<!tpu.dma_semaphore, #tpu.memory_space<semaphore_mem>>) src(%dma_wait3A_288 : memref<16x128xi32, #tpu.memory_space<hbm>>) dst(%arg11 : memref<16x128xi32, #tpu.memory_space<vmem>>)
        tpu.yield
      }) : () -> ()
      %dma_start3A_72 = arith.constant 0 : i32
      %dma_start3A_73 = arith.constant 0 : i32
      %dma_start3A_74 = tpu.memref_slice %arg11[%dma_start3A_72, %dma_start3A_73] : memref<16x128xi32, #tpu.memory_space<vmem>> -> memref<1x128xi32, #tpu.memory_space<vmem>>
      %dma_start3A_75 = tpu.memref_squeeze %dma_start3A_74 : memref<1x128xi32, #tpu.memory_space<vmem>> -> memref<128xi32, #tpu.memory_space<vmem>>
      %dma_start3A_76 = arith.constant 0 : i32
      %dma_start3A_77 = arith.constant 0 : i32
      %dma_start3A_78 = tpu.memref_slice %arg2[%dma_start3A_76, %dma_start3A_77] : memref<10000x16xf32, #tpu.memory_space<hbm>> -> memref<10000x16xf32, #tpu.memory_space<hbm>>
      tpu.enqueue_indirect_dma source(%dma_start3A_78 : memref<10000x16xf32, #tpu.memory_space<hbm>>) target(%arg20 : memref<128x16xf32, #tpu.memory_space<vmem>>) offsets(%dma_start3A_75 : memref<128xi32, #tpu.memory_space<vmem>>) semaphore(%arg36 : memref<!tpu.dma_semaphore, #tpu.memory_space<semaphore_mem>>)
      %dma_start3A_79 = arith.constant 1 : i32
      %dma_start3A_80 = arith.constant 0 : i32
      %dma_start3A_81 = tpu.memref_slice %arg11[%dma_start3A_79, %dma_start3A_80] : memref<16x128xi32, #tpu.memory_space<vmem>> -> memref<1x128xi32, #tpu.memory_space<vmem>>
      %dma_start3A_82 = tpu.memref_squeeze %dma_start3A_81 : memref<1x128xi32, #tpu.memory_space<vmem>> -> memref<128xi32, #tpu.memory_space<vmem>>
      %dma_start3A_83 = arith.constant 0 : i32
      %dma_start3A_84 = arith.constant 0 : i32
      %dma_start3A_85 = tpu.memref_slice %arg2[%dma_start3A_83, %dma_start3A_84] : memref<10000x16xf32, #tpu.memory_space<hbm>> -> memref<10000x16xf32, #tpu.memory_space<hbm>>
      tpu.enqueue_indirect_dma source(%dma_start3A_85 : memref<10000x16xf32, #tpu.memory_space<hbm>>) target(%arg21 : memref<128x16xf32, #tpu.memory_space<vmem>>) offsets(%dma_start3A_82 : memref<128xi32, #tpu.memory_space<vmem>>) semaphore(%arg37 : memref<!tpu.dma_semaphore, #tpu.memory_space<semaphore_mem>>)
      %dma_start3A_86 = arith.constant 2 : i32
      %dma_start3A_87 = arith.constant 0 : i32
      %dma_start3A_88 = tpu.memref_slice %arg11[%dma_start3A_86, %dma_start3A_87] : memref<16x128xi32, #tpu.memory_space<vmem>> -> memref<1x128xi32, #tpu.memory_space<vmem>>
      %dma_start3A_89 = tpu.memref_squeeze %dma_start3A_88 : memref<1x128xi32, #tpu.memory_space<vmem>> -> memref<128xi32, #tpu.memory_space<vmem>>
      %dma_start3A_90 = arith.constant 0 : i32
      %dma_start3A_91 = arith.constant 0 : i32
      %dma_start3A_92 = tpu.memref_slice %arg2[%dma_start3A_90, %dma_start3A_91] : memref<10000x16xf32, #tpu.memory_space<hbm>> -> memref<10000x16xf32, #tpu.memory_space<hbm>>
      tpu.enqueue_indirect_dma source(%dma_start3A_92 : memref<10000x16xf32, #tpu.memory_space<hbm>>) target(%arg22 : memref<128x16xf32, #tpu.memory_space<vmem>>) offsets(%dma_start3A_89 : memref<128xi32, #tpu.memory_space<vmem>>) semaphore(%arg38 : memref<!tpu.dma_semaphore, #tpu.memory_space<semaphore_mem>>)
      %dma_start3A_93 = arith.constant 3 : i32
      %dma_start3A_94 = arith.constant 0 : i32
      %dma_start3A_95 = tpu.memref_slice %arg11[%dma_start3A_93, %dma_start3A_94] : memref<16x128xi32, #tpu.memory_space<vmem>> -> memref<1x128xi32, #tpu.memory_space<vmem>>
      %dma_start3A_96 = tpu.memref_squeeze %dma_start3A_95 : memref<1x128xi32, #tpu.memory_space<vmem>> -> memref<128xi32, #tpu.memory_space<vmem>>
      %dma_start3A_97 = arith.constant 0 : i32
      %dma_start3A_98 = arith.constant 0 : i32
      %dma_start3A_99 = tpu.memref_slice %arg2[%dma_start3A_97, %dma_start3A_98] : memref<10000x16xf32, #tpu.memory_space<hbm>> -> memref<10000x16xf32, #tpu.memory_space<hbm>>
      tpu.enqueue_indirect_dma source(%dma_start3A_99 : memref<10000x16xf32, #tpu.memory_space<hbm>>) target(%arg23 : memref<128x16xf32, #tpu.memory_space<vmem>>) offsets(%dma_start3A_96 : memref<128xi32, #tpu.memory_space<vmem>>) semaphore(%arg39 : memref<!tpu.dma_semaphore, #tpu.memory_space<semaphore_mem>>)
      %dma_start3A_100 = arith.constant 4 : i32
      %dma_start3A_101 = arith.constant 0 : i32
      %dma_start3A_102 = tpu.memref_slice %arg11[%dma_start3A_100, %dma_start3A_101] : memref<16x128xi32, #tpu.memory_space<vmem>> -> memref<1x128xi32, #tpu.memory_space<vmem>>
      %dma_start3A_103 = tpu.memref_squeeze %dma_start3A_102 : memref<1x128xi32, #tpu.memory_space<vmem>> -> memref<128xi32, #tpu.memory_space<vmem>>
      %dma_start3A_104 = arith.constant 0 : i32
      %dma_start3A_105 = arith.constant 0 : i32
      %dma_start3A_106 = tpu.memref_slice %arg2[%dma_start3A_104, %dma_start3A_105] : memref<10000x16xf32, #tpu.memory_space<hbm>> -> memref<10000x16xf32, #tpu.memory_space<hbm>>
      tpu.enqueue_indirect_dma source(%dma_start3A_106 : memref<10000x16xf32, #tpu.memory_space<hbm>>) target(%arg24 : memref<128x16xf32, #tpu.memory_space<vmem>>) offsets(%dma_start3A_103 : memref<128xi32, #tpu.memory_space<vmem>>) semaphore(%arg40 : memref<!tpu.dma_semaphore, #tpu.memory_space<semaphore_mem>>)
      %dma_start3A_107 = arith.constant 5 : i32
      %dma_start3A_108 = arith.constant 0 : i32
      %dma_start3A_109 = tpu.memref_slice %arg11[%dma_start3A_107, %dma_start3A_108] : memref<16x128xi32, #tpu.memory_space<vmem>> -> memref<1x128xi32, #tpu.memory_space<vmem>>
      %dma_start3A_110 = tpu.memref_squeeze %dma_start3A_109 : memref<1x128xi32, #tpu.memory_space<vmem>> -> memref<128xi32, #tpu.memory_space<vmem>>
      %dma_start3A_111 = arith.constant 0 : i32
      %dma_start3A_112 = arith.constant 0 : i32
      %dma_start3A_113 = tpu.memref_slice %arg2[%dma_start3A_111, %dma_start3A_112] : memref<10000x16xf32, #tpu.memory_space<hbm>> -> memref<10000x16xf32, #tpu.memory_space<hbm>>
      tpu.enqueue_indirect_dma source(%dma_start3A_113 : memref<10000x16xf32, #tpu.memory_space<hbm>>) target(%arg25 : memref<128x16xf32, #tpu.memory_space<vmem>>) offsets(%dma_start3A_110 : memref<128xi32, #tpu.memory_space<vmem>>) semaphore(%arg41 : memref<!tpu.dma_semaphore, #tpu.memory_space<semaphore_mem>>)
      %dma_start3A_114 = arith.constant 6 : i32
      %dma_start3A_115 = arith.constant 0 : i32
      %dma_start3A_116 = tpu.memref_slice %arg11[%dma_start3A_114, %dma_start3A_115] : memref<16x128xi32, #tpu.memory_space<vmem>> -> memref<1x128xi32, #tpu.memory_space<vmem>>
      %dma_start3A_117 = tpu.memref_squeeze %dma_start3A_116 : memref<1x128xi32, #tpu.memory_space<vmem>> -> memref<128xi32, #tpu.memory_space<vmem>>
      %dma_start3A_118 = arith.constant 0 : i32
      %dma_start3A_119 = arith.constant 0 : i32
      %dma_start3A_120 = tpu.memref_slice %arg2[%dma_start3A_118, %dma_start3A_119] : memref<10000x16xf32, #tpu.memory_space<hbm>> -> memref<10000x16xf32, #tpu.memory_space<hbm>>
      tpu.enqueue_indirect_dma source(%dma_start3A_120 : memref<10000x16xf32, #tpu.memory_space<hbm>>) target(%arg26 : memref<128x16xf32, #tpu.memory_space<vmem>>) offsets(%dma_start3A_117 : memref<128xi32, #tpu.memory_space<vmem>>) semaphore(%arg42 : memref<!tpu.dma_semaphore, #tpu.memory_space<semaphore_mem>>)
      %dma_start3A_121 = arith.constant 7 : i32
      %dma_start3A_122 = arith.constant 0 : i32
      %dma_start3A_123 = tpu.memref_slice %arg11[%dma_start3A_121, %dma_start3A_122] : memref<16x128xi32, #tpu.memory_space<vmem>> -> memref<1x128xi32, #tpu.memory_space<vmem>>
      %dma_start3A_124 = tpu.memref_squeeze %dma_start3A_123 : memref<1x128xi32, #tpu.memory_space<vmem>> -> memref<128xi32, #tpu.memory_space<vmem>>
      %dma_start3A_125 = arith.constant 0 : i32
      %dma_start3A_126 = arith.constant 0 : i32
      %dma_start3A_127 = tpu.memref_slice %arg2[%dma_start3A_125, %dma_start3A_126] : memref<10000x16xf32, #tpu.memory_space<hbm>> -> memref<10000x16xf32, #tpu.memory_space<hbm>>
      tpu.enqueue_indirect_dma source(%dma_start3A_127 : memref<10000x16xf32, #tpu.memory_space<hbm>>) target(%arg27 : memref<128x16xf32, #tpu.memory_space<vmem>>) offsets(%dma_start3A_124 : memref<128xi32, #tpu.memory_space<vmem>>) semaphore(%arg43 : memref<!tpu.dma_semaphore, #tpu.memory_space<semaphore_mem>>)
      %dma_wait3A = arith.constant 0 : i32
      %dma_wait3A_128 = arith.constant 0 : i32
      %dma_wait3A_129 = tpu.memref_slice %arg10[%dma_wait3A, %dma_wait3A_128] : memref<16x128xi32, #tpu.memory_space<vmem>> -> memref<1x128xi32, #tpu.memory_space<vmem>>
      %dma_wait3A_130 = tpu.memref_squeeze %dma_wait3A_129 : memref<1x128xi32, #tpu.memory_space<vmem>> -> memref<128xi32, #tpu.memory_space<vmem>>
      %dma_wait3A_131 = arith.constant 0 : i32
      %dma_wait3A_132 = arith.constant 0 : i32
      %dma_wait3A_133 = tpu.memref_slice %arg2[%dma_wait3A_131, %dma_wait3A_132] : memref<10000x16xf32, #tpu.memory_space<hbm>> -> memref<10000x16xf32, #tpu.memory_space<hbm>>
      tpu.wait_indirect_dma semaphore(%arg28 : memref<!tpu.dma_semaphore, #tpu.memory_space<semaphore_mem>>) src(%dma_wait3A_133 : memref<10000x16xf32, #tpu.memory_space<hbm>>) dst(%arg12 : memref<128x16xf32, #tpu.memory_space<vmem>>)
      %run_scoped3A = arith.constant 8 : i32
      "tpu.region"() ({
        %run_scoped3A_272 = tpu.sem_alloc : memref<!tpu.dma_semaphore, #tpu.memory_space<semaphore_mem>>
        %dma_start3A_273 = arith.constant 0 : i32
        %dma_start3A_274 = tpu.memref_slice %arg10[%run_scoped3A, %dma_start3A_273] : memref<16x128xi32, #tpu.memory_space<vmem>> -> memref<1x128xi32, #tpu.memory_space<vmem>>
        %dma_start3A_275 = tpu.memref_squeeze %dma_start3A_274 : memref<1x128xi32, #tpu.memory_space<vmem>> -> memref<128xi32, #tpu.memory_space<vmem>>
        %dma_start3A_276 = arith.constant 0 : i32
        %dma_start3A_277 = arith.constant 0 : i32
        %dma_start3A_278 = tpu.memref_slice %arg9[%dma_start3A_276, %dma_start3A_277] : memref<10112x16xf32, #tpu.memory_space<vmem_shared>> -> memref<10112x16xf32, #tpu.memory_space<vmem_shared>>
        tpu.enqueue_indirect_dma source(%arg12 : memref<128x16xf32, #tpu.memory_space<vmem>>) target(%dma_start3A_278 : memref<10112x16xf32, #tpu.memory_space<vmem_shared>>) offsets(%dma_start3A_275 : memref<128xi32, #tpu.memory_space<vmem>>) semaphore(%run_scoped3A_272 : memref<!tpu.dma_semaphore, #tpu.memory_space<semaphore_mem>>) {add = true}
        %dma_wait3A_279 = arith.constant 0 : i32
        %dma_wait3A_280 = tpu.memref_slice %arg10[%run_scoped3A, %dma_wait3A_279] : memref<16x128xi32, #tpu.memory_space<vmem>> -> memref<1x128xi32, #tpu.memory_space<vmem>>
        %dma_wait3A_281 = tpu.memref_squeeze %dma_wait3A_280 : memref<1x128xi32, #tpu.memory_space<vmem>> -> memref<128xi32, #tpu.memory_space<vmem>>
        %dma_wait3A_282 = arith.constant 0 : i32
        %dma_wait3A_283 = arith.constant 0 : i32
        %dma_wait3A_284 = tpu.memref_slice %arg9[%dma_wait3A_282, %dma_wait3A_283] : memref<10112x16xf32, #tpu.memory_space<vmem_shared>> -> memref<10112x16xf32, #tpu.memory_space<vmem_shared>>
        tpu.wait_indirect_dma semaphore(%run_scoped3A_272 : memref<!tpu.dma_semaphore, #tpu.memory_space<semaphore_mem>>) src(%arg12 : memref<128x16xf32, #tpu.memory_space<vmem>>) dst(%dma_wait3A_284 : memref<10112x16xf32, #tpu.memory_space<vmem_shared>>)
        tpu.yield
      }) : () -> ()
      %run_scoped3A_134 = arith.constant 8 : i32
      "tpu.region"() ({
        %run_scoped3A_272 = tpu.sem_alloc : memref<!tpu.dma_semaphore, #tpu.memory_space<semaphore_mem>>
        %dma_start3A_273 = arith.constant 0 : i32
        %dma_start3A_274 = tpu.memref_slice %arg10[%run_scoped3A_134, %dma_start3A_273] : memref<16x128xi32, #tpu.memory_space<vmem>> -> memref<1x128xi32, #tpu.memory_space<vmem>>
        %dma_start3A_275 = tpu.memref_squeeze %dma_start3A_274 : memref<1x128xi32, #tpu.memory_space<vmem>> -> memref<128xi32, #tpu.memory_space<vmem>>
        %dma_start3A_276 = arith.constant 0 : i32
        %dma_start3A_277 = arith.constant 0 : i32
        %dma_start3A_278 = tpu.memref_slice %arg44[%dma_start3A_276, %dma_start3A_277] : memref<10112x8xf32, #tpu.memory_space<vmem_shared>> -> memref<10112x8xf32, #tpu.memory_space<vmem_shared>>
        tpu.enqueue_indirect_dma source(%arg45 : memref<128x8xf32, #tpu.memory_space<vmem>>) target(%dma_start3A_278 : memref<10112x8xf32, #tpu.memory_space<vmem_shared>>) offsets(%dma_start3A_275 : memref<128xi32, #tpu.memory_space<vmem>>) semaphore(%run_scoped3A_272 : memref<!tpu.dma_semaphore, #tpu.memory_space<semaphore_mem>>) {add = true}
        %dma_wait3A_279 = arith.constant 0 : i32
        %dma_wait3A_280 = tpu.memref_slice %arg10[%run_scoped3A_134, %dma_wait3A_279] : memref<16x128xi32, #tpu.memory_space<vmem>> -> memref<1x128xi32, #tpu.memory_space<vmem>>
        %dma_wait3A_281 = tpu.memref_squeeze %dma_wait3A_280 : memref<1x128xi32, #tpu.memory_space<vmem>> -> memref<128xi32, #tpu.memory_space<vmem>>
        %dma_wait3A_282 = arith.constant 0 : i32
        %dma_wait3A_283 = arith.constant 0 : i32
        %dma_wait3A_284 = tpu.memref_slice %arg44[%dma_wait3A_282, %dma_wait3A_283] : memref<10112x8xf32, #tpu.memory_space<vmem_shared>> -> memref<10112x8xf32, #tpu.memory_space<vmem_shared>>
        tpu.wait_indirect_dma semaphore(%run_scoped3A_272 : memref<!tpu.dma_semaphore, #tpu.memory_space<semaphore_mem>>) src(%arg45 : memref<128x8xf32, #tpu.memory_space<vmem>>) dst(%dma_wait3A_284 : memref<10112x8xf32, #tpu.memory_space<vmem_shared>>)
        tpu.yield
      }) : () -> ()
      %dma_wait3A_135 = arith.constant 1 : i32
      %dma_wait3A_136 = arith.constant 0 : i32
      %dma_wait3A_137 = tpu.memref_slice %arg10[%dma_wait3A_135, %dma_wait3A_136] : memref<16x128xi32, #tpu.memory_space<vmem>> -> memref<1x128xi32, #tpu.memory_space<vmem>>
      %dma_wait3A_138 = tpu.memref_squeeze %dma_wait3A_137 : memref<1x128xi32, #tpu.memory_space<vmem>> -> memref<128xi32, #tpu.memory_space<vmem>>
      %dma_wait3A_139 = arith.constant 0 : i32
      %dma_wait3A_140 = arith.constant 0 : i32
      %dma_wait3A_141 = tpu.memref_slice %arg2[%dma_wait3A_139, %dma_wait3A_140] : memref<10000x16xf32, #tpu.memory_space<hbm>> -> memref<10000x16xf32, #tpu.memory_space<hbm>>
      tpu.wait_indirect_dma semaphore(%arg29 : memref<!tpu.dma_semaphore, #tpu.memory_space<semaphore_mem>>) src(%dma_wait3A_141 : memref<10000x16xf32, #tpu.memory_space<hbm>>) dst(%arg13 : memref<128x16xf32, #tpu.memory_space<vmem>>)
      %run_scoped3A_142 = arith.constant 9 : i32
      "tpu.region"() ({
        %run_scoped3A_272 = tpu.sem_alloc : memref<!tpu.dma_semaphore, #tpu.memory_space<semaphore_mem>>
        %dma_start3A_273 = arith.constant 0 : i32
        %dma_start3A_274 = tpu.memref_slice %arg10[%run_scoped3A_142, %dma_start3A_273] : memref<16x128xi32, #tpu.memory_space<vmem>> -> memref<1x128xi32, #tpu.memory_space<vmem>>
        %dma_start3A_275 = tpu.memref_squeeze %dma_start3A_274 : memref<1x128xi32, #tpu.memory_space<vmem>> -> memref<128xi32, #tpu.memory_space<vmem>>
        %dma_start3A_276 = arith.constant 0 : i32
        %dma_start3A_277 = arith.constant 0 : i32
        %dma_start3A_278 = tpu.memref_slice %arg9[%dma_start3A_276, %dma_start3A_277] : memref<10112x16xf32, #tpu.memory_space<vmem_shared>> -> memref<10112x16xf32, #tpu.memory_space<vmem_shared>>
        tpu.enqueue_indirect_dma source(%arg13 : memref<128x16xf32, #tpu.memory_space<vmem>>) target(%dma_start3A_278 : memref<10112x16xf32, #tpu.memory_space<vmem_shared>>) offsets(%dma_start3A_275 : memref<128xi32, #tpu.memory_space<vmem>>) semaphore(%run_scoped3A_272 : memref<!tpu.dma_semaphore, #tpu.memory_space<semaphore_mem>>) {add = true}
        %dma_wait3A_279 = arith.constant 0 : i32
        %dma_wait3A_280 = tpu.memref_slice %arg10[%run_scoped3A_142, %dma_wait3A_279] : memref<16x128xi32, #tpu.memory_space<vmem>> -> memref<1x128xi32, #tpu.memory_space<vmem>>
        %dma_wait3A_281 = tpu.memref_squeeze %dma_wait3A_280 : memref<1x128xi32, #tpu.memory_space<vmem>> -> memref<128xi32, #tpu.memory_space<vmem>>
        %dma_wait3A_282 = arith.constant 0 : i32
        %dma_wait3A_283 = arith.constant 0 : i32
        %dma_wait3A_284 = tpu.memref_slice %arg9[%dma_wait3A_282, %dma_wait3A_283] : memref<10112x16xf32, #tpu.memory_space<vmem_shared>> -> memref<10112x16xf32, #tpu.memory_space<vmem_shared>>
        tpu.wait_indirect_dma semaphore(%run_scoped3A_272 : memref<!tpu.dma_semaphore, #tpu.memory_space<semaphore_mem>>) src(%arg13 : memref<128x16xf32, #tpu.memory_space<vmem>>) dst(%dma_wait3A_284 : memref<10112x16xf32, #tpu.memory_space<vmem_shared>>)
        tpu.yield
      }) : () -> ()
      %run_scoped3A_143 = arith.constant 9 : i32
      "tpu.region"() ({
        %run_scoped3A_272 = tpu.sem_alloc : memref<!tpu.dma_semaphore, #tpu.memory_space<semaphore_mem>>
        %dma_start3A_273 = arith.constant 0 : i32
        %dma_start3A_274 = tpu.memref_slice %arg10[%run_scoped3A_143, %dma_start3A_273] : memref<16x128xi32, #tpu.memory_space<vmem>> -> memref<1x128xi32, #tpu.memory_space<vmem>>
        %dma_start3A_275 = tpu.memref_squeeze %dma_start3A_274 : memref<1x128xi32, #tpu.memory_space<vmem>> -> memref<128xi32, #tpu.memory_space<vmem>>
        %dma_start3A_276 = arith.constant 0 : i32
        %dma_start3A_277 = arith.constant 0 : i32
        %dma_start3A_278 = tpu.memref_slice %arg44[%dma_start3A_276, %dma_start3A_277] : memref<10112x8xf32, #tpu.memory_space<vmem_shared>> -> memref<10112x8xf32, #tpu.memory_space<vmem_shared>>
        tpu.enqueue_indirect_dma source(%arg45 : memref<128x8xf32, #tpu.memory_space<vmem>>) target(%dma_start3A_278 : memref<10112x8xf32, #tpu.memory_space<vmem_shared>>) offsets(%dma_start3A_275 : memref<128xi32, #tpu.memory_space<vmem>>) semaphore(%run_scoped3A_272 : memref<!tpu.dma_semaphore, #tpu.memory_space<semaphore_mem>>) {add = true}
        %dma_wait3A_279 = arith.constant 0 : i32
        %dma_wait3A_280 = tpu.memref_slice %arg10[%run_scoped3A_143, %dma_wait3A_279] : memref<16x128xi32, #tpu.memory_space<vmem>> -> memref<1x128xi32, #tpu.memory_space<vmem>>
        %dma_wait3A_281 = tpu.memref_squeeze %dma_wait3A_280 : memref<1x128xi32, #tpu.memory_space<vmem>> -> memref<128xi32, #tpu.memory_space<vmem>>
        %dma_wait3A_282 = arith.constant 0 : i32
        %dma_wait3A_283 = arith.constant 0 : i32
        %dma_wait3A_284 = tpu.memref_slice %arg44[%dma_wait3A_282, %dma_wait3A_283] : memref<10112x8xf32, #tpu.memory_space<vmem_shared>> -> memref<10112x8xf32, #tpu.memory_space<vmem_shared>>
        tpu.wait_indirect_dma semaphore(%run_scoped3A_272 : memref<!tpu.dma_semaphore, #tpu.memory_space<semaphore_mem>>) src(%arg45 : memref<128x8xf32, #tpu.memory_space<vmem>>) dst(%dma_wait3A_284 : memref<10112x8xf32, #tpu.memory_space<vmem_shared>>)
        tpu.yield
      }) : () -> ()
      %dma_wait3A_144 = arith.constant 2 : i32
      %dma_wait3A_145 = arith.constant 0 : i32
      %dma_wait3A_146 = tpu.memref_slice %arg10[%dma_wait3A_144, %dma_wait3A_145] : memref<16x128xi32, #tpu.memory_space<vmem>> -> memref<1x128xi32, #tpu.memory_space<vmem>>
      %dma_wait3A_147 = tpu.memref_squeeze %dma_wait3A_146 : memref<1x128xi32, #tpu.memory_space<vmem>> -> memref<128xi32, #tpu.memory_space<vmem>>
      %dma_wait3A_148 = arith.constant 0 : i32
      %dma_wait3A_149 = arith.constant 0 : i32
      %dma_wait3A_150 = tpu.memref_slice %arg2[%dma_wait3A_148, %dma_wait3A_149] : memref<10000x16xf32, #tpu.memory_space<hbm>> -> memref<10000x16xf32, #tpu.memory_space<hbm>>
      tpu.wait_indirect_dma semaphore(%arg30 : memref<!tpu.dma_semaphore, #tpu.memory_space<semaphore_mem>>) src(%dma_wait3A_150 : memref<10000x16xf32, #tpu.memory_space<hbm>>) dst(%arg14 : memref<128x16xf32, #tpu.memory_space<vmem>>)
      %run_scoped3A_151 = arith.constant 10 : i32
      "tpu.region"() ({
        %run_scoped3A_272 = tpu.sem_alloc : memref<!tpu.dma_semaphore, #tpu.memory_space<semaphore_mem>>
        %dma_start3A_273 = arith.constant 0 : i32
        %dma_start3A_274 = tpu.memref_slice %arg10[%run_scoped3A_151, %dma_start3A_273] : memref<16x128xi32, #tpu.memory_space<vmem>> -> memref<1x128xi32, #tpu.memory_space<vmem>>
        %dma_start3A_275 = tpu.memref_squeeze %dma_start3A_274 : memref<1x128xi32, #tpu.memory_space<vmem>> -> memref<128xi32, #tpu.memory_space<vmem>>
        %dma_start3A_276 = arith.constant 0 : i32
        %dma_start3A_277 = arith.constant 0 : i32
        %dma_start3A_278 = tpu.memref_slice %arg9[%dma_start3A_276, %dma_start3A_277] : memref<10112x16xf32, #tpu.memory_space<vmem_shared>> -> memref<10112x16xf32, #tpu.memory_space<vmem_shared>>
        tpu.enqueue_indirect_dma source(%arg14 : memref<128x16xf32, #tpu.memory_space<vmem>>) target(%dma_start3A_278 : memref<10112x16xf32, #tpu.memory_space<vmem_shared>>) offsets(%dma_start3A_275 : memref<128xi32, #tpu.memory_space<vmem>>) semaphore(%run_scoped3A_272 : memref<!tpu.dma_semaphore, #tpu.memory_space<semaphore_mem>>) {add = true}
        %dma_wait3A_279 = arith.constant 0 : i32
        %dma_wait3A_280 = tpu.memref_slice %arg10[%run_scoped3A_151, %dma_wait3A_279] : memref<16x128xi32, #tpu.memory_space<vmem>> -> memref<1x128xi32, #tpu.memory_space<vmem>>
        %dma_wait3A_281 = tpu.memref_squeeze %dma_wait3A_280 : memref<1x128xi32, #tpu.memory_space<vmem>> -> memref<128xi32, #tpu.memory_space<vmem>>
        %dma_wait3A_282 = arith.constant 0 : i32
        %dma_wait3A_283 = arith.constant 0 : i32
        %dma_wait3A_284 = tpu.memref_slice %arg9[%dma_wait3A_282, %dma_wait3A_283] : memref<10112x16xf32, #tpu.memory_space<vmem_shared>> -> memref<10112x16xf32, #tpu.memory_space<vmem_shared>>
        tpu.wait_indirect_dma semaphore(%run_scoped3A_272 : memref<!tpu.dma_semaphore, #tpu.memory_space<semaphore_mem>>) src(%arg14 : memref<128x16xf32, #tpu.memory_space<vmem>>) dst(%dma_wait3A_284 : memref<10112x16xf32, #tpu.memory_space<vmem_shared>>)
        tpu.yield
      }) : () -> ()
      %run_scoped3A_152 = arith.constant 10 : i32
      "tpu.region"() ({
        %run_scoped3A_272 = tpu.sem_alloc : memref<!tpu.dma_semaphore, #tpu.memory_space<semaphore_mem>>
        %dma_start3A_273 = arith.constant 0 : i32
        %dma_start3A_274 = tpu.memref_slice %arg10[%run_scoped3A_152, %dma_start3A_273] : memref<16x128xi32, #tpu.memory_space<vmem>> -> memref<1x128xi32, #tpu.memory_space<vmem>>
        %dma_start3A_275 = tpu.memref_squeeze %dma_start3A_274 : memref<1x128xi32, #tpu.memory_space<vmem>> -> memref<128xi32, #tpu.memory_space<vmem>>
        %dma_start3A_276 = arith.constant 0 : i32
        %dma_start3A_277 = arith.constant 0 : i32
        %dma_start3A_278 = tpu.memref_slice %arg44[%dma_start3A_276, %dma_start3A_277] : memref<10112x8xf32, #tpu.memory_space<vmem_shared>> -> memref<10112x8xf32, #tpu.memory_space<vmem_shared>>
        tpu.enqueue_indirect_dma source(%arg45 : memref<128x8xf32, #tpu.memory_space<vmem>>) target(%dma_start3A_278 : memref<10112x8xf32, #tpu.memory_space<vmem_shared>>) offsets(%dma_start3A_275 : memref<128xi32, #tpu.memory_space<vmem>>) semaphore(%run_scoped3A_272 : memref<!tpu.dma_semaphore, #tpu.memory_space<semaphore_mem>>) {add = true}
        %dma_wait3A_279 = arith.constant 0 : i32
        %dma_wait3A_280 = tpu.memref_slice %arg10[%run_scoped3A_152, %dma_wait3A_279] : memref<16x128xi32, #tpu.memory_space<vmem>> -> memref<1x128xi32, #tpu.memory_space<vmem>>
        %dma_wait3A_281 = tpu.memref_squeeze %dma_wait3A_280 : memref<1x128xi32, #tpu.memory_space<vmem>> -> memref<128xi32, #tpu.memory_space<vmem>>
        %dma_wait3A_282 = arith.constant 0 : i32
        %dma_wait3A_283 = arith.constant 0 : i32
        %dma_wait3A_284 = tpu.memref_slice %arg44[%dma_wait3A_282, %dma_wait3A_283] : memref<10112x8xf32, #tpu.memory_space<vmem_shared>> -> memref<10112x8xf32, #tpu.memory_space<vmem_shared>>
        tpu.wait_indirect_dma semaphore(%run_scoped3A_272 : memref<!tpu.dma_semaphore, #tpu.memory_space<semaphore_mem>>) src(%arg45 : memref<128x8xf32, #tpu.memory_space<vmem>>) dst(%dma_wait3A_284 : memref<10112x8xf32, #tpu.memory_space<vmem_shared>>)
        tpu.yield
      }) : () -> ()
      %dma_wait3A_153 = arith.constant 3 : i32
      %dma_wait3A_154 = arith.constant 0 : i32
      %dma_wait3A_155 = tpu.memref_slice %arg10[%dma_wait3A_153, %dma_wait3A_154] : memref<16x128xi32, #tpu.memory_space<vmem>> -> memref<1x128xi32, #tpu.memory_space<vmem>>
      %dma_wait3A_156 = tpu.memref_squeeze %dma_wait3A_155 : memref<1x128xi32, #tpu.memory_space<vmem>> -> memref<128xi32, #tpu.memory_space<vmem>>
      %dma_wait3A_157 = arith.constant 0 : i32
      %dma_wait3A_158 = arith.constant 0 : i32
      %dma_wait3A_159 = tpu.memref_slice %arg2[%dma_wait3A_157, %dma_wait3A_158] : memref<10000x16xf32, #tpu.memory_space<hbm>> -> memref<10000x16xf32, #tpu.memory_space<hbm>>
      tpu.wait_indirect_dma semaphore(%arg31 : memref<!tpu.dma_semaphore, #tpu.memory_space<semaphore_mem>>) src(%dma_wait3A_159 : memref<10000x16xf32, #tpu.memory_space<hbm>>) dst(%arg15 : memref<128x16xf32, #tpu.memory_space<vmem>>)
      %run_scoped3A_160 = arith.constant 11 : i32
      "tpu.region"() ({
        %run_scoped3A_272 = tpu.sem_alloc : memref<!tpu.dma_semaphore, #tpu.memory_space<semaphore_mem>>
        %dma_start3A_273 = arith.constant 0 : i32
        %dma_start3A_274 = tpu.memref_slice %arg10[%run_scoped3A_160, %dma_start3A_273] : memref<16x128xi32, #tpu.memory_space<vmem>> -> memref<1x128xi32, #tpu.memory_space<vmem>>
        %dma_start3A_275 = tpu.memref_squeeze %dma_start3A_274 : memref<1x128xi32, #tpu.memory_space<vmem>> -> memref<128xi32, #tpu.memory_space<vmem>>
        %dma_start3A_276 = arith.constant 0 : i32
        %dma_start3A_277 = arith.constant 0 : i32
        %dma_start3A_278 = tpu.memref_slice %arg9[%dma_start3A_276, %dma_start3A_277] : memref<10112x16xf32, #tpu.memory_space<vmem_shared>> -> memref<10112x16xf32, #tpu.memory_space<vmem_shared>>
        tpu.enqueue_indirect_dma source(%arg15 : memref<128x16xf32, #tpu.memory_space<vmem>>) target(%dma_start3A_278 : memref<10112x16xf32, #tpu.memory_space<vmem_shared>>) offsets(%dma_start3A_275 : memref<128xi32, #tpu.memory_space<vmem>>) semaphore(%run_scoped3A_272 : memref<!tpu.dma_semaphore, #tpu.memory_space<semaphore_mem>>) {add = true}
        %dma_wait3A_279 = arith.constant 0 : i32
        %dma_wait3A_280 = tpu.memref_slice %arg10[%run_scoped3A_160, %dma_wait3A_279] : memref<16x128xi32, #tpu.memory_space<vmem>> -> memref<1x128xi32, #tpu.memory_space<vmem>>
        %dma_wait3A_281 = tpu.memref_squeeze %dma_wait3A_280 : memref<1x128xi32, #tpu.memory_space<vmem>> -> memref<128xi32, #tpu.memory_space<vmem>>
        %dma_wait3A_282 = arith.constant 0 : i32
        %dma_wait3A_283 = arith.constant 0 : i32
        %dma_wait3A_284 = tpu.memref_slice %arg9[%dma_wait3A_282, %dma_wait3A_283] : memref<10112x16xf32, #tpu.memory_space<vmem_shared>> -> memref<10112x16xf32, #tpu.memory_space<vmem_shared>>
        tpu.wait_indirect_dma semaphore(%run_scoped3A_272 : memref<!tpu.dma_semaphore, #tpu.memory_space<semaphore_mem>>) src(%arg15 : memref<128x16xf32, #tpu.memory_space<vmem>>) dst(%dma_wait3A_284 : memref<10112x16xf32, #tpu.memory_space<vmem_shared>>)
        tpu.yield
      }) : () -> ()
      %run_scoped3A_161 = arith.constant 11 : i32
      "tpu.region"() ({
        %run_scoped3A_272 = tpu.sem_alloc : memref<!tpu.dma_semaphore, #tpu.memory_space<semaphore_mem>>
        %dma_start3A_273 = arith.constant 0 : i32
        %dma_start3A_274 = tpu.memref_slice %arg10[%run_scoped3A_161, %dma_start3A_273] : memref<16x128xi32, #tpu.memory_space<vmem>> -> memref<1x128xi32, #tpu.memory_space<vmem>>
        %dma_start3A_275 = tpu.memref_squeeze %dma_start3A_274 : memref<1x128xi32, #tpu.memory_space<vmem>> -> memref<128xi32, #tpu.memory_space<vmem>>
        %dma_start3A_276 = arith.constant 0 : i32
        %dma_start3A_277 = arith.constant 0 : i32
        %dma_start3A_278 = tpu.memref_slice %arg44[%dma_start3A_276, %dma_start3A_277] : memref<10112x8xf32, #tpu.memory_space<vmem_shared>> -> memref<10112x8xf32, #tpu.memory_space<vmem_shared>>
        tpu.enqueue_indirect_dma source(%arg45 : memref<128x8xf32, #tpu.memory_space<vmem>>) target(%dma_start3A_278 : memref<10112x8xf32, #tpu.memory_space<vmem_shared>>) offsets(%dma_start3A_275 : memref<128xi32, #tpu.memory_space<vmem>>) semaphore(%run_scoped3A_272 : memref<!tpu.dma_semaphore, #tpu.memory_space<semaphore_mem>>) {add = true}
        %dma_wait3A_279 = arith.constant 0 : i32
        %dma_wait3A_280 = tpu.memref_slice %arg10[%run_scoped3A_161, %dma_wait3A_279] : memref<16x128xi32, #tpu.memory_space<vmem>> -> memref<1x128xi32, #tpu.memory_space<vmem>>
        %dma_wait3A_281 = tpu.memref_squeeze %dma_wait3A_280 : memref<1x128xi32, #tpu.memory_space<vmem>> -> memref<128xi32, #tpu.memory_space<vmem>>
        %dma_wait3A_282 = arith.constant 0 : i32
        %dma_wait3A_283 = arith.constant 0 : i32
        %dma_wait3A_284 = tpu.memref_slice %arg44[%dma_wait3A_282, %dma_wait3A_283] : memref<10112x8xf32, #tpu.memory_space<vmem_shared>> -> memref<10112x8xf32, #tpu.memory_space<vmem_shared>>
        tpu.wait_indirect_dma semaphore(%run_scoped3A_272 : memref<!tpu.dma_semaphore, #tpu.memory_space<semaphore_mem>>) src(%arg45 : memref<128x8xf32, #tpu.memory_space<vmem>>) dst(%dma_wait3A_284 : memref<10112x8xf32, #tpu.memory_space<vmem_shared>>)
        tpu.yield
      }) : () -> ()
      %dma_wait3A_162 = arith.constant 4 : i32
      %dma_wait3A_163 = arith.constant 0 : i32
      %dma_wait3A_164 = tpu.memref_slice %arg10[%dma_wait3A_162, %dma_wait3A_163] : memref<16x128xi32, #tpu.memory_space<vmem>> -> memref<1x128xi32, #tpu.memory_space<vmem>>
      %dma_wait3A_165 = tpu.memref_squeeze %dma_wait3A_164 : memref<1x128xi32, #tpu.memory_space<vmem>> -> memref<128xi32, #tpu.memory_space<vmem>>
      %dma_wait3A_166 = arith.constant 0 : i32
      %dma_wait3A_167 = arith.constant 0 : i32
      %dma_wait3A_168 = tpu.memref_slice %arg2[%dma_wait3A_166, %dma_wait3A_167] : memref<10000x16xf32, #tpu.memory_space<hbm>> -> memref<10000x16xf32, #tpu.memory_space<hbm>>
      tpu.wait_indirect_dma semaphore(%arg32 : memref<!tpu.dma_semaphore, #tpu.memory_space<semaphore_mem>>) src(%dma_wait3A_168 : memref<10000x16xf32, #tpu.memory_space<hbm>>) dst(%arg16 : memref<128x16xf32, #tpu.memory_space<vmem>>)
      %run_scoped3A_169 = arith.constant 12 : i32
      "tpu.region"() ({
        %run_scoped3A_272 = tpu.sem_alloc : memref<!tpu.dma_semaphore, #tpu.memory_space<semaphore_mem>>
        %dma_start3A_273 = arith.constant 0 : i32
        %dma_start3A_274 = tpu.memref_slice %arg10[%run_scoped3A_169, %dma_start3A_273] : memref<16x128xi32, #tpu.memory_space<vmem>> -> memref<1x128xi32, #tpu.memory_space<vmem>>
        %dma_start3A_275 = tpu.memref_squeeze %dma_start3A_274 : memref<1x128xi32, #tpu.memory_space<vmem>> -> memref<128xi32, #tpu.memory_space<vmem>>
        %dma_start3A_276 = arith.constant 0 : i32
        %dma_start3A_277 = arith.constant 0 : i32
        %dma_start3A_278 = tpu.memref_slice %arg9[%dma_start3A_276, %dma_start3A_277] : memref<10112x16xf32, #tpu.memory_space<vmem_shared>> -> memref<10112x16xf32, #tpu.memory_space<vmem_shared>>
        tpu.enqueue_indirect_dma source(%arg16 : memref<128x16xf32, #tpu.memory_space<vmem>>) target(%dma_start3A_278 : memref<10112x16xf32, #tpu.memory_space<vmem_shared>>) offsets(%dma_start3A_275 : memref<128xi32, #tpu.memory_space<vmem>>) semaphore(%run_scoped3A_272 : memref<!tpu.dma_semaphore, #tpu.memory_space<semaphore_mem>>) {add = true}
        %dma_wait3A_279 = arith.constant 0 : i32
        %dma_wait3A_280 = tpu.memref_slice %arg10[%run_scoped3A_169, %dma_wait3A_279] : memref<16x128xi32, #tpu.memory_space<vmem>> -> memref<1x128xi32, #tpu.memory_space<vmem>>
        %dma_wait3A_281 = tpu.memref_squeeze %dma_wait3A_280 : memref<1x128xi32, #tpu.memory_space<vmem>> -> memref<128xi32, #tpu.memory_space<vmem>>
        %dma_wait3A_282 = arith.constant 0 : i32
        %dma_wait3A_283 = arith.constant 0 : i32
        %dma_wait3A_284 = tpu.memref_slice %arg9[%dma_wait3A_282, %dma_wait3A_283] : memref<10112x16xf32, #tpu.memory_space<vmem_shared>> -> memref<10112x16xf32, #tpu.memory_space<vmem_shared>>
        tpu.wait_indirect_dma semaphore(%run_scoped3A_272 : memref<!tpu.dma_semaphore, #tpu.memory_space<semaphore_mem>>) src(%arg16 : memref<128x16xf32, #tpu.memory_space<vmem>>) dst(%dma_wait3A_284 : memref<10112x16xf32, #tpu.memory_space<vmem_shared>>)
        tpu.yield
      }) : () -> ()
      %run_scoped3A_170 = arith.constant 12 : i32
      "tpu.region"() ({
        %run_scoped3A_272 = tpu.sem_alloc : memref<!tpu.dma_semaphore, #tpu.memory_space<semaphore_mem>>
        %dma_start3A_273 = arith.constant 0 : i32
        %dma_start3A_274 = tpu.memref_slice %arg10[%run_scoped3A_170, %dma_start3A_273] : memref<16x128xi32, #tpu.memory_space<vmem>> -> memref<1x128xi32, #tpu.memory_space<vmem>>
        %dma_start3A_275 = tpu.memref_squeeze %dma_start3A_274 : memref<1x128xi32, #tpu.memory_space<vmem>> -> memref<128xi32, #tpu.memory_space<vmem>>
        %dma_start3A_276 = arith.constant 0 : i32
        %dma_start3A_277 = arith.constant 0 : i32
        %dma_start3A_278 = tpu.memref_slice %arg44[%dma_start3A_276, %dma_start3A_277] : memref<10112x8xf32, #tpu.memory_space<vmem_shared>> -> memref<10112x8xf32, #tpu.memory_space<vmem_shared>>
        tpu.enqueue_indirect_dma source(%arg45 : memref<128x8xf32, #tpu.memory_space<vmem>>) target(%dma_start3A_278 : memref<10112x8xf32, #tpu.memory_space<vmem_shared>>) offsets(%dma_start3A_275 : memref<128xi32, #tpu.memory_space<vmem>>) semaphore(%run_scoped3A_272 : memref<!tpu.dma_semaphore, #tpu.memory_space<semaphore_mem>>) {add = true}
        %dma_wait3A_279 = arith.constant 0 : i32
        %dma_wait3A_280 = tpu.memref_slice %arg10[%run_scoped3A_170, %dma_wait3A_279] : memref<16x128xi32, #tpu.memory_space<vmem>> -> memref<1x128xi32, #tpu.memory_space<vmem>>
        %dma_wait3A_281 = tpu.memref_squeeze %dma_wait3A_280 : memref<1x128xi32, #tpu.memory_space<vmem>> -> memref<128xi32, #tpu.memory_space<vmem>>
        %dma_wait3A_282 = arith.constant 0 : i32
        %dma_wait3A_283 = arith.constant 0 : i32
        %dma_wait3A_284 = tpu.memref_slice %arg44[%dma_wait3A_282, %dma_wait3A_283] : memref<10112x8xf32, #tpu.memory_space<vmem_shared>> -> memref<10112x8xf32, #tpu.memory_space<vmem_shared>>
        tpu.wait_indirect_dma semaphore(%run_scoped3A_272 : memref<!tpu.dma_semaphore, #tpu.memory_space<semaphore_mem>>) src(%arg45 : memref<128x8xf32, #tpu.memory_space<vmem>>) dst(%dma_wait3A_284 : memref<10112x8xf32, #tpu.memory_space<vmem_shared>>)
        tpu.yield
      }) : () -> ()
      %dma_wait3A_171 = arith.constant 5 : i32
      %dma_wait3A_172 = arith.constant 0 : i32
      %dma_wait3A_173 = tpu.memref_slice %arg10[%dma_wait3A_171, %dma_wait3A_172] : memref<16x128xi32, #tpu.memory_space<vmem>> -> memref<1x128xi32, #tpu.memory_space<vmem>>
      %dma_wait3A_174 = tpu.memref_squeeze %dma_wait3A_173 : memref<1x128xi32, #tpu.memory_space<vmem>> -> memref<128xi32, #tpu.memory_space<vmem>>
      %dma_wait3A_175 = arith.constant 0 : i32
      %dma_wait3A_176 = arith.constant 0 : i32
      %dma_wait3A_177 = tpu.memref_slice %arg2[%dma_wait3A_175, %dma_wait3A_176] : memref<10000x16xf32, #tpu.memory_space<hbm>> -> memref<10000x16xf32, #tpu.memory_space<hbm>>
      tpu.wait_indirect_dma semaphore(%arg33 : memref<!tpu.dma_semaphore, #tpu.memory_space<semaphore_mem>>) src(%dma_wait3A_177 : memref<10000x16xf32, #tpu.memory_space<hbm>>) dst(%arg17 : memref<128x16xf32, #tpu.memory_space<vmem>>)
      %run_scoped3A_178 = arith.constant 13 : i32
      "tpu.region"() ({
        %run_scoped3A_272 = tpu.sem_alloc : memref<!tpu.dma_semaphore, #tpu.memory_space<semaphore_mem>>
        %dma_start3A_273 = arith.constant 0 : i32
        %dma_start3A_274 = tpu.memref_slice %arg10[%run_scoped3A_178, %dma_start3A_273] : memref<16x128xi32, #tpu.memory_space<vmem>> -> memref<1x128xi32, #tpu.memory_space<vmem>>
        %dma_start3A_275 = tpu.memref_squeeze %dma_start3A_274 : memref<1x128xi32, #tpu.memory_space<vmem>> -> memref<128xi32, #tpu.memory_space<vmem>>
        %dma_start3A_276 = arith.constant 0 : i32
        %dma_start3A_277 = arith.constant 0 : i32
        %dma_start3A_278 = tpu.memref_slice %arg9[%dma_start3A_276, %dma_start3A_277] : memref<10112x16xf32, #tpu.memory_space<vmem_shared>> -> memref<10112x16xf32, #tpu.memory_space<vmem_shared>>
        tpu.enqueue_indirect_dma source(%arg17 : memref<128x16xf32, #tpu.memory_space<vmem>>) target(%dma_start3A_278 : memref<10112x16xf32, #tpu.memory_space<vmem_shared>>) offsets(%dma_start3A_275 : memref<128xi32, #tpu.memory_space<vmem>>) semaphore(%run_scoped3A_272 : memref<!tpu.dma_semaphore, #tpu.memory_space<semaphore_mem>>) {add = true}
        %dma_wait3A_279 = arith.constant 0 : i32
        %dma_wait3A_280 = tpu.memref_slice %arg10[%run_scoped3A_178, %dma_wait3A_279] : memref<16x128xi32, #tpu.memory_space<vmem>> -> memref<1x128xi32, #tpu.memory_space<vmem>>
        %dma_wait3A_281 = tpu.memref_squeeze %dma_wait3A_280 : memref<1x128xi32, #tpu.memory_space<vmem>> -> memref<128xi32, #tpu.memory_space<vmem>>
        %dma_wait3A_282 = arith.constant 0 : i32
        %dma_wait3A_283 = arith.constant 0 : i32
        %dma_wait3A_284 = tpu.memref_slice %arg9[%dma_wait3A_282, %dma_wait3A_283] : memref<10112x16xf32, #tpu.memory_space<vmem_shared>> -> memref<10112x16xf32, #tpu.memory_space<vmem_shared>>
        tpu.wait_indirect_dma semaphore(%run_scoped3A_272 : memref<!tpu.dma_semaphore, #tpu.memory_space<semaphore_mem>>) src(%arg17 : memref<128x16xf32, #tpu.memory_space<vmem>>) dst(%dma_wait3A_284 : memref<10112x16xf32, #tpu.memory_space<vmem_shared>>)
        tpu.yield
      }) : () -> ()
      %run_scoped3A_179 = arith.constant 13 : i32
      "tpu.region"() ({
        %run_scoped3A_272 = tpu.sem_alloc : memref<!tpu.dma_semaphore, #tpu.memory_space<semaphore_mem>>
        %dma_start3A_273 = arith.constant 0 : i32
        %dma_start3A_274 = tpu.memref_slice %arg10[%run_scoped3A_179, %dma_start3A_273] : memref<16x128xi32, #tpu.memory_space<vmem>> -> memref<1x128xi32, #tpu.memory_space<vmem>>
        %dma_start3A_275 = tpu.memref_squeeze %dma_start3A_274 : memref<1x128xi32, #tpu.memory_space<vmem>> -> memref<128xi32, #tpu.memory_space<vmem>>
        %dma_start3A_276 = arith.constant 0 : i32
        %dma_start3A_277 = arith.constant 0 : i32
        %dma_start3A_278 = tpu.memref_slice %arg44[%dma_start3A_276, %dma_start3A_277] : memref<10112x8xf32, #tpu.memory_space<vmem_shared>> -> memref<10112x8xf32, #tpu.memory_space<vmem_shared>>
        tpu.enqueue_indirect_dma source(%arg45 : memref<128x8xf32, #tpu.memory_space<vmem>>) target(%dma_start3A_278 : memref<10112x8xf32, #tpu.memory_space<vmem_shared>>) offsets(%dma_start3A_275 : memref<128xi32, #tpu.memory_space<vmem>>) semaphore(%run_scoped3A_272 : memref<!tpu.dma_semaphore, #tpu.memory_space<semaphore_mem>>) {add = true}
        %dma_wait3A_279 = arith.constant 0 : i32
        %dma_wait3A_280 = tpu.memref_slice %arg10[%run_scoped3A_179, %dma_wait3A_279] : memref<16x128xi32, #tpu.memory_space<vmem>> -> memref<1x128xi32, #tpu.memory_space<vmem>>
        %dma_wait3A_281 = tpu.memref_squeeze %dma_wait3A_280 : memref<1x128xi32, #tpu.memory_space<vmem>> -> memref<128xi32, #tpu.memory_space<vmem>>
        %dma_wait3A_282 = arith.constant 0 : i32
        %dma_wait3A_283 = arith.constant 0 : i32
        %dma_wait3A_284 = tpu.memref_slice %arg44[%dma_wait3A_282, %dma_wait3A_283] : memref<10112x8xf32, #tpu.memory_space<vmem_shared>> -> memref<10112x8xf32, #tpu.memory_space<vmem_shared>>
        tpu.wait_indirect_dma semaphore(%run_scoped3A_272 : memref<!tpu.dma_semaphore, #tpu.memory_space<semaphore_mem>>) src(%arg45 : memref<128x8xf32, #tpu.memory_space<vmem>>) dst(%dma_wait3A_284 : memref<10112x8xf32, #tpu.memory_space<vmem_shared>>)
        tpu.yield
      }) : () -> ()
      %dma_wait3A_180 = arith.constant 6 : i32
      %dma_wait3A_181 = arith.constant 0 : i32
      %dma_wait3A_182 = tpu.memref_slice %arg10[%dma_wait3A_180, %dma_wait3A_181] : memref<16x128xi32, #tpu.memory_space<vmem>> -> memref<1x128xi32, #tpu.memory_space<vmem>>
      %dma_wait3A_183 = tpu.memref_squeeze %dma_wait3A_182 : memref<1x128xi32, #tpu.memory_space<vmem>> -> memref<128xi32, #tpu.memory_space<vmem>>
      %dma_wait3A_184 = arith.constant 0 : i32
      %dma_wait3A_185 = arith.constant 0 : i32
      %dma_wait3A_186 = tpu.memref_slice %arg2[%dma_wait3A_184, %dma_wait3A_185] : memref<10000x16xf32, #tpu.memory_space<hbm>> -> memref<10000x16xf32, #tpu.memory_space<hbm>>
      tpu.wait_indirect_dma semaphore(%arg34 : memref<!tpu.dma_semaphore, #tpu.memory_space<semaphore_mem>>) src(%dma_wait3A_186 : memref<10000x16xf32, #tpu.memory_space<hbm>>) dst(%arg18 : memref<128x16xf32, #tpu.memory_space<vmem>>)
      %run_scoped3A_187 = arith.constant 14 : i32
      "tpu.region"() ({
        %run_scoped3A_272 = tpu.sem_alloc : memref<!tpu.dma_semaphore, #tpu.memory_space<semaphore_mem>>
        %dma_start3A_273 = arith.constant 0 : i32
        %dma_start3A_274 = tpu.memref_slice %arg10[%run_scoped3A_187, %dma_start3A_273] : memref<16x128xi32, #tpu.memory_space<vmem>> -> memref<1x128xi32, #tpu.memory_space<vmem>>
        %dma_start3A_275 = tpu.memref_squeeze %dma_start3A_274 : memref<1x128xi32, #tpu.memory_space<vmem>> -> memref<128xi32, #tpu.memory_space<vmem>>
        %dma_start3A_276 = arith.constant 0 : i32
        %dma_start3A_277 = arith.constant 0 : i32
        %dma_start3A_278 = tpu.memref_slice %arg9[%dma_start3A_276, %dma_start3A_277] : memref<10112x16xf32, #tpu.memory_space<vmem_shared>> -> memref<10112x16xf32, #tpu.memory_space<vmem_shared>>
        tpu.enqueue_indirect_dma source(%arg18 : memref<128x16xf32, #tpu.memory_space<vmem>>) target(%dma_start3A_278 : memref<10112x16xf32, #tpu.memory_space<vmem_shared>>) offsets(%dma_start3A_275 : memref<128xi32, #tpu.memory_space<vmem>>) semaphore(%run_scoped3A_272 : memref<!tpu.dma_semaphore, #tpu.memory_space<semaphore_mem>>) {add = true}
        %dma_wait3A_279 = arith.constant 0 : i32
        %dma_wait3A_280 = tpu.memref_slice %arg10[%run_scoped3A_187, %dma_wait3A_279] : memref<16x128xi32, #tpu.memory_space<vmem>> -> memref<1x128xi32, #tpu.memory_space<vmem>>
        %dma_wait3A_281 = tpu.memref_squeeze %dma_wait3A_280 : memref<1x128xi32, #tpu.memory_space<vmem>> -> memref<128xi32, #tpu.memory_space<vmem>>
        %dma_wait3A_282 = arith.constant 0 : i32
        %dma_wait3A_283 = arith.constant 0 : i32
        %dma_wait3A_284 = tpu.memref_slice %arg9[%dma_wait3A_282, %dma_wait3A_283] : memref<10112x16xf32, #tpu.memory_space<vmem_shared>> -> memref<10112x16xf32, #tpu.memory_space<vmem_shared>>
        tpu.wait_indirect_dma semaphore(%run_scoped3A_272 : memref<!tpu.dma_semaphore, #tpu.memory_space<semaphore_mem>>) src(%arg18 : memref<128x16xf32, #tpu.memory_space<vmem>>) dst(%dma_wait3A_284 : memref<10112x16xf32, #tpu.memory_space<vmem_shared>>)
        tpu.yield
      }) : () -> ()
      %run_scoped3A_188 = arith.constant 14 : i32
      "tpu.region"() ({
        %run_scoped3A_272 = tpu.sem_alloc : memref<!tpu.dma_semaphore, #tpu.memory_space<semaphore_mem>>
        %dma_start3A_273 = arith.constant 0 : i32
        %dma_start3A_274 = tpu.memref_slice %arg10[%run_scoped3A_188, %dma_start3A_273] : memref<16x128xi32, #tpu.memory_space<vmem>> -> memref<1x128xi32, #tpu.memory_space<vmem>>
        %dma_start3A_275 = tpu.memref_squeeze %dma_start3A_274 : memref<1x128xi32, #tpu.memory_space<vmem>> -> memref<128xi32, #tpu.memory_space<vmem>>
        %dma_start3A_276 = arith.constant 0 : i32
        %dma_start3A_277 = arith.constant 0 : i32
        %dma_start3A_278 = tpu.memref_slice %arg44[%dma_start3A_276, %dma_start3A_277] : memref<10112x8xf32, #tpu.memory_space<vmem_shared>> -> memref<10112x8xf32, #tpu.memory_space<vmem_shared>>
        tpu.enqueue_indirect_dma source(%arg45 : memref<128x8xf32, #tpu.memory_space<vmem>>) target(%dma_start3A_278 : memref<10112x8xf32, #tpu.memory_space<vmem_shared>>) offsets(%dma_start3A_275 : memref<128xi32, #tpu.memory_space<vmem>>) semaphore(%run_scoped3A_272 : memref<!tpu.dma_semaphore, #tpu.memory_space<semaphore_mem>>) {add = true}
        %dma_wait3A_279 = arith.constant 0 : i32
        %dma_wait3A_280 = tpu.memref_slice %arg10[%run_scoped3A_188, %dma_wait3A_279] : memref<16x128xi32, #tpu.memory_space<vmem>> -> memref<1x128xi32, #tpu.memory_space<vmem>>
        %dma_wait3A_281 = tpu.memref_squeeze %dma_wait3A_280 : memref<1x128xi32, #tpu.memory_space<vmem>> -> memref<128xi32, #tpu.memory_space<vmem>>
        %dma_wait3A_282 = arith.constant 0 : i32
        %dma_wait3A_283 = arith.constant 0 : i32
        %dma_wait3A_284 = tpu.memref_slice %arg44[%dma_wait3A_282, %dma_wait3A_283] : memref<10112x8xf32, #tpu.memory_space<vmem_shared>> -> memref<10112x8xf32, #tpu.memory_space<vmem_shared>>
        tpu.wait_indirect_dma semaphore(%run_scoped3A_272 : memref<!tpu.dma_semaphore, #tpu.memory_space<semaphore_mem>>) src(%arg45 : memref<128x8xf32, #tpu.memory_space<vmem>>) dst(%dma_wait3A_284 : memref<10112x8xf32, #tpu.memory_space<vmem_shared>>)
        tpu.yield
      }) : () -> ()
      %dma_wait3A_189 = arith.constant 7 : i32
      %dma_wait3A_190 = arith.constant 0 : i32
      %dma_wait3A_191 = tpu.memref_slice %arg10[%dma_wait3A_189, %dma_wait3A_190] : memref<16x128xi32, #tpu.memory_space<vmem>> -> memref<1x128xi32, #tpu.memory_space<vmem>>
      %dma_wait3A_192 = tpu.memref_squeeze %dma_wait3A_191 : memref<1x128xi32, #tpu.memory_space<vmem>> -> memref<128xi32, #tpu.memory_space<vmem>>
      %dma_wait3A_193 = arith.constant 0 : i32
      %dma_wait3A_194 = arith.constant 0 : i32
      %dma_wait3A_195 = tpu.memref_slice %arg2[%dma_wait3A_193, %dma_wait3A_194] : memref<10000x16xf32, #tpu.memory_space<hbm>> -> memref<10000x16xf32, #tpu.memory_space<hbm>>
      tpu.wait_indirect_dma semaphore(%arg35 : memref<!tpu.dma_semaphore, #tpu.memory_space<semaphore_mem>>) src(%dma_wait3A_195 : memref<10000x16xf32, #tpu.memory_space<hbm>>) dst(%arg19 : memref<128x16xf32, #tpu.memory_space<vmem>>)
      %run_scoped3A_196 = arith.constant 15 : i32
      "tpu.region"() ({
        %run_scoped3A_272 = tpu.sem_alloc : memref<!tpu.dma_semaphore, #tpu.memory_space<semaphore_mem>>
        %dma_start3A_273 = arith.constant 0 : i32
        %dma_start3A_274 = tpu.memref_slice %arg10[%run_scoped3A_196, %dma_start3A_273] : memref<16x128xi32, #tpu.memory_space<vmem>> -> memref<1x128xi32, #tpu.memory_space<vmem>>
        %dma_start3A_275 = tpu.memref_squeeze %dma_start3A_274 : memref<1x128xi32, #tpu.memory_space<vmem>> -> memref<128xi32, #tpu.memory_space<vmem>>
        %dma_start3A_276 = arith.constant 0 : i32
        %dma_start3A_277 = arith.constant 0 : i32
        %dma_start3A_278 = tpu.memref_slice %arg9[%dma_start3A_276, %dma_start3A_277] : memref<10112x16xf32, #tpu.memory_space<vmem_shared>> -> memref<10112x16xf32, #tpu.memory_space<vmem_shared>>
        tpu.enqueue_indirect_dma source(%arg19 : memref<128x16xf32, #tpu.memory_space<vmem>>) target(%dma_start3A_278 : memref<10112x16xf32, #tpu.memory_space<vmem_shared>>) offsets(%dma_start3A_275 : memref<128xi32, #tpu.memory_space<vmem>>) semaphore(%run_scoped3A_272 : memref<!tpu.dma_semaphore, #tpu.memory_space<semaphore_mem>>) {add = true}
        %dma_wait3A_279 = arith.constant 0 : i32
        %dma_wait3A_280 = tpu.memref_slice %arg10[%run_scoped3A_196, %dma_wait3A_279] : memref<16x128xi32, #tpu.memory_space<vmem>> -> memref<1x128xi32, #tpu.memory_space<vmem>>
        %dma_wait3A_281 = tpu.memref_squeeze %dma_wait3A_280 : memref<1x128xi32, #tpu.memory_space<vmem>> -> memref<128xi32, #tpu.memory_space<vmem>>
        %dma_wait3A_282 = arith.constant 0 : i32
        %dma_wait3A_283 = arith.constant 0 : i32
        %dma_wait3A_284 = tpu.memref_slice %arg9[%dma_wait3A_282, %dma_wait3A_283] : memref<10112x16xf32, #tpu.memory_space<vmem_shared>> -> memref<10112x16xf32, #tpu.memory_space<vmem_shared>>
        tpu.wait_indirect_dma semaphore(%run_scoped3A_272 : memref<!tpu.dma_semaphore, #tpu.memory_space<semaphore_mem>>) src(%arg19 : memref<128x16xf32, #tpu.memory_space<vmem>>) dst(%dma_wait3A_284 : memref<10112x16xf32, #tpu.memory_space<vmem_shared>>)
        tpu.yield
      }) : () -> ()
      %run_scoped3A_197 = arith.constant 15 : i32
      "tpu.region"() ({
        %run_scoped3A_272 = tpu.sem_alloc : memref<!tpu.dma_semaphore, #tpu.memory_space<semaphore_mem>>
        %dma_start3A_273 = arith.constant 0 : i32
        %dma_start3A_274 = tpu.memref_slice %arg10[%run_scoped3A_197, %dma_start3A_273] : memref<16x128xi32, #tpu.memory_space<vmem>> -> memref<1x128xi32, #tpu.memory_space<vmem>>
        %dma_start3A_275 = tpu.memref_squeeze %dma_start3A_274 : memref<1x128xi32, #tpu.memory_space<vmem>> -> memref<128xi32, #tpu.memory_space<vmem>>
        %dma_start3A_276 = arith.constant 0 : i32
        %dma_start3A_277 = arith.constant 0 : i32
        %dma_start3A_278 = tpu.memref_slice %arg44[%dma_start3A_276, %dma_start3A_277] : memref<10112x8xf32, #tpu.memory_space<vmem_shared>> -> memref<10112x8xf32, #tpu.memory_space<vmem_shared>>
        tpu.enqueue_indirect_dma source(%arg45 : memref<128x8xf32, #tpu.memory_space<vmem>>) target(%dma_start3A_278 : memref<10112x8xf32, #tpu.memory_space<vmem_shared>>) offsets(%dma_start3A_275 : memref<128xi32, #tpu.memory_space<vmem>>) semaphore(%run_scoped3A_272 : memref<!tpu.dma_semaphore, #tpu.memory_space<semaphore_mem>>) {add = true}
        %dma_wait3A_279 = arith.constant 0 : i32
        %dma_wait3A_280 = tpu.memref_slice %arg10[%run_scoped3A_197, %dma_wait3A_279] : memref<16x128xi32, #tpu.memory_space<vmem>> -> memref<1x128xi32, #tpu.memory_space<vmem>>
        %dma_wait3A_281 = tpu.memref_squeeze %dma_wait3A_280 : memref<1x128xi32, #tpu.memory_space<vmem>> -> memref<128xi32, #tpu.memory_space<vmem>>
        %dma_wait3A_282 = arith.constant 0 : i32
        %dma_wait3A_283 = arith.constant 0 : i32
        %dma_wait3A_284 = tpu.memref_slice %arg44[%dma_wait3A_282, %dma_wait3A_283] : memref<10112x8xf32, #tpu.memory_space<vmem_shared>> -> memref<10112x8xf32, #tpu.memory_space<vmem_shared>>
        tpu.wait_indirect_dma semaphore(%run_scoped3A_272 : memref<!tpu.dma_semaphore, #tpu.memory_space<semaphore_mem>>) src(%arg45 : memref<128x8xf32, #tpu.memory_space<vmem>>) dst(%dma_wait3A_284 : memref<10112x8xf32, #tpu.memory_space<vmem_shared>>)
        tpu.yield
      }) : () -> ()
      %lt3A = arith.constant 4 : i32
      %lt3A_198 = arith.cmpi slt, %scan3A_66, %lt3A : i32
      %convert_element_type3A = arith.extui %lt3A_198 : i1 to i32
      %cond3A = arith.constant 0 : i32
      %cond3A_199 = arith.cmpi ne, %convert_element_type3A, %cond3A : i32
      scf.if %cond3A_199 {
        %mul3A_272 = arith.constant 2 : i32
        %mul3A_273 = arith.muli %mul3A_272, %scan3A_66 : i32
        %add3A_274 = arith.addi %mul3A_4, %mul3A_273 : i32
        %add3A_275 = arith.constant 2 : i32
        %add3A_276 = arith.addi %add3A_274, %add3A_275 : i32
        "tpu.region"() ({
          %run_scoped3A_333 = tpu.sem_alloc : memref<!tpu.dma_semaphore, #tpu.memory_space<semaphore_mem>>
          %dma_start3A_334 = arith.constant 0 : i32
          %dma_start3A_335 = arith.constant 0 : i32
          %dma_start3A_336 = tpu.memref_slice %arg3[%add3A_276, %dma_start3A_334, %dma_start3A_335] : memref<320x16x128xi32, #tpu.memory_space<hbm>> -> memref<1x16x128xi32, #tpu.memory_space<hbm>>
          %dma_start3A_337 = tpu.memref_squeeze %dma_start3A_336 : memref<1x16x128xi32, #tpu.memory_space<hbm>> -> memref<16x128xi32, #tpu.memory_space<hbm>>
          %dma_start3A_338 = arith.constant 0 : i32
          %dma_start3A_339 = arith.constant 0 : i32
          %dma_start3A_340 = tpu.memref_slice %arg3[%add3A_276, %dma_start3A_338, %dma_start3A_339] : memref<320x16x128xi32, #tpu.memory_space<hbm>> -> memref<1x16x128xi32, #tpu.memory_space<hbm>>
          %dma_start3A_341 = tpu.memref_squeeze %dma_start3A_340 : memref<1x16x128xi32, #tpu.memory_space<hbm>> -> memref<16x128xi32, #tpu.memory_space<hbm>>
          tpu.enqueue_dma source(%dma_start3A_341 : memref<16x128xi32, #tpu.memory_space<hbm>>) target(%arg10 : memref<16x128xi32, #tpu.memory_space<vmem>>) target_semaphore(%run_scoped3A_333 : memref<!tpu.dma_semaphore, #tpu.memory_space<semaphore_mem>>)
          %dma_wait3A_342 = arith.constant 0 : i32
          %dma_wait3A_343 = arith.constant 0 : i32
          %dma_wait3A_344 = tpu.memref_slice %arg3[%add3A_276, %dma_wait3A_342, %dma_wait3A_343] : memref<320x16x128xi32, #tpu.memory_space<hbm>> -> memref<1x16x128xi32, #tpu.memory_space<hbm>>
          %dma_wait3A_345 = tpu.memref_squeeze %dma_wait3A_344 : memref<1x16x128xi32, #tpu.memory_space<hbm>> -> memref<16x128xi32, #tpu.memory_space<hbm>>
          %dma_wait3A_346 = arith.constant 0 : i32
          %dma_wait3A_347 = arith.constant 0 : i32
          %dma_wait3A_348 = tpu.memref_slice %arg3[%add3A_276, %dma_wait3A_346, %dma_wait3A_347] : memref<320x16x128xi32, #tpu.memory_space<hbm>> -> memref<1x16x128xi32, #tpu.memory_space<hbm>>
          %dma_wait3A_349 = tpu.memref_squeeze %dma_wait3A_348 : memref<1x16x128xi32, #tpu.memory_space<hbm>> -> memref<16x128xi32, #tpu.memory_space<hbm>>
          tpu.wait_dma2 semaphore(%run_scoped3A_333 : memref<!tpu.dma_semaphore, #tpu.memory_space<semaphore_mem>>) src(%dma_wait3A_349 : memref<16x128xi32, #tpu.memory_space<hbm>>) dst(%arg10 : memref<16x128xi32, #tpu.memory_space<vmem>>)
          tpu.yield
        }) : () -> ()
        %dma_start3A_277 = arith.constant 0 : i32
        %dma_start3A_278 = arith.constant 0 : i32
        %dma_start3A_279 = tpu.memref_slice %arg10[%dma_start3A_277, %dma_start3A_278] : memref<16x128xi32, #tpu.memory_space<vmem>> -> memref<1x128xi32, #tpu.memory_space<vmem>>
        %dma_start3A_280 = tpu.memref_squeeze %dma_start3A_279 : memref<1x128xi32, #tpu.memory_space<vmem>> -> memref<128xi32, #tpu.memory_space<vmem>>
        %dma_start3A_281 = arith.constant 0 : i32
        %dma_start3A_282 = arith.constant 0 : i32
        %dma_start3A_283 = tpu.memref_slice %arg2[%dma_start3A_281, %dma_start3A_282] : memref<10000x16xf32, #tpu.memory_space<hbm>> -> memref<10000x16xf32, #tpu.memory_space<hbm>>
        tpu.enqueue_indirect_dma source(%dma_start3A_283 : memref<10000x16xf32, #tpu.memory_space<hbm>>) target(%arg12 : memref<128x16xf32, #tpu.memory_space<vmem>>) offsets(%dma_start3A_280 : memref<128xi32, #tpu.memory_space<vmem>>) semaphore(%arg28 : memref<!tpu.dma_semaphore, #tpu.memory_space<semaphore_mem>>)
        %dma_start3A_284 = arith.constant 1 : i32
        %dma_start3A_285 = arith.constant 0 : i32
        %dma_start3A_286 = tpu.memref_slice %arg10[%dma_start3A_284, %dma_start3A_285] : memref<16x128xi32, #tpu.memory_space<vmem>> -> memref<1x128xi32, #tpu.memory_space<vmem>>
        %dma_start3A_287 = tpu.memref_squeeze %dma_start3A_286 : memref<1x128xi32, #tpu.memory_space<vmem>> -> memref<128xi32, #tpu.memory_space<vmem>>
        %dma_start3A_288 = arith.constant 0 : i32
        %dma_start3A_289 = arith.constant 0 : i32
        %dma_start3A_290 = tpu.memref_slice %arg2[%dma_start3A_288, %dma_start3A_289] : memref<10000x16xf32, #tpu.memory_space<hbm>> -> memref<10000x16xf32, #tpu.memory_space<hbm>>
        tpu.enqueue_indirect_dma source(%dma_start3A_290 : memref<10000x16xf32, #tpu.memory_space<hbm>>) target(%arg13 : memref<128x16xf32, #tpu.memory_space<vmem>>) offsets(%dma_start3A_287 : memref<128xi32, #tpu.memory_space<vmem>>) semaphore(%arg29 : memref<!tpu.dma_semaphore, #tpu.memory_space<semaphore_mem>>)
        %dma_start3A_291 = arith.constant 2 : i32
        %dma_start3A_292 = arith.constant 0 : i32
        %dma_start3A_293 = tpu.memref_slice %arg10[%dma_start3A_291, %dma_start3A_292] : memref<16x128xi32, #tpu.memory_space<vmem>> -> memref<1x128xi32, #tpu.memory_space<vmem>>
        %dma_start3A_294 = tpu.memref_squeeze %dma_start3A_293 : memref<1x128xi32, #tpu.memory_space<vmem>> -> memref<128xi32, #tpu.memory_space<vmem>>
        %dma_start3A_295 = arith.constant 0 : i32
        %dma_start3A_296 = arith.constant 0 : i32
        %dma_start3A_297 = tpu.memref_slice %arg2[%dma_start3A_295, %dma_start3A_296] : memref<10000x16xf32, #tpu.memory_space<hbm>> -> memref<10000x16xf32, #tpu.memory_space<hbm>>
        tpu.enqueue_indirect_dma source(%dma_start3A_297 : memref<10000x16xf32, #tpu.memory_space<hbm>>) target(%arg14 : memref<128x16xf32, #tpu.memory_space<vmem>>) offsets(%dma_start3A_294 : memref<128xi32, #tpu.memory_space<vmem>>) semaphore(%arg30 : memref<!tpu.dma_semaphore, #tpu.memory_space<semaphore_mem>>)
        %dma_start3A_298 = arith.constant 3 : i32
        %dma_start3A_299 = arith.constant 0 : i32
        %dma_start3A_300 = tpu.memref_slice %arg10[%dma_start3A_298, %dma_start3A_299] : memref<16x128xi32, #tpu.memory_space<vmem>> -> memref<1x128xi32, #tpu.memory_space<vmem>>
        %dma_start3A_301 = tpu.memref_squeeze %dma_start3A_300 : memref<1x128xi32, #tpu.memory_space<vmem>> -> memref<128xi32, #tpu.memory_space<vmem>>
        %dma_start3A_302 = arith.constant 0 : i32
        %dma_start3A_303 = arith.constant 0 : i32
        %dma_start3A_304 = tpu.memref_slice %arg2[%dma_start3A_302, %dma_start3A_303] : memref<10000x16xf32, #tpu.memory_space<hbm>> -> memref<10000x16xf32, #tpu.memory_space<hbm>>
        tpu.enqueue_indirect_dma source(%dma_start3A_304 : memref<10000x16xf32, #tpu.memory_space<hbm>>) target(%arg15 : memref<128x16xf32, #tpu.memory_space<vmem>>) offsets(%dma_start3A_301 : memref<128xi32, #tpu.memory_space<vmem>>) semaphore(%arg31 : memref<!tpu.dma_semaphore, #tpu.memory_space<semaphore_mem>>)
        %dma_start3A_305 = arith.constant 4 : i32
        %dma_start3A_306 = arith.constant 0 : i32
        %dma_start3A_307 = tpu.memref_slice %arg10[%dma_start3A_305, %dma_start3A_306] : memref<16x128xi32, #tpu.memory_space<vmem>> -> memref<1x128xi32, #tpu.memory_space<vmem>>
        %dma_start3A_308 = tpu.memref_squeeze %dma_start3A_307 : memref<1x128xi32, #tpu.memory_space<vmem>> -> memref<128xi32, #tpu.memory_space<vmem>>
        %dma_start3A_309 = arith.constant 0 : i32
        %dma_start3A_310 = arith.constant 0 : i32
        %dma_start3A_311 = tpu.memref_slice %arg2[%dma_start3A_309, %dma_start3A_310] : memref<10000x16xf32, #tpu.memory_space<hbm>> -> memref<10000x16xf32, #tpu.memory_space<hbm>>
        tpu.enqueue_indirect_dma source(%dma_start3A_311 : memref<10000x16xf32, #tpu.memory_space<hbm>>) target(%arg16 : memref<128x16xf32, #tpu.memory_space<vmem>>) offsets(%dma_start3A_308 : memref<128xi32, #tpu.memory_space<vmem>>) semaphore(%arg32 : memref<!tpu.dma_semaphore, #tpu.memory_space<semaphore_mem>>)
        %dma_start3A_312 = arith.constant 5 : i32
        %dma_start3A_313 = arith.constant 0 : i32
        %dma_start3A_314 = tpu.memref_slice %arg10[%dma_start3A_312, %dma_start3A_313] : memref<16x128xi32, #tpu.memory_space<vmem>> -> memref<1x128xi32, #tpu.memory_space<vmem>>
        %dma_start3A_315 = tpu.memref_squeeze %dma_start3A_314 : memref<1x128xi32, #tpu.memory_space<vmem>> -> memref<128xi32, #tpu.memory_space<vmem>>
        %dma_start3A_316 = arith.constant 0 : i32
        %dma_start3A_317 = arith.constant 0 : i32
        %dma_start3A_318 = tpu.memref_slice %arg2[%dma_start3A_316, %dma_start3A_317] : memref<10000x16xf32, #tpu.memory_space<hbm>> -> memref<10000x16xf32, #tpu.memory_space<hbm>>
        tpu.enqueue_indirect_dma source(%dma_start3A_318 : memref<10000x16xf32, #tpu.memory_space<hbm>>) target(%arg17 : memref<128x16xf32, #tpu.memory_space<vmem>>) offsets(%dma_start3A_315 : memref<128xi32, #tpu.memory_space<vmem>>) semaphore(%arg33 : memref<!tpu.dma_semaphore, #tpu.memory_space<semaphore_mem>>)
        %dma_start3A_319 = arith.constant 6 : i32
        %dma_start3A_320 = arith.constant 0 : i32
        %dma_start3A_321 = tpu.memref_slice %arg10[%dma_start3A_319, %dma_start3A_320] : memref<16x128xi32, #tpu.memory_space<vmem>> -> memref<1x128xi32, #tpu.memory_space<vmem>>
        %dma_start3A_322 = tpu.memref_squeeze %dma_start3A_321 : memref<1x128xi32, #tpu.memory_space<vmem>> -> memref<128xi32, #tpu.memory_space<vmem>>
        %dma_start3A_323 = arith.constant 0 : i32
        %dma_start3A_324 = arith.constant 0 : i32
        %dma_start3A_325 = tpu.memref_slice %arg2[%dma_start3A_323, %dma_start3A_324] : memref<10000x16xf32, #tpu.memory_space<hbm>> -> memref<10000x16xf32, #tpu.memory_space<hbm>>
        tpu.enqueue_indirect_dma source(%dma_start3A_325 : memref<10000x16xf32, #tpu.memory_space<hbm>>) target(%arg18 : memref<128x16xf32, #tpu.memory_space<vmem>>) offsets(%dma_start3A_322 : memref<128xi32, #tpu.memory_space<vmem>>) semaphore(%arg34 : memref<!tpu.dma_semaphore, #tpu.memory_space<semaphore_mem>>)
        %dma_start3A_326 = arith.constant 7 : i32
        %dma_start3A_327 = arith.constant 0 : i32
        %dma_start3A_328 = tpu.memref_slice %arg10[%dma_start3A_326, %dma_start3A_327] : memref<16x128xi32, #tpu.memory_space<vmem>> -> memref<1x128xi32, #tpu.memory_space<vmem>>
        %dma_start3A_329 = tpu.memref_squeeze %dma_start3A_328 : memref<1x128xi32, #tpu.memory_space<vmem>> -> memref<128xi32, #tpu.memory_space<vmem>>
        %dma_start3A_330 = arith.constant 0 : i32
        %dma_start3A_331 = arith.constant 0 : i32
        %dma_start3A_332 = tpu.memref_slice %arg2[%dma_start3A_330, %dma_start3A_331] : memref<10000x16xf32, #tpu.memory_space<hbm>> -> memref<10000x16xf32, #tpu.memory_space<hbm>>
        tpu.enqueue_indirect_dma source(%dma_start3A_332 : memref<10000x16xf32, #tpu.memory_space<hbm>>) target(%arg19 : memref<128x16xf32, #tpu.memory_space<vmem>>) offsets(%dma_start3A_329 : memref<128xi32, #tpu.memory_space<vmem>>) semaphore(%arg35 : memref<!tpu.dma_semaphore, #tpu.memory_space<semaphore_mem>>)
      } else {
      }
      %dma_wait3A_200 = arith.constant 0 : i32
      %dma_wait3A_201 = arith.constant 0 : i32
      %dma_wait3A_202 = tpu.memref_slice %arg11[%dma_wait3A_200, %dma_wait3A_201] : memref<16x128xi32, #tpu.memory_space<vmem>> -> memref<1x128xi32, #tpu.memory_space<vmem>>
      %dma_wait3A_203 = tpu.memref_squeeze %dma_wait3A_202 : memref<1x128xi32, #tpu.memory_space<vmem>> -> memref<128xi32, #tpu.memory_space<vmem>>
      %dma_wait3A_204 = arith.constant 0 : i32
      %dma_wait3A_205 = arith.constant 0 : i32
      %dma_wait3A_206 = tpu.memref_slice %arg2[%dma_wait3A_204, %dma_wait3A_205] : memref<10000x16xf32, #tpu.memory_space<hbm>> -> memref<10000x16xf32, #tpu.memory_space<hbm>>
      tpu.wait_indirect_dma semaphore(%arg36 : memref<!tpu.dma_semaphore, #tpu.memory_space<semaphore_mem>>) src(%dma_wait3A_206 : memref<10000x16xf32, #tpu.memory_space<hbm>>) dst(%arg20 : memref<128x16xf32, #tpu.memory_space<vmem>>)
      %run_scoped3A_207 = arith.constant 8 : i32
      "tpu.region"() ({
        %run_scoped3A_272 = tpu.sem_alloc : memref<!tpu.dma_semaphore, #tpu.memory_space<semaphore_mem>>
        %dma_start3A_273 = arith.constant 0 : i32
        %dma_start3A_274 = tpu.memref_slice %arg11[%run_scoped3A_207, %dma_start3A_273] : memref<16x128xi32, #tpu.memory_space<vmem>> -> memref<1x128xi32, #tpu.memory_space<vmem>>
        %dma_start3A_275 = tpu.memref_squeeze %dma_start3A_274 : memref<1x128xi32, #tpu.memory_space<vmem>> -> memref<128xi32, #tpu.memory_space<vmem>>
        %dma_start3A_276 = arith.constant 0 : i32
        %dma_start3A_277 = arith.constant 0 : i32
        %dma_start3A_278 = tpu.memref_slice %arg9[%dma_start3A_276, %dma_start3A_277] : memref<10112x16xf32, #tpu.memory_space<vmem_shared>> -> memref<10112x16xf32, #tpu.memory_space<vmem_shared>>
        tpu.enqueue_indirect_dma source(%arg20 : memref<128x16xf32, #tpu.memory_space<vmem>>) target(%dma_start3A_278 : memref<10112x16xf32, #tpu.memory_space<vmem_shared>>) offsets(%dma_start3A_275 : memref<128xi32, #tpu.memory_space<vmem>>) semaphore(%run_scoped3A_272 : memref<!tpu.dma_semaphore, #tpu.memory_space<semaphore_mem>>) {add = true}
        %dma_wait3A_279 = arith.constant 0 : i32
        %dma_wait3A_280 = tpu.memref_slice %arg11[%run_scoped3A_207, %dma_wait3A_279] : memref<16x128xi32, #tpu.memory_space<vmem>> -> memref<1x128xi32, #tpu.memory_space<vmem>>
        %dma_wait3A_281 = tpu.memref_squeeze %dma_wait3A_280 : memref<1x128xi32, #tpu.memory_space<vmem>> -> memref<128xi32, #tpu.memory_space<vmem>>
        %dma_wait3A_282 = arith.constant 0 : i32
        %dma_wait3A_283 = arith.constant 0 : i32
        %dma_wait3A_284 = tpu.memref_slice %arg9[%dma_wait3A_282, %dma_wait3A_283] : memref<10112x16xf32, #tpu.memory_space<vmem_shared>> -> memref<10112x16xf32, #tpu.memory_space<vmem_shared>>
        tpu.wait_indirect_dma semaphore(%run_scoped3A_272 : memref<!tpu.dma_semaphore, #tpu.memory_space<semaphore_mem>>) src(%arg20 : memref<128x16xf32, #tpu.memory_space<vmem>>) dst(%dma_wait3A_284 : memref<10112x16xf32, #tpu.memory_space<vmem_shared>>)
        tpu.yield
      }) : () -> ()
      %run_scoped3A_208 = arith.constant 8 : i32
      "tpu.region"() ({
        %run_scoped3A_272 = tpu.sem_alloc : memref<!tpu.dma_semaphore, #tpu.memory_space<semaphore_mem>>
        %dma_start3A_273 = arith.constant 0 : i32
        %dma_start3A_274 = tpu.memref_slice %arg11[%run_scoped3A_208, %dma_start3A_273] : memref<16x128xi32, #tpu.memory_space<vmem>> -> memref<1x128xi32, #tpu.memory_space<vmem>>
        %dma_start3A_275 = tpu.memref_squeeze %dma_start3A_274 : memref<1x128xi32, #tpu.memory_space<vmem>> -> memref<128xi32, #tpu.memory_space<vmem>>
        %dma_start3A_276 = arith.constant 0 : i32
        %dma_start3A_277 = arith.constant 0 : i32
        %dma_start3A_278 = tpu.memref_slice %arg44[%dma_start3A_276, %dma_start3A_277] : memref<10112x8xf32, #tpu.memory_space<vmem_shared>> -> memref<10112x8xf32, #tpu.memory_space<vmem_shared>>
        tpu.enqueue_indirect_dma source(%arg45 : memref<128x8xf32, #tpu.memory_space<vmem>>) target(%dma_start3A_278 : memref<10112x8xf32, #tpu.memory_space<vmem_shared>>) offsets(%dma_start3A_275 : memref<128xi32, #tpu.memory_space<vmem>>) semaphore(%run_scoped3A_272 : memref<!tpu.dma_semaphore, #tpu.memory_space<semaphore_mem>>) {add = true}
        %dma_wait3A_279 = arith.constant 0 : i32
        %dma_wait3A_280 = tpu.memref_slice %arg11[%run_scoped3A_208, %dma_wait3A_279] : memref<16x128xi32, #tpu.memory_space<vmem>> -> memref<1x128xi32, #tpu.memory_space<vmem>>
        %dma_wait3A_281 = tpu.memref_squeeze %dma_wait3A_280 : memref<1x128xi32, #tpu.memory_space<vmem>> -> memref<128xi32, #tpu.memory_space<vmem>>
        %dma_wait3A_282 = arith.constant 0 : i32
        %dma_wait3A_283 = arith.constant 0 : i32
        %dma_wait3A_284 = tpu.memref_slice %arg44[%dma_wait3A_282, %dma_wait3A_283] : memref<10112x8xf32, #tpu.memory_space<vmem_shared>> -> memref<10112x8xf32, #tpu.memory_space<vmem_shared>>
        tpu.wait_indirect_dma semaphore(%run_scoped3A_272 : memref<!tpu.dma_semaphore, #tpu.memory_space<semaphore_mem>>) src(%arg45 : memref<128x8xf32, #tpu.memory_space<vmem>>) dst(%dma_wait3A_284 : memref<10112x8xf32, #tpu.memory_space<vmem_shared>>)
        tpu.yield
      }) : () -> ()
      %dma_wait3A_209 = arith.constant 1 : i32
      %dma_wait3A_210 = arith.constant 0 : i32
      %dma_wait3A_211 = tpu.memref_slice %arg11[%dma_wait3A_209, %dma_wait3A_210] : memref<16x128xi32, #tpu.memory_space<vmem>> -> memref<1x128xi32, #tpu.memory_space<vmem>>
      %dma_wait3A_212 = tpu.memref_squeeze %dma_wait3A_211 : memref<1x128xi32, #tpu.memory_space<vmem>> -> memref<128xi32, #tpu.memory_space<vmem>>
      %dma_wait3A_213 = arith.constant 0 : i32
      %dma_wait3A_214 = arith.constant 0 : i32
      %dma_wait3A_215 = tpu.memref_slice %arg2[%dma_wait3A_213, %dma_wait3A_214] : memref<10000x16xf32, #tpu.memory_space<hbm>> -> memref<10000x16xf32, #tpu.memory_space<hbm>>
      tpu.wait_indirect_dma semaphore(%arg37 : memref<!tpu.dma_semaphore, #tpu.memory_space<semaphore_mem>>) src(%dma_wait3A_215 : memref<10000x16xf32, #tpu.memory_space<hbm>>) dst(%arg21 : memref<128x16xf32, #tpu.memory_space<vmem>>)
      %run_scoped3A_216 = arith.constant 9 : i32
      "tpu.region"() ({
        %run_scoped3A_272 = tpu.sem_alloc : memref<!tpu.dma_semaphore, #tpu.memory_space<semaphore_mem>>
        %dma_start3A_273 = arith.constant 0 : i32
        %dma_start3A_274 = tpu.memref_slice %arg11[%run_scoped3A_216, %dma_start3A_273] : memref<16x128xi32, #tpu.memory_space<vmem>> -> memref<1x128xi32, #tpu.memory_space<vmem>>
        %dma_start3A_275 = tpu.memref_squeeze %dma_start3A_274 : memref<1x128xi32, #tpu.memory_space<vmem>> -> memref<128xi32, #tpu.memory_space<vmem>>
        %dma_start3A_276 = arith.constant 0 : i32
        %dma_start3A_277 = arith.constant 0 : i32
        %dma_start3A_278 = tpu.memref_slice %arg9[%dma_start3A_276, %dma_start3A_277] : memref<10112x16xf32, #tpu.memory_space<vmem_shared>> -> memref<10112x16xf32, #tpu.memory_space<vmem_shared>>
        tpu.enqueue_indirect_dma source(%arg21 : memref<128x16xf32, #tpu.memory_space<vmem>>) target(%dma_start3A_278 : memref<10112x16xf32, #tpu.memory_space<vmem_shared>>) offsets(%dma_start3A_275 : memref<128xi32, #tpu.memory_space<vmem>>) semaphore(%run_scoped3A_272 : memref<!tpu.dma_semaphore, #tpu.memory_space<semaphore_mem>>) {add = true}
        %dma_wait3A_279 = arith.constant 0 : i32
        %dma_wait3A_280 = tpu.memref_slice %arg11[%run_scoped3A_216, %dma_wait3A_279] : memref<16x128xi32, #tpu.memory_space<vmem>> -> memref<1x128xi32, #tpu.memory_space<vmem>>
        %dma_wait3A_281 = tpu.memref_squeeze %dma_wait3A_280 : memref<1x128xi32, #tpu.memory_space<vmem>> -> memref<128xi32, #tpu.memory_space<vmem>>
        %dma_wait3A_282 = arith.constant 0 : i32
        %dma_wait3A_283 = arith.constant 0 : i32
        %dma_wait3A_284 = tpu.memref_slice %arg9[%dma_wait3A_282, %dma_wait3A_283] : memref<10112x16xf32, #tpu.memory_space<vmem_shared>> -> memref<10112x16xf32, #tpu.memory_space<vmem_shared>>
        tpu.wait_indirect_dma semaphore(%run_scoped3A_272 : memref<!tpu.dma_semaphore, #tpu.memory_space<semaphore_mem>>) src(%arg21 : memref<128x16xf32, #tpu.memory_space<vmem>>) dst(%dma_wait3A_284 : memref<10112x16xf32, #tpu.memory_space<vmem_shared>>)
        tpu.yield
      }) : () -> ()
      %run_scoped3A_217 = arith.constant 9 : i32
      "tpu.region"() ({
        %run_scoped3A_272 = tpu.sem_alloc : memref<!tpu.dma_semaphore, #tpu.memory_space<semaphore_mem>>
        %dma_start3A_273 = arith.constant 0 : i32
        %dma_start3A_274 = tpu.memref_slice %arg11[%run_scoped3A_217, %dma_start3A_273] : memref<16x128xi32, #tpu.memory_space<vmem>> -> memref<1x128xi32, #tpu.memory_space<vmem>>
        %dma_start3A_275 = tpu.memref_squeeze %dma_start3A_274 : memref<1x128xi32, #tpu.memory_space<vmem>> -> memref<128xi32, #tpu.memory_space<vmem>>
        %dma_start3A_276 = arith.constant 0 : i32
        %dma_start3A_277 = arith.constant 0 : i32
        %dma_start3A_278 = tpu.memref_slice %arg44[%dma_start3A_276, %dma_start3A_277] : memref<10112x8xf32, #tpu.memory_space<vmem_shared>> -> memref<10112x8xf32, #tpu.memory_space<vmem_shared>>
        tpu.enqueue_indirect_dma source(%arg45 : memref<128x8xf32, #tpu.memory_space<vmem>>) target(%dma_start3A_278 : memref<10112x8xf32, #tpu.memory_space<vmem_shared>>) offsets(%dma_start3A_275 : memref<128xi32, #tpu.memory_space<vmem>>) semaphore(%run_scoped3A_272 : memref<!tpu.dma_semaphore, #tpu.memory_space<semaphore_mem>>) {add = true}
        %dma_wait3A_279 = arith.constant 0 : i32
        %dma_wait3A_280 = tpu.memref_slice %arg11[%run_scoped3A_217, %dma_wait3A_279] : memref<16x128xi32, #tpu.memory_space<vmem>> -> memref<1x128xi32, #tpu.memory_space<vmem>>
        %dma_wait3A_281 = tpu.memref_squeeze %dma_wait3A_280 : memref<1x128xi32, #tpu.memory_space<vmem>> -> memref<128xi32, #tpu.memory_space<vmem>>
        %dma_wait3A_282 = arith.constant 0 : i32
        %dma_wait3A_283 = arith.constant 0 : i32
        %dma_wait3A_284 = tpu.memref_slice %arg44[%dma_wait3A_282, %dma_wait3A_283] : memref<10112x8xf32, #tpu.memory_space<vmem_shared>> -> memref<10112x8xf32, #tpu.memory_space<vmem_shared>>
        tpu.wait_indirect_dma semaphore(%run_scoped3A_272 : memref<!tpu.dma_semaphore, #tpu.memory_space<semaphore_mem>>) src(%arg45 : memref<128x8xf32, #tpu.memory_space<vmem>>) dst(%dma_wait3A_284 : memref<10112x8xf32, #tpu.memory_space<vmem_shared>>)
        tpu.yield
      }) : () -> ()
      %dma_wait3A_218 = arith.constant 2 : i32
      %dma_wait3A_219 = arith.constant 0 : i32
      %dma_wait3A_220 = tpu.memref_slice %arg11[%dma_wait3A_218, %dma_wait3A_219] : memref<16x128xi32, #tpu.memory_space<vmem>> -> memref<1x128xi32, #tpu.memory_space<vmem>>
      %dma_wait3A_221 = tpu.memref_squeeze %dma_wait3A_220 : memref<1x128xi32, #tpu.memory_space<vmem>> -> memref<128xi32, #tpu.memory_space<vmem>>
      %dma_wait3A_222 = arith.constant 0 : i32
      %dma_wait3A_223 = arith.constant 0 : i32
      %dma_wait3A_224 = tpu.memref_slice %arg2[%dma_wait3A_222, %dma_wait3A_223] : memref<10000x16xf32, #tpu.memory_space<hbm>> -> memref<10000x16xf32, #tpu.memory_space<hbm>>
      tpu.wait_indirect_dma semaphore(%arg38 : memref<!tpu.dma_semaphore, #tpu.memory_space<semaphore_mem>>) src(%dma_wait3A_224 : memref<10000x16xf32, #tpu.memory_space<hbm>>) dst(%arg22 : memref<128x16xf32, #tpu.memory_space<vmem>>)
      %run_scoped3A_225 = arith.constant 10 : i32
      "tpu.region"() ({
        %run_scoped3A_272 = tpu.sem_alloc : memref<!tpu.dma_semaphore, #tpu.memory_space<semaphore_mem>>
        %dma_start3A_273 = arith.constant 0 : i32
        %dma_start3A_274 = tpu.memref_slice %arg11[%run_scoped3A_225, %dma_start3A_273] : memref<16x128xi32, #tpu.memory_space<vmem>> -> memref<1x128xi32, #tpu.memory_space<vmem>>
        %dma_start3A_275 = tpu.memref_squeeze %dma_start3A_274 : memref<1x128xi32, #tpu.memory_space<vmem>> -> memref<128xi32, #tpu.memory_space<vmem>>
        %dma_start3A_276 = arith.constant 0 : i32
        %dma_start3A_277 = arith.constant 0 : i32
        %dma_start3A_278 = tpu.memref_slice %arg9[%dma_start3A_276, %dma_start3A_277] : memref<10112x16xf32, #tpu.memory_space<vmem_shared>> -> memref<10112x16xf32, #tpu.memory_space<vmem_shared>>
        tpu.enqueue_indirect_dma source(%arg22 : memref<128x16xf32, #tpu.memory_space<vmem>>) target(%dma_start3A_278 : memref<10112x16xf32, #tpu.memory_space<vmem_shared>>) offsets(%dma_start3A_275 : memref<128xi32, #tpu.memory_space<vmem>>) semaphore(%run_scoped3A_272 : memref<!tpu.dma_semaphore, #tpu.memory_space<semaphore_mem>>) {add = true}
        %dma_wait3A_279 = arith.constant 0 : i32
        %dma_wait3A_280 = tpu.memref_slice %arg11[%run_scoped3A_225, %dma_wait3A_279] : memref<16x128xi32, #tpu.memory_space<vmem>> -> memref<1x128xi32, #tpu.memory_space<vmem>>
        %dma_wait3A_281 = tpu.memref_squeeze %dma_wait3A_280 : memref<1x128xi32, #tpu.memory_space<vmem>> -> memref<128xi32, #tpu.memory_space<vmem>>
        %dma_wait3A_282 = arith.constant 0 : i32
        %dma_wait3A_283 = arith.constant 0 : i32
        %dma_wait3A_284 = tpu.memref_slice %arg9[%dma_wait3A_282, %dma_wait3A_283] : memref<10112x16xf32, #tpu.memory_space<vmem_shared>> -> memref<10112x16xf32, #tpu.memory_space<vmem_shared>>
        tpu.wait_indirect_dma semaphore(%run_scoped3A_272 : memref<!tpu.dma_semaphore, #tpu.memory_space<semaphore_mem>>) src(%arg22 : memref<128x16xf32, #tpu.memory_space<vmem>>) dst(%dma_wait3A_284 : memref<10112x16xf32, #tpu.memory_space<vmem_shared>>)
        tpu.yield
      }) : () -> ()
      %run_scoped3A_226 = arith.constant 10 : i32
      "tpu.region"() ({
        %run_scoped3A_272 = tpu.sem_alloc : memref<!tpu.dma_semaphore, #tpu.memory_space<semaphore_mem>>
        %dma_start3A_273 = arith.constant 0 : i32
        %dma_start3A_274 = tpu.memref_slice %arg11[%run_scoped3A_226, %dma_start3A_273] : memref<16x128xi32, #tpu.memory_space<vmem>> -> memref<1x128xi32, #tpu.memory_space<vmem>>
        %dma_start3A_275 = tpu.memref_squeeze %dma_start3A_274 : memref<1x128xi32, #tpu.memory_space<vmem>> -> memref<128xi32, #tpu.memory_space<vmem>>
        %dma_start3A_276 = arith.constant 0 : i32
        %dma_start3A_277 = arith.constant 0 : i32
        %dma_start3A_278 = tpu.memref_slice %arg44[%dma_start3A_276, %dma_start3A_277] : memref<10112x8xf32, #tpu.memory_space<vmem_shared>> -> memref<10112x8xf32, #tpu.memory_space<vmem_shared>>
        tpu.enqueue_indirect_dma source(%arg45 : memref<128x8xf32, #tpu.memory_space<vmem>>) target(%dma_start3A_278 : memref<10112x8xf32, #tpu.memory_space<vmem_shared>>) offsets(%dma_start3A_275 : memref<128xi32, #tpu.memory_space<vmem>>) semaphore(%run_scoped3A_272 : memref<!tpu.dma_semaphore, #tpu.memory_space<semaphore_mem>>) {add = true}
        %dma_wait3A_279 = arith.constant 0 : i32
        %dma_wait3A_280 = tpu.memref_slice %arg11[%run_scoped3A_226, %dma_wait3A_279] : memref<16x128xi32, #tpu.memory_space<vmem>> -> memref<1x128xi32, #tpu.memory_space<vmem>>
        %dma_wait3A_281 = tpu.memref_squeeze %dma_wait3A_280 : memref<1x128xi32, #tpu.memory_space<vmem>> -> memref<128xi32, #tpu.memory_space<vmem>>
        %dma_wait3A_282 = arith.constant 0 : i32
        %dma_wait3A_283 = arith.constant 0 : i32
        %dma_wait3A_284 = tpu.memref_slice %arg44[%dma_wait3A_282, %dma_wait3A_283] : memref<10112x8xf32, #tpu.memory_space<vmem_shared>> -> memref<10112x8xf32, #tpu.memory_space<vmem_shared>>
        tpu.wait_indirect_dma semaphore(%run_scoped3A_272 : memref<!tpu.dma_semaphore, #tpu.memory_space<semaphore_mem>>) src(%arg45 : memref<128x8xf32, #tpu.memory_space<vmem>>) dst(%dma_wait3A_284 : memref<10112x8xf32, #tpu.memory_space<vmem_shared>>)
        tpu.yield
      }) : () -> ()
      %dma_wait3A_227 = arith.constant 3 : i32
      %dma_wait3A_228 = arith.constant 0 : i32
      %dma_wait3A_229 = tpu.memref_slice %arg11[%dma_wait3A_227, %dma_wait3A_228] : memref<16x128xi32, #tpu.memory_space<vmem>> -> memref<1x128xi32, #tpu.memory_space<vmem>>
      %dma_wait3A_230 = tpu.memref_squeeze %dma_wait3A_229 : memref<1x128xi32, #tpu.memory_space<vmem>> -> memref<128xi32, #tpu.memory_space<vmem>>
      %dma_wait3A_231 = arith.constant 0 : i32
      %dma_wait3A_232 = arith.constant 0 : i32
      %dma_wait3A_233 = tpu.memref_slice %arg2[%dma_wait3A_231, %dma_wait3A_232] : memref<10000x16xf32, #tpu.memory_space<hbm>> -> memref<10000x16xf32, #tpu.memory_space<hbm>>
      tpu.wait_indirect_dma semaphore(%arg39 : memref<!tpu.dma_semaphore, #tpu.memory_space<semaphore_mem>>) src(%dma_wait3A_233 : memref<10000x16xf32, #tpu.memory_space<hbm>>) dst(%arg23 : memref<128x16xf32, #tpu.memory_space<vmem>>)
      %run_scoped3A_234 = arith.constant 11 : i32
      "tpu.region"() ({
        %run_scoped3A_272 = tpu.sem_alloc : memref<!tpu.dma_semaphore, #tpu.memory_space<semaphore_mem>>
        %dma_start3A_273 = arith.constant 0 : i32
        %dma_start3A_274 = tpu.memref_slice %arg11[%run_scoped3A_234, %dma_start3A_273] : memref<16x128xi32, #tpu.memory_space<vmem>> -> memref<1x128xi32, #tpu.memory_space<vmem>>
        %dma_start3A_275 = tpu.memref_squeeze %dma_start3A_274 : memref<1x128xi32, #tpu.memory_space<vmem>> -> memref<128xi32, #tpu.memory_space<vmem>>
        %dma_start3A_276 = arith.constant 0 : i32
        %dma_start3A_277 = arith.constant 0 : i32
        %dma_start3A_278 = tpu.memref_slice %arg9[%dma_start3A_276, %dma_start3A_277] : memref<10112x16xf32, #tpu.memory_space<vmem_shared>> -> memref<10112x16xf32, #tpu.memory_space<vmem_shared>>
        tpu.enqueue_indirect_dma source(%arg23 : memref<128x16xf32, #tpu.memory_space<vmem>>) target(%dma_start3A_278 : memref<10112x16xf32, #tpu.memory_space<vmem_shared>>) offsets(%dma_start3A_275 : memref<128xi32, #tpu.memory_space<vmem>>) semaphore(%run_scoped3A_272 : memref<!tpu.dma_semaphore, #tpu.memory_space<semaphore_mem>>) {add = true}
        %dma_wait3A_279 = arith.constant 0 : i32
        %dma_wait3A_280 = tpu.memref_slice %arg11[%run_scoped3A_234, %dma_wait3A_279] : memref<16x128xi32, #tpu.memory_space<vmem>> -> memref<1x128xi32, #tpu.memory_space<vmem>>
        %dma_wait3A_281 = tpu.memref_squeeze %dma_wait3A_280 : memref<1x128xi32, #tpu.memory_space<vmem>> -> memref<128xi32, #tpu.memory_space<vmem>>
        %dma_wait3A_282 = arith.constant 0 : i32
        %dma_wait3A_283 = arith.constant 0 : i32
        %dma_wait3A_284 = tpu.memref_slice %arg9[%dma_wait3A_282, %dma_wait3A_283] : memref<10112x16xf32, #tpu.memory_space<vmem_shared>> -> memref<10112x16xf32, #tpu.memory_space<vmem_shared>>
        tpu.wait_indirect_dma semaphore(%run_scoped3A_272 : memref<!tpu.dma_semaphore, #tpu.memory_space<semaphore_mem>>) src(%arg23 : memref<128x16xf32, #tpu.memory_space<vmem>>) dst(%dma_wait3A_284 : memref<10112x16xf32, #tpu.memory_space<vmem_shared>>)
        tpu.yield
      }) : () -> ()
      %run_scoped3A_235 = arith.constant 11 : i32
      "tpu.region"() ({
        %run_scoped3A_272 = tpu.sem_alloc : memref<!tpu.dma_semaphore, #tpu.memory_space<semaphore_mem>>
        %dma_start3A_273 = arith.constant 0 : i32
        %dma_start3A_274 = tpu.memref_slice %arg11[%run_scoped3A_235, %dma_start3A_273] : memref<16x128xi32, #tpu.memory_space<vmem>> -> memref<1x128xi32, #tpu.memory_space<vmem>>
        %dma_start3A_275 = tpu.memref_squeeze %dma_start3A_274 : memref<1x128xi32, #tpu.memory_space<vmem>> -> memref<128xi32, #tpu.memory_space<vmem>>
        %dma_start3A_276 = arith.constant 0 : i32
        %dma_start3A_277 = arith.constant 0 : i32
        %dma_start3A_278 = tpu.memref_slice %arg44[%dma_start3A_276, %dma_start3A_277] : memref<10112x8xf32, #tpu.memory_space<vmem_shared>> -> memref<10112x8xf32, #tpu.memory_space<vmem_shared>>
        tpu.enqueue_indirect_dma source(%arg45 : memref<128x8xf32, #tpu.memory_space<vmem>>) target(%dma_start3A_278 : memref<10112x8xf32, #tpu.memory_space<vmem_shared>>) offsets(%dma_start3A_275 : memref<128xi32, #tpu.memory_space<vmem>>) semaphore(%run_scoped3A_272 : memref<!tpu.dma_semaphore, #tpu.memory_space<semaphore_mem>>) {add = true}
        %dma_wait3A_279 = arith.constant 0 : i32
        %dma_wait3A_280 = tpu.memref_slice %arg11[%run_scoped3A_235, %dma_wait3A_279] : memref<16x128xi32, #tpu.memory_space<vmem>> -> memref<1x128xi32, #tpu.memory_space<vmem>>
        %dma_wait3A_281 = tpu.memref_squeeze %dma_wait3A_280 : memref<1x128xi32, #tpu.memory_space<vmem>> -> memref<128xi32, #tpu.memory_space<vmem>>
        %dma_wait3A_282 = arith.constant 0 : i32
        %dma_wait3A_283 = arith.constant 0 : i32
        %dma_wait3A_284 = tpu.memref_slice %arg44[%dma_wait3A_282, %dma_wait3A_283] : memref<10112x8xf32, #tpu.memory_space<vmem_shared>> -> memref<10112x8xf32, #tpu.memory_space<vmem_shared>>
        tpu.wait_indirect_dma semaphore(%run_scoped3A_272 : memref<!tpu.dma_semaphore, #tpu.memory_space<semaphore_mem>>) src(%arg45 : memref<128x8xf32, #tpu.memory_space<vmem>>) dst(%dma_wait3A_284 : memref<10112x8xf32, #tpu.memory_space<vmem_shared>>)
        tpu.yield
      }) : () -> ()
      %dma_wait3A_236 = arith.constant 4 : i32
      %dma_wait3A_237 = arith.constant 0 : i32
      %dma_wait3A_238 = tpu.memref_slice %arg11[%dma_wait3A_236, %dma_wait3A_237] : memref<16x128xi32, #tpu.memory_space<vmem>> -> memref<1x128xi32, #tpu.memory_space<vmem>>
      %dma_wait3A_239 = tpu.memref_squeeze %dma_wait3A_238 : memref<1x128xi32, #tpu.memory_space<vmem>> -> memref<128xi32, #tpu.memory_space<vmem>>
      %dma_wait3A_240 = arith.constant 0 : i32
      %dma_wait3A_241 = arith.constant 0 : i32
      %dma_wait3A_242 = tpu.memref_slice %arg2[%dma_wait3A_240, %dma_wait3A_241] : memref<10000x16xf32, #tpu.memory_space<hbm>> -> memref<10000x16xf32, #tpu.memory_space<hbm>>
      tpu.wait_indirect_dma semaphore(%arg40 : memref<!tpu.dma_semaphore, #tpu.memory_space<semaphore_mem>>) src(%dma_wait3A_242 : memref<10000x16xf32, #tpu.memory_space<hbm>>) dst(%arg24 : memref<128x16xf32, #tpu.memory_space<vmem>>)
      %run_scoped3A_243 = arith.constant 12 : i32
      "tpu.region"() ({
        %run_scoped3A_272 = tpu.sem_alloc : memref<!tpu.dma_semaphore, #tpu.memory_space<semaphore_mem>>
        %dma_start3A_273 = arith.constant 0 : i32
        %dma_start3A_274 = tpu.memref_slice %arg11[%run_scoped3A_243, %dma_start3A_273] : memref<16x128xi32, #tpu.memory_space<vmem>> -> memref<1x128xi32, #tpu.memory_space<vmem>>
        %dma_start3A_275 = tpu.memref_squeeze %dma_start3A_274 : memref<1x128xi32, #tpu.memory_space<vmem>> -> memref<128xi32, #tpu.memory_space<vmem>>
        %dma_start3A_276 = arith.constant 0 : i32
        %dma_start3A_277 = arith.constant 0 : i32
        %dma_start3A_278 = tpu.memref_slice %arg9[%dma_start3A_276, %dma_start3A_277] : memref<10112x16xf32, #tpu.memory_space<vmem_shared>> -> memref<10112x16xf32, #tpu.memory_space<vmem_shared>>
        tpu.enqueue_indirect_dma source(%arg24 : memref<128x16xf32, #tpu.memory_space<vmem>>) target(%dma_start3A_278 : memref<10112x16xf32, #tpu.memory_space<vmem_shared>>) offsets(%dma_start3A_275 : memref<128xi32, #tpu.memory_space<vmem>>) semaphore(%run_scoped3A_272 : memref<!tpu.dma_semaphore, #tpu.memory_space<semaphore_mem>>) {add = true}
        %dma_wait3A_279 = arith.constant 0 : i32
        %dma_wait3A_280 = tpu.memref_slice %arg11[%run_scoped3A_243, %dma_wait3A_279] : memref<16x128xi32, #tpu.memory_space<vmem>> -> memref<1x128xi32, #tpu.memory_space<vmem>>
        %dma_wait3A_281 = tpu.memref_squeeze %dma_wait3A_280 : memref<1x128xi32, #tpu.memory_space<vmem>> -> memref<128xi32, #tpu.memory_space<vmem>>
        %dma_wait3A_282 = arith.constant 0 : i32
        %dma_wait3A_283 = arith.constant 0 : i32
        %dma_wait3A_284 = tpu.memref_slice %arg9[%dma_wait3A_282, %dma_wait3A_283] : memref<10112x16xf32, #tpu.memory_space<vmem_shared>> -> memref<10112x16xf32, #tpu.memory_space<vmem_shared>>
        tpu.wait_indirect_dma semaphore(%run_scoped3A_272 : memref<!tpu.dma_semaphore, #tpu.memory_space<semaphore_mem>>) src(%arg24 : memref<128x16xf32, #tpu.memory_space<vmem>>) dst(%dma_wait3A_284 : memref<10112x16xf32, #tpu.memory_space<vmem_shared>>)
        tpu.yield
      }) : () -> ()
      %run_scoped3A_244 = arith.constant 12 : i32
      "tpu.region"() ({
        %run_scoped3A_272 = tpu.sem_alloc : memref<!tpu.dma_semaphore, #tpu.memory_space<semaphore_mem>>
        %dma_start3A_273 = arith.constant 0 : i32
        %dma_start3A_274 = tpu.memref_slice %arg11[%run_scoped3A_244, %dma_start3A_273] : memref<16x128xi32, #tpu.memory_space<vmem>> -> memref<1x128xi32, #tpu.memory_space<vmem>>
        %dma_start3A_275 = tpu.memref_squeeze %dma_start3A_274 : memref<1x128xi32, #tpu.memory_space<vmem>> -> memref<128xi32, #tpu.memory_space<vmem>>
        %dma_start3A_276 = arith.constant 0 : i32
        %dma_start3A_277 = arith.constant 0 : i32
        %dma_start3A_278 = tpu.memref_slice %arg44[%dma_start3A_276, %dma_start3A_277] : memref<10112x8xf32, #tpu.memory_space<vmem_shared>> -> memref<10112x8xf32, #tpu.memory_space<vmem_shared>>
        tpu.enqueue_indirect_dma source(%arg45 : memref<128x8xf32, #tpu.memory_space<vmem>>) target(%dma_start3A_278 : memref<10112x8xf32, #tpu.memory_space<vmem_shared>>) offsets(%dma_start3A_275 : memref<128xi32, #tpu.memory_space<vmem>>) semaphore(%run_scoped3A_272 : memref<!tpu.dma_semaphore, #tpu.memory_space<semaphore_mem>>) {add = true}
        %dma_wait3A_279 = arith.constant 0 : i32
        %dma_wait3A_280 = tpu.memref_slice %arg11[%run_scoped3A_244, %dma_wait3A_279] : memref<16x128xi32, #tpu.memory_space<vmem>> -> memref<1x128xi32, #tpu.memory_space<vmem>>
        %dma_wait3A_281 = tpu.memref_squeeze %dma_wait3A_280 : memref<1x128xi32, #tpu.memory_space<vmem>> -> memref<128xi32, #tpu.memory_space<vmem>>
        %dma_wait3A_282 = arith.constant 0 : i32
        %dma_wait3A_283 = arith.constant 0 : i32
        %dma_wait3A_284 = tpu.memref_slice %arg44[%dma_wait3A_282, %dma_wait3A_283] : memref<10112x8xf32, #tpu.memory_space<vmem_shared>> -> memref<10112x8xf32, #tpu.memory_space<vmem_shared>>
        tpu.wait_indirect_dma semaphore(%run_scoped3A_272 : memref<!tpu.dma_semaphore, #tpu.memory_space<semaphore_mem>>) src(%arg45 : memref<128x8xf32, #tpu.memory_space<vmem>>) dst(%dma_wait3A_284 : memref<10112x8xf32, #tpu.memory_space<vmem_shared>>)
        tpu.yield
      }) : () -> ()
      %dma_wait3A_245 = arith.constant 5 : i32
      %dma_wait3A_246 = arith.constant 0 : i32
      %dma_wait3A_247 = tpu.memref_slice %arg11[%dma_wait3A_245, %dma_wait3A_246] : memref<16x128xi32, #tpu.memory_space<vmem>> -> memref<1x128xi32, #tpu.memory_space<vmem>>
      %dma_wait3A_248 = tpu.memref_squeeze %dma_wait3A_247 : memref<1x128xi32, #tpu.memory_space<vmem>> -> memref<128xi32, #tpu.memory_space<vmem>>
      %dma_wait3A_249 = arith.constant 0 : i32
      %dma_wait3A_250 = arith.constant 0 : i32
      %dma_wait3A_251 = tpu.memref_slice %arg2[%dma_wait3A_249, %dma_wait3A_250] : memref<10000x16xf32, #tpu.memory_space<hbm>> -> memref<10000x16xf32, #tpu.memory_space<hbm>>
      tpu.wait_indirect_dma semaphore(%arg41 : memref<!tpu.dma_semaphore, #tpu.memory_space<semaphore_mem>>) src(%dma_wait3A_251 : memref<10000x16xf32, #tpu.memory_space<hbm>>) dst(%arg25 : memref<128x16xf32, #tpu.memory_space<vmem>>)
      %run_scoped3A_252 = arith.constant 13 : i32
      "tpu.region"() ({
        %run_scoped3A_272 = tpu.sem_alloc : memref<!tpu.dma_semaphore, #tpu.memory_space<semaphore_mem>>
        %dma_start3A_273 = arith.constant 0 : i32
        %dma_start3A_274 = tpu.memref_slice %arg11[%run_scoped3A_252, %dma_start3A_273] : memref<16x128xi32, #tpu.memory_space<vmem>> -> memref<1x128xi32, #tpu.memory_space<vmem>>
        %dma_start3A_275 = tpu.memref_squeeze %dma_start3A_274 : memref<1x128xi32, #tpu.memory_space<vmem>> -> memref<128xi32, #tpu.memory_space<vmem>>
        %dma_start3A_276 = arith.constant 0 : i32
        %dma_start3A_277 = arith.constant 0 : i32
        %dma_start3A_278 = tpu.memref_slice %arg9[%dma_start3A_276, %dma_start3A_277] : memref<10112x16xf32, #tpu.memory_space<vmem_shared>> -> memref<10112x16xf32, #tpu.memory_space<vmem_shared>>
        tpu.enqueue_indirect_dma source(%arg25 : memref<128x16xf32, #tpu.memory_space<vmem>>) target(%dma_start3A_278 : memref<10112x16xf32, #tpu.memory_space<vmem_shared>>) offsets(%dma_start3A_275 : memref<128xi32, #tpu.memory_space<vmem>>) semaphore(%run_scoped3A_272 : memref<!tpu.dma_semaphore, #tpu.memory_space<semaphore_mem>>) {add = true}
        %dma_wait3A_279 = arith.constant 0 : i32
        %dma_wait3A_280 = tpu.memref_slice %arg11[%run_scoped3A_252, %dma_wait3A_279] : memref<16x128xi32, #tpu.memory_space<vmem>> -> memref<1x128xi32, #tpu.memory_space<vmem>>
        %dma_wait3A_281 = tpu.memref_squeeze %dma_wait3A_280 : memref<1x128xi32, #tpu.memory_space<vmem>> -> memref<128xi32, #tpu.memory_space<vmem>>
        %dma_wait3A_282 = arith.constant 0 : i32
        %dma_wait3A_283 = arith.constant 0 : i32
        %dma_wait3A_284 = tpu.memref_slice %arg9[%dma_wait3A_282, %dma_wait3A_283] : memref<10112x16xf32, #tpu.memory_space<vmem_shared>> -> memref<10112x16xf32, #tpu.memory_space<vmem_shared>>
        tpu.wait_indirect_dma semaphore(%run_scoped3A_272 : memref<!tpu.dma_semaphore, #tpu.memory_space<semaphore_mem>>) src(%arg25 : memref<128x16xf32, #tpu.memory_space<vmem>>) dst(%dma_wait3A_284 : memref<10112x16xf32, #tpu.memory_space<vmem_shared>>)
        tpu.yield
      }) : () -> ()
      %run_scoped3A_253 = arith.constant 13 : i32
      "tpu.region"() ({
        %run_scoped3A_272 = tpu.sem_alloc : memref<!tpu.dma_semaphore, #tpu.memory_space<semaphore_mem>>
        %dma_start3A_273 = arith.constant 0 : i32
        %dma_start3A_274 = tpu.memref_slice %arg11[%run_scoped3A_253, %dma_start3A_273] : memref<16x128xi32, #tpu.memory_space<vmem>> -> memref<1x128xi32, #tpu.memory_space<vmem>>
        %dma_start3A_275 = tpu.memref_squeeze %dma_start3A_274 : memref<1x128xi32, #tpu.memory_space<vmem>> -> memref<128xi32, #tpu.memory_space<vmem>>
        %dma_start3A_276 = arith.constant 0 : i32
        %dma_start3A_277 = arith.constant 0 : i32
        %dma_start3A_278 = tpu.memref_slice %arg44[%dma_start3A_276, %dma_start3A_277] : memref<10112x8xf32, #tpu.memory_space<vmem_shared>> -> memref<10112x8xf32, #tpu.memory_space<vmem_shared>>
        tpu.enqueue_indirect_dma source(%arg45 : memref<128x8xf32, #tpu.memory_space<vmem>>) target(%dma_start3A_278 : memref<10112x8xf32, #tpu.memory_space<vmem_shared>>) offsets(%dma_start3A_275 : memref<128xi32, #tpu.memory_space<vmem>>) semaphore(%run_scoped3A_272 : memref<!tpu.dma_semaphore, #tpu.memory_space<semaphore_mem>>) {add = true}
        %dma_wait3A_279 = arith.constant 0 : i32
        %dma_wait3A_280 = tpu.memref_slice %arg11[%run_scoped3A_253, %dma_wait3A_279] : memref<16x128xi32, #tpu.memory_space<vmem>> -> memref<1x128xi32, #tpu.memory_space<vmem>>
        %dma_wait3A_281 = tpu.memref_squeeze %dma_wait3A_280 : memref<1x128xi32, #tpu.memory_space<vmem>> -> memref<128xi32, #tpu.memory_space<vmem>>
        %dma_wait3A_282 = arith.constant 0 : i32
        %dma_wait3A_283 = arith.constant 0 : i32
        %dma_wait3A_284 = tpu.memref_slice %arg44[%dma_wait3A_282, %dma_wait3A_283] : memref<10112x8xf32, #tpu.memory_space<vmem_shared>> -> memref<10112x8xf32, #tpu.memory_space<vmem_shared>>
        tpu.wait_indirect_dma semaphore(%run_scoped3A_272 : memref<!tpu.dma_semaphore, #tpu.memory_space<semaphore_mem>>) src(%arg45 : memref<128x8xf32, #tpu.memory_space<vmem>>) dst(%dma_wait3A_284 : memref<10112x8xf32, #tpu.memory_space<vmem_shared>>)
        tpu.yield
      }) : () -> ()
      %dma_wait3A_254 = arith.constant 6 : i32
      %dma_wait3A_255 = arith.constant 0 : i32
      %dma_wait3A_256 = tpu.memref_slice %arg11[%dma_wait3A_254, %dma_wait3A_255] : memref<16x128xi32, #tpu.memory_space<vmem>> -> memref<1x128xi32, #tpu.memory_space<vmem>>
      %dma_wait3A_257 = tpu.memref_squeeze %dma_wait3A_256 : memref<1x128xi32, #tpu.memory_space<vmem>> -> memref<128xi32, #tpu.memory_space<vmem>>
      %dma_wait3A_258 = arith.constant 0 : i32
      %dma_wait3A_259 = arith.constant 0 : i32
      %dma_wait3A_260 = tpu.memref_slice %arg2[%dma_wait3A_258, %dma_wait3A_259] : memref<10000x16xf32, #tpu.memory_space<hbm>> -> memref<10000x16xf32, #tpu.memory_space<hbm>>
      tpu.wait_indirect_dma semaphore(%arg42 : memref<!tpu.dma_semaphore, #tpu.memory_space<semaphore_mem>>) src(%dma_wait3A_260 : memref<10000x16xf32, #tpu.memory_space<hbm>>) dst(%arg26 : memref<128x16xf32, #tpu.memory_space<vmem>>)
      %run_scoped3A_261 = arith.constant 14 : i32
      "tpu.region"() ({
        %run_scoped3A_272 = tpu.sem_alloc : memref<!tpu.dma_semaphore, #tpu.memory_space<semaphore_mem>>
        %dma_start3A_273 = arith.constant 0 : i32
        %dma_start3A_274 = tpu.memref_slice %arg11[%run_scoped3A_261, %dma_start3A_273] : memref<16x128xi32, #tpu.memory_space<vmem>> -> memref<1x128xi32, #tpu.memory_space<vmem>>
        %dma_start3A_275 = tpu.memref_squeeze %dma_start3A_274 : memref<1x128xi32, #tpu.memory_space<vmem>> -> memref<128xi32, #tpu.memory_space<vmem>>
        %dma_start3A_276 = arith.constant 0 : i32
        %dma_start3A_277 = arith.constant 0 : i32
        %dma_start3A_278 = tpu.memref_slice %arg9[%dma_start3A_276, %dma_start3A_277] : memref<10112x16xf32, #tpu.memory_space<vmem_shared>> -> memref<10112x16xf32, #tpu.memory_space<vmem_shared>>
        tpu.enqueue_indirect_dma source(%arg26 : memref<128x16xf32, #tpu.memory_space<vmem>>) target(%dma_start3A_278 : memref<10112x16xf32, #tpu.memory_space<vmem_shared>>) offsets(%dma_start3A_275 : memref<128xi32, #tpu.memory_space<vmem>>) semaphore(%run_scoped3A_272 : memref<!tpu.dma_semaphore, #tpu.memory_space<semaphore_mem>>) {add = true}
        %dma_wait3A_279 = arith.constant 0 : i32
        %dma_wait3A_280 = tpu.memref_slice %arg11[%run_scoped3A_261, %dma_wait3A_279] : memref<16x128xi32, #tpu.memory_space<vmem>> -> memref<1x128xi32, #tpu.memory_space<vmem>>
        %dma_wait3A_281 = tpu.memref_squeeze %dma_wait3A_280 : memref<1x128xi32, #tpu.memory_space<vmem>> -> memref<128xi32, #tpu.memory_space<vmem>>
        %dma_wait3A_282 = arith.constant 0 : i32
        %dma_wait3A_283 = arith.constant 0 : i32
        %dma_wait3A_284 = tpu.memref_slice %arg9[%dma_wait3A_282, %dma_wait3A_283] : memref<10112x16xf32, #tpu.memory_space<vmem_shared>> -> memref<10112x16xf32, #tpu.memory_space<vmem_shared>>
        tpu.wait_indirect_dma semaphore(%run_scoped3A_272 : memref<!tpu.dma_semaphore, #tpu.memory_space<semaphore_mem>>) src(%arg26 : memref<128x16xf32, #tpu.memory_space<vmem>>) dst(%dma_wait3A_284 : memref<10112x16xf32, #tpu.memory_space<vmem_shared>>)
        tpu.yield
      }) : () -> ()
      %run_scoped3A_262 = arith.constant 14 : i32
      "tpu.region"() ({
        %run_scoped3A_272 = tpu.sem_alloc : memref<!tpu.dma_semaphore, #tpu.memory_space<semaphore_mem>>
        %dma_start3A_273 = arith.constant 0 : i32
        %dma_start3A_274 = tpu.memref_slice %arg11[%run_scoped3A_262, %dma_start3A_273] : memref<16x128xi32, #tpu.memory_space<vmem>> -> memref<1x128xi32, #tpu.memory_space<vmem>>
        %dma_start3A_275 = tpu.memref_squeeze %dma_start3A_274 : memref<1x128xi32, #tpu.memory_space<vmem>> -> memref<128xi32, #tpu.memory_space<vmem>>
        %dma_start3A_276 = arith.constant 0 : i32
        %dma_start3A_277 = arith.constant 0 : i32
        %dma_start3A_278 = tpu.memref_slice %arg44[%dma_start3A_276, %dma_start3A_277] : memref<10112x8xf32, #tpu.memory_space<vmem_shared>> -> memref<10112x8xf32, #tpu.memory_space<vmem_shared>>
        tpu.enqueue_indirect_dma source(%arg45 : memref<128x8xf32, #tpu.memory_space<vmem>>) target(%dma_start3A_278 : memref<10112x8xf32, #tpu.memory_space<vmem_shared>>) offsets(%dma_start3A_275 : memref<128xi32, #tpu.memory_space<vmem>>) semaphore(%run_scoped3A_272 : memref<!tpu.dma_semaphore, #tpu.memory_space<semaphore_mem>>) {add = true}
        %dma_wait3A_279 = arith.constant 0 : i32
        %dma_wait3A_280 = tpu.memref_slice %arg11[%run_scoped3A_262, %dma_wait3A_279] : memref<16x128xi32, #tpu.memory_space<vmem>> -> memref<1x128xi32, #tpu.memory_space<vmem>>
        %dma_wait3A_281 = tpu.memref_squeeze %dma_wait3A_280 : memref<1x128xi32, #tpu.memory_space<vmem>> -> memref<128xi32, #tpu.memory_space<vmem>>
        %dma_wait3A_282 = arith.constant 0 : i32
        %dma_wait3A_283 = arith.constant 0 : i32
        %dma_wait3A_284 = tpu.memref_slice %arg44[%dma_wait3A_282, %dma_wait3A_283] : memref<10112x8xf32, #tpu.memory_space<vmem_shared>> -> memref<10112x8xf32, #tpu.memory_space<vmem_shared>>
        tpu.wait_indirect_dma semaphore(%run_scoped3A_272 : memref<!tpu.dma_semaphore, #tpu.memory_space<semaphore_mem>>) src(%arg45 : memref<128x8xf32, #tpu.memory_space<vmem>>) dst(%dma_wait3A_284 : memref<10112x8xf32, #tpu.memory_space<vmem_shared>>)
        tpu.yield
      }) : () -> ()
      %dma_wait3A_263 = arith.constant 7 : i32
      %dma_wait3A_264 = arith.constant 0 : i32
      %dma_wait3A_265 = tpu.memref_slice %arg11[%dma_wait3A_263, %dma_wait3A_264] : memref<16x128xi32, #tpu.memory_space<vmem>> -> memref<1x128xi32, #tpu.memory_space<vmem>>
      %dma_wait3A_266 = tpu.memref_squeeze %dma_wait3A_265 : memref<1x128xi32, #tpu.memory_space<vmem>> -> memref<128xi32, #tpu.memory_space<vmem>>
      %dma_wait3A_267 = arith.constant 0 : i32
      %dma_wait3A_268 = arith.constant 0 : i32
      %dma_wait3A_269 = tpu.memref_slice %arg2[%dma_wait3A_267, %dma_wait3A_268] : memref<10000x16xf32, #tpu.memory_space<hbm>> -> memref<10000x16xf32, #tpu.memory_space<hbm>>
      tpu.wait_indirect_dma semaphore(%arg43 : memref<!tpu.dma_semaphore, #tpu.memory_space<semaphore_mem>>) src(%dma_wait3A_269 : memref<10000x16xf32, #tpu.memory_space<hbm>>) dst(%arg27 : memref<128x16xf32, #tpu.memory_space<vmem>>)
      %run_scoped3A_270 = arith.constant 15 : i32
      "tpu.region"() ({
        %run_scoped3A_272 = tpu.sem_alloc : memref<!tpu.dma_semaphore, #tpu.memory_space<semaphore_mem>>
        %dma_start3A_273 = arith.constant 0 : i32
        %dma_start3A_274 = tpu.memref_slice %arg11[%run_scoped3A_270, %dma_start3A_273] : memref<16x128xi32, #tpu.memory_space<vmem>> -> memref<1x128xi32, #tpu.memory_space<vmem>>
        %dma_start3A_275 = tpu.memref_squeeze %dma_start3A_274 : memref<1x128xi32, #tpu.memory_space<vmem>> -> memref<128xi32, #tpu.memory_space<vmem>>
        %dma_start3A_276 = arith.constant 0 : i32
        %dma_start3A_277 = arith.constant 0 : i32
        %dma_start3A_278 = tpu.memref_slice %arg9[%dma_start3A_276, %dma_start3A_277] : memref<10112x16xf32, #tpu.memory_space<vmem_shared>> -> memref<10112x16xf32, #tpu.memory_space<vmem_shared>>
        tpu.enqueue_indirect_dma source(%arg27 : memref<128x16xf32, #tpu.memory_space<vmem>>) target(%dma_start3A_278 : memref<10112x16xf32, #tpu.memory_space<vmem_shared>>) offsets(%dma_start3A_275 : memref<128xi32, #tpu.memory_space<vmem>>) semaphore(%run_scoped3A_272 : memref<!tpu.dma_semaphore, #tpu.memory_space<semaphore_mem>>) {add = true}
        %dma_wait3A_279 = arith.constant 0 : i32
        %dma_wait3A_280 = tpu.memref_slice %arg11[%run_scoped3A_270, %dma_wait3A_279] : memref<16x128xi32, #tpu.memory_space<vmem>> -> memref<1x128xi32, #tpu.memory_space<vmem>>
        %dma_wait3A_281 = tpu.memref_squeeze %dma_wait3A_280 : memref<1x128xi32, #tpu.memory_space<vmem>> -> memref<128xi32, #tpu.memory_space<vmem>>
        %dma_wait3A_282 = arith.constant 0 : i32
        %dma_wait3A_283 = arith.constant 0 : i32
        %dma_wait3A_284 = tpu.memref_slice %arg9[%dma_wait3A_282, %dma_wait3A_283] : memref<10112x16xf32, #tpu.memory_space<vmem_shared>> -> memref<10112x16xf32, #tpu.memory_space<vmem_shared>>
        tpu.wait_indirect_dma semaphore(%run_scoped3A_272 : memref<!tpu.dma_semaphore, #tpu.memory_space<semaphore_mem>>) src(%arg27 : memref<128x16xf32, #tpu.memory_space<vmem>>) dst(%dma_wait3A_284 : memref<10112x16xf32, #tpu.memory_space<vmem_shared>>)
        tpu.yield
      }) : () -> ()
      %run_scoped3A_271 = arith.constant 15 : i32
      "tpu.region"() ({
        %run_scoped3A_272 = tpu.sem_alloc : memref<!tpu.dma_semaphore, #tpu.memory_space<semaphore_mem>>
        %dma_start3A_273 = arith.constant 0 : i32
        %dma_start3A_274 = tpu.memref_slice %arg11[%run_scoped3A_271, %dma_start3A_273] : memref<16x128xi32, #tpu.memory_space<vmem>> -> memref<1x128xi32, #tpu.memory_space<vmem>>
        %dma_start3A_275 = tpu.memref_squeeze %dma_start3A_274 : memref<1x128xi32, #tpu.memory_space<vmem>> -> memref<128xi32, #tpu.memory_space<vmem>>
        %dma_start3A_276 = arith.constant 0 : i32
        %dma_start3A_277 = arith.constant 0 : i32
        %dma_start3A_278 = tpu.memref_slice %arg44[%dma_start3A_276, %dma_start3A_277] : memref<10112x8xf32, #tpu.memory_space<vmem_shared>> -> memref<10112x8xf32, #tpu.memory_space<vmem_shared>>
        tpu.enqueue_indirect_dma source(%arg45 : memref<128x8xf32, #tpu.memory_space<vmem>>) target(%dma_start3A_278 : memref<10112x8xf32, #tpu.memory_space<vmem_shared>>) offsets(%dma_start3A_275 : memref<128xi32, #tpu.memory_space<vmem>>) semaphore(%run_scoped3A_272 : memref<!tpu.dma_semaphore, #tpu.memory_space<semaphore_mem>>) {add = true}
        %dma_wait3A_279 = arith.constant 0 : i32
        %dma_wait3A_280 = tpu.memref_slice %arg11[%run_scoped3A_271, %dma_wait3A_279] : memref<16x128xi32, #tpu.memory_space<vmem>> -> memref<1x128xi32, #tpu.memory_space<vmem>>
        %dma_wait3A_281 = tpu.memref_squeeze %dma_wait3A_280 : memref<1x128xi32, #tpu.memory_space<vmem>> -> memref<128xi32, #tpu.memory_space<vmem>>
        %dma_wait3A_282 = arith.constant 0 : i32
        %dma_wait3A_283 = arith.constant 0 : i32
        %dma_wait3A_284 = tpu.memref_slice %arg44[%dma_wait3A_282, %dma_wait3A_283] : memref<10112x8xf32, #tpu.memory_space<vmem_shared>> -> memref<10112x8xf32, #tpu.memory_space<vmem_shared>>
        tpu.wait_indirect_dma semaphore(%run_scoped3A_272 : memref<!tpu.dma_semaphore, #tpu.memory_space<semaphore_mem>>) src(%arg45 : memref<128x8xf32, #tpu.memory_space<vmem>>) dst(%dma_wait3A_284 : memref<10112x8xf32, #tpu.memory_space<vmem_shared>>)
        tpu.yield
      }) : () -> ()
    }
    %scan3A_64 = arith.constant 5 : i32
    %barrier3A_65 = arith.constant 0 : index
    tpu.barrier barrier_id(%barrier3A_65)
    "tpu.region"() ({
      %run_scoped3A = tpu.sem_alloc : memref<!tpu.dma_semaphore, #tpu.memory_space<semaphore_mem>>
      %dma_start3A_66 = arith.constant 0 : i32
      %dma_start3A_67 = tpu.memref_slice %arg7[%arg0, %mul3A_0, %dma_start3A_66] : memref<2x10112x16xf32, #tpu.memory_space<hbm>> -> memref<1x632x16xf32, #tpu.memory_space<hbm>>
      %dma_start3A_68 = tpu.memref_squeeze %dma_start3A_67 : memref<1x632x16xf32, #tpu.memory_space<hbm>> -> memref<632x16xf32, #tpu.memory_space<hbm>>
      %dma_start3A_69 = arith.constant 0 : i32
      %dma_start3A_70 = tpu.memref_slice %arg9[%mul3A_0, %dma_start3A_69] : memref<10112x16xf32, #tpu.memory_space<vmem_shared>> -> memref<632x16xf32, #tpu.memory_space<vmem_shared>>
      tpu.enqueue_dma source(%dma_start3A_70 : memref<632x16xf32, #tpu.memory_space<vmem_shared>>) target(%dma_start3A_68 : memref<632x16xf32, #tpu.memory_space<hbm>>) target_semaphore(%run_scoped3A : memref<!tpu.dma_semaphore, #tpu.memory_space<semaphore_mem>>)
      %dma_wait3A = arith.constant 0 : i32
      %dma_wait3A_71 = tpu.memref_slice %arg7[%arg0, %mul3A_0, %dma_wait3A] : memref<2x10112x16xf32, #tpu.memory_space<hbm>> -> memref<1x632x16xf32, #tpu.memory_space<hbm>>
      %dma_wait3A_72 = tpu.memref_squeeze %dma_wait3A_71 : memref<1x632x16xf32, #tpu.memory_space<hbm>> -> memref<632x16xf32, #tpu.memory_space<hbm>>
      %dma_wait3A_73 = arith.constant 0 : i32
      %dma_wait3A_74 = tpu.memref_slice %arg9[%mul3A_0, %dma_wait3A_73] : memref<10112x16xf32, #tpu.memory_space<vmem_shared>> -> memref<632x16xf32, #tpu.memory_space<vmem_shared>>
      tpu.wait_dma2 semaphore(%run_scoped3A : memref<!tpu.dma_semaphore, #tpu.memory_space<semaphore_mem>>) src(%dma_wait3A_74 : memref<632x16xf32, #tpu.memory_space<vmem_shared>>) dst(%dma_wait3A_72 : memref<632x16xf32, #tpu.memory_space<hbm>>)
      tpu.yield
    }) : () -> ()
    "tpu.region"() ({
      %run_scoped3A = tpu.sem_alloc : memref<!tpu.dma_semaphore, #tpu.memory_space<semaphore_mem>>
      %dma_start3A_66 = arith.constant 0 : i32
      %dma_start3A_67 = tpu.memref_slice %arg8[%arg0, %mul3A_0, %dma_start3A_66] : memref<2x10112x8xf32, #tpu.memory_space<hbm>> -> memref<1x632x8xf32, #tpu.memory_space<hbm>>
      %dma_start3A_68 = tpu.memref_squeeze %dma_start3A_67 : memref<1x632x8xf32, #tpu.memory_space<hbm>> -> memref<632x8xf32, #tpu.memory_space<hbm>>
      %dma_start3A_69 = arith.constant 0 : i32
      %dma_start3A_70 = tpu.memref_slice %arg44[%mul3A_0, %dma_start3A_69] : memref<10112x8xf32, #tpu.memory_space<vmem_shared>> -> memref<632x8xf32, #tpu.memory_space<vmem_shared>>
      tpu.enqueue_dma source(%dma_start3A_70 : memref<632x8xf32, #tpu.memory_space<vmem_shared>>) target(%dma_start3A_68 : memref<632x8xf32, #tpu.memory_space<hbm>>) target_semaphore(%run_scoped3A : memref<!tpu.dma_semaphore, #tpu.memory_space<semaphore_mem>>)
      %dma_wait3A = arith.constant 0 : i32
      %dma_wait3A_71 = tpu.memref_slice %arg8[%arg0, %mul3A_0, %dma_wait3A] : memref<2x10112x8xf32, #tpu.memory_space<hbm>> -> memref<1x632x8xf32, #tpu.memory_space<hbm>>
      %dma_wait3A_72 = tpu.memref_squeeze %dma_wait3A_71 : memref<1x632x8xf32, #tpu.memory_space<hbm>> -> memref<632x8xf32, #tpu.memory_space<hbm>>
      %dma_wait3A_73 = arith.constant 0 : i32
      %dma_wait3A_74 = tpu.memref_slice %arg44[%mul3A_0, %dma_wait3A_73] : memref<10112x8xf32, #tpu.memory_space<vmem_shared>> -> memref<632x8xf32, #tpu.memory_space<vmem_shared>>
      tpu.wait_dma2 semaphore(%run_scoped3A : memref<!tpu.dma_semaphore, #tpu.memory_space<semaphore_mem>>) src(%dma_wait3A_74 : memref<632x8xf32, #tpu.memory_space<vmem_shared>>) dst(%dma_wait3A_72 : memref<632x8xf32, #tpu.memory_space<hbm>>)
      tpu.yield
    }) : () -> ()
    return
  }
}

#map = affine_map<(d0, d1) -> (0, 0)>
#map1 = affine_map<(d0, d1) -> (0, 0, 0)>
module attributes {stable_mosaic.version = 14 : i64} {
  func.func @body(%arg0: i32, %arg1: i32, %arg2: memref<10000x8xf32, #tpu.memory_space<hbm>>, %arg3: memref<320x16x128xi32, #tpu.memory_space<hbm>>, %arg4: memref<10112x8xf32, #tpu.memory_space<hbm>>, %arg5: memref<2x10112x8xf32, #tpu.memory_space<hbm>>, %arg6: memref<10112x8xf32, #tpu.memory_space<vmem_shared>>, %arg7: memref<16x128xi32, #tpu.memory_space<vmem>>, %arg8: memref<16x128xi32, #tpu.memory_space<vmem>>, %arg9: memref<128x8xf32, #tpu.memory_space<vmem>>, %arg10: memref<128x8xf32, #tpu.memory_space<vmem>>, %arg11: memref<128x8xf32, #tpu.memory_space<vmem>>, %arg12: memref<128x8xf32, #tpu.memory_space<vmem>>, %arg13: memref<128x8xf32, #tpu.memory_space<vmem>>, %arg14: memref<128x8xf32, #tpu.memory_space<vmem>>, %arg15: memref<128x8xf32, #tpu.memory_space<vmem>>, %arg16: memref<128x8xf32, #tpu.memory_space<vmem>>, %arg17: memref<128x8xf32, #tpu.memory_space<vmem>>, %arg18: memref<128x8xf32, #tpu.memory_space<vmem>>, %arg19: memref<128x8xf32, #tpu.memory_space<vmem>>, %arg20: memref<128x8xf32, #tpu.memory_space<vmem>>, %arg21: memref<128x8xf32, #tpu.memory_space<vmem>>, %arg22: memref<128x8xf32, #tpu.memory_space<vmem>>, %arg23: memref<128x8xf32, #tpu.memory_space<vmem>>, %arg24: memref<128x8xf32, #tpu.memory_space<vmem>>, %arg25: memref<!tpu.dma_semaphore, #tpu.memory_space<semaphore_mem>>, %arg26: memref<!tpu.dma_semaphore, #tpu.memory_space<semaphore_mem>>, %arg27: memref<!tpu.dma_semaphore, #tpu.memory_space<semaphore_mem>>, %arg28: memref<!tpu.dma_semaphore, #tpu.memory_space<semaphore_mem>>, %arg29: memref<!tpu.dma_semaphore, #tpu.memory_space<semaphore_mem>>, %arg30: memref<!tpu.dma_semaphore, #tpu.memory_space<semaphore_mem>>, %arg31: memref<!tpu.dma_semaphore, #tpu.memory_space<semaphore_mem>>, %arg32: memref<!tpu.dma_semaphore, #tpu.memory_space<semaphore_mem>>, %arg33: memref<!tpu.dma_semaphore, #tpu.memory_space<semaphore_mem>>, %arg34: memref<!tpu.dma_semaphore, #tpu.memory_space<semaphore_mem>>, %arg35: memref<!tpu.dma_semaphore, #tpu.memory_space<semaphore_mem>>, %arg36: memref<!tpu.dma_semaphore, #tpu.memory_space<semaphore_mem>>, %arg37: memref<!tpu.dma_semaphore, #tpu.memory_space<semaphore_mem>>, %arg38: memref<!tpu.dma_semaphore, #tpu.memory_space<semaphore_mem>>, %arg39: memref<!tpu.dma_semaphore, #tpu.memory_space<semaphore_mem>>, %arg40: memref<!tpu.dma_semaphore, #tpu.memory_space<semaphore_mem>>) attributes {dimension_semantics = [#tpu.dimension_semantics<core_parallel>, #tpu.dimension_semantics<subcore_parallel>], iteration_bounds = array<i64: 2, 16>, scalar_prefetch = 0 : i64, scratch_operands = 35 : i64, tpu.core_type = #tpu.core_type<sc_vector_subcore>, window_params = [{transform_indices = #map}, {transform_indices = #map1}, {transform_indices = #map}, {transform_indices = #map1}]} {
    %mul3A = arith.constant 632 : i32
    %mul3A_0 = arith.muli %arg1, %mul3A : i32
    "tpu.region"() ({
      %run_scoped3A = tpu.sem_alloc : memref<!tpu.dma_semaphore, #tpu.memory_space<semaphore_mem>>
      %dma_start3A_66 = arith.constant 0 : i32
      %dma_start3A_67 = tpu.memref_slice %arg6[%mul3A_0, %dma_start3A_66] : memref<10112x8xf32, #tpu.memory_space<vmem_shared>> -> memref<632x8xf32, #tpu.memory_space<vmem_shared>>
      %dma_start3A_68 = arith.constant 0 : i32
      %dma_start3A_69 = tpu.memref_slice %arg4[%mul3A_0, %dma_start3A_68] : memref<10112x8xf32, #tpu.memory_space<hbm>> -> memref<632x8xf32, #tpu.memory_space<hbm>>
      tpu.enqueue_dma source(%dma_start3A_69 : memref<632x8xf32, #tpu.memory_space<hbm>>) target(%dma_start3A_67 : memref<632x8xf32, #tpu.memory_space<vmem_shared>>) target_semaphore(%run_scoped3A : memref<!tpu.dma_semaphore, #tpu.memory_space<semaphore_mem>>)
      %dma_wait3A = arith.constant 0 : i32
      %dma_wait3A_70 = tpu.memref_slice %arg6[%mul3A_0, %dma_wait3A] : memref<10112x8xf32, #tpu.memory_space<vmem_shared>> -> memref<632x8xf32, #tpu.memory_space<vmem_shared>>
      %dma_wait3A_71 = arith.constant 0 : i32
      %dma_wait3A_72 = tpu.memref_slice %arg4[%mul3A_0, %dma_wait3A_71] : memref<10112x8xf32, #tpu.memory_space<hbm>> -> memref<632x8xf32, #tpu.memory_space<hbm>>
      tpu.wait_dma2 semaphore(%run_scoped3A : memref<!tpu.dma_semaphore, #tpu.memory_space<semaphore_mem>>) src(%dma_wait3A_72 : memref<632x8xf32, #tpu.memory_space<hbm>>) dst(%dma_wait3A_70 : memref<632x8xf32, #tpu.memory_space<vmem_shared>>)
      tpu.yield
    }) : () -> ()
    %barrier3A = arith.constant 0 : index
    tpu.barrier barrier_id(%barrier3A)
    %mul3A_1 = arith.constant 16 : i32
    %mul3A_2 = arith.muli %arg0, %mul3A_1 : i32
    %add3A = arith.addi %mul3A_2, %arg1 : i32
    %mul3A_3 = arith.constant 10 : i32
    %mul3A_4 = arith.muli %add3A, %mul3A_3 : i32
    "tpu.region"() ({
      %run_scoped3A = tpu.sem_alloc : memref<!tpu.dma_semaphore, #tpu.memory_space<semaphore_mem>>
      %dma_start3A_66 = arith.constant 0 : i32
      %dma_start3A_67 = arith.constant 0 : i32
      %dma_start3A_68 = tpu.memref_slice %arg3[%mul3A_4, %dma_start3A_66, %dma_start3A_67] : memref<320x16x128xi32, #tpu.memory_space<hbm>> -> memref<1x16x128xi32, #tpu.memory_space<hbm>>
      %dma_start3A_69 = tpu.memref_squeeze %dma_start3A_68 : memref<1x16x128xi32, #tpu.memory_space<hbm>> -> memref<16x128xi32, #tpu.memory_space<hbm>>
      %dma_start3A_70 = arith.constant 0 : i32
      %dma_start3A_71 = arith.constant 0 : i32
      %dma_start3A_72 = tpu.memref_slice %arg3[%mul3A_4, %dma_start3A_70, %dma_start3A_71] : memref<320x16x128xi32, #tpu.memory_space<hbm>> -> memref<1x16x128xi32, #tpu.memory_space<hbm>>
      %dma_start3A_73 = tpu.memref_squeeze %dma_start3A_72 : memref<1x16x128xi32, #tpu.memory_space<hbm>> -> memref<16x128xi32, #tpu.memory_space<hbm>>
      tpu.enqueue_dma source(%dma_start3A_73 : memref<16x128xi32, #tpu.memory_space<hbm>>) target(%arg7 : memref<16x128xi32, #tpu.memory_space<vmem>>) target_semaphore(%run_scoped3A : memref<!tpu.dma_semaphore, #tpu.memory_space<semaphore_mem>>)
      %dma_wait3A = arith.constant 0 : i32
      %dma_wait3A_74 = arith.constant 0 : i32
      %dma_wait3A_75 = tpu.memref_slice %arg3[%mul3A_4, %dma_wait3A, %dma_wait3A_74] : memref<320x16x128xi32, #tpu.memory_space<hbm>> -> memref<1x16x128xi32, #tpu.memory_space<hbm>>
      %dma_wait3A_76 = tpu.memref_squeeze %dma_wait3A_75 : memref<1x16x128xi32, #tpu.memory_space<hbm>> -> memref<16x128xi32, #tpu.memory_space<hbm>>
      %dma_wait3A_77 = arith.constant 0 : i32
      %dma_wait3A_78 = arith.constant 0 : i32
      %dma_wait3A_79 = tpu.memref_slice %arg3[%mul3A_4, %dma_wait3A_77, %dma_wait3A_78] : memref<320x16x128xi32, #tpu.memory_space<hbm>> -> memref<1x16x128xi32, #tpu.memory_space<hbm>>
      %dma_wait3A_80 = tpu.memref_squeeze %dma_wait3A_79 : memref<1x16x128xi32, #tpu.memory_space<hbm>> -> memref<16x128xi32, #tpu.memory_space<hbm>>
      tpu.wait_dma2 semaphore(%run_scoped3A : memref<!tpu.dma_semaphore, #tpu.memory_space<semaphore_mem>>) src(%dma_wait3A_80 : memref<16x128xi32, #tpu.memory_space<hbm>>) dst(%arg7 : memref<16x128xi32, #tpu.memory_space<vmem>>)
      tpu.yield
    }) : () -> ()
    %dma_start3A = arith.constant 0 : i32
    %dma_start3A_5 = arith.constant 0 : i32
    %dma_start3A_6 = tpu.memref_slice %arg7[%dma_start3A, %dma_start3A_5] : memref<16x128xi32, #tpu.memory_space<vmem>> -> memref<1x128xi32, #tpu.memory_space<vmem>>
    %dma_start3A_7 = tpu.memref_squeeze %dma_start3A_6 : memref<1x128xi32, #tpu.memory_space<vmem>> -> memref<128xi32, #tpu.memory_space<vmem>>
    %dma_start3A_8 = arith.constant 0 : i32
    %dma_start3A_9 = arith.constant 0 : i32
    %dma_start3A_10 = tpu.memref_slice %arg2[%dma_start3A_8, %dma_start3A_9] : memref<10000x8xf32, #tpu.memory_space<hbm>> -> memref<10000x8xf32, #tpu.memory_space<hbm>>
    tpu.enqueue_indirect_dma source(%dma_start3A_10 : memref<10000x8xf32, #tpu.memory_space<hbm>>) target(%arg9 : memref<128x8xf32, #tpu.memory_space<vmem>>) offsets(%dma_start3A_7 : memref<128xi32, #tpu.memory_space<vmem>>) semaphore(%arg25 : memref<!tpu.dma_semaphore, #tpu.memory_space<semaphore_mem>>)
    %dma_start3A_11 = arith.constant 1 : i32
    %dma_start3A_12 = arith.constant 0 : i32
    %dma_start3A_13 = tpu.memref_slice %arg7[%dma_start3A_11, %dma_start3A_12] : memref<16x128xi32, #tpu.memory_space<vmem>> -> memref<1x128xi32, #tpu.memory_space<vmem>>
    %dma_start3A_14 = tpu.memref_squeeze %dma_start3A_13 : memref<1x128xi32, #tpu.memory_space<vmem>> -> memref<128xi32, #tpu.memory_space<vmem>>
    %dma_start3A_15 = arith.constant 0 : i32
    %dma_start3A_16 = arith.constant 0 : i32
    %dma_start3A_17 = tpu.memref_slice %arg2[%dma_start3A_15, %dma_start3A_16] : memref<10000x8xf32, #tpu.memory_space<hbm>> -> memref<10000x8xf32, #tpu.memory_space<hbm>>
    tpu.enqueue_indirect_dma source(%dma_start3A_17 : memref<10000x8xf32, #tpu.memory_space<hbm>>) target(%arg10 : memref<128x8xf32, #tpu.memory_space<vmem>>) offsets(%dma_start3A_14 : memref<128xi32, #tpu.memory_space<vmem>>) semaphore(%arg26 : memref<!tpu.dma_semaphore, #tpu.memory_space<semaphore_mem>>)
    %dma_start3A_18 = arith.constant 2 : i32
    %dma_start3A_19 = arith.constant 0 : i32
    %dma_start3A_20 = tpu.memref_slice %arg7[%dma_start3A_18, %dma_start3A_19] : memref<16x128xi32, #tpu.memory_space<vmem>> -> memref<1x128xi32, #tpu.memory_space<vmem>>
    %dma_start3A_21 = tpu.memref_squeeze %dma_start3A_20 : memref<1x128xi32, #tpu.memory_space<vmem>> -> memref<128xi32, #tpu.memory_space<vmem>>
    %dma_start3A_22 = arith.constant 0 : i32
    %dma_start3A_23 = arith.constant 0 : i32
    %dma_start3A_24 = tpu.memref_slice %arg2[%dma_start3A_22, %dma_start3A_23] : memref<10000x8xf32, #tpu.memory_space<hbm>> -> memref<10000x8xf32, #tpu.memory_space<hbm>>
    tpu.enqueue_indirect_dma source(%dma_start3A_24 : memref<10000x8xf32, #tpu.memory_space<hbm>>) target(%arg11 : memref<128x8xf32, #tpu.memory_space<vmem>>) offsets(%dma_start3A_21 : memref<128xi32, #tpu.memory_space<vmem>>) semaphore(%arg27 : memref<!tpu.dma_semaphore, #tpu.memory_space<semaphore_mem>>)
    %dma_start3A_25 = arith.constant 3 : i32
    %dma_start3A_26 = arith.constant 0 : i32
    %dma_start3A_27 = tpu.memref_slice %arg7[%dma_start3A_25, %dma_start3A_26] : memref<16x128xi32, #tpu.memory_space<vmem>> -> memref<1x128xi32, #tpu.memory_space<vmem>>
    %dma_start3A_28 = tpu.memref_squeeze %dma_start3A_27 : memref<1x128xi32, #tpu.memory_space<vmem>> -> memref<128xi32, #tpu.memory_space<vmem>>
    %dma_start3A_29 = arith.constant 0 : i32
    %dma_start3A_30 = arith.constant 0 : i32
    %dma_start3A_31 = tpu.memref_slice %arg2[%dma_start3A_29, %dma_start3A_30] : memref<10000x8xf32, #tpu.memory_space<hbm>> -> memref<10000x8xf32, #tpu.memory_space<hbm>>
    tpu.enqueue_indirect_dma source(%dma_start3A_31 : memref<10000x8xf32, #tpu.memory_space<hbm>>) target(%arg12 : memref<128x8xf32, #tpu.memory_space<vmem>>) offsets(%dma_start3A_28 : memref<128xi32, #tpu.memory_space<vmem>>) semaphore(%arg28 : memref<!tpu.dma_semaphore, #tpu.memory_space<semaphore_mem>>)
    %dma_start3A_32 = arith.constant 4 : i32
    %dma_start3A_33 = arith.constant 0 : i32
    %dma_start3A_34 = tpu.memref_slice %arg7[%dma_start3A_32, %dma_start3A_33] : memref<16x128xi32, #tpu.memory_space<vmem>> -> memref<1x128xi32, #tpu.memory_space<vmem>>
    %dma_start3A_35 = tpu.memref_squeeze %dma_start3A_34 : memref<1x128xi32, #tpu.memory_space<vmem>> -> memref<128xi32, #tpu.memory_space<vmem>>
    %dma_start3A_36 = arith.constant 0 : i32
    %dma_start3A_37 = arith.constant 0 : i32
    %dma_start3A_38 = tpu.memref_slice %arg2[%dma_start3A_36, %dma_start3A_37] : memref<10000x8xf32, #tpu.memory_space<hbm>> -> memref<10000x8xf32, #tpu.memory_space<hbm>>
    tpu.enqueue_indirect_dma source(%dma_start3A_38 : memref<10000x8xf32, #tpu.memory_space<hbm>>) target(%arg13 : memref<128x8xf32, #tpu.memory_space<vmem>>) offsets(%dma_start3A_35 : memref<128xi32, #tpu.memory_space<vmem>>) semaphore(%arg29 : memref<!tpu.dma_semaphore, #tpu.memory_space<semaphore_mem>>)
    %dma_start3A_39 = arith.constant 5 : i32
    %dma_start3A_40 = arith.constant 0 : i32
    %dma_start3A_41 = tpu.memref_slice %arg7[%dma_start3A_39, %dma_start3A_40] : memref<16x128xi32, #tpu.memory_space<vmem>> -> memref<1x128xi32, #tpu.memory_space<vmem>>
    %dma_start3A_42 = tpu.memref_squeeze %dma_start3A_41 : memref<1x128xi32, #tpu.memory_space<vmem>> -> memref<128xi32, #tpu.memory_space<vmem>>
    %dma_start3A_43 = arith.constant 0 : i32
    %dma_start3A_44 = arith.constant 0 : i32
    %dma_start3A_45 = tpu.memref_slice %arg2[%dma_start3A_43, %dma_start3A_44] : memref<10000x8xf32, #tpu.memory_space<hbm>> -> memref<10000x8xf32, #tpu.memory_space<hbm>>
    tpu.enqueue_indirect_dma source(%dma_start3A_45 : memref<10000x8xf32, #tpu.memory_space<hbm>>) target(%arg14 : memref<128x8xf32, #tpu.memory_space<vmem>>) offsets(%dma_start3A_42 : memref<128xi32, #tpu.memory_space<vmem>>) semaphore(%arg30 : memref<!tpu.dma_semaphore, #tpu.memory_space<semaphore_mem>>)
    %dma_start3A_46 = arith.constant 6 : i32
    %dma_start3A_47 = arith.constant 0 : i32
    %dma_start3A_48 = tpu.memref_slice %arg7[%dma_start3A_46, %dma_start3A_47] : memref<16x128xi32, #tpu.memory_space<vmem>> -> memref<1x128xi32, #tpu.memory_space<vmem>>
    %dma_start3A_49 = tpu.memref_squeeze %dma_start3A_48 : memref<1x128xi32, #tpu.memory_space<vmem>> -> memref<128xi32, #tpu.memory_space<vmem>>
    %dma_start3A_50 = arith.constant 0 : i32
    %dma_start3A_51 = arith.constant 0 : i32
    %dma_start3A_52 = tpu.memref_slice %arg2[%dma_start3A_50, %dma_start3A_51] : memref<10000x8xf32, #tpu.memory_space<hbm>> -> memref<10000x8xf32, #tpu.memory_space<hbm>>
    tpu.enqueue_indirect_dma source(%dma_start3A_52 : memref<10000x8xf32, #tpu.memory_space<hbm>>) target(%arg15 : memref<128x8xf32, #tpu.memory_space<vmem>>) offsets(%dma_start3A_49 : memref<128xi32, #tpu.memory_space<vmem>>) semaphore(%arg31 : memref<!tpu.dma_semaphore, #tpu.memory_space<semaphore_mem>>)
    %dma_start3A_53 = arith.constant 7 : i32
    %dma_start3A_54 = arith.constant 0 : i32
    %dma_start3A_55 = tpu.memref_slice %arg7[%dma_start3A_53, %dma_start3A_54] : memref<16x128xi32, #tpu.memory_space<vmem>> -> memref<1x128xi32, #tpu.memory_space<vmem>>
    %dma_start3A_56 = tpu.memref_squeeze %dma_start3A_55 : memref<1x128xi32, #tpu.memory_space<vmem>> -> memref<128xi32, #tpu.memory_space<vmem>>
    %dma_start3A_57 = arith.constant 0 : i32
    %dma_start3A_58 = arith.constant 0 : i32
    %dma_start3A_59 = tpu.memref_slice %arg2[%dma_start3A_57, %dma_start3A_58] : memref<10000x8xf32, #tpu.memory_space<hbm>> -> memref<10000x8xf32, #tpu.memory_space<hbm>>
    tpu.enqueue_indirect_dma source(%dma_start3A_59 : memref<10000x8xf32, #tpu.memory_space<hbm>>) target(%arg16 : memref<128x8xf32, #tpu.memory_space<vmem>>) offsets(%dma_start3A_56 : memref<128xi32, #tpu.memory_space<vmem>>) semaphore(%arg32 : memref<!tpu.dma_semaphore, #tpu.memory_space<semaphore_mem>>)
    %scan3A = arith.constant 0 : i32
    %scan3A_60 = arith.constant 0 : i32
    %scan3A_61 = arith.constant 5 : i32
    %scan3A_62 = arith.addi %scan3A_60, %scan3A_61 : i32
    %scan3A_63 = arith.constant 1 : i32
    scf.for %scan3A_66 = %scan3A_60 to %scan3A_62 step %scan3A_63  : i32 {
      %mul3A_67 = arith.constant 2 : i32
      %mul3A_68 = arith.muli %mul3A_67, %scan3A_66 : i32
      %add3A_69 = arith.addi %mul3A_4, %mul3A_68 : i32
      %add3A_70 = arith.constant 1 : i32
      %add3A_71 = arith.addi %add3A_69, %add3A_70 : i32
      "tpu.region"() ({
        %run_scoped3A_256 = tpu.sem_alloc : memref<!tpu.dma_semaphore, #tpu.memory_space<semaphore_mem>>
        %dma_start3A_257 = arith.constant 0 : i32
        %dma_start3A_258 = arith.constant 0 : i32
        %dma_start3A_259 = tpu.memref_slice %arg3[%add3A_71, %dma_start3A_257, %dma_start3A_258] : memref<320x16x128xi32, #tpu.memory_space<hbm>> -> memref<1x16x128xi32, #tpu.memory_space<hbm>>
        %dma_start3A_260 = tpu.memref_squeeze %dma_start3A_259 : memref<1x16x128xi32, #tpu.memory_space<hbm>> -> memref<16x128xi32, #tpu.memory_space<hbm>>
        %dma_start3A_261 = arith.constant 0 : i32
        %dma_start3A_262 = arith.constant 0 : i32
        %dma_start3A_263 = tpu.memref_slice %arg3[%add3A_71, %dma_start3A_261, %dma_start3A_262] : memref<320x16x128xi32, #tpu.memory_space<hbm>> -> memref<1x16x128xi32, #tpu.memory_space<hbm>>
        %dma_start3A_264 = tpu.memref_squeeze %dma_start3A_263 : memref<1x16x128xi32, #tpu.memory_space<hbm>> -> memref<16x128xi32, #tpu.memory_space<hbm>>
        tpu.enqueue_dma source(%dma_start3A_264 : memref<16x128xi32, #tpu.memory_space<hbm>>) target(%arg8 : memref<16x128xi32, #tpu.memory_space<vmem>>) target_semaphore(%run_scoped3A_256 : memref<!tpu.dma_semaphore, #tpu.memory_space<semaphore_mem>>)
        %dma_wait3A_265 = arith.constant 0 : i32
        %dma_wait3A_266 = arith.constant 0 : i32
        %dma_wait3A_267 = tpu.memref_slice %arg3[%add3A_71, %dma_wait3A_265, %dma_wait3A_266] : memref<320x16x128xi32, #tpu.memory_space<hbm>> -> memref<1x16x128xi32, #tpu.memory_space<hbm>>
        %dma_wait3A_268 = tpu.memref_squeeze %dma_wait3A_267 : memref<1x16x128xi32, #tpu.memory_space<hbm>> -> memref<16x128xi32, #tpu.memory_space<hbm>>
        %dma_wait3A_269 = arith.constant 0 : i32
        %dma_wait3A_270 = arith.constant 0 : i32
        %dma_wait3A_271 = tpu.memref_slice %arg3[%add3A_71, %dma_wait3A_269, %dma_wait3A_270] : memref<320x16x128xi32, #tpu.memory_space<hbm>> -> memref<1x16x128xi32, #tpu.memory_space<hbm>>
        %dma_wait3A_272 = tpu.memref_squeeze %dma_wait3A_271 : memref<1x16x128xi32, #tpu.memory_space<hbm>> -> memref<16x128xi32, #tpu.memory_space<hbm>>
        tpu.wait_dma2 semaphore(%run_scoped3A_256 : memref<!tpu.dma_semaphore, #tpu.memory_space<semaphore_mem>>) src(%dma_wait3A_272 : memref<16x128xi32, #tpu.memory_space<hbm>>) dst(%arg8 : memref<16x128xi32, #tpu.memory_space<vmem>>)
        tpu.yield
      }) : () -> ()
      %dma_start3A_72 = arith.constant 0 : i32
      %dma_start3A_73 = arith.constant 0 : i32
      %dma_start3A_74 = tpu.memref_slice %arg8[%dma_start3A_72, %dma_start3A_73] : memref<16x128xi32, #tpu.memory_space<vmem>> -> memref<1x128xi32, #tpu.memory_space<vmem>>
      %dma_start3A_75 = tpu.memref_squeeze %dma_start3A_74 : memref<1x128xi32, #tpu.memory_space<vmem>> -> memref<128xi32, #tpu.memory_space<vmem>>
      %dma_start3A_76 = arith.constant 0 : i32
      %dma_start3A_77 = arith.constant 0 : i32
      %dma_start3A_78 = tpu.memref_slice %arg2[%dma_start3A_76, %dma_start3A_77] : memref<10000x8xf32, #tpu.memory_space<hbm>> -> memref<10000x8xf32, #tpu.memory_space<hbm>>
      tpu.enqueue_indirect_dma source(%dma_start3A_78 : memref<10000x8xf32, #tpu.memory_space<hbm>>) target(%arg17 : memref<128x8xf32, #tpu.memory_space<vmem>>) offsets(%dma_start3A_75 : memref<128xi32, #tpu.memory_space<vmem>>) semaphore(%arg33 : memref<!tpu.dma_semaphore, #tpu.memory_space<semaphore_mem>>)
      %dma_start3A_79 = arith.constant 1 : i32
      %dma_start3A_80 = arith.constant 0 : i32
      %dma_start3A_81 = tpu.memref_slice %arg8[%dma_start3A_79, %dma_start3A_80] : memref<16x128xi32, #tpu.memory_space<vmem>> -> memref<1x128xi32, #tpu.memory_space<vmem>>
      %dma_start3A_82 = tpu.memref_squeeze %dma_start3A_81 : memref<1x128xi32, #tpu.memory_space<vmem>> -> memref<128xi32, #tpu.memory_space<vmem>>
      %dma_start3A_83 = arith.constant 0 : i32
      %dma_start3A_84 = arith.constant 0 : i32
      %dma_start3A_85 = tpu.memref_slice %arg2[%dma_start3A_83, %dma_start3A_84] : memref<10000x8xf32, #tpu.memory_space<hbm>> -> memref<10000x8xf32, #tpu.memory_space<hbm>>
      tpu.enqueue_indirect_dma source(%dma_start3A_85 : memref<10000x8xf32, #tpu.memory_space<hbm>>) target(%arg18 : memref<128x8xf32, #tpu.memory_space<vmem>>) offsets(%dma_start3A_82 : memref<128xi32, #tpu.memory_space<vmem>>) semaphore(%arg34 : memref<!tpu.dma_semaphore, #tpu.memory_space<semaphore_mem>>)
      %dma_start3A_86 = arith.constant 2 : i32
      %dma_start3A_87 = arith.constant 0 : i32
      %dma_start3A_88 = tpu.memref_slice %arg8[%dma_start3A_86, %dma_start3A_87] : memref<16x128xi32, #tpu.memory_space<vmem>> -> memref<1x128xi32, #tpu.memory_space<vmem>>
      %dma_start3A_89 = tpu.memref_squeeze %dma_start3A_88 : memref<1x128xi32, #tpu.memory_space<vmem>> -> memref<128xi32, #tpu.memory_space<vmem>>
      %dma_start3A_90 = arith.constant 0 : i32
      %dma_start3A_91 = arith.constant 0 : i32
      %dma_start3A_92 = tpu.memref_slice %arg2[%dma_start3A_90, %dma_start3A_91] : memref<10000x8xf32, #tpu.memory_space<hbm>> -> memref<10000x8xf32, #tpu.memory_space<hbm>>
      tpu.enqueue_indirect_dma source(%dma_start3A_92 : memref<10000x8xf32, #tpu.memory_space<hbm>>) target(%arg19 : memref<128x8xf32, #tpu.memory_space<vmem>>) offsets(%dma_start3A_89 : memref<128xi32, #tpu.memory_space<vmem>>) semaphore(%arg35 : memref<!tpu.dma_semaphore, #tpu.memory_space<semaphore_mem>>)
      %dma_start3A_93 = arith.constant 3 : i32
      %dma_start3A_94 = arith.constant 0 : i32
      %dma_start3A_95 = tpu.memref_slice %arg8[%dma_start3A_93, %dma_start3A_94] : memref<16x128xi32, #tpu.memory_space<vmem>> -> memref<1x128xi32, #tpu.memory_space<vmem>>
      %dma_start3A_96 = tpu.memref_squeeze %dma_start3A_95 : memref<1x128xi32, #tpu.memory_space<vmem>> -> memref<128xi32, #tpu.memory_space<vmem>>
      %dma_start3A_97 = arith.constant 0 : i32
      %dma_start3A_98 = arith.constant 0 : i32
      %dma_start3A_99 = tpu.memref_slice %arg2[%dma_start3A_97, %dma_start3A_98] : memref<10000x8xf32, #tpu.memory_space<hbm>> -> memref<10000x8xf32, #tpu.memory_space<hbm>>
      tpu.enqueue_indirect_dma source(%dma_start3A_99 : memref<10000x8xf32, #tpu.memory_space<hbm>>) target(%arg20 : memref<128x8xf32, #tpu.memory_space<vmem>>) offsets(%dma_start3A_96 : memref<128xi32, #tpu.memory_space<vmem>>) semaphore(%arg36 : memref<!tpu.dma_semaphore, #tpu.memory_space<semaphore_mem>>)
      %dma_start3A_100 = arith.constant 4 : i32
      %dma_start3A_101 = arith.constant 0 : i32
      %dma_start3A_102 = tpu.memref_slice %arg8[%dma_start3A_100, %dma_start3A_101] : memref<16x128xi32, #tpu.memory_space<vmem>> -> memref<1x128xi32, #tpu.memory_space<vmem>>
      %dma_start3A_103 = tpu.memref_squeeze %dma_start3A_102 : memref<1x128xi32, #tpu.memory_space<vmem>> -> memref<128xi32, #tpu.memory_space<vmem>>
      %dma_start3A_104 = arith.constant 0 : i32
      %dma_start3A_105 = arith.constant 0 : i32
      %dma_start3A_106 = tpu.memref_slice %arg2[%dma_start3A_104, %dma_start3A_105] : memref<10000x8xf32, #tpu.memory_space<hbm>> -> memref<10000x8xf32, #tpu.memory_space<hbm>>
      tpu.enqueue_indirect_dma source(%dma_start3A_106 : memref<10000x8xf32, #tpu.memory_space<hbm>>) target(%arg21 : memref<128x8xf32, #tpu.memory_space<vmem>>) offsets(%dma_start3A_103 : memref<128xi32, #tpu.memory_space<vmem>>) semaphore(%arg37 : memref<!tpu.dma_semaphore, #tpu.memory_space<semaphore_mem>>)
      %dma_start3A_107 = arith.constant 5 : i32
      %dma_start3A_108 = arith.constant 0 : i32
      %dma_start3A_109 = tpu.memref_slice %arg8[%dma_start3A_107, %dma_start3A_108] : memref<16x128xi32, #tpu.memory_space<vmem>> -> memref<1x128xi32, #tpu.memory_space<vmem>>
      %dma_start3A_110 = tpu.memref_squeeze %dma_start3A_109 : memref<1x128xi32, #tpu.memory_space<vmem>> -> memref<128xi32, #tpu.memory_space<vmem>>
      %dma_start3A_111 = arith.constant 0 : i32
      %dma_start3A_112 = arith.constant 0 : i32
      %dma_start3A_113 = tpu.memref_slice %arg2[%dma_start3A_111, %dma_start3A_112] : memref<10000x8xf32, #tpu.memory_space<hbm>> -> memref<10000x8xf32, #tpu.memory_space<hbm>>
      tpu.enqueue_indirect_dma source(%dma_start3A_113 : memref<10000x8xf32, #tpu.memory_space<hbm>>) target(%arg22 : memref<128x8xf32, #tpu.memory_space<vmem>>) offsets(%dma_start3A_110 : memref<128xi32, #tpu.memory_space<vmem>>) semaphore(%arg38 : memref<!tpu.dma_semaphore, #tpu.memory_space<semaphore_mem>>)
      %dma_start3A_114 = arith.constant 6 : i32
      %dma_start3A_115 = arith.constant 0 : i32
      %dma_start3A_116 = tpu.memref_slice %arg8[%dma_start3A_114, %dma_start3A_115] : memref<16x128xi32, #tpu.memory_space<vmem>> -> memref<1x128xi32, #tpu.memory_space<vmem>>
      %dma_start3A_117 = tpu.memref_squeeze %dma_start3A_116 : memref<1x128xi32, #tpu.memory_space<vmem>> -> memref<128xi32, #tpu.memory_space<vmem>>
      %dma_start3A_118 = arith.constant 0 : i32
      %dma_start3A_119 = arith.constant 0 : i32
      %dma_start3A_120 = tpu.memref_slice %arg2[%dma_start3A_118, %dma_start3A_119] : memref<10000x8xf32, #tpu.memory_space<hbm>> -> memref<10000x8xf32, #tpu.memory_space<hbm>>
      tpu.enqueue_indirect_dma source(%dma_start3A_120 : memref<10000x8xf32, #tpu.memory_space<hbm>>) target(%arg23 : memref<128x8xf32, #tpu.memory_space<vmem>>) offsets(%dma_start3A_117 : memref<128xi32, #tpu.memory_space<vmem>>) semaphore(%arg39 : memref<!tpu.dma_semaphore, #tpu.memory_space<semaphore_mem>>)
      %dma_start3A_121 = arith.constant 7 : i32
      %dma_start3A_122 = arith.constant 0 : i32
      %dma_start3A_123 = tpu.memref_slice %arg8[%dma_start3A_121, %dma_start3A_122] : memref<16x128xi32, #tpu.memory_space<vmem>> -> memref<1x128xi32, #tpu.memory_space<vmem>>
      %dma_start3A_124 = tpu.memref_squeeze %dma_start3A_123 : memref<1x128xi32, #tpu.memory_space<vmem>> -> memref<128xi32, #tpu.memory_space<vmem>>
      %dma_start3A_125 = arith.constant 0 : i32
      %dma_start3A_126 = arith.constant 0 : i32
      %dma_start3A_127 = tpu.memref_slice %arg2[%dma_start3A_125, %dma_start3A_126] : memref<10000x8xf32, #tpu.memory_space<hbm>> -> memref<10000x8xf32, #tpu.memory_space<hbm>>
      tpu.enqueue_indirect_dma source(%dma_start3A_127 : memref<10000x8xf32, #tpu.memory_space<hbm>>) target(%arg24 : memref<128x8xf32, #tpu.memory_space<vmem>>) offsets(%dma_start3A_124 : memref<128xi32, #tpu.memory_space<vmem>>) semaphore(%arg40 : memref<!tpu.dma_semaphore, #tpu.memory_space<semaphore_mem>>)
      %dma_wait3A = arith.constant 0 : i32
      %dma_wait3A_128 = arith.constant 0 : i32
      %dma_wait3A_129 = tpu.memref_slice %arg7[%dma_wait3A, %dma_wait3A_128] : memref<16x128xi32, #tpu.memory_space<vmem>> -> memref<1x128xi32, #tpu.memory_space<vmem>>
      %dma_wait3A_130 = tpu.memref_squeeze %dma_wait3A_129 : memref<1x128xi32, #tpu.memory_space<vmem>> -> memref<128xi32, #tpu.memory_space<vmem>>
      %dma_wait3A_131 = arith.constant 0 : i32
      %dma_wait3A_132 = arith.constant 0 : i32
      %dma_wait3A_133 = tpu.memref_slice %arg2[%dma_wait3A_131, %dma_wait3A_132] : memref<10000x8xf32, #tpu.memory_space<hbm>> -> memref<10000x8xf32, #tpu.memory_space<hbm>>
      tpu.wait_indirect_dma semaphore(%arg25 : memref<!tpu.dma_semaphore, #tpu.memory_space<semaphore_mem>>) src(%dma_wait3A_133 : memref<10000x8xf32, #tpu.memory_space<hbm>>) dst(%arg9 : memref<128x8xf32, #tpu.memory_space<vmem>>)
      %run_scoped3A = arith.constant 8 : i32
      "tpu.region"() ({
        %run_scoped3A_256 = tpu.sem_alloc : memref<!tpu.dma_semaphore, #tpu.memory_space<semaphore_mem>>
        %dma_start3A_257 = arith.constant 0 : i32
        %dma_start3A_258 = tpu.memref_slice %arg7[%run_scoped3A, %dma_start3A_257] : memref<16x128xi32, #tpu.memory_space<vmem>> -> memref<1x128xi32, #tpu.memory_space<vmem>>
        %dma_start3A_259 = tpu.memref_squeeze %dma_start3A_258 : memref<1x128xi32, #tpu.memory_space<vmem>> -> memref<128xi32, #tpu.memory_space<vmem>>
        %dma_start3A_260 = arith.constant 0 : i32
        %dma_start3A_261 = arith.constant 0 : i32
        %dma_start3A_262 = tpu.memref_slice %arg6[%dma_start3A_260, %dma_start3A_261] : memref<10112x8xf32, #tpu.memory_space<vmem_shared>> -> memref<10112x8xf32, #tpu.memory_space<vmem_shared>>
        tpu.enqueue_indirect_dma source(%arg9 : memref<128x8xf32, #tpu.memory_space<vmem>>) target(%dma_start3A_262 : memref<10112x8xf32, #tpu.memory_space<vmem_shared>>) offsets(%dma_start3A_259 : memref<128xi32, #tpu.memory_space<vmem>>) semaphore(%run_scoped3A_256 : memref<!tpu.dma_semaphore, #tpu.memory_space<semaphore_mem>>) {add = true}
        %dma_wait3A_263 = arith.constant 0 : i32
        %dma_wait3A_264 = tpu.memref_slice %arg7[%run_scoped3A, %dma_wait3A_263] : memref<16x128xi32, #tpu.memory_space<vmem>> -> memref<1x128xi32, #tpu.memory_space<vmem>>
        %dma_wait3A_265 = tpu.memref_squeeze %dma_wait3A_264 : memref<1x128xi32, #tpu.memory_space<vmem>> -> memref<128xi32, #tpu.memory_space<vmem>>
        %dma_wait3A_266 = arith.constant 0 : i32
        %dma_wait3A_267 = arith.constant 0 : i32
        %dma_wait3A_268 = tpu.memref_slice %arg6[%dma_wait3A_266, %dma_wait3A_267] : memref<10112x8xf32, #tpu.memory_space<vmem_shared>> -> memref<10112x8xf32, #tpu.memory_space<vmem_shared>>
        tpu.wait_indirect_dma semaphore(%run_scoped3A_256 : memref<!tpu.dma_semaphore, #tpu.memory_space<semaphore_mem>>) src(%arg9 : memref<128x8xf32, #tpu.memory_space<vmem>>) dst(%dma_wait3A_268 : memref<10112x8xf32, #tpu.memory_space<vmem_shared>>)
        tpu.yield
      }) : () -> ()
      %dma_wait3A_134 = arith.constant 1 : i32
      %dma_wait3A_135 = arith.constant 0 : i32
      %dma_wait3A_136 = tpu.memref_slice %arg7[%dma_wait3A_134, %dma_wait3A_135] : memref<16x128xi32, #tpu.memory_space<vmem>> -> memref<1x128xi32, #tpu.memory_space<vmem>>
      %dma_wait3A_137 = tpu.memref_squeeze %dma_wait3A_136 : memref<1x128xi32, #tpu.memory_space<vmem>> -> memref<128xi32, #tpu.memory_space<vmem>>
      %dma_wait3A_138 = arith.constant 0 : i32
      %dma_wait3A_139 = arith.constant 0 : i32
      %dma_wait3A_140 = tpu.memref_slice %arg2[%dma_wait3A_138, %dma_wait3A_139] : memref<10000x8xf32, #tpu.memory_space<hbm>> -> memref<10000x8xf32, #tpu.memory_space<hbm>>
      tpu.wait_indirect_dma semaphore(%arg26 : memref<!tpu.dma_semaphore, #tpu.memory_space<semaphore_mem>>) src(%dma_wait3A_140 : memref<10000x8xf32, #tpu.memory_space<hbm>>) dst(%arg10 : memref<128x8xf32, #tpu.memory_space<vmem>>)
      %run_scoped3A_141 = arith.constant 9 : i32
      "tpu.region"() ({
        %run_scoped3A_256 = tpu.sem_alloc : memref<!tpu.dma_semaphore, #tpu.memory_space<semaphore_mem>>
        %dma_start3A_257 = arith.constant 0 : i32
        %dma_start3A_258 = tpu.memref_slice %arg7[%run_scoped3A_141, %dma_start3A_257] : memref<16x128xi32, #tpu.memory_space<vmem>> -> memref<1x128xi32, #tpu.memory_space<vmem>>
        %dma_start3A_259 = tpu.memref_squeeze %dma_start3A_258 : memref<1x128xi32, #tpu.memory_space<vmem>> -> memref<128xi32, #tpu.memory_space<vmem>>
        %dma_start3A_260 = arith.constant 0 : i32
        %dma_start3A_261 = arith.constant 0 : i32
        %dma_start3A_262 = tpu.memref_slice %arg6[%dma_start3A_260, %dma_start3A_261] : memref<10112x8xf32, #tpu.memory_space<vmem_shared>> -> memref<10112x8xf32, #tpu.memory_space<vmem_shared>>
        tpu.enqueue_indirect_dma source(%arg10 : memref<128x8xf32, #tpu.memory_space<vmem>>) target(%dma_start3A_262 : memref<10112x8xf32, #tpu.memory_space<vmem_shared>>) offsets(%dma_start3A_259 : memref<128xi32, #tpu.memory_space<vmem>>) semaphore(%run_scoped3A_256 : memref<!tpu.dma_semaphore, #tpu.memory_space<semaphore_mem>>) {add = true}
        %dma_wait3A_263 = arith.constant 0 : i32
        %dma_wait3A_264 = tpu.memref_slice %arg7[%run_scoped3A_141, %dma_wait3A_263] : memref<16x128xi32, #tpu.memory_space<vmem>> -> memref<1x128xi32, #tpu.memory_space<vmem>>
        %dma_wait3A_265 = tpu.memref_squeeze %dma_wait3A_264 : memref<1x128xi32, #tpu.memory_space<vmem>> -> memref<128xi32, #tpu.memory_space<vmem>>
        %dma_wait3A_266 = arith.constant 0 : i32
        %dma_wait3A_267 = arith.constant 0 : i32
        %dma_wait3A_268 = tpu.memref_slice %arg6[%dma_wait3A_266, %dma_wait3A_267] : memref<10112x8xf32, #tpu.memory_space<vmem_shared>> -> memref<10112x8xf32, #tpu.memory_space<vmem_shared>>
        tpu.wait_indirect_dma semaphore(%run_scoped3A_256 : memref<!tpu.dma_semaphore, #tpu.memory_space<semaphore_mem>>) src(%arg10 : memref<128x8xf32, #tpu.memory_space<vmem>>) dst(%dma_wait3A_268 : memref<10112x8xf32, #tpu.memory_space<vmem_shared>>)
        tpu.yield
      }) : () -> ()
      %dma_wait3A_142 = arith.constant 2 : i32
      %dma_wait3A_143 = arith.constant 0 : i32
      %dma_wait3A_144 = tpu.memref_slice %arg7[%dma_wait3A_142, %dma_wait3A_143] : memref<16x128xi32, #tpu.memory_space<vmem>> -> memref<1x128xi32, #tpu.memory_space<vmem>>
      %dma_wait3A_145 = tpu.memref_squeeze %dma_wait3A_144 : memref<1x128xi32, #tpu.memory_space<vmem>> -> memref<128xi32, #tpu.memory_space<vmem>>
      %dma_wait3A_146 = arith.constant 0 : i32
      %dma_wait3A_147 = arith.constant 0 : i32
      %dma_wait3A_148 = tpu.memref_slice %arg2[%dma_wait3A_146, %dma_wait3A_147] : memref<10000x8xf32, #tpu.memory_space<hbm>> -> memref<10000x8xf32, #tpu.memory_space<hbm>>
      tpu.wait_indirect_dma semaphore(%arg27 : memref<!tpu.dma_semaphore, #tpu.memory_space<semaphore_mem>>) src(%dma_wait3A_148 : memref<10000x8xf32, #tpu.memory_space<hbm>>) dst(%arg11 : memref<128x8xf32, #tpu.memory_space<vmem>>)
      %run_scoped3A_149 = arith.constant 10 : i32
      "tpu.region"() ({
        %run_scoped3A_256 = tpu.sem_alloc : memref<!tpu.dma_semaphore, #tpu.memory_space<semaphore_mem>>
        %dma_start3A_257 = arith.constant 0 : i32
        %dma_start3A_258 = tpu.memref_slice %arg7[%run_scoped3A_149, %dma_start3A_257] : memref<16x128xi32, #tpu.memory_space<vmem>> -> memref<1x128xi32, #tpu.memory_space<vmem>>
        %dma_start3A_259 = tpu.memref_squeeze %dma_start3A_258 : memref<1x128xi32, #tpu.memory_space<vmem>> -> memref<128xi32, #tpu.memory_space<vmem>>
        %dma_start3A_260 = arith.constant 0 : i32
        %dma_start3A_261 = arith.constant 0 : i32
        %dma_start3A_262 = tpu.memref_slice %arg6[%dma_start3A_260, %dma_start3A_261] : memref<10112x8xf32, #tpu.memory_space<vmem_shared>> -> memref<10112x8xf32, #tpu.memory_space<vmem_shared>>
        tpu.enqueue_indirect_dma source(%arg11 : memref<128x8xf32, #tpu.memory_space<vmem>>) target(%dma_start3A_262 : memref<10112x8xf32, #tpu.memory_space<vmem_shared>>) offsets(%dma_start3A_259 : memref<128xi32, #tpu.memory_space<vmem>>) semaphore(%run_scoped3A_256 : memref<!tpu.dma_semaphore, #tpu.memory_space<semaphore_mem>>) {add = true}
        %dma_wait3A_263 = arith.constant 0 : i32
        %dma_wait3A_264 = tpu.memref_slice %arg7[%run_scoped3A_149, %dma_wait3A_263] : memref<16x128xi32, #tpu.memory_space<vmem>> -> memref<1x128xi32, #tpu.memory_space<vmem>>
        %dma_wait3A_265 = tpu.memref_squeeze %dma_wait3A_264 : memref<1x128xi32, #tpu.memory_space<vmem>> -> memref<128xi32, #tpu.memory_space<vmem>>
        %dma_wait3A_266 = arith.constant 0 : i32
        %dma_wait3A_267 = arith.constant 0 : i32
        %dma_wait3A_268 = tpu.memref_slice %arg6[%dma_wait3A_266, %dma_wait3A_267] : memref<10112x8xf32, #tpu.memory_space<vmem_shared>> -> memref<10112x8xf32, #tpu.memory_space<vmem_shared>>
        tpu.wait_indirect_dma semaphore(%run_scoped3A_256 : memref<!tpu.dma_semaphore, #tpu.memory_space<semaphore_mem>>) src(%arg11 : memref<128x8xf32, #tpu.memory_space<vmem>>) dst(%dma_wait3A_268 : memref<10112x8xf32, #tpu.memory_space<vmem_shared>>)
        tpu.yield
      }) : () -> ()
      %dma_wait3A_150 = arith.constant 3 : i32
      %dma_wait3A_151 = arith.constant 0 : i32
      %dma_wait3A_152 = tpu.memref_slice %arg7[%dma_wait3A_150, %dma_wait3A_151] : memref<16x128xi32, #tpu.memory_space<vmem>> -> memref<1x128xi32, #tpu.memory_space<vmem>>
      %dma_wait3A_153 = tpu.memref_squeeze %dma_wait3A_152 : memref<1x128xi32, #tpu.memory_space<vmem>> -> memref<128xi32, #tpu.memory_space<vmem>>
      %dma_wait3A_154 = arith.constant 0 : i32
      %dma_wait3A_155 = arith.constant 0 : i32
      %dma_wait3A_156 = tpu.memref_slice %arg2[%dma_wait3A_154, %dma_wait3A_155] : memref<10000x8xf32, #tpu.memory_space<hbm>> -> memref<10000x8xf32, #tpu.memory_space<hbm>>
      tpu.wait_indirect_dma semaphore(%arg28 : memref<!tpu.dma_semaphore, #tpu.memory_space<semaphore_mem>>) src(%dma_wait3A_156 : memref<10000x8xf32, #tpu.memory_space<hbm>>) dst(%arg12 : memref<128x8xf32, #tpu.memory_space<vmem>>)
      %run_scoped3A_157 = arith.constant 11 : i32
      "tpu.region"() ({
        %run_scoped3A_256 = tpu.sem_alloc : memref<!tpu.dma_semaphore, #tpu.memory_space<semaphore_mem>>
        %dma_start3A_257 = arith.constant 0 : i32
        %dma_start3A_258 = tpu.memref_slice %arg7[%run_scoped3A_157, %dma_start3A_257] : memref<16x128xi32, #tpu.memory_space<vmem>> -> memref<1x128xi32, #tpu.memory_space<vmem>>
        %dma_start3A_259 = tpu.memref_squeeze %dma_start3A_258 : memref<1x128xi32, #tpu.memory_space<vmem>> -> memref<128xi32, #tpu.memory_space<vmem>>
        %dma_start3A_260 = arith.constant 0 : i32
        %dma_start3A_261 = arith.constant 0 : i32
        %dma_start3A_262 = tpu.memref_slice %arg6[%dma_start3A_260, %dma_start3A_261] : memref<10112x8xf32, #tpu.memory_space<vmem_shared>> -> memref<10112x8xf32, #tpu.memory_space<vmem_shared>>
        tpu.enqueue_indirect_dma source(%arg12 : memref<128x8xf32, #tpu.memory_space<vmem>>) target(%dma_start3A_262 : memref<10112x8xf32, #tpu.memory_space<vmem_shared>>) offsets(%dma_start3A_259 : memref<128xi32, #tpu.memory_space<vmem>>) semaphore(%run_scoped3A_256 : memref<!tpu.dma_semaphore, #tpu.memory_space<semaphore_mem>>) {add = true}
        %dma_wait3A_263 = arith.constant 0 : i32
        %dma_wait3A_264 = tpu.memref_slice %arg7[%run_scoped3A_157, %dma_wait3A_263] : memref<16x128xi32, #tpu.memory_space<vmem>> -> memref<1x128xi32, #tpu.memory_space<vmem>>
        %dma_wait3A_265 = tpu.memref_squeeze %dma_wait3A_264 : memref<1x128xi32, #tpu.memory_space<vmem>> -> memref<128xi32, #tpu.memory_space<vmem>>
        %dma_wait3A_266 = arith.constant 0 : i32
        %dma_wait3A_267 = arith.constant 0 : i32
        %dma_wait3A_268 = tpu.memref_slice %arg6[%dma_wait3A_266, %dma_wait3A_267] : memref<10112x8xf32, #tpu.memory_space<vmem_shared>> -> memref<10112x8xf32, #tpu.memory_space<vmem_shared>>
        tpu.wait_indirect_dma semaphore(%run_scoped3A_256 : memref<!tpu.dma_semaphore, #tpu.memory_space<semaphore_mem>>) src(%arg12 : memref<128x8xf32, #tpu.memory_space<vmem>>) dst(%dma_wait3A_268 : memref<10112x8xf32, #tpu.memory_space<vmem_shared>>)
        tpu.yield
      }) : () -> ()
      %dma_wait3A_158 = arith.constant 4 : i32
      %dma_wait3A_159 = arith.constant 0 : i32
      %dma_wait3A_160 = tpu.memref_slice %arg7[%dma_wait3A_158, %dma_wait3A_159] : memref<16x128xi32, #tpu.memory_space<vmem>> -> memref<1x128xi32, #tpu.memory_space<vmem>>
      %dma_wait3A_161 = tpu.memref_squeeze %dma_wait3A_160 : memref<1x128xi32, #tpu.memory_space<vmem>> -> memref<128xi32, #tpu.memory_space<vmem>>
      %dma_wait3A_162 = arith.constant 0 : i32
      %dma_wait3A_163 = arith.constant 0 : i32
      %dma_wait3A_164 = tpu.memref_slice %arg2[%dma_wait3A_162, %dma_wait3A_163] : memref<10000x8xf32, #tpu.memory_space<hbm>> -> memref<10000x8xf32, #tpu.memory_space<hbm>>
      tpu.wait_indirect_dma semaphore(%arg29 : memref<!tpu.dma_semaphore, #tpu.memory_space<semaphore_mem>>) src(%dma_wait3A_164 : memref<10000x8xf32, #tpu.memory_space<hbm>>) dst(%arg13 : memref<128x8xf32, #tpu.memory_space<vmem>>)
      %run_scoped3A_165 = arith.constant 12 : i32
      "tpu.region"() ({
        %run_scoped3A_256 = tpu.sem_alloc : memref<!tpu.dma_semaphore, #tpu.memory_space<semaphore_mem>>
        %dma_start3A_257 = arith.constant 0 : i32
        %dma_start3A_258 = tpu.memref_slice %arg7[%run_scoped3A_165, %dma_start3A_257] : memref<16x128xi32, #tpu.memory_space<vmem>> -> memref<1x128xi32, #tpu.memory_space<vmem>>
        %dma_start3A_259 = tpu.memref_squeeze %dma_start3A_258 : memref<1x128xi32, #tpu.memory_space<vmem>> -> memref<128xi32, #tpu.memory_space<vmem>>
        %dma_start3A_260 = arith.constant 0 : i32
        %dma_start3A_261 = arith.constant 0 : i32
        %dma_start3A_262 = tpu.memref_slice %arg6[%dma_start3A_260, %dma_start3A_261] : memref<10112x8xf32, #tpu.memory_space<vmem_shared>> -> memref<10112x8xf32, #tpu.memory_space<vmem_shared>>
        tpu.enqueue_indirect_dma source(%arg13 : memref<128x8xf32, #tpu.memory_space<vmem>>) target(%dma_start3A_262 : memref<10112x8xf32, #tpu.memory_space<vmem_shared>>) offsets(%dma_start3A_259 : memref<128xi32, #tpu.memory_space<vmem>>) semaphore(%run_scoped3A_256 : memref<!tpu.dma_semaphore, #tpu.memory_space<semaphore_mem>>) {add = true}
        %dma_wait3A_263 = arith.constant 0 : i32
        %dma_wait3A_264 = tpu.memref_slice %arg7[%run_scoped3A_165, %dma_wait3A_263] : memref<16x128xi32, #tpu.memory_space<vmem>> -> memref<1x128xi32, #tpu.memory_space<vmem>>
        %dma_wait3A_265 = tpu.memref_squeeze %dma_wait3A_264 : memref<1x128xi32, #tpu.memory_space<vmem>> -> memref<128xi32, #tpu.memory_space<vmem>>
        %dma_wait3A_266 = arith.constant 0 : i32
        %dma_wait3A_267 = arith.constant 0 : i32
        %dma_wait3A_268 = tpu.memref_slice %arg6[%dma_wait3A_266, %dma_wait3A_267] : memref<10112x8xf32, #tpu.memory_space<vmem_shared>> -> memref<10112x8xf32, #tpu.memory_space<vmem_shared>>
        tpu.wait_indirect_dma semaphore(%run_scoped3A_256 : memref<!tpu.dma_semaphore, #tpu.memory_space<semaphore_mem>>) src(%arg13 : memref<128x8xf32, #tpu.memory_space<vmem>>) dst(%dma_wait3A_268 : memref<10112x8xf32, #tpu.memory_space<vmem_shared>>)
        tpu.yield
      }) : () -> ()
      %dma_wait3A_166 = arith.constant 5 : i32
      %dma_wait3A_167 = arith.constant 0 : i32
      %dma_wait3A_168 = tpu.memref_slice %arg7[%dma_wait3A_166, %dma_wait3A_167] : memref<16x128xi32, #tpu.memory_space<vmem>> -> memref<1x128xi32, #tpu.memory_space<vmem>>
      %dma_wait3A_169 = tpu.memref_squeeze %dma_wait3A_168 : memref<1x128xi32, #tpu.memory_space<vmem>> -> memref<128xi32, #tpu.memory_space<vmem>>
      %dma_wait3A_170 = arith.constant 0 : i32
      %dma_wait3A_171 = arith.constant 0 : i32
      %dma_wait3A_172 = tpu.memref_slice %arg2[%dma_wait3A_170, %dma_wait3A_171] : memref<10000x8xf32, #tpu.memory_space<hbm>> -> memref<10000x8xf32, #tpu.memory_space<hbm>>
      tpu.wait_indirect_dma semaphore(%arg30 : memref<!tpu.dma_semaphore, #tpu.memory_space<semaphore_mem>>) src(%dma_wait3A_172 : memref<10000x8xf32, #tpu.memory_space<hbm>>) dst(%arg14 : memref<128x8xf32, #tpu.memory_space<vmem>>)
      %run_scoped3A_173 = arith.constant 13 : i32
      "tpu.region"() ({
        %run_scoped3A_256 = tpu.sem_alloc : memref<!tpu.dma_semaphore, #tpu.memory_space<semaphore_mem>>
        %dma_start3A_257 = arith.constant 0 : i32
        %dma_start3A_258 = tpu.memref_slice %arg7[%run_scoped3A_173, %dma_start3A_257] : memref<16x128xi32, #tpu.memory_space<vmem>> -> memref<1x128xi32, #tpu.memory_space<vmem>>
        %dma_start3A_259 = tpu.memref_squeeze %dma_start3A_258 : memref<1x128xi32, #tpu.memory_space<vmem>> -> memref<128xi32, #tpu.memory_space<vmem>>
        %dma_start3A_260 = arith.constant 0 : i32
        %dma_start3A_261 = arith.constant 0 : i32
        %dma_start3A_262 = tpu.memref_slice %arg6[%dma_start3A_260, %dma_start3A_261] : memref<10112x8xf32, #tpu.memory_space<vmem_shared>> -> memref<10112x8xf32, #tpu.memory_space<vmem_shared>>
        tpu.enqueue_indirect_dma source(%arg14 : memref<128x8xf32, #tpu.memory_space<vmem>>) target(%dma_start3A_262 : memref<10112x8xf32, #tpu.memory_space<vmem_shared>>) offsets(%dma_start3A_259 : memref<128xi32, #tpu.memory_space<vmem>>) semaphore(%run_scoped3A_256 : memref<!tpu.dma_semaphore, #tpu.memory_space<semaphore_mem>>) {add = true}
        %dma_wait3A_263 = arith.constant 0 : i32
        %dma_wait3A_264 = tpu.memref_slice %arg7[%run_scoped3A_173, %dma_wait3A_263] : memref<16x128xi32, #tpu.memory_space<vmem>> -> memref<1x128xi32, #tpu.memory_space<vmem>>
        %dma_wait3A_265 = tpu.memref_squeeze %dma_wait3A_264 : memref<1x128xi32, #tpu.memory_space<vmem>> -> memref<128xi32, #tpu.memory_space<vmem>>
        %dma_wait3A_266 = arith.constant 0 : i32
        %dma_wait3A_267 = arith.constant 0 : i32
        %dma_wait3A_268 = tpu.memref_slice %arg6[%dma_wait3A_266, %dma_wait3A_267] : memref<10112x8xf32, #tpu.memory_space<vmem_shared>> -> memref<10112x8xf32, #tpu.memory_space<vmem_shared>>
        tpu.wait_indirect_dma semaphore(%run_scoped3A_256 : memref<!tpu.dma_semaphore, #tpu.memory_space<semaphore_mem>>) src(%arg14 : memref<128x8xf32, #tpu.memory_space<vmem>>) dst(%dma_wait3A_268 : memref<10112x8xf32, #tpu.memory_space<vmem_shared>>)
        tpu.yield
      }) : () -> ()
      %dma_wait3A_174 = arith.constant 6 : i32
      %dma_wait3A_175 = arith.constant 0 : i32
      %dma_wait3A_176 = tpu.memref_slice %arg7[%dma_wait3A_174, %dma_wait3A_175] : memref<16x128xi32, #tpu.memory_space<vmem>> -> memref<1x128xi32, #tpu.memory_space<vmem>>
      %dma_wait3A_177 = tpu.memref_squeeze %dma_wait3A_176 : memref<1x128xi32, #tpu.memory_space<vmem>> -> memref<128xi32, #tpu.memory_space<vmem>>
      %dma_wait3A_178 = arith.constant 0 : i32
      %dma_wait3A_179 = arith.constant 0 : i32
      %dma_wait3A_180 = tpu.memref_slice %arg2[%dma_wait3A_178, %dma_wait3A_179] : memref<10000x8xf32, #tpu.memory_space<hbm>> -> memref<10000x8xf32, #tpu.memory_space<hbm>>
      tpu.wait_indirect_dma semaphore(%arg31 : memref<!tpu.dma_semaphore, #tpu.memory_space<semaphore_mem>>) src(%dma_wait3A_180 : memref<10000x8xf32, #tpu.memory_space<hbm>>) dst(%arg15 : memref<128x8xf32, #tpu.memory_space<vmem>>)
      %run_scoped3A_181 = arith.constant 14 : i32
      "tpu.region"() ({
        %run_scoped3A_256 = tpu.sem_alloc : memref<!tpu.dma_semaphore, #tpu.memory_space<semaphore_mem>>
        %dma_start3A_257 = arith.constant 0 : i32
        %dma_start3A_258 = tpu.memref_slice %arg7[%run_scoped3A_181, %dma_start3A_257] : memref<16x128xi32, #tpu.memory_space<vmem>> -> memref<1x128xi32, #tpu.memory_space<vmem>>
        %dma_start3A_259 = tpu.memref_squeeze %dma_start3A_258 : memref<1x128xi32, #tpu.memory_space<vmem>> -> memref<128xi32, #tpu.memory_space<vmem>>
        %dma_start3A_260 = arith.constant 0 : i32
        %dma_start3A_261 = arith.constant 0 : i32
        %dma_start3A_262 = tpu.memref_slice %arg6[%dma_start3A_260, %dma_start3A_261] : memref<10112x8xf32, #tpu.memory_space<vmem_shared>> -> memref<10112x8xf32, #tpu.memory_space<vmem_shared>>
        tpu.enqueue_indirect_dma source(%arg15 : memref<128x8xf32, #tpu.memory_space<vmem>>) target(%dma_start3A_262 : memref<10112x8xf32, #tpu.memory_space<vmem_shared>>) offsets(%dma_start3A_259 : memref<128xi32, #tpu.memory_space<vmem>>) semaphore(%run_scoped3A_256 : memref<!tpu.dma_semaphore, #tpu.memory_space<semaphore_mem>>) {add = true}
        %dma_wait3A_263 = arith.constant 0 : i32
        %dma_wait3A_264 = tpu.memref_slice %arg7[%run_scoped3A_181, %dma_wait3A_263] : memref<16x128xi32, #tpu.memory_space<vmem>> -> memref<1x128xi32, #tpu.memory_space<vmem>>
        %dma_wait3A_265 = tpu.memref_squeeze %dma_wait3A_264 : memref<1x128xi32, #tpu.memory_space<vmem>> -> memref<128xi32, #tpu.memory_space<vmem>>
        %dma_wait3A_266 = arith.constant 0 : i32
        %dma_wait3A_267 = arith.constant 0 : i32
        %dma_wait3A_268 = tpu.memref_slice %arg6[%dma_wait3A_266, %dma_wait3A_267] : memref<10112x8xf32, #tpu.memory_space<vmem_shared>> -> memref<10112x8xf32, #tpu.memory_space<vmem_shared>>
        tpu.wait_indirect_dma semaphore(%run_scoped3A_256 : memref<!tpu.dma_semaphore, #tpu.memory_space<semaphore_mem>>) src(%arg15 : memref<128x8xf32, #tpu.memory_space<vmem>>) dst(%dma_wait3A_268 : memref<10112x8xf32, #tpu.memory_space<vmem_shared>>)
        tpu.yield
      }) : () -> ()
      %dma_wait3A_182 = arith.constant 7 : i32
      %dma_wait3A_183 = arith.constant 0 : i32
      %dma_wait3A_184 = tpu.memref_slice %arg7[%dma_wait3A_182, %dma_wait3A_183] : memref<16x128xi32, #tpu.memory_space<vmem>> -> memref<1x128xi32, #tpu.memory_space<vmem>>
      %dma_wait3A_185 = tpu.memref_squeeze %dma_wait3A_184 : memref<1x128xi32, #tpu.memory_space<vmem>> -> memref<128xi32, #tpu.memory_space<vmem>>
      %dma_wait3A_186 = arith.constant 0 : i32
      %dma_wait3A_187 = arith.constant 0 : i32
      %dma_wait3A_188 = tpu.memref_slice %arg2[%dma_wait3A_186, %dma_wait3A_187] : memref<10000x8xf32, #tpu.memory_space<hbm>> -> memref<10000x8xf32, #tpu.memory_space<hbm>>
      tpu.wait_indirect_dma semaphore(%arg32 : memref<!tpu.dma_semaphore, #tpu.memory_space<semaphore_mem>>) src(%dma_wait3A_188 : memref<10000x8xf32, #tpu.memory_space<hbm>>) dst(%arg16 : memref<128x8xf32, #tpu.memory_space<vmem>>)
      %run_scoped3A_189 = arith.constant 15 : i32
      "tpu.region"() ({
        %run_scoped3A_256 = tpu.sem_alloc : memref<!tpu.dma_semaphore, #tpu.memory_space<semaphore_mem>>
        %dma_start3A_257 = arith.constant 0 : i32
        %dma_start3A_258 = tpu.memref_slice %arg7[%run_scoped3A_189, %dma_start3A_257] : memref<16x128xi32, #tpu.memory_space<vmem>> -> memref<1x128xi32, #tpu.memory_space<vmem>>
        %dma_start3A_259 = tpu.memref_squeeze %dma_start3A_258 : memref<1x128xi32, #tpu.memory_space<vmem>> -> memref<128xi32, #tpu.memory_space<vmem>>
        %dma_start3A_260 = arith.constant 0 : i32
        %dma_start3A_261 = arith.constant 0 : i32
        %dma_start3A_262 = tpu.memref_slice %arg6[%dma_start3A_260, %dma_start3A_261] : memref<10112x8xf32, #tpu.memory_space<vmem_shared>> -> memref<10112x8xf32, #tpu.memory_space<vmem_shared>>
        tpu.enqueue_indirect_dma source(%arg16 : memref<128x8xf32, #tpu.memory_space<vmem>>) target(%dma_start3A_262 : memref<10112x8xf32, #tpu.memory_space<vmem_shared>>) offsets(%dma_start3A_259 : memref<128xi32, #tpu.memory_space<vmem>>) semaphore(%run_scoped3A_256 : memref<!tpu.dma_semaphore, #tpu.memory_space<semaphore_mem>>) {add = true}
        %dma_wait3A_263 = arith.constant 0 : i32
        %dma_wait3A_264 = tpu.memref_slice %arg7[%run_scoped3A_189, %dma_wait3A_263] : memref<16x128xi32, #tpu.memory_space<vmem>> -> memref<1x128xi32, #tpu.memory_space<vmem>>
        %dma_wait3A_265 = tpu.memref_squeeze %dma_wait3A_264 : memref<1x128xi32, #tpu.memory_space<vmem>> -> memref<128xi32, #tpu.memory_space<vmem>>
        %dma_wait3A_266 = arith.constant 0 : i32
        %dma_wait3A_267 = arith.constant 0 : i32
        %dma_wait3A_268 = tpu.memref_slice %arg6[%dma_wait3A_266, %dma_wait3A_267] : memref<10112x8xf32, #tpu.memory_space<vmem_shared>> -> memref<10112x8xf32, #tpu.memory_space<vmem_shared>>
        tpu.wait_indirect_dma semaphore(%run_scoped3A_256 : memref<!tpu.dma_semaphore, #tpu.memory_space<semaphore_mem>>) src(%arg16 : memref<128x8xf32, #tpu.memory_space<vmem>>) dst(%dma_wait3A_268 : memref<10112x8xf32, #tpu.memory_space<vmem_shared>>)
        tpu.yield
      }) : () -> ()
      %lt3A = arith.constant 4 : i32
      %lt3A_190 = arith.cmpi slt, %scan3A_66, %lt3A : i32
      %convert_element_type3A = arith.extui %lt3A_190 : i1 to i32
      %cond3A = arith.constant 0 : i32
      %cond3A_191 = arith.cmpi ne, %convert_element_type3A, %cond3A : i32
      scf.if %cond3A_191 {
        %mul3A_256 = arith.constant 2 : i32
        %mul3A_257 = arith.muli %mul3A_256, %scan3A_66 : i32
        %add3A_258 = arith.addi %mul3A_4, %mul3A_257 : i32
        %add3A_259 = arith.constant 2 : i32
        %add3A_260 = arith.addi %add3A_258, %add3A_259 : i32
        "tpu.region"() ({
          %run_scoped3A_317 = tpu.sem_alloc : memref<!tpu.dma_semaphore, #tpu.memory_space<semaphore_mem>>
          %dma_start3A_318 = arith.constant 0 : i32
          %dma_start3A_319 = arith.constant 0 : i32
          %dma_start3A_320 = tpu.memref_slice %arg3[%add3A_260, %dma_start3A_318, %dma_start3A_319] : memref<320x16x128xi32, #tpu.memory_space<hbm>> -> memref<1x16x128xi32, #tpu.memory_space<hbm>>
          %dma_start3A_321 = tpu.memref_squeeze %dma_start3A_320 : memref<1x16x128xi32, #tpu.memory_space<hbm>> -> memref<16x128xi32, #tpu.memory_space<hbm>>
          %dma_start3A_322 = arith.constant 0 : i32
          %dma_start3A_323 = arith.constant 0 : i32
          %dma_start3A_324 = tpu.memref_slice %arg3[%add3A_260, %dma_start3A_322, %dma_start3A_323] : memref<320x16x128xi32, #tpu.memory_space<hbm>> -> memref<1x16x128xi32, #tpu.memory_space<hbm>>
          %dma_start3A_325 = tpu.memref_squeeze %dma_start3A_324 : memref<1x16x128xi32, #tpu.memory_space<hbm>> -> memref<16x128xi32, #tpu.memory_space<hbm>>
          tpu.enqueue_dma source(%dma_start3A_325 : memref<16x128xi32, #tpu.memory_space<hbm>>) target(%arg7 : memref<16x128xi32, #tpu.memory_space<vmem>>) target_semaphore(%run_scoped3A_317 : memref<!tpu.dma_semaphore, #tpu.memory_space<semaphore_mem>>)
          %dma_wait3A_326 = arith.constant 0 : i32
          %dma_wait3A_327 = arith.constant 0 : i32
          %dma_wait3A_328 = tpu.memref_slice %arg3[%add3A_260, %dma_wait3A_326, %dma_wait3A_327] : memref<320x16x128xi32, #tpu.memory_space<hbm>> -> memref<1x16x128xi32, #tpu.memory_space<hbm>>
          %dma_wait3A_329 = tpu.memref_squeeze %dma_wait3A_328 : memref<1x16x128xi32, #tpu.memory_space<hbm>> -> memref<16x128xi32, #tpu.memory_space<hbm>>
          %dma_wait3A_330 = arith.constant 0 : i32
          %dma_wait3A_331 = arith.constant 0 : i32
          %dma_wait3A_332 = tpu.memref_slice %arg3[%add3A_260, %dma_wait3A_330, %dma_wait3A_331] : memref<320x16x128xi32, #tpu.memory_space<hbm>> -> memref<1x16x128xi32, #tpu.memory_space<hbm>>
          %dma_wait3A_333 = tpu.memref_squeeze %dma_wait3A_332 : memref<1x16x128xi32, #tpu.memory_space<hbm>> -> memref<16x128xi32, #tpu.memory_space<hbm>>
          tpu.wait_dma2 semaphore(%run_scoped3A_317 : memref<!tpu.dma_semaphore, #tpu.memory_space<semaphore_mem>>) src(%dma_wait3A_333 : memref<16x128xi32, #tpu.memory_space<hbm>>) dst(%arg7 : memref<16x128xi32, #tpu.memory_space<vmem>>)
          tpu.yield
        }) : () -> ()
        %dma_start3A_261 = arith.constant 0 : i32
        %dma_start3A_262 = arith.constant 0 : i32
        %dma_start3A_263 = tpu.memref_slice %arg7[%dma_start3A_261, %dma_start3A_262] : memref<16x128xi32, #tpu.memory_space<vmem>> -> memref<1x128xi32, #tpu.memory_space<vmem>>
        %dma_start3A_264 = tpu.memref_squeeze %dma_start3A_263 : memref<1x128xi32, #tpu.memory_space<vmem>> -> memref<128xi32, #tpu.memory_space<vmem>>
        %dma_start3A_265 = arith.constant 0 : i32
        %dma_start3A_266 = arith.constant 0 : i32
        %dma_start3A_267 = tpu.memref_slice %arg2[%dma_start3A_265, %dma_start3A_266] : memref<10000x8xf32, #tpu.memory_space<hbm>> -> memref<10000x8xf32, #tpu.memory_space<hbm>>
        tpu.enqueue_indirect_dma source(%dma_start3A_267 : memref<10000x8xf32, #tpu.memory_space<hbm>>) target(%arg9 : memref<128x8xf32, #tpu.memory_space<vmem>>) offsets(%dma_start3A_264 : memref<128xi32, #tpu.memory_space<vmem>>) semaphore(%arg25 : memref<!tpu.dma_semaphore, #tpu.memory_space<semaphore_mem>>)
        %dma_start3A_268 = arith.constant 1 : i32
        %dma_start3A_269 = arith.constant 0 : i32
        %dma_start3A_270 = tpu.memref_slice %arg7[%dma_start3A_268, %dma_start3A_269] : memref<16x128xi32, #tpu.memory_space<vmem>> -> memref<1x128xi32, #tpu.memory_space<vmem>>
        %dma_start3A_271 = tpu.memref_squeeze %dma_start3A_270 : memref<1x128xi32, #tpu.memory_space<vmem>> -> memref<128xi32, #tpu.memory_space<vmem>>
        %dma_start3A_272 = arith.constant 0 : i32
        %dma_start3A_273 = arith.constant 0 : i32
        %dma_start3A_274 = tpu.memref_slice %arg2[%dma_start3A_272, %dma_start3A_273] : memref<10000x8xf32, #tpu.memory_space<hbm>> -> memref<10000x8xf32, #tpu.memory_space<hbm>>
        tpu.enqueue_indirect_dma source(%dma_start3A_274 : memref<10000x8xf32, #tpu.memory_space<hbm>>) target(%arg10 : memref<128x8xf32, #tpu.memory_space<vmem>>) offsets(%dma_start3A_271 : memref<128xi32, #tpu.memory_space<vmem>>) semaphore(%arg26 : memref<!tpu.dma_semaphore, #tpu.memory_space<semaphore_mem>>)
        %dma_start3A_275 = arith.constant 2 : i32
        %dma_start3A_276 = arith.constant 0 : i32
        %dma_start3A_277 = tpu.memref_slice %arg7[%dma_start3A_275, %dma_start3A_276] : memref<16x128xi32, #tpu.memory_space<vmem>> -> memref<1x128xi32, #tpu.memory_space<vmem>>
        %dma_start3A_278 = tpu.memref_squeeze %dma_start3A_277 : memref<1x128xi32, #tpu.memory_space<vmem>> -> memref<128xi32, #tpu.memory_space<vmem>>
        %dma_start3A_279 = arith.constant 0 : i32
        %dma_start3A_280 = arith.constant 0 : i32
        %dma_start3A_281 = tpu.memref_slice %arg2[%dma_start3A_279, %dma_start3A_280] : memref<10000x8xf32, #tpu.memory_space<hbm>> -> memref<10000x8xf32, #tpu.memory_space<hbm>>
        tpu.enqueue_indirect_dma source(%dma_start3A_281 : memref<10000x8xf32, #tpu.memory_space<hbm>>) target(%arg11 : memref<128x8xf32, #tpu.memory_space<vmem>>) offsets(%dma_start3A_278 : memref<128xi32, #tpu.memory_space<vmem>>) semaphore(%arg27 : memref<!tpu.dma_semaphore, #tpu.memory_space<semaphore_mem>>)
        %dma_start3A_282 = arith.constant 3 : i32
        %dma_start3A_283 = arith.constant 0 : i32
        %dma_start3A_284 = tpu.memref_slice %arg7[%dma_start3A_282, %dma_start3A_283] : memref<16x128xi32, #tpu.memory_space<vmem>> -> memref<1x128xi32, #tpu.memory_space<vmem>>
        %dma_start3A_285 = tpu.memref_squeeze %dma_start3A_284 : memref<1x128xi32, #tpu.memory_space<vmem>> -> memref<128xi32, #tpu.memory_space<vmem>>
        %dma_start3A_286 = arith.constant 0 : i32
        %dma_start3A_287 = arith.constant 0 : i32
        %dma_start3A_288 = tpu.memref_slice %arg2[%dma_start3A_286, %dma_start3A_287] : memref<10000x8xf32, #tpu.memory_space<hbm>> -> memref<10000x8xf32, #tpu.memory_space<hbm>>
        tpu.enqueue_indirect_dma source(%dma_start3A_288 : memref<10000x8xf32, #tpu.memory_space<hbm>>) target(%arg12 : memref<128x8xf32, #tpu.memory_space<vmem>>) offsets(%dma_start3A_285 : memref<128xi32, #tpu.memory_space<vmem>>) semaphore(%arg28 : memref<!tpu.dma_semaphore, #tpu.memory_space<semaphore_mem>>)
        %dma_start3A_289 = arith.constant 4 : i32
        %dma_start3A_290 = arith.constant 0 : i32
        %dma_start3A_291 = tpu.memref_slice %arg7[%dma_start3A_289, %dma_start3A_290] : memref<16x128xi32, #tpu.memory_space<vmem>> -> memref<1x128xi32, #tpu.memory_space<vmem>>
        %dma_start3A_292 = tpu.memref_squeeze %dma_start3A_291 : memref<1x128xi32, #tpu.memory_space<vmem>> -> memref<128xi32, #tpu.memory_space<vmem>>
        %dma_start3A_293 = arith.constant 0 : i32
        %dma_start3A_294 = arith.constant 0 : i32
        %dma_start3A_295 = tpu.memref_slice %arg2[%dma_start3A_293, %dma_start3A_294] : memref<10000x8xf32, #tpu.memory_space<hbm>> -> memref<10000x8xf32, #tpu.memory_space<hbm>>
        tpu.enqueue_indirect_dma source(%dma_start3A_295 : memref<10000x8xf32, #tpu.memory_space<hbm>>) target(%arg13 : memref<128x8xf32, #tpu.memory_space<vmem>>) offsets(%dma_start3A_292 : memref<128xi32, #tpu.memory_space<vmem>>) semaphore(%arg29 : memref<!tpu.dma_semaphore, #tpu.memory_space<semaphore_mem>>)
        %dma_start3A_296 = arith.constant 5 : i32
        %dma_start3A_297 = arith.constant 0 : i32
        %dma_start3A_298 = tpu.memref_slice %arg7[%dma_start3A_296, %dma_start3A_297] : memref<16x128xi32, #tpu.memory_space<vmem>> -> memref<1x128xi32, #tpu.memory_space<vmem>>
        %dma_start3A_299 = tpu.memref_squeeze %dma_start3A_298 : memref<1x128xi32, #tpu.memory_space<vmem>> -> memref<128xi32, #tpu.memory_space<vmem>>
        %dma_start3A_300 = arith.constant 0 : i32
        %dma_start3A_301 = arith.constant 0 : i32
        %dma_start3A_302 = tpu.memref_slice %arg2[%dma_start3A_300, %dma_start3A_301] : memref<10000x8xf32, #tpu.memory_space<hbm>> -> memref<10000x8xf32, #tpu.memory_space<hbm>>
        tpu.enqueue_indirect_dma source(%dma_start3A_302 : memref<10000x8xf32, #tpu.memory_space<hbm>>) target(%arg14 : memref<128x8xf32, #tpu.memory_space<vmem>>) offsets(%dma_start3A_299 : memref<128xi32, #tpu.memory_space<vmem>>) semaphore(%arg30 : memref<!tpu.dma_semaphore, #tpu.memory_space<semaphore_mem>>)
        %dma_start3A_303 = arith.constant 6 : i32
        %dma_start3A_304 = arith.constant 0 : i32
        %dma_start3A_305 = tpu.memref_slice %arg7[%dma_start3A_303, %dma_start3A_304] : memref<16x128xi32, #tpu.memory_space<vmem>> -> memref<1x128xi32, #tpu.memory_space<vmem>>
        %dma_start3A_306 = tpu.memref_squeeze %dma_start3A_305 : memref<1x128xi32, #tpu.memory_space<vmem>> -> memref<128xi32, #tpu.memory_space<vmem>>
        %dma_start3A_307 = arith.constant 0 : i32
        %dma_start3A_308 = arith.constant 0 : i32
        %dma_start3A_309 = tpu.memref_slice %arg2[%dma_start3A_307, %dma_start3A_308] : memref<10000x8xf32, #tpu.memory_space<hbm>> -> memref<10000x8xf32, #tpu.memory_space<hbm>>
        tpu.enqueue_indirect_dma source(%dma_start3A_309 : memref<10000x8xf32, #tpu.memory_space<hbm>>) target(%arg15 : memref<128x8xf32, #tpu.memory_space<vmem>>) offsets(%dma_start3A_306 : memref<128xi32, #tpu.memory_space<vmem>>) semaphore(%arg31 : memref<!tpu.dma_semaphore, #tpu.memory_space<semaphore_mem>>)
        %dma_start3A_310 = arith.constant 7 : i32
        %dma_start3A_311 = arith.constant 0 : i32
        %dma_start3A_312 = tpu.memref_slice %arg7[%dma_start3A_310, %dma_start3A_311] : memref<16x128xi32, #tpu.memory_space<vmem>> -> memref<1x128xi32, #tpu.memory_space<vmem>>
        %dma_start3A_313 = tpu.memref_squeeze %dma_start3A_312 : memref<1x128xi32, #tpu.memory_space<vmem>> -> memref<128xi32, #tpu.memory_space<vmem>>
        %dma_start3A_314 = arith.constant 0 : i32
        %dma_start3A_315 = arith.constant 0 : i32
        %dma_start3A_316 = tpu.memref_slice %arg2[%dma_start3A_314, %dma_start3A_315] : memref<10000x8xf32, #tpu.memory_space<hbm>> -> memref<10000x8xf32, #tpu.memory_space<hbm>>
        tpu.enqueue_indirect_dma source(%dma_start3A_316 : memref<10000x8xf32, #tpu.memory_space<hbm>>) target(%arg16 : memref<128x8xf32, #tpu.memory_space<vmem>>) offsets(%dma_start3A_313 : memref<128xi32, #tpu.memory_space<vmem>>) semaphore(%arg32 : memref<!tpu.dma_semaphore, #tpu.memory_space<semaphore_mem>>)
      } else {
      }
      %dma_wait3A_192 = arith.constant 0 : i32
      %dma_wait3A_193 = arith.constant 0 : i32
      %dma_wait3A_194 = tpu.memref_slice %arg8[%dma_wait3A_192, %dma_wait3A_193] : memref<16x128xi32, #tpu.memory_space<vmem>> -> memref<1x128xi32, #tpu.memory_space<vmem>>
      %dma_wait3A_195 = tpu.memref_squeeze %dma_wait3A_194 : memref<1x128xi32, #tpu.memory_space<vmem>> -> memref<128xi32, #tpu.memory_space<vmem>>
      %dma_wait3A_196 = arith.constant 0 : i32
      %dma_wait3A_197 = arith.constant 0 : i32
      %dma_wait3A_198 = tpu.memref_slice %arg2[%dma_wait3A_196, %dma_wait3A_197] : memref<10000x8xf32, #tpu.memory_space<hbm>> -> memref<10000x8xf32, #tpu.memory_space<hbm>>
      tpu.wait_indirect_dma semaphore(%arg33 : memref<!tpu.dma_semaphore, #tpu.memory_space<semaphore_mem>>) src(%dma_wait3A_198 : memref<10000x8xf32, #tpu.memory_space<hbm>>) dst(%arg17 : memref<128x8xf32, #tpu.memory_space<vmem>>)
      %run_scoped3A_199 = arith.constant 8 : i32
      "tpu.region"() ({
        %run_scoped3A_256 = tpu.sem_alloc : memref<!tpu.dma_semaphore, #tpu.memory_space<semaphore_mem>>
        %dma_start3A_257 = arith.constant 0 : i32
        %dma_start3A_258 = tpu.memref_slice %arg8[%run_scoped3A_199, %dma_start3A_257] : memref<16x128xi32, #tpu.memory_space<vmem>> -> memref<1x128xi32, #tpu.memory_space<vmem>>
        %dma_start3A_259 = tpu.memref_squeeze %dma_start3A_258 : memref<1x128xi32, #tpu.memory_space<vmem>> -> memref<128xi32, #tpu.memory_space<vmem>>
        %dma_start3A_260 = arith.constant 0 : i32
        %dma_start3A_261 = arith.constant 0 : i32
        %dma_start3A_262 = tpu.memref_slice %arg6[%dma_start3A_260, %dma_start3A_261] : memref<10112x8xf32, #tpu.memory_space<vmem_shared>> -> memref<10112x8xf32, #tpu.memory_space<vmem_shared>>
        tpu.enqueue_indirect_dma source(%arg17 : memref<128x8xf32, #tpu.memory_space<vmem>>) target(%dma_start3A_262 : memref<10112x8xf32, #tpu.memory_space<vmem_shared>>) offsets(%dma_start3A_259 : memref<128xi32, #tpu.memory_space<vmem>>) semaphore(%run_scoped3A_256 : memref<!tpu.dma_semaphore, #tpu.memory_space<semaphore_mem>>) {add = true}
        %dma_wait3A_263 = arith.constant 0 : i32
        %dma_wait3A_264 = tpu.memref_slice %arg8[%run_scoped3A_199, %dma_wait3A_263] : memref<16x128xi32, #tpu.memory_space<vmem>> -> memref<1x128xi32, #tpu.memory_space<vmem>>
        %dma_wait3A_265 = tpu.memref_squeeze %dma_wait3A_264 : memref<1x128xi32, #tpu.memory_space<vmem>> -> memref<128xi32, #tpu.memory_space<vmem>>
        %dma_wait3A_266 = arith.constant 0 : i32
        %dma_wait3A_267 = arith.constant 0 : i32
        %dma_wait3A_268 = tpu.memref_slice %arg6[%dma_wait3A_266, %dma_wait3A_267] : memref<10112x8xf32, #tpu.memory_space<vmem_shared>> -> memref<10112x8xf32, #tpu.memory_space<vmem_shared>>
        tpu.wait_indirect_dma semaphore(%run_scoped3A_256 : memref<!tpu.dma_semaphore, #tpu.memory_space<semaphore_mem>>) src(%arg17 : memref<128x8xf32, #tpu.memory_space<vmem>>) dst(%dma_wait3A_268 : memref<10112x8xf32, #tpu.memory_space<vmem_shared>>)
        tpu.yield
      }) : () -> ()
      %dma_wait3A_200 = arith.constant 1 : i32
      %dma_wait3A_201 = arith.constant 0 : i32
      %dma_wait3A_202 = tpu.memref_slice %arg8[%dma_wait3A_200, %dma_wait3A_201] : memref<16x128xi32, #tpu.memory_space<vmem>> -> memref<1x128xi32, #tpu.memory_space<vmem>>
      %dma_wait3A_203 = tpu.memref_squeeze %dma_wait3A_202 : memref<1x128xi32, #tpu.memory_space<vmem>> -> memref<128xi32, #tpu.memory_space<vmem>>
      %dma_wait3A_204 = arith.constant 0 : i32
      %dma_wait3A_205 = arith.constant 0 : i32
      %dma_wait3A_206 = tpu.memref_slice %arg2[%dma_wait3A_204, %dma_wait3A_205] : memref<10000x8xf32, #tpu.memory_space<hbm>> -> memref<10000x8xf32, #tpu.memory_space<hbm>>
      tpu.wait_indirect_dma semaphore(%arg34 : memref<!tpu.dma_semaphore, #tpu.memory_space<semaphore_mem>>) src(%dma_wait3A_206 : memref<10000x8xf32, #tpu.memory_space<hbm>>) dst(%arg18 : memref<128x8xf32, #tpu.memory_space<vmem>>)
      %run_scoped3A_207 = arith.constant 9 : i32
      "tpu.region"() ({
        %run_scoped3A_256 = tpu.sem_alloc : memref<!tpu.dma_semaphore, #tpu.memory_space<semaphore_mem>>
        %dma_start3A_257 = arith.constant 0 : i32
        %dma_start3A_258 = tpu.memref_slice %arg8[%run_scoped3A_207, %dma_start3A_257] : memref<16x128xi32, #tpu.memory_space<vmem>> -> memref<1x128xi32, #tpu.memory_space<vmem>>
        %dma_start3A_259 = tpu.memref_squeeze %dma_start3A_258 : memref<1x128xi32, #tpu.memory_space<vmem>> -> memref<128xi32, #tpu.memory_space<vmem>>
        %dma_start3A_260 = arith.constant 0 : i32
        %dma_start3A_261 = arith.constant 0 : i32
        %dma_start3A_262 = tpu.memref_slice %arg6[%dma_start3A_260, %dma_start3A_261] : memref<10112x8xf32, #tpu.memory_space<vmem_shared>> -> memref<10112x8xf32, #tpu.memory_space<vmem_shared>>
        tpu.enqueue_indirect_dma source(%arg18 : memref<128x8xf32, #tpu.memory_space<vmem>>) target(%dma_start3A_262 : memref<10112x8xf32, #tpu.memory_space<vmem_shared>>) offsets(%dma_start3A_259 : memref<128xi32, #tpu.memory_space<vmem>>) semaphore(%run_scoped3A_256 : memref<!tpu.dma_semaphore, #tpu.memory_space<semaphore_mem>>) {add = true}
        %dma_wait3A_263 = arith.constant 0 : i32
        %dma_wait3A_264 = tpu.memref_slice %arg8[%run_scoped3A_207, %dma_wait3A_263] : memref<16x128xi32, #tpu.memory_space<vmem>> -> memref<1x128xi32, #tpu.memory_space<vmem>>
        %dma_wait3A_265 = tpu.memref_squeeze %dma_wait3A_264 : memref<1x128xi32, #tpu.memory_space<vmem>> -> memref<128xi32, #tpu.memory_space<vmem>>
        %dma_wait3A_266 = arith.constant 0 : i32
        %dma_wait3A_267 = arith.constant 0 : i32
        %dma_wait3A_268 = tpu.memref_slice %arg6[%dma_wait3A_266, %dma_wait3A_267] : memref<10112x8xf32, #tpu.memory_space<vmem_shared>> -> memref<10112x8xf32, #tpu.memory_space<vmem_shared>>
        tpu.wait_indirect_dma semaphore(%run_scoped3A_256 : memref<!tpu.dma_semaphore, #tpu.memory_space<semaphore_mem>>) src(%arg18 : memref<128x8xf32, #tpu.memory_space<vmem>>) dst(%dma_wait3A_268 : memref<10112x8xf32, #tpu.memory_space<vmem_shared>>)
        tpu.yield
      }) : () -> ()
      %dma_wait3A_208 = arith.constant 2 : i32
      %dma_wait3A_209 = arith.constant 0 : i32
      %dma_wait3A_210 = tpu.memref_slice %arg8[%dma_wait3A_208, %dma_wait3A_209] : memref<16x128xi32, #tpu.memory_space<vmem>> -> memref<1x128xi32, #tpu.memory_space<vmem>>
      %dma_wait3A_211 = tpu.memref_squeeze %dma_wait3A_210 : memref<1x128xi32, #tpu.memory_space<vmem>> -> memref<128xi32, #tpu.memory_space<vmem>>
      %dma_wait3A_212 = arith.constant 0 : i32
      %dma_wait3A_213 = arith.constant 0 : i32
      %dma_wait3A_214 = tpu.memref_slice %arg2[%dma_wait3A_212, %dma_wait3A_213] : memref<10000x8xf32, #tpu.memory_space<hbm>> -> memref<10000x8xf32, #tpu.memory_space<hbm>>
      tpu.wait_indirect_dma semaphore(%arg35 : memref<!tpu.dma_semaphore, #tpu.memory_space<semaphore_mem>>) src(%dma_wait3A_214 : memref<10000x8xf32, #tpu.memory_space<hbm>>) dst(%arg19 : memref<128x8xf32, #tpu.memory_space<vmem>>)
      %run_scoped3A_215 = arith.constant 10 : i32
      "tpu.region"() ({
        %run_scoped3A_256 = tpu.sem_alloc : memref<!tpu.dma_semaphore, #tpu.memory_space<semaphore_mem>>
        %dma_start3A_257 = arith.constant 0 : i32
        %dma_start3A_258 = tpu.memref_slice %arg8[%run_scoped3A_215, %dma_start3A_257] : memref<16x128xi32, #tpu.memory_space<vmem>> -> memref<1x128xi32, #tpu.memory_space<vmem>>
        %dma_start3A_259 = tpu.memref_squeeze %dma_start3A_258 : memref<1x128xi32, #tpu.memory_space<vmem>> -> memref<128xi32, #tpu.memory_space<vmem>>
        %dma_start3A_260 = arith.constant 0 : i32
        %dma_start3A_261 = arith.constant 0 : i32
        %dma_start3A_262 = tpu.memref_slice %arg6[%dma_start3A_260, %dma_start3A_261] : memref<10112x8xf32, #tpu.memory_space<vmem_shared>> -> memref<10112x8xf32, #tpu.memory_space<vmem_shared>>
        tpu.enqueue_indirect_dma source(%arg19 : memref<128x8xf32, #tpu.memory_space<vmem>>) target(%dma_start3A_262 : memref<10112x8xf32, #tpu.memory_space<vmem_shared>>) offsets(%dma_start3A_259 : memref<128xi32, #tpu.memory_space<vmem>>) semaphore(%run_scoped3A_256 : memref<!tpu.dma_semaphore, #tpu.memory_space<semaphore_mem>>) {add = true}
        %dma_wait3A_263 = arith.constant 0 : i32
        %dma_wait3A_264 = tpu.memref_slice %arg8[%run_scoped3A_215, %dma_wait3A_263] : memref<16x128xi32, #tpu.memory_space<vmem>> -> memref<1x128xi32, #tpu.memory_space<vmem>>
        %dma_wait3A_265 = tpu.memref_squeeze %dma_wait3A_264 : memref<1x128xi32, #tpu.memory_space<vmem>> -> memref<128xi32, #tpu.memory_space<vmem>>
        %dma_wait3A_266 = arith.constant 0 : i32
        %dma_wait3A_267 = arith.constant 0 : i32
        %dma_wait3A_268 = tpu.memref_slice %arg6[%dma_wait3A_266, %dma_wait3A_267] : memref<10112x8xf32, #tpu.memory_space<vmem_shared>> -> memref<10112x8xf32, #tpu.memory_space<vmem_shared>>
        tpu.wait_indirect_dma semaphore(%run_scoped3A_256 : memref<!tpu.dma_semaphore, #tpu.memory_space<semaphore_mem>>) src(%arg19 : memref<128x8xf32, #tpu.memory_space<vmem>>) dst(%dma_wait3A_268 : memref<10112x8xf32, #tpu.memory_space<vmem_shared>>)
        tpu.yield
      }) : () -> ()
      %dma_wait3A_216 = arith.constant 3 : i32
      %dma_wait3A_217 = arith.constant 0 : i32
      %dma_wait3A_218 = tpu.memref_slice %arg8[%dma_wait3A_216, %dma_wait3A_217] : memref<16x128xi32, #tpu.memory_space<vmem>> -> memref<1x128xi32, #tpu.memory_space<vmem>>
      %dma_wait3A_219 = tpu.memref_squeeze %dma_wait3A_218 : memref<1x128xi32, #tpu.memory_space<vmem>> -> memref<128xi32, #tpu.memory_space<vmem>>
      %dma_wait3A_220 = arith.constant 0 : i32
      %dma_wait3A_221 = arith.constant 0 : i32
      %dma_wait3A_222 = tpu.memref_slice %arg2[%dma_wait3A_220, %dma_wait3A_221] : memref<10000x8xf32, #tpu.memory_space<hbm>> -> memref<10000x8xf32, #tpu.memory_space<hbm>>
      tpu.wait_indirect_dma semaphore(%arg36 : memref<!tpu.dma_semaphore, #tpu.memory_space<semaphore_mem>>) src(%dma_wait3A_222 : memref<10000x8xf32, #tpu.memory_space<hbm>>) dst(%arg20 : memref<128x8xf32, #tpu.memory_space<vmem>>)
      %run_scoped3A_223 = arith.constant 11 : i32
      "tpu.region"() ({
        %run_scoped3A_256 = tpu.sem_alloc : memref<!tpu.dma_semaphore, #tpu.memory_space<semaphore_mem>>
        %dma_start3A_257 = arith.constant 0 : i32
        %dma_start3A_258 = tpu.memref_slice %arg8[%run_scoped3A_223, %dma_start3A_257] : memref<16x128xi32, #tpu.memory_space<vmem>> -> memref<1x128xi32, #tpu.memory_space<vmem>>
        %dma_start3A_259 = tpu.memref_squeeze %dma_start3A_258 : memref<1x128xi32, #tpu.memory_space<vmem>> -> memref<128xi32, #tpu.memory_space<vmem>>
        %dma_start3A_260 = arith.constant 0 : i32
        %dma_start3A_261 = arith.constant 0 : i32
        %dma_start3A_262 = tpu.memref_slice %arg6[%dma_start3A_260, %dma_start3A_261] : memref<10112x8xf32, #tpu.memory_space<vmem_shared>> -> memref<10112x8xf32, #tpu.memory_space<vmem_shared>>
        tpu.enqueue_indirect_dma source(%arg20 : memref<128x8xf32, #tpu.memory_space<vmem>>) target(%dma_start3A_262 : memref<10112x8xf32, #tpu.memory_space<vmem_shared>>) offsets(%dma_start3A_259 : memref<128xi32, #tpu.memory_space<vmem>>) semaphore(%run_scoped3A_256 : memref<!tpu.dma_semaphore, #tpu.memory_space<semaphore_mem>>) {add = true}
        %dma_wait3A_263 = arith.constant 0 : i32
        %dma_wait3A_264 = tpu.memref_slice %arg8[%run_scoped3A_223, %dma_wait3A_263] : memref<16x128xi32, #tpu.memory_space<vmem>> -> memref<1x128xi32, #tpu.memory_space<vmem>>
        %dma_wait3A_265 = tpu.memref_squeeze %dma_wait3A_264 : memref<1x128xi32, #tpu.memory_space<vmem>> -> memref<128xi32, #tpu.memory_space<vmem>>
        %dma_wait3A_266 = arith.constant 0 : i32
        %dma_wait3A_267 = arith.constant 0 : i32
        %dma_wait3A_268 = tpu.memref_slice %arg6[%dma_wait3A_266, %dma_wait3A_267] : memref<10112x8xf32, #tpu.memory_space<vmem_shared>> -> memref<10112x8xf32, #tpu.memory_space<vmem_shared>>
        tpu.wait_indirect_dma semaphore(%run_scoped3A_256 : memref<!tpu.dma_semaphore, #tpu.memory_space<semaphore_mem>>) src(%arg20 : memref<128x8xf32, #tpu.memory_space<vmem>>) dst(%dma_wait3A_268 : memref<10112x8xf32, #tpu.memory_space<vmem_shared>>)
        tpu.yield
      }) : () -> ()
      %dma_wait3A_224 = arith.constant 4 : i32
      %dma_wait3A_225 = arith.constant 0 : i32
      %dma_wait3A_226 = tpu.memref_slice %arg8[%dma_wait3A_224, %dma_wait3A_225] : memref<16x128xi32, #tpu.memory_space<vmem>> -> memref<1x128xi32, #tpu.memory_space<vmem>>
      %dma_wait3A_227 = tpu.memref_squeeze %dma_wait3A_226 : memref<1x128xi32, #tpu.memory_space<vmem>> -> memref<128xi32, #tpu.memory_space<vmem>>
      %dma_wait3A_228 = arith.constant 0 : i32
      %dma_wait3A_229 = arith.constant 0 : i32
      %dma_wait3A_230 = tpu.memref_slice %arg2[%dma_wait3A_228, %dma_wait3A_229] : memref<10000x8xf32, #tpu.memory_space<hbm>> -> memref<10000x8xf32, #tpu.memory_space<hbm>>
      tpu.wait_indirect_dma semaphore(%arg37 : memref<!tpu.dma_semaphore, #tpu.memory_space<semaphore_mem>>) src(%dma_wait3A_230 : memref<10000x8xf32, #tpu.memory_space<hbm>>) dst(%arg21 : memref<128x8xf32, #tpu.memory_space<vmem>>)
      %run_scoped3A_231 = arith.constant 12 : i32
      "tpu.region"() ({
        %run_scoped3A_256 = tpu.sem_alloc : memref<!tpu.dma_semaphore, #tpu.memory_space<semaphore_mem>>
        %dma_start3A_257 = arith.constant 0 : i32
        %dma_start3A_258 = tpu.memref_slice %arg8[%run_scoped3A_231, %dma_start3A_257] : memref<16x128xi32, #tpu.memory_space<vmem>> -> memref<1x128xi32, #tpu.memory_space<vmem>>
        %dma_start3A_259 = tpu.memref_squeeze %dma_start3A_258 : memref<1x128xi32, #tpu.memory_space<vmem>> -> memref<128xi32, #tpu.memory_space<vmem>>
        %dma_start3A_260 = arith.constant 0 : i32
        %dma_start3A_261 = arith.constant 0 : i32
        %dma_start3A_262 = tpu.memref_slice %arg6[%dma_start3A_260, %dma_start3A_261] : memref<10112x8xf32, #tpu.memory_space<vmem_shared>> -> memref<10112x8xf32, #tpu.memory_space<vmem_shared>>
        tpu.enqueue_indirect_dma source(%arg21 : memref<128x8xf32, #tpu.memory_space<vmem>>) target(%dma_start3A_262 : memref<10112x8xf32, #tpu.memory_space<vmem_shared>>) offsets(%dma_start3A_259 : memref<128xi32, #tpu.memory_space<vmem>>) semaphore(%run_scoped3A_256 : memref<!tpu.dma_semaphore, #tpu.memory_space<semaphore_mem>>) {add = true}
        %dma_wait3A_263 = arith.constant 0 : i32
        %dma_wait3A_264 = tpu.memref_slice %arg8[%run_scoped3A_231, %dma_wait3A_263] : memref<16x128xi32, #tpu.memory_space<vmem>> -> memref<1x128xi32, #tpu.memory_space<vmem>>
        %dma_wait3A_265 = tpu.memref_squeeze %dma_wait3A_264 : memref<1x128xi32, #tpu.memory_space<vmem>> -> memref<128xi32, #tpu.memory_space<vmem>>
        %dma_wait3A_266 = arith.constant 0 : i32
        %dma_wait3A_267 = arith.constant 0 : i32
        %dma_wait3A_268 = tpu.memref_slice %arg6[%dma_wait3A_266, %dma_wait3A_267] : memref<10112x8xf32, #tpu.memory_space<vmem_shared>> -> memref<10112x8xf32, #tpu.memory_space<vmem_shared>>
        tpu.wait_indirect_dma semaphore(%run_scoped3A_256 : memref<!tpu.dma_semaphore, #tpu.memory_space<semaphore_mem>>) src(%arg21 : memref<128x8xf32, #tpu.memory_space<vmem>>) dst(%dma_wait3A_268 : memref<10112x8xf32, #tpu.memory_space<vmem_shared>>)
        tpu.yield
      }) : () -> ()
      %dma_wait3A_232 = arith.constant 5 : i32
      %dma_wait3A_233 = arith.constant 0 : i32
      %dma_wait3A_234 = tpu.memref_slice %arg8[%dma_wait3A_232, %dma_wait3A_233] : memref<16x128xi32, #tpu.memory_space<vmem>> -> memref<1x128xi32, #tpu.memory_space<vmem>>
      %dma_wait3A_235 = tpu.memref_squeeze %dma_wait3A_234 : memref<1x128xi32, #tpu.memory_space<vmem>> -> memref<128xi32, #tpu.memory_space<vmem>>
      %dma_wait3A_236 = arith.constant 0 : i32
      %dma_wait3A_237 = arith.constant 0 : i32
      %dma_wait3A_238 = tpu.memref_slice %arg2[%dma_wait3A_236, %dma_wait3A_237] : memref<10000x8xf32, #tpu.memory_space<hbm>> -> memref<10000x8xf32, #tpu.memory_space<hbm>>
      tpu.wait_indirect_dma semaphore(%arg38 : memref<!tpu.dma_semaphore, #tpu.memory_space<semaphore_mem>>) src(%dma_wait3A_238 : memref<10000x8xf32, #tpu.memory_space<hbm>>) dst(%arg22 : memref<128x8xf32, #tpu.memory_space<vmem>>)
      %run_scoped3A_239 = arith.constant 13 : i32
      "tpu.region"() ({
        %run_scoped3A_256 = tpu.sem_alloc : memref<!tpu.dma_semaphore, #tpu.memory_space<semaphore_mem>>
        %dma_start3A_257 = arith.constant 0 : i32
        %dma_start3A_258 = tpu.memref_slice %arg8[%run_scoped3A_239, %dma_start3A_257] : memref<16x128xi32, #tpu.memory_space<vmem>> -> memref<1x128xi32, #tpu.memory_space<vmem>>
        %dma_start3A_259 = tpu.memref_squeeze %dma_start3A_258 : memref<1x128xi32, #tpu.memory_space<vmem>> -> memref<128xi32, #tpu.memory_space<vmem>>
        %dma_start3A_260 = arith.constant 0 : i32
        %dma_start3A_261 = arith.constant 0 : i32
        %dma_start3A_262 = tpu.memref_slice %arg6[%dma_start3A_260, %dma_start3A_261] : memref<10112x8xf32, #tpu.memory_space<vmem_shared>> -> memref<10112x8xf32, #tpu.memory_space<vmem_shared>>
        tpu.enqueue_indirect_dma source(%arg22 : memref<128x8xf32, #tpu.memory_space<vmem>>) target(%dma_start3A_262 : memref<10112x8xf32, #tpu.memory_space<vmem_shared>>) offsets(%dma_start3A_259 : memref<128xi32, #tpu.memory_space<vmem>>) semaphore(%run_scoped3A_256 : memref<!tpu.dma_semaphore, #tpu.memory_space<semaphore_mem>>) {add = true}
        %dma_wait3A_263 = arith.constant 0 : i32
        %dma_wait3A_264 = tpu.memref_slice %arg8[%run_scoped3A_239, %dma_wait3A_263] : memref<16x128xi32, #tpu.memory_space<vmem>> -> memref<1x128xi32, #tpu.memory_space<vmem>>
        %dma_wait3A_265 = tpu.memref_squeeze %dma_wait3A_264 : memref<1x128xi32, #tpu.memory_space<vmem>> -> memref<128xi32, #tpu.memory_space<vmem>>
        %dma_wait3A_266 = arith.constant 0 : i32
        %dma_wait3A_267 = arith.constant 0 : i32
        %dma_wait3A_268 = tpu.memref_slice %arg6[%dma_wait3A_266, %dma_wait3A_267] : memref<10112x8xf32, #tpu.memory_space<vmem_shared>> -> memref<10112x8xf32, #tpu.memory_space<vmem_shared>>
        tpu.wait_indirect_dma semaphore(%run_scoped3A_256 : memref<!tpu.dma_semaphore, #tpu.memory_space<semaphore_mem>>) src(%arg22 : memref<128x8xf32, #tpu.memory_space<vmem>>) dst(%dma_wait3A_268 : memref<10112x8xf32, #tpu.memory_space<vmem_shared>>)
        tpu.yield
      }) : () -> ()
      %dma_wait3A_240 = arith.constant 6 : i32
      %dma_wait3A_241 = arith.constant 0 : i32
      %dma_wait3A_242 = tpu.memref_slice %arg8[%dma_wait3A_240, %dma_wait3A_241] : memref<16x128xi32, #tpu.memory_space<vmem>> -> memref<1x128xi32, #tpu.memory_space<vmem>>
      %dma_wait3A_243 = tpu.memref_squeeze %dma_wait3A_242 : memref<1x128xi32, #tpu.memory_space<vmem>> -> memref<128xi32, #tpu.memory_space<vmem>>
      %dma_wait3A_244 = arith.constant 0 : i32
      %dma_wait3A_245 = arith.constant 0 : i32
      %dma_wait3A_246 = tpu.memref_slice %arg2[%dma_wait3A_244, %dma_wait3A_245] : memref<10000x8xf32, #tpu.memory_space<hbm>> -> memref<10000x8xf32, #tpu.memory_space<hbm>>
      tpu.wait_indirect_dma semaphore(%arg39 : memref<!tpu.dma_semaphore, #tpu.memory_space<semaphore_mem>>) src(%dma_wait3A_246 : memref<10000x8xf32, #tpu.memory_space<hbm>>) dst(%arg23 : memref<128x8xf32, #tpu.memory_space<vmem>>)
      %run_scoped3A_247 = arith.constant 14 : i32
      "tpu.region"() ({
        %run_scoped3A_256 = tpu.sem_alloc : memref<!tpu.dma_semaphore, #tpu.memory_space<semaphore_mem>>
        %dma_start3A_257 = arith.constant 0 : i32
        %dma_start3A_258 = tpu.memref_slice %arg8[%run_scoped3A_247, %dma_start3A_257] : memref<16x128xi32, #tpu.memory_space<vmem>> -> memref<1x128xi32, #tpu.memory_space<vmem>>
        %dma_start3A_259 = tpu.memref_squeeze %dma_start3A_258 : memref<1x128xi32, #tpu.memory_space<vmem>> -> memref<128xi32, #tpu.memory_space<vmem>>
        %dma_start3A_260 = arith.constant 0 : i32
        %dma_start3A_261 = arith.constant 0 : i32
        %dma_start3A_262 = tpu.memref_slice %arg6[%dma_start3A_260, %dma_start3A_261] : memref<10112x8xf32, #tpu.memory_space<vmem_shared>> -> memref<10112x8xf32, #tpu.memory_space<vmem_shared>>
        tpu.enqueue_indirect_dma source(%arg23 : memref<128x8xf32, #tpu.memory_space<vmem>>) target(%dma_start3A_262 : memref<10112x8xf32, #tpu.memory_space<vmem_shared>>) offsets(%dma_start3A_259 : memref<128xi32, #tpu.memory_space<vmem>>) semaphore(%run_scoped3A_256 : memref<!tpu.dma_semaphore, #tpu.memory_space<semaphore_mem>>) {add = true}
        %dma_wait3A_263 = arith.constant 0 : i32
        %dma_wait3A_264 = tpu.memref_slice %arg8[%run_scoped3A_247, %dma_wait3A_263] : memref<16x128xi32, #tpu.memory_space<vmem>> -> memref<1x128xi32, #tpu.memory_space<vmem>>
        %dma_wait3A_265 = tpu.memref_squeeze %dma_wait3A_264 : memref<1x128xi32, #tpu.memory_space<vmem>> -> memref<128xi32, #tpu.memory_space<vmem>>
        %dma_wait3A_266 = arith.constant 0 : i32
        %dma_wait3A_267 = arith.constant 0 : i32
        %dma_wait3A_268 = tpu.memref_slice %arg6[%dma_wait3A_266, %dma_wait3A_267] : memref<10112x8xf32, #tpu.memory_space<vmem_shared>> -> memref<10112x8xf32, #tpu.memory_space<vmem_shared>>
        tpu.wait_indirect_dma semaphore(%run_scoped3A_256 : memref<!tpu.dma_semaphore, #tpu.memory_space<semaphore_mem>>) src(%arg23 : memref<128x8xf32, #tpu.memory_space<vmem>>) dst(%dma_wait3A_268 : memref<10112x8xf32, #tpu.memory_space<vmem_shared>>)
        tpu.yield
      }) : () -> ()
      %dma_wait3A_248 = arith.constant 7 : i32
      %dma_wait3A_249 = arith.constant 0 : i32
      %dma_wait3A_250 = tpu.memref_slice %arg8[%dma_wait3A_248, %dma_wait3A_249] : memref<16x128xi32, #tpu.memory_space<vmem>> -> memref<1x128xi32, #tpu.memory_space<vmem>>
      %dma_wait3A_251 = tpu.memref_squeeze %dma_wait3A_250 : memref<1x128xi32, #tpu.memory_space<vmem>> -> memref<128xi32, #tpu.memory_space<vmem>>
      %dma_wait3A_252 = arith.constant 0 : i32
      %dma_wait3A_253 = arith.constant 0 : i32
      %dma_wait3A_254 = tpu.memref_slice %arg2[%dma_wait3A_252, %dma_wait3A_253] : memref<10000x8xf32, #tpu.memory_space<hbm>> -> memref<10000x8xf32, #tpu.memory_space<hbm>>
      tpu.wait_indirect_dma semaphore(%arg40 : memref<!tpu.dma_semaphore, #tpu.memory_space<semaphore_mem>>) src(%dma_wait3A_254 : memref<10000x8xf32, #tpu.memory_space<hbm>>) dst(%arg24 : memref<128x8xf32, #tpu.memory_space<vmem>>)
      %run_scoped3A_255 = arith.constant 15 : i32
      "tpu.region"() ({
        %run_scoped3A_256 = tpu.sem_alloc : memref<!tpu.dma_semaphore, #tpu.memory_space<semaphore_mem>>
        %dma_start3A_257 = arith.constant 0 : i32
        %dma_start3A_258 = tpu.memref_slice %arg8[%run_scoped3A_255, %dma_start3A_257] : memref<16x128xi32, #tpu.memory_space<vmem>> -> memref<1x128xi32, #tpu.memory_space<vmem>>
        %dma_start3A_259 = tpu.memref_squeeze %dma_start3A_258 : memref<1x128xi32, #tpu.memory_space<vmem>> -> memref<128xi32, #tpu.memory_space<vmem>>
        %dma_start3A_260 = arith.constant 0 : i32
        %dma_start3A_261 = arith.constant 0 : i32
        %dma_start3A_262 = tpu.memref_slice %arg6[%dma_start3A_260, %dma_start3A_261] : memref<10112x8xf32, #tpu.memory_space<vmem_shared>> -> memref<10112x8xf32, #tpu.memory_space<vmem_shared>>
        tpu.enqueue_indirect_dma source(%arg24 : memref<128x8xf32, #tpu.memory_space<vmem>>) target(%dma_start3A_262 : memref<10112x8xf32, #tpu.memory_space<vmem_shared>>) offsets(%dma_start3A_259 : memref<128xi32, #tpu.memory_space<vmem>>) semaphore(%run_scoped3A_256 : memref<!tpu.dma_semaphore, #tpu.memory_space<semaphore_mem>>) {add = true}
        %dma_wait3A_263 = arith.constant 0 : i32
        %dma_wait3A_264 = tpu.memref_slice %arg8[%run_scoped3A_255, %dma_wait3A_263] : memref<16x128xi32, #tpu.memory_space<vmem>> -> memref<1x128xi32, #tpu.memory_space<vmem>>
        %dma_wait3A_265 = tpu.memref_squeeze %dma_wait3A_264 : memref<1x128xi32, #tpu.memory_space<vmem>> -> memref<128xi32, #tpu.memory_space<vmem>>
        %dma_wait3A_266 = arith.constant 0 : i32
        %dma_wait3A_267 = arith.constant 0 : i32
        %dma_wait3A_268 = tpu.memref_slice %arg6[%dma_wait3A_266, %dma_wait3A_267] : memref<10112x8xf32, #tpu.memory_space<vmem_shared>> -> memref<10112x8xf32, #tpu.memory_space<vmem_shared>>
        tpu.wait_indirect_dma semaphore(%run_scoped3A_256 : memref<!tpu.dma_semaphore, #tpu.memory_space<semaphore_mem>>) src(%arg24 : memref<128x8xf32, #tpu.memory_space<vmem>>) dst(%dma_wait3A_268 : memref<10112x8xf32, #tpu.memory_space<vmem_shared>>)
        tpu.yield
      }) : () -> ()
    }
    %scan3A_64 = arith.constant 5 : i32
    %barrier3A_65 = arith.constant 0 : index
    tpu.barrier barrier_id(%barrier3A_65)
    "tpu.region"() ({
      %run_scoped3A = tpu.sem_alloc : memref<!tpu.dma_semaphore, #tpu.memory_space<semaphore_mem>>
      %dma_start3A_66 = arith.constant 0 : i32
      %dma_start3A_67 = tpu.memref_slice %arg5[%arg0, %mul3A_0, %dma_start3A_66] : memref<2x10112x8xf32, #tpu.memory_space<hbm>> -> memref<1x632x8xf32, #tpu.memory_space<hbm>>
      %dma_start3A_68 = tpu.memref_squeeze %dma_start3A_67 : memref<1x632x8xf32, #tpu.memory_space<hbm>> -> memref<632x8xf32, #tpu.memory_space<hbm>>
      %dma_start3A_69 = arith.constant 0 : i32
      %dma_start3A_70 = tpu.memref_slice %arg6[%mul3A_0, %dma_start3A_69] : memref<10112x8xf32, #tpu.memory_space<vmem_shared>> -> memref<632x8xf32, #tpu.memory_space<vmem_shared>>
      tpu.enqueue_dma source(%dma_start3A_70 : memref<632x8xf32, #tpu.memory_space<vmem_shared>>) target(%dma_start3A_68 : memref<632x8xf32, #tpu.memory_space<hbm>>) target_semaphore(%run_scoped3A : memref<!tpu.dma_semaphore, #tpu.memory_space<semaphore_mem>>)
      %dma_wait3A = arith.constant 0 : i32
      %dma_wait3A_71 = tpu.memref_slice %arg5[%arg0, %mul3A_0, %dma_wait3A] : memref<2x10112x8xf32, #tpu.memory_space<hbm>> -> memref<1x632x8xf32, #tpu.memory_space<hbm>>
      %dma_wait3A_72 = tpu.memref_squeeze %dma_wait3A_71 : memref<1x632x8xf32, #tpu.memory_space<hbm>> -> memref<632x8xf32, #tpu.memory_space<hbm>>
      %dma_wait3A_73 = arith.constant 0 : i32
      %dma_wait3A_74 = tpu.memref_slice %arg6[%mul3A_0, %dma_wait3A_73] : memref<10112x8xf32, #tpu.memory_space<vmem_shared>> -> memref<632x8xf32, #tpu.memory_space<vmem_shared>>
      tpu.wait_dma2 semaphore(%run_scoped3A : memref<!tpu.dma_semaphore, #tpu.memory_space<semaphore_mem>>) src(%dma_wait3A_74 : memref<632x8xf32, #tpu.memory_space<vmem_shared>>) dst(%dma_wait3A_72 : memref<632x8xf32, #tpu.memory_space<hbm>>)
      tpu.yield
    }) : () -> ()
    return
  }
}

module attributes {stable_mosaic.version = 14 : i64} {
  func.func @_proj1_body(%arg0: memref<10000x128xf32, #tpu.memory_space<vmem>>, %arg1: memref<128x32xf32, #tpu.memory_space<vmem>>, %arg2: memref<1x16xf32, #tpu.memory_space<vmem>>, %arg3: memref<10000x16xf32, #tpu.memory_space<vmem>>, %arg4: memref<10000x16xf32, #tpu.memory_space<vmem>>) attributes {dimension_semantics = [], scalar_prefetch = 0 : i64, scratch_operands = 0 : i64, tpu.core_type = #tpu.core_type<tc>} {
    %get3A = arith.constant 0 : index
    %get3A_0 = arith.constant 0 : index
    %get3A_1 = vector.load %arg0[%get3A, %get3A_0] : memref<10000x128xf32, #tpu.memory_space<vmem>>, vector<10000x128xf32>
    %get3A_2 = arith.constant 0 : index
    %get3A_3 = arith.constant 0 : index
    %get3A_4 = vector.load %arg1[%get3A_2, %get3A_3] : memref<128x32xf32, #tpu.memory_space<vmem>>, vector<128x32xf32>
    %dot_general3A = arith.constant dense<0.000000e+00> : vector<10000x32xf32>
    %dot_general3A_5 = tpu.matmul %get3A_1, %get3A_4, %dot_general3A {dimension_numbers = #tpu.dot_dimension_numbers<[1], [0], [0], [1], [0, 0, 1, 1], [], []>, transpose_lhs_hint = false} : vector<10000x128xf32>, vector<128x32xf32>, vector<10000x32xf32> -> vector<10000x32xf32>
    %slice3A = vector.extract_strided_slice %dot_general3A_5 {offsets = [0, 0], sizes = [10000, 16], strides = [1, 1]} : vector<10000x32xf32> to vector<10000x16xf32>
    %swap3A = arith.constant 0 : index
    %swap3A_6 = arith.constant 0 : index
    %swap3A_7 = vector.load %arg3[%swap3A, %swap3A_6] : memref<10000x16xf32, #tpu.memory_space<vmem>>, vector<10000x16xf32>
    tpu.vector_store %arg3[%swap3A, %swap3A_6], %slice3A {strides = array<i32>} : memref<10000x16xf32, #tpu.memory_space<vmem>>, vector<10000x16xf32>,
    %slice3A_8 = vector.extract_strided_slice %dot_general3A_5 {offsets = [0, 16], sizes = [10000, 16], strides = [1, 1]} : vector<10000x32xf32> to vector<10000x16xf32>
    %get3A_9 = arith.constant 0 : index
    %get3A_10 = arith.constant 0 : index
    %get3A_11 = vector.load %arg2[%get3A_9, %get3A_10] : memref<1x16xf32, #tpu.memory_space<vmem>>, vector<1x16xf32>
    %add3A = vector.broadcast %get3A_11 : vector<1x16xf32> to vector<10000x16xf32>
    %add3A_12 = arith.addf %slice3A_8, %add3A : vector<10000x16xf32>
    %swap3A_13 = arith.constant 0 : index
    %swap3A_14 = arith.constant 0 : index
    %swap3A_15 = vector.load %arg4[%swap3A_13, %swap3A_14] : memref<10000x16xf32, #tpu.memory_space<vmem>>, vector<10000x16xf32>
    tpu.vector_store %arg4[%swap3A_13, %swap3A_14], %add3A_12 {strides = array<i32>} : memref<10000x16xf32, #tpu.memory_space<vmem>>, vector<10000x16xf32>,
    return
  }
}

module attributes {stable_mosaic.version = 14 : i64} {
  func.func @_mid_body(%arg0: memref<10000x16xf32, #tpu.memory_space<vmem>>, %arg1: memref<10000x16xf32, #tpu.memory_space<vmem>>, %arg2: memref<10000x1xf32, #tpu.memory_space<vmem>>, %arg3: memref<10000x1xf32, #tpu.memory_space<vmem>>, %arg4: memref<10000x16xf32, #tpu.memory_space<vmem>>, %arg5: memref<16x16xf32, #tpu.memory_space<vmem>>, %arg6: memref<1x8xf32, #tpu.memory_space<vmem>>, %arg7: memref<10000x8xf32, #tpu.memory_space<vmem>>, %arg8: memref<10000x8xf32, #tpu.memory_space<vmem>>, %arg9: memref<10000x1xf32, #tpu.memory_space<vmem>>) attributes {dimension_semantics = [], scalar_prefetch = 0 : i64, scratch_operands = 0 : i64, tpu.core_type = #tpu.core_type<tc>} {
    %get3A = arith.constant 0 : index
    %get3A_0 = arith.constant 0 : index
    %get3A_1 = vector.load %arg2[%get3A, %get3A_0] : memref<10000x1xf32, #tpu.memory_space<vmem>>, vector<10000x1xf32>
    %get3A_2 = arith.constant 0 : index
    %get3A_3 = arith.constant 0 : index
    %get3A_4 = vector.load %arg3[%get3A_2, %get3A_3] : memref<10000x1xf32, #tpu.memory_space<vmem>>, vector<10000x1xf32>
    %add3A = arith.addf %get3A_1, %get3A_4 : vector<10000x1xf32>
    %swap3A = arith.constant 0 : index
    %swap3A_5 = arith.constant 0 : index
    %swap3A_6 = vector.load %arg9[%swap3A, %swap3A_5] : memref<10000x1xf32, #tpu.memory_space<vmem>>, vector<10000x1xf32>
    tpu.vector_store %arg9[%swap3A, %swap3A_5], %add3A {strides = array<i32>} : memref<10000x1xf32, #tpu.memory_space<vmem>>, vector<10000x1xf32>,
    %get3A_7 = arith.constant 0 : index
    %get3A_8 = arith.constant 0 : index
    %get3A_9 = vector.load %arg0[%get3A_7, %get3A_8] : memref<10000x16xf32, #tpu.memory_space<vmem>>, vector<10000x16xf32>
    %get3A_10 = arith.constant 0 : index
    %get3A_11 = arith.constant 0 : index
    %get3A_12 = vector.load %arg1[%get3A_10, %get3A_11] : memref<10000x16xf32, #tpu.memory_space<vmem>>, vector<10000x16xf32>
    %add3A_13 = arith.addf %get3A_9, %get3A_12 : vector<10000x16xf32>
    %max3A = arith.constant 1.000000e+00 : f32
    %max3A_14 = vector.broadcast %max3A : f32 to vector<10000x1xf32>
    %max3A_15 = arith.maximumf %add3A, %max3A_14 : vector<10000x1xf32>
    %div3A = vector.broadcast %max3A_15 : vector<10000x1xf32> to vector<10000x16xf32>
    %div3A_16 = arith.divf %add3A_13, %div3A : vector<10000x16xf32>
    %get3A_17 = arith.constant 0 : index
    %get3A_18 = arith.constant 0 : index
    %get3A_19 = vector.load %arg4[%get3A_17, %get3A_18] : memref<10000x16xf32, #tpu.memory_space<vmem>>, vector<10000x16xf32>
    %add3A_20 = arith.addf %div3A_16, %get3A_19 : vector<10000x16xf32>
    %max3A_21 = arith.constant 0.000000e+00 : f32
    %max3A_22 = vector.broadcast %max3A_21 : f32 to vector<10000x16xf32>
    %max3A_23 = arith.maximumf %add3A_20, %max3A_22 : vector<10000x16xf32>
    %get3A_24 = arith.constant 0 : index
    %get3A_25 = arith.constant 0 : index
    %get3A_26 = vector.load %arg5[%get3A_24, %get3A_25] : memref<16x16xf32, #tpu.memory_space<vmem>>, vector<16x16xf32>
    %dot_general3A = arith.constant dense<0.000000e+00> : vector<10000x16xf32>
    %dot_general3A_27 = tpu.matmul %max3A_23, %get3A_26, %dot_general3A {dimension_numbers = #tpu.dot_dimension_numbers<[1], [0], [0], [1], [0, 0, 1, 1], [], []>, transpose_lhs_hint = false} : vector<10000x16xf32>, vector<16x16xf32>, vector<10000x16xf32> -> vector<10000x16xf32>
    %slice3A = vector.extract_strided_slice %dot_general3A_27 {offsets = [0, 0], sizes = [10000, 8], strides = [1, 1]} : vector<10000x16xf32> to vector<10000x8xf32>
    %swap3A_28 = arith.constant 0 : index
    %swap3A_29 = arith.constant 0 : index
    %swap3A_30 = vector.load %arg7[%swap3A_28, %swap3A_29] : memref<10000x8xf32, #tpu.memory_space<vmem>>, vector<10000x8xf32>
    tpu.vector_store %arg7[%swap3A_28, %swap3A_29], %slice3A {strides = array<i32>} : memref<10000x8xf32, #tpu.memory_space<vmem>>, vector<10000x8xf32>,
    %slice3A_31 = vector.extract_strided_slice %dot_general3A_27 {offsets = [0, 8], sizes = [10000, 8], strides = [1, 1]} : vector<10000x16xf32> to vector<10000x8xf32>
    %get3A_32 = arith.constant 0 : index
    %get3A_33 = arith.constant 0 : index
    %get3A_34 = vector.load %arg6[%get3A_32, %get3A_33] : memref<1x8xf32, #tpu.memory_space<vmem>>, vector<1x8xf32>
    %add3A_35 = vector.broadcast %get3A_34 : vector<1x8xf32> to vector<10000x8xf32>
    %add3A_36 = arith.addf %slice3A_31, %add3A_35 : vector<10000x8xf32>
    %swap3A_37 = arith.constant 0 : index
    %swap3A_38 = arith.constant 0 : index
    %swap3A_39 = vector.load %arg8[%swap3A_37, %swap3A_38] : memref<10000x8xf32, #tpu.memory_space<vmem>>, vector<10000x8xf32>
    tpu.vector_store %arg8[%swap3A_37, %swap3A_38], %add3A_36 {strides = array<i32>} : memref<10000x8xf32, #tpu.memory_space<vmem>>, vector<10000x8xf32>,
    return
  }
}

module attributes {stable_mosaic.version = 14 : i64} {
  func.func @_final_body(%arg0: memref<10000x8xf32, #tpu.memory_space<vmem>>, %arg1: memref<10000x8xf32, #tpu.memory_space<vmem>>, %arg2: memref<10000x1xf32, #tpu.memory_space<vmem>>, %arg3: memref<10000x8xf32, #tpu.memory_space<vmem>>, %arg4: memref<10000x8xf32, #tpu.memory_space<vmem>>) attributes {dimension_semantics = [], scalar_prefetch = 0 : i64, scratch_operands = 0 : i64, tpu.core_type = #tpu.core_type<tc>} {
    %get3A = arith.constant 0 : index
    %get3A_0 = arith.constant 0 : index
    %get3A_1 = vector.load %arg0[%get3A, %get3A_0] : memref<10000x8xf32, #tpu.memory_space<vmem>>, vector<10000x8xf32>
    %get3A_2 = arith.constant 0 : index
    %get3A_3 = arith.constant 0 : index
    %get3A_4 = vector.load %arg1[%get3A_2, %get3A_3] : memref<10000x8xf32, #tpu.memory_space<vmem>>, vector<10000x8xf32>
    %add3A = arith.addf %get3A_1, %get3A_4 : vector<10000x8xf32>
    %get3A_5 = arith.constant 0 : index
    %get3A_6 = arith.constant 0 : index
    %get3A_7 = vector.load %arg2[%get3A_5, %get3A_6] : memref<10000x1xf32, #tpu.memory_space<vmem>>, vector<10000x1xf32>
    %max3A = arith.constant 1.000000e+00 : f32
    %max3A_8 = vector.broadcast %max3A : f32 to vector<10000x1xf32>
    %max3A_9 = arith.maximumf %get3A_7, %max3A_8 : vector<10000x1xf32>
    %div3A = vector.broadcast %max3A_9 : vector<10000x1xf32> to vector<10000x8xf32>
    %div3A_10 = arith.divf %add3A, %div3A : vector<10000x8xf32>
    %get3A_11 = arith.constant 0 : index
    %get3A_12 = arith.constant 0 : index
    %get3A_13 = vector.load %arg3[%get3A_11, %get3A_12] : memref<10000x8xf32, #tpu.memory_space<vmem>>, vector<10000x8xf32>
    %add3A_14 = arith.addf %div3A_10, %get3A_13 : vector<10000x8xf32>
    %swap3A = arith.constant 0 : index
    %swap3A_15 = arith.constant 0 : index
    %swap3A_16 = vector.load %arg4[%swap3A, %swap3A_15] : memref<10000x8xf32, #tpu.memory_space<vmem>>, vector<10000x8xf32>
    tpu.vector_store %arg4[%swap3A, %swap3A_15], %add3A_14 {strides = array<i32>} : memref<10000x8xf32, #tpu.memory_space<vmem>>, vector<10000x8xf32>,
    return
  }
}

</mosaic_0001>

<sc_bundles>
// kernel: kernel.10.cloned.1.call-start
scs
__scs_entry_jumppad:
0x0: {  	(pc) =	sbr.rel $0x88, $3  }
0x1: {  	(tag) =	ssettag $0x0;
	lr =	simm.s32 $0x1  }
0x2: {  	[smem:$0x3F99] =	sst lr;
	_ =	strace $0xD0000000  }
0x3: {  	_ = 	snop  }
0x4: {  	_ = 	snop  }
0x5: {  	_ = 	snop  }
0x6: {  	_ = 	snop  }
0x7: {  	_ = 	snop  }
__scs_overlays_trampoline_lowered:
0x8: {  	[smem:$0x3FA8] =	sst s0  }
0x9: {  	[smem:$0x3FA9] =	sst s1  }
0xa: {  	[smem:$0x3FAA] =	sst s2  }
0xb: {  	[smem:$0x3FAB] =	sst s3  }
0xc: {  	[smem:$0x3FAC] =	sst s4  }
0xd: {  	[smem:$0x3FAD] =	sst s5  }
0xe: {  	[smem:$0x3FAE] =	sst s6  }
0xf: {  	[smem:$0x3FAF] =	sst s7  }
0x10: {  	[smem:$0x3FB0] =	sst s8  }
0x11: {  	[smem:$0x3FB1] =	sst s9;
	s0 =	simm.s32 @!p0 $0x0  }
0x12: {  	s1 =	sld [smem:$0x3F97];
	s0 =	simm.s32 @p0 $0x1  }
0x13: {  	[smem:$0x3FB2] =	sst s0;
	s0 =	simm.s32 @!p1 $0x0  }
0x14: {  	s2 =	sld [smem:$0x3F96];
	s0 =	simm.s32 @p1 $0x1  }
0x15: {  	[smem:$0x3FB3] =	sst s0;
	s0 =	simm.s32 @!p2 $0x0  }
0x16: {  	s3 =	sld [smem:$0x3FDB];
	s0 =	simm.s32 @p2 $0x1  }
0x17: {  	s4 =	simm.s32 $0x1BF5;
	[smem:$0x3FB5] =	sst s0  }
0x18: {  	s0 =	sld [smem:$0x3F98];
	_ =	swait.ge [sflag:s4], $0x0  }
0x19: {  	s7 =	sld [smem:$0x3F99]  }
0x1a: {  	s8 =	sadd.s32 $0xFFFFE003, lr  }
0x1b: {  	s9 =	sadd.s32 $0xFFFFFEF7, lr;
	s5 =	simm.s32 $0xFFFFFFFF;
	p2 =	slt.u32 s8, $0xFFFFF086  }
0x1c: {  	p1 =	slt.u32 s9, $0xF7A;
	s5 =	simm.s32 @!p2 $0x0  }
0x1d: {  	s5 =	simm.s32 @p1 $0x1;
	p0 =	seq.s32 s7, s2  }
0x1e: {  	s7 =	smul.u32 @!p0 $0xF7A, s2;
	p2 =	seq.s32 @!p0 s5, $0x0  }
0x1f: {  	s9 =	smul.u32 $0xF7A, s1;
	s8 =	simm.s32 @!p0 $0x1BF5;
	p2 =	por !p2, p0  }
0x20: {  	[sflag:s8] =	ssyncset.s32 @!p0 $0xFFFFF086;
	s6 =	sadd.s32 @!p0 s3, s7;
	s7 =	simm.s32 @!p0 $0x108  }
0x21: {  	s3 =	sadd.s32 s3, s9;
	s6 =	sadd.s32 @!p0 $0x88, s6;
	s7 =	simm.s32 @p2 $0x1082  }
0x22: {  	[simem:s7], [sflag:s8] =	dma.local @!p0 [hbm:s6], $0xF7A  }
0x23: {  	s9 =	sor.u32 $0xD0000000, s2;
	s6 =	simm.s32 $0x108;
	_ =	swait.ge @!p0 [sflag:s8], $0x0  }
0x24: {  	s3 =	sadd.s32 $0x88, s3;
	s6 =	simm.s32 @!p1 $0x1082;
	[sflag:s4] =	ssyncset.s32 $0xFFFFF086  }
0x25: {  	[simem:s6], [sflag:s4] =	dma.local [hbm:s3], $0xF7A  }
0x26: {  	[smem:$0x3F99] =	sst s1;
	(tag) =	ssettag s2;
	_ =	strace s9  }
0x27: {  	s1 =	sld [smem:$0x3FA9]  }
0x28: {  	s2 =	sld [smem:$0x3FAA]  }
0x29: {  	s4 =	sld [smem:$0x3FAC]  }
0x2a: {  	p0 =	seq.s32 s5, $0x0;
	s5 =	sld [smem:$0x3FAD]  }
0x2b: {  	s6 =	sld [smem:$0x3FAE]  }
0x2c: {  	s7 =	sld [smem:$0x3FAF]  }
0x2d: {  	s3 =	simm.s32 $0x108;
	s8 =	sld [smem:$0x3FB0]  }
0x2e: {  	s3 =	simm.s32 @!p0 $0x1082;
	s9 =	sld [smem:$0x3FB1]  }
0x2f: {  	lr =	sadd.s32 s0, s3;
	s0 =	sld [smem:$0x3FA8]  }
0x30: {  	s3 =	sld [smem:$0x3FAB]  }
0x31: {  	[smem:$0x3FB4] =	sst s10  }
0x32: {  	s10 =	sld [smem:$0x3FB2];
	_ =	sdelay $0x3  }
0x33: {  	p0 =	seq.s32 s10, $0x1;
	s10 =	sld [smem:$0x3FB4];
	_ =	sdelay $0x3  }
0x34: {  	[smem:$0x3FB4] =	sst s10  }
0x35: {  	s10 =	sld [smem:$0x3FB3];
	_ =	sdelay $0x3  }
0x36: {  	p1 =	seq.s32 s10, $0x1;
	s10 =	sld [smem:$0x3FB4];
	_ =	sdelay $0x3  }
0x37: {  	[smem:$0x3FB4] =	sst s10  }
0x38: {  	s10 =	sld [smem:$0x3FB5]  }
0x39: {  	_ = 	snop;
	(pc) =	sbr.ind lr, $3  }
0x3a: {  	_ = 	snop  }
0x3b: {  	_ = 	snop  }
0x3c: {  	p2 =	seq.s32 s10, $0x1;
	s10 =	sld [smem:$0x3FB4]  }
0x3d: {  	_ =	shalt  }
0x3e: {  	_ =	shalt  }
0x3f: {  	_ =	shalt  }
0x40: {  	_ =	shalt  }
0x41: {  	_ =	shalt  }
0x42: {  	_ =	shalt  }
0x43: {  	_ =	shalt  }
0x44: {  	_ =	shalt  }
0x45: {  	_ =	shalt  }
0x46: {  	_ =	shalt  }
0x47: {  	_ =	shalt  }
0x48: {  	_ =	shalt  }
0x49: {  	_ =	shalt  }
0x4a: {  	_ =	shalt  }
0x4b: {  	_ =	shalt  }
0x4c: {  	_ =	shalt  }
0x4d: {  	_ =	shalt  }
0x4e: {  	_ =	shalt  }
0x4f: {  	_ =	shalt  }
0x50: {  	_ =	shalt  }
0x51: {  	_ =	shalt  }
0x52: {  	_ =	shalt  }
0x53: {  	_ =	shalt  }
0x54: {  	_ =	shalt  }
0x55: {  	_ =	shalt  }
0x56: {  	_ =	shalt  }
0x57: {  	_ =	shalt  }
0x58: {  	_ =	shalt  }
0x59: {  	_ =	shalt  }
0x5a: {  	_ =	shalt  }
0x5b: {  	_ =	shalt  }
0x5c: {  	_ =	shalt  }
0x5d: {  	_ =	shalt  }
0x5e: {  	_ =	shalt  }
0x5f: {  	_ =	shalt  }
0x60: {  	_ =	shalt  }
0x61: {  	_ =	shalt  }
0x62: {  	_ =	shalt  }
0x63: {  	_ =	shalt  }
0x64: {  	_ =	shalt  }
0x65: {  	_ =	shalt  }
0x66: {  	_ =	shalt  }
0x67: {  	_ =	shalt  }
0x68: {  	_ =	shalt  }
0x69: {  	_ =	shalt  }
0x6a: {  	_ =	shalt  }
0x6b: {  	_ =	shalt  }
0x6c: {  	_ =	shalt  }
0x6d: {  	_ =	shalt  }
0x6e: {  	_ =	shalt  }
0x6f: {  	_ =	shalt  }
0x70: {  	_ =	shalt  }
0x71: {  	_ =	shalt  }
0x72: {  	_ =	shalt  }
0x73: {  	_ =	shalt  }
0x74: {  	_ =	shalt  }
0x75: {  	_ =	shalt  }
0x76: {  	_ =	shalt  }
0x77: {  	_ =	shalt  }
0x78: {  	_ =	shalt  }
0x79: {  	_ =	shalt  }
0x7a: {  	_ =	shalt  }
0x7b: {  	_ =	shalt  }
0x7c: {  	_ =	shalt  }
0x7d: {  	_ =	shalt  }
0x7e: {  	_ =	shalt  }
0x7f: {  	_ =	shalt  }
0x80: {  	_ =	shalt  }
0x81: {  	_ =	shalt  }
0x82: {  	_ =	shalt  }
0x83: {  	_ =	shalt  }
0x84: {  	_ =	shalt  }
0x85: {  	_ =	shalt  }
0x86: {  	_ =	shalt  }
0x87: {  	_ =	shalt  }
.Lfunc_end0:
.L_simem_size_0:
called_computation.1_lowered:
.L_overlay_start_0:
0x88: {  	s2 =	sld [smem:$0x3FD9]  }
0x89: {  	s3 =	sld [smem:$0x3FFE];
	_ =	sdelay $0x1  }
0x8a: {  	s1 =	srdreg.scid  }
0x8b: {  	s0 =	sand.u32 $0x1, s1  }
0x8c: {  	s17 =	sshll.u32 s0, $0xA;
	s2 =	sadd.s32 s3, s2  }
0x8d: {  	s2 =	sadd.s32 s2, s17  }
0x8e: {  	[smem:$0x3FC0] =	sst s2  }
0x8f: {  	_ = 	snop  }
0x90: {  	s2 =	sld [smem:$0x3FD0];
	(tm) =	ssettm $0x1  }
0x91: {  	s18 =	sld [smem:$0x3FFB];
	_ =	sdelay $0x3  }
0x92: {  	_ =	strace s18  }
0x93: {  	s3 =	sld [smem:$0x3FFC];
	_ =	sdelay $0x3  }
0x94: {  	_ =	strace s3  }
0x95: {  	s3 =	sld [smem:$0x3FFD];
	_ =	sdelay $0x3  }
0x96: {  	_ =	strace s3  }
0x97: {  	_ =	strace $0x8FFFFFFF  }
0x98: {  	s19 =	sld [smem:$0x3FDB];
	_ =	sdelay $0x1  }
0x99: {  	s4 =	simm.s32 $_scs_section_size  }
0x9a: {  	s5 =	simm.s32 $_size__tile_overlayer_lowered;
	s6 =	simm.s32 $_tile_overlayer_lowered  }
0x9b: {  	s22 =	simm.s32 $0x1BFF;
	s21 =	sshll.u32 s6, $0x1;
	s3 =	sadd.s32 s4, s19  }
0x9c: {  	s7 =	simm.s32 $0x0;
	s20 =	sshll.u32 s5, $0x1;
	s5 =	sadd.s32 s21, s3  }
0x9d: {  	[timem:s7], [sflag:s22] =	dma.local [hbm:s5], s20  }
0x9e: {  	_ =	swait.ge [sflag:s22], s20  }
0x9f: {  	s4 =	ssub.s32 $0x0, s20;
	[sflag:s22] =	ssyncset.done $0x0  }
0xa0: {  	[sflag:s22] =	ssyncadd.s32 s4;
	_ =	sdelay $0x1  }
0xa1: {  	s23 =	simm.s32 $0x1B8B  }
0xa2: {  	_ =	swait.ge [sflag:s23], $0x1  }
0xa3: {  	[sflag:s23] =	ssyncset.done $0x0  }
0xa4: {  	s25 =	simm.s32 $0x1B8E;
	s24 =	sld [smem:$0x3FFE];
	[sflag:s23] =	ssyncadd.s32 $0xFFFFFFFF  }
0xa5: {  	s26 =	simm.s32 $execute0_lowered;
	[smem:$0x3FD2] =	sst s25  }
0xa6: {  	s5 =	sshll.u32 s26, $0x1;
	_ =	strace $0x80000049;
	[dreg:$0x1] =	wrdreg $0xFFFFFFFF  }
0xa7: {  	s28 =	simm.s32 $_size_execute0_lowered;
	s3 =	sadd.s32 s3, s5;
	[dreg:$0x0] =	wrdreg $0x0  }
0xa8: {  	s5 =	sshll.u32 s28, $0x1;
	[dreg:$0x2] =	wrdreg s3  }
0xa9: {  	[dreg:$0x3] =	wrdreg s5  }
0xaa: {  	[dreg:$0x4] =	wrdreg $0xC0  }
0xab: {  	_ =	task [dreg:s7], $0x5FFFF  }
0xac: {  	[dreg:$0x1] =	wrdreg $0xFFFFFFFF  }
0xad: {  	[dreg:$0x0] =	wrdreg $0x60  }
0xae: {  	[dreg:$0x2] =	wrdreg s24  }
0xaf: {  	[dreg:$0x3] =	wrdreg s2  }
0xb0: {  	[dreg:$0x4] =	wrdreg $0x0  }
0xb1: {  	[dreg:$0x5] =	wrdreg $0x9  }
0xb2: {  	_ =	task.clear_ibuf [dreg:s7], $0x6FFFF;
	_ =	strace $0x90000049  }
0xb3: {  	s29 =	simm.s32 $0x9;
	_ =	strace $0x8000004B  }
0xb4: {  	_ =	swait.ge [sflag:s29], $0x1  }
0xb5: {  	[sflag:s29] =	ssyncadd.s32 $0xFFFFFFFF  }
0xb6: {  	_ =	strace $0x9000004B  }
0xb7: {  	_ =	sfence  }
0xb8: {  	s30 =	sld [smem:$0x0];
	_ =	sdelay $0x2  }
0xb9: {  	s31 =	sshll.u32 s1, $0xD;
	s1 =	sshrl.u32 s1, $0x2  }
0xba: {  	s3 =	sand.u32 $0x4000, s31;
	s1 =	sadd.s32 s1, s30  }
0xbb: {  	s0 =	sor.u32 s3, s0;
	s1 =	sshll.u32 s1, $0x11  }
0xbc: {  	s0 =	sor.u32 s1, s0  }
0xbd: {  	s0 =	sadd.s32 $0x8F2B, s0  }
0xbe: {  	[sflag:s0] =	ssyncadd.remote.s32 $0x1  }
0xbf: {  	_ =	sfence.sel $0xFFFF  }
0xc0: {  	[dreg:$0x0] =	wrdreg $0xFFFFFFFF;
	(pc) =	sbr.abs _section_cstart, $3  }
0xc1: {  	[dreg:$0x1] =	wrdreg $0xFFFFFFFF  }
0xc2: {  	_ =	task.clear_ibuf [dreg:s7], $0x2FFFF;
	_ =	strace $0x9FFFFFFF  }
0xc3: {  	(tm) =	ssettm $0x7FFFFFFF  }
tec
execute0_lowered:
.L_overlay_start_1:
0x0: {  	(tag) =	ssettag $0x1  }
0x1: {  	s0 =	rddreg [dreg:$0x0]  }
0x2: {  	s1 =	rddreg [dreg:$0x1]  }
0x3: {  	s2 =	rddreg [dreg:$0x2];
	s3 =	srdreg.scid;
	s4 =	simm.s32 $0x0  }
0x4: {  	s10 =	stileid.u32;
	s25 =	simm.s32 $0x1C40;
	[smem:$0x7FF] =	sst s4  }
0x5: {  	s26 =	simm.s32 $0x1CC0;
	_ =	strace $0x8000004A;
	[dreg:$0x4] =	wrdreg s25  }
0x6: {  	s29 =	simm.s32 $0x1D40;
	s30 =	simm.s32 $0x1DC0;
	[dreg:$0x5] =	wrdreg s26  }
0x7: {  	s31 =	simm.s32 $0x1E40;
	s11 =	simm.s32 $0x1F40;
	[dreg:$0x6] =	wrdreg s29  }
0x8: {  	s13 =	simm.s32 $0x17C0;
	s14 =	simm.s32 $0x1840;
	[dreg:$0x7] =	wrdreg s30  }
0x9: {  	s15 =	simm.s32 $0x18C0;
	s17 =	simm.s32 $0x1940;
	[dreg:$0x8] =	wrdreg s31  }
0xa: {  	s18 =	simm.s32 $0x19C0;
	s19 =	simm.s32 $0x1A40;
	[dreg:$0xa] =	wrdreg s11  }
0xb: {  	s20 =	simm.s32 $0x1AC0;
	s28 =	simm.s32 $0x10;
	[dreg:$0xb] =	wrdreg s13  }
0xc: {  	s3 =	sand.u32 $0x1, s3;
	s5 =	smul.u32 $0x13C0, s10;
	[dreg:$0xc] =	wrdreg s14  }
0xd: {  	s4 =	sadd.s32 $0x29200, s0;
	s8 =	sadd.s32 $0x2E200, s0;
	[dreg:$0xd] =	wrdreg s15  }
0xe: {  	s24 =	sshll.u32 s10, $0x6;
	s12 =	smul.u32 $0xA00, s10;
	[dreg:$0xe] =	wrdreg s17  }
0xf: {  	s6 =	smul.u32 $0x13C00, s3;
	s7 =	ssub.s32 $0x2, s3;
	[dreg:$0xf] =	wrdreg s18  }
0x10: {  	s23 =	sshll.u32 s3, $0x4;
	s16 =	sor.u32 $0x1C11, s24;
	[dreg:$0x10] =	wrdreg s19  }
0x11: {  	s14 =	simm.s32 $0x80;
	[dreg:$0x11] =	wrdreg s20;
	s24 =	simm.s32 $0x20C0  }
0x12: {  	s25 =	simm.s32 $0x2140;
	s26 =	simm.s32 $0x21C0;
	[dreg:$0x15] =	wrdreg s24  }
0x13: {  	s29 =	simm.s32 $0x2240;
	s30 =	simm.s32 $0x22C0;
	[dreg:$0x16] =	wrdreg s25  }
0x14: {  	s31 =	simm.s32 $0x2340;
	s13 =	simm.s32 $0x6;
	[dreg:$0x17] =	wrdreg s26  }
0x15: {  	s11 =	simm.s32 $0x8;
	s15 =	simm.s32 $0xA;
	[dreg:$0x18] =	wrdreg s29  }
0x16: {  	s17 =	simm.s32 $0xB;
	s19 =	simm.s32 $0xC;
	[dreg:$0x19] =	wrdreg s30  }
0x17: {  	s9 =	sshrl.u32 s7, $0x1;
	s22 =	sshrl.u32 s5, $0x3;
	[dreg:$0x1a] =	wrdreg s31  }
0x18: {  	s25 =	simm.s32 $0xF;
	[dreg:$0x1c] =	wrdreg s16;
	s6 =	sadd.s32 s5, s6  }
0x19: {  	s21 =	ssub.s32 s7, s9;
	s5 =	sadd.s32 s5, s2;
	s1 =	sadd.s32 s1, s22  }
0x1a: {  	s7 =	simm.s32 $0x1EC0;
	s9 =	smul.u32 $0xA000, s3;
	[dreg:$0x1b] =	wrdreg s1  }
0x1b: {  	s22 =	simm.s32 $0x1FC0;
	s3 =	simm.s32 $0x9;
	[dreg:$0x9] =	wrdreg s7  }
0x1c: {  	s6 =	sshrl.u32 s6, $0x3;
	s1 =	sor.u32 s10, s23;
	[dreg:$0x13] =	wrdreg s22  }
0x1d: {  	s23 =	simm.s32 $0x2040;
	s0 =	sadd.s32 s6, s0;
	s1 =	smul.u32 $0xA00, s1  }
0x1e: {  	s6 =	smax.u32 s21, $0x1;
	s21 =	simm.s32 $0x1B40;
	[dreg:$0x14] =	wrdreg s23  }
0x1f: {  	s23 =	simm.s32 $0xE;
	s0 =	sadd.s32 $0x42200, s0;
	[dreg:$0x1f] =	wrdreg s6  }
0x20: {  	[dreg:$0x12] =	wrdreg s21;
	s6 =	simm.s32 $0x7;
	s1 =	sadd.s32 s8, s1  }
0x21: {  	s21 =	simm.s32 $0xD;
	[dreg:$0x1d] =	wrdreg s1;
	s1 =	sadd.s32 s9, s8  }
0x22: {  	[dreg:$0x1e] =	wrdreg s0;
	s10 =	sadd.s32 s12, s1;
	s1 =	sshrl.u32 s5, $0x3  }
0x23: {  	s12 =	simm.s32 $0x11;
	s5 =	simm.s32 $0x0;
	[smem:$0x7FD] =	sst s1  }
.LBB2_1:
0x24: {  	[smem:$0x7FC] =	sst s5  }
0x25: {  	s0 =	rddreg [dreg:$0x1b]  }
0x26: {  	[spmem:s1], [sflag:s16] =	dma.local [hbm:s0], $0x278  }
0x27: {  	_ =	swait.ge [sflag:s12], $0x278  }
0x28: {  	[sflag:s12] =	ssyncset.done $0x0  }
0x29: {  	[sflag:s12] =	ssyncadd.s32 $0xFFFFFD88  }
0x2a: {  	[bflag:$0x0] =	sbarrier.arrive $0xFFFF  }
0x2b: {  	s26 =	simm.s32 $0x13C0;
	s1 =	simm.s32 $0x0;
	s24 =	rddreg [dreg:$0x1d]  }
0x2c: {  	[tilespmem:s26], [sflag:$0x11] =	stream.linear.gather [hbm4b:s24+s1], $0x800, $0x38;
	[tilespmem:$0x63C0] =	vst v63  }
0x2d: {  	_ =	swait.ge [sflag:s12], $0x800  }
0x2e: {  	[sflag:s12] =	ssyncset.done $0x0  }
0x2f: {  	s18 =	simm.s32 $0x23C0;
	[sflag:s12] =	ssyncadd.s32 $0xFFFFF800  }
0x30: {  	[tilespmem:s18], [sflag:$0x1] =	stream.indirect.gather [hbm4b:s4+s14], $0x8, s26, s14, $0xb8;
	[tilespmem:$0x63C0] =	vst v63  }
0x31: {  	s29 =	simm.s32 $0x1440;
	s16 =	simm.s32 $0x27C0  }
0x32: {  	[tilespmem:s16], [sflag:$0x2] =	stream.indirect.gather [hbm4b:s4+s14], $0x8, s29, s14, $0xb8;
	[tilespmem:$0x63C0] =	vst v63  }
0x33: {  	s5 =	simm.s32 $0x14C0;
	s20 =	simm.s32 $0x2BC0  }
0x34: {  	[tilespmem:s20], [sflag:$0x3] =	stream.indirect.gather [hbm4b:s4+s14], $0x8, s5, s14, $0xb8;
	[tilespmem:$0x63C0] =	vst v63  }
0x35: {  	s7 =	simm.s32 $0x1540;
	s31 =	simm.s32 $0x2FC0  }
0x36: {  	[tilespmem:s31], [sflag:$0x4] =	stream.indirect.gather [hbm4b:s4+s14], $0x8, s7, s14, $0xb8;
	[tilespmem:$0x63C0] =	vst v63  }
0x37: {  	s8 =	simm.s32 $0x15C0;
	s9 =	simm.s32 $0x33C0  }
0x38: {  	[tilespmem:s9], [sflag:$0x5] =	stream.indirect.gather [hbm4b:s4+s14], $0x8, s8, s14, $0xb8;
	[tilespmem:$0x63C0] =	vst v63  }
0x39: {  	s22 =	simm.s32 $0x1640;
	s24 =	simm.s32 $0x37C0  }
0x3a: {  	[tilespmem:s24], [sflag:$0x6] =	stream.indirect.gather [hbm4b:s4+s14], $0x8, s22, s14, $0xb8;
	[tilespmem:$0x63C0] =	vst v63  }
0x3b: {  	s26 =	simm.s32 $0x16C0;
	s29 =	simm.s32 $0x3BC0  }
0x3c: {  	[tilespmem:s29], [sflag:$0x7] =	stream.indirect.gather [hbm4b:s4+s14], $0x8, s26, s14, $0xb8;
	[tilespmem:$0x63C0] =	vst v63  }
0x3d: {  	s5 =	simm.s32 $0x1740;
	s22 =	simm.s32 $0x3FC0;
	s24 =	sadd.s32 $0xFFFFF600, s10  }
0x3e: {  	[tilespmem:s22], [sflag:$0x8] =	stream.indirect.gather [hbm4b:s4+s14], $0x8, s5, s14, $0xb8;
	[tilespmem:$0x63C0] =	vst v63  }
0x3f: {  	s30 =	simm.s32 $0x1BC0;
	s0 =	sadd.s32 $0xB00, s24  }
0x40: {  	[tilespmem:s30], [sflag:$0x11] =	stream.linear.gather [hbm4b:s0+s1], $0x800, $0x38;
	[tilespmem:$0x63C0] =	vst v63  }
0x41: {  	_ =	swait.ge [sflag:s12], $0x800  }
0x42: {  	[sflag:s12] =	ssyncset.done $0x0  }
0x43: {  	s1 =	simm.s32 $0x43C0;
	[sflag:s12] =	ssyncadd.s32 $0xFFFFF800  }
0x44: {  	[tilespmem:s1], [sflag:$0x9] =	stream.indirect.gather [hbm4b:s4+s14], $0x8, s30, s14, $0xb8;
	[tilespmem:$0x63C0] =	vst v63  }
0x45: {  	s22 =	simm.s32 $0x47C0;
	s26 =	rddreg [dreg:$0x4]  }
0x46: {  	[tilespmem:s22], [sflag:$0xA] =	stream.indirect.gather [hbm4b:s4+s14], $0x8, s26, s14, $0xb8;
	[tilespmem:$0x63C0] =	vst v63  }
0x47: {  	s24 =	simm.s32 $0x4BC0;
	s30 =	rddreg [dreg:$0x5]  }
0x48: {  	[tilespmem:s24], [sflag:$0xB] =	stream.indirect.gather [hbm4b:s4+s14], $0x8, s30, s14, $0xb8;
	[tilespmem:$0x63C0] =	vst v63  }
0x49: {  	s29 =	rddreg [dreg:$0x6];
	s26 =	simm.s32 $0x4FC0  }
0x4a: {  	[tilespmem:s26], [sflag:$0xC] =	stream.indirect.gather [hbm4b:s4+s14], $0x8, s29, s14, $0xb8;
	[tilespmem:$0x63C0] =	vst v63  }
0x4b: {  	s30 =	rddreg [dreg:$0x7];
	s29 =	simm.s32 $0x53C0  }
0x4c: {  	[tilespmem:s29], [sflag:$0xD] =	stream.indirect.gather [hbm4b:s4+s14], $0x8, s30, s14, $0xb8;
	[tilespmem:$0x63C0] =	vst v63  }
0x4d: {  	s0 =	rddreg [dreg:$0x8];
	s29 =	simm.s32 $0x57C0  }
0x4e: {  	[tilespmem:s29], [sflag:$0xE] =	stream.indirect.gather [hbm4b:s4+s14], $0x8, s0, s14, $0xb8;
	[tilespmem:$0x63C0] =	vst v63  }
0x4f: {  	s30 =	rddreg [dreg:$0x9];
	s29 =	simm.s32 $0x5BC0  }
0x50: {  	[tilespmem:s29], [sflag:$0xF] =	stream.indirect.gather [hbm4b:s4+s14], $0x8, s30, s14, $0xb8;
	[tilespmem:$0x63C0] =	vst v63  }
0x51: {  	s0 =	rddreg [dreg:$0xa];
	s29 =	simm.s32 $0x5FC0  }
0x52: {  	[tilespmem:s29], [sflag:$0x10] =	stream.indirect.gather [hbm4b:s4+s14], $0x8, s0, s14, $0xb8;
	[tilespmem:$0x63C0] =	vst v63  }
0x53: {  	s29 =	simm.s32 $0x1  }
0x54: {  	_ =	swait.ge [sflag:s29], $0x400  }
0x55: {  	[sflag:s29] =	ssyncset.done $0x0  }
0x56: {  	s0 =	rddreg [dreg:$0xb];
	[sflag:s29] =	ssyncadd.s32 $0xFFFFFC00  }
0x57: {  	[spmem:s2] =	stream.indirect.scatter.add.f32 [tilespmem:s18], [sflag:$0x11], $0x8, s0, s14, $0xb8;
	[tilespmem:$0x63C0] =	vst v63  }
0x58: {  	_ =	swait.ge [sflag:s12], $0x400  }
0x59: {  	[sflag:s12] =	ssyncset.done $0x0  }
0x5a: {  	s0 =	simm.s32 $0x2;
	[sflag:s12] =	ssyncadd.s32 $0xFFFFFC00  }
0x5b: {  	_ =	swait.ge [sflag:s0], $0x400  }
0x5c: {  	[sflag:s0] =	ssyncset.done $0x0  }
0x5d: {  	s29 =	rddreg [dreg:$0xc];
	[sflag:s0] =	ssyncadd.s32 $0xFFFFFC00  }
0x5e: {  	[spmem:s2] =	stream.indirect.scatter.add.f32 [tilespmem:s16], [sflag:$0x11], $0x8, s29, s14, $0xb8;
	[tilespmem:$0x63C0] =	vst v63  }
0x5f: {  	_ =	swait.ge [sflag:s12], $0x400  }
0x60: {  	[sflag:s12] =	ssyncset.done $0x0  }
0x61: {  	s18 =	simm.s32 $0x3;
	[sflag:s12] =	ssyncadd.s32 $0xFFFFFC00  }
0x62: {  	_ =	swait.ge [sflag:s18], $0x400  }
0x63: {  	[sflag:s18] =	ssyncset.done $0x0  }
0x64: {  	s29 =	rddreg [dreg:$0xd];
	[sflag:s18] =	ssyncadd.s32 $0xFFFFFC00  }
0x65: {  	[spmem:s2] =	stream.indirect.scatter.add.f32 [tilespmem:s20], [sflag:$0x11], $0x8, s29, s14, $0xb8;
	[tilespmem:$0x63C0] =	vst v63  }
0x66: {  	_ =	swait.ge [sflag:s12], $0x400  }
0x67: {  	[sflag:s12] =	ssyncset.done $0x0  }
0x68: {  	s0 =	simm.s32 $0x4;
	[sflag:s12] =	ssyncadd.s32 $0xFFFFFC00  }
0x69: {  	_ =	swait.ge [sflag:s0], $0x400  }
0x6a: {  	[sflag:s0] =	ssyncset.done $0x0  }
0x6b: {  	s18 =	rddreg [dreg:$0xe];
	[sflag:s0] =	ssyncadd.s32 $0xFFFFFC00  }
0x6c: {  	[spmem:s2] =	stream.indirect.scatter.add.f32 [tilespmem:s31], [sflag:$0x11], $0x8, s18, s14, $0xb8;
	[tilespmem:$0x63C0] =	vst v63  }
0x6d: {  	_ =	swait.ge [sflag:s12], $0x400  }
0x6e: {  	[sflag:s12] =	ssyncset.done $0x0  }
0x6f: {  	s20 =	simm.s32 $0x5;
	[sflag:s12] =	ssyncadd.s32 $0xFFFFFC00  }
0x70: {  	_ =	swait.ge [sflag:s20], $0x400  }
0x71: {  	[sflag:s20] =	ssyncset.done $0x0  }
0x72: {  	s7 =	simm.s32 $0x33C0;
	s29 =	rddreg [dreg:$0xf];
	[sflag:s20] =	ssyncadd.s32 $0xFFFFFC00  }
0x73: {  	[spmem:s2] =	stream.indirect.scatter.add.f32 [tilespmem:s7], [sflag:$0x11], $0x8, s29, s14, $0xb8;
	[tilespmem:$0x63C0] =	vst v63  }
0x74: {  	_ =	swait.ge [sflag:s12], $0x400  }
0x75: {  	[sflag:s12] =	ssyncset.done $0x0  }
0x76: {  	[sflag:s12] =	ssyncadd.s32 $0xFFFFFC00  }
0x77: {  	_ =	swait.ge [sflag:s13], $0x400  }
0x78: {  	[sflag:s13] =	ssyncset.done $0x0  }
0x79: {  	s8 =	simm.s32 $0x37C0;
	s16 =	rddreg [dreg:$0x10];
	[sflag:s13] =	ssyncadd.s32 $0xFFFFFC00  }
0x7a: {  	[spmem:s2] =	stream.indirect.scatter.add.f32 [tilespmem:s8], [sflag:$0x11], $0x8, s16, s14, $0xb8;
	[tilespmem:$0x63C0] =	vst v63  }
0x7b: {  	_ =	swait.ge [sflag:s12], $0x400  }
0x7c: {  	[sflag:s12] =	ssyncset.done $0x0  }
0x7d: {  	[sflag:s12] =	ssyncadd.s32 $0xFFFFFC00  }
0x7e: {  	_ =	swait.ge [sflag:s6], $0x400  }
0x7f: {  	[sflag:s6] =	ssyncset.done $0x0  }
0x80: {  	s9 =	simm.s32 $0x3BC0;
	s18 =	rddreg [dreg:$0x11];
	[sflag:s6] =	ssyncadd.s32 $0xFFFFFC00  }
0x81: {  	[spmem:s2] =	stream.indirect.scatter.add.f32 [tilespmem:s9], [sflag:$0x11], $0x8, s18, s14, $0xb8;
	[tilespmem:$0x63C0] =	vst v63  }
0x82: {  	_ =	swait.ge [sflag:s12], $0x400  }
0x83: {  	[sflag:s12] =	ssyncset.done $0x0  }
0x84: {  	[sflag:s12] =	ssyncadd.s32 $0xFFFFFC00  }
0x85: {  	_ =	swait.ge [sflag:s11], $0x400  }
0x86: {  	[sflag:s11] =	ssyncset.done $0x0  }
0x87: {  	s5 =	simm.s32 $0x3FC0;
	s20 =	rddreg [dreg:$0x12];
	[sflag:s11] =	ssyncadd.s32 $0xFFFFFC00  }
0x88: {  	[spmem:s2] =	stream.indirect.scatter.add.f32 [tilespmem:s5], [sflag:$0x11], $0x8, s20, s14, $0xb8;
	[tilespmem:$0x63C0] =	vst v63  }
0x89: {  	p0 =	por $0x0, $0x0;
	_ =	swait.ge [sflag:s12], $0x400  }
0x8a: {  	s30 =	simm.s32 @!p0 $0x0;
	s0 =	sadd.s32 @!p0 $0xFFFFF600, s10;
	[sflag:s12] =	ssyncset.done $0x0  }
0x8b: {  	s0 =	sadd.s32 @!p0 $0xC00, s0;
	s31 =	simm.s32 @!p0 $0x13C0;
	[sflag:s12] =	ssyncadd.s32 $0xFFFFFC00  }
0x8c: {  	[tilespmem:s31], [sflag:$0x11] =	stream.linear.gather @!p0 [hbm4b:s0+s30], $0x800, $0x38;
	[tilespmem:$0x63C0] =	vst v63  }
0x8d: {  	s0 =	simm.s32 @!p0 $0x11  }
0x8e: {  	_ =	swait.ge @!p0 [sflag:s0], $0x800  }
0x8f: {  	[sflag:s0] =	ssyncset.done @!p0 $0x0  }
0x90: {  	s30 =	simm.s32 @!p0 $0x80;
	[sflag:s0] =	ssyncadd.s32 @!p0 $0xFFFFF800;
	s0 =	simm.s32 @!p0 $0x23C0  }
0x91: {  	[tilespmem:s0], [sflag:$0x1] =	stream.indirect.gather @!p0 [hbm4b:s4+s30], $0x8, s31, s30, $0xb8;
	[tilespmem:$0x63C0] =	vst v63  }
0x92: {  	s0 =	simm.s32 @!p0 $0x1440;
	s31 =	simm.s32 @!p0 $0x27C0  }
0x93: {  	[tilespmem:s31], [sflag:$0x2] =	stream.indirect.gather @!p0 [hbm4b:s4+s30], $0x8, s0, s30, $0xb8;
	[tilespmem:$0x63C0] =	vst v63  }
0x94: {  	s0 =	simm.s32 @!p0 $0x14C0;
	s31 =	simm.s32 @!p0 $0x2BC0  }
0x95: {  	[tilespmem:s31], [sflag:$0x3] =	stream.indirect.gather @!p0 [hbm4b:s4+s30], $0x8, s0, s30, $0xb8;
	[tilespmem:$0x63C0] =	vst v63  }
0x96: {  	s0 =	simm.s32 @!p0 $0x1540;
	s31 =	simm.s32 @!p0 $0x2FC0  }
0x97: {  	[tilespmem:s31], [sflag:$0x4] =	stream.indirect.gather @!p0 [hbm4b:s4+s30], $0x8, s0, s30, $0xb8;
	[tilespmem:$0x63C0] =	vst v63  }
0x98: {  	s0 =	simm.s32 @!p0 $0x15C0;
	s31 =	simm.s32 @!p0 $0x33C0  }
0x99: {  	[tilespmem:s31], [sflag:$0x5] =	stream.indirect.gather @!p0 [hbm4b:s4+s30], $0x8, s0, s30, $0xb8;
	[tilespmem:$0x63C0] =	vst v63  }
0x9a: {  	s0 =	simm.s32 @!p0 $0x1640;
	s31 =	simm.s32 @!p0 $0x37C0  }
0x9b: {  	[tilespmem:s31], [sflag:$0x6] =	stream.indirect.gather @!p0 [hbm4b:s4+s30], $0x8, s0, s30, $0xb8;
	[tilespmem:$0x63C0] =	vst v63  }
0x9c: {  	s0 =	simm.s32 @!p0 $0x16C0;
	s31 =	simm.s32 @!p0 $0x3BC0  }
0x9d: {  	[tilespmem:s31], [sflag:$0x7] =	stream.indirect.gather @!p0 [hbm4b:s4+s30], $0x8, s0, s30, $0xb8;
	[tilespmem:$0x63C0] =	vst v63  }
0x9e: {  	s0 =	simm.s32 @!p0 $0x1740;
	s31 =	simm.s32 @!p0 $0x3FC0  }
0x9f: {  	[tilespmem:s31], [sflag:$0x8] =	stream.indirect.gather @!p0 [hbm4b:s4+s30], $0x8, s0, s30, $0xb8;
	[tilespmem:$0x63C0] =	vst v63  }
0xa0: {  	_ =	swait.ge [sflag:s3], $0x400  }
0xa1: {  	[sflag:s3] =	ssyncset.done $0x0  }
0xa2: {  	s29 =	rddreg [dreg:$0x13];
	[sflag:s3] =	ssyncadd.s32 $0xFFFFFC00  }
0xa3: {  	[spmem:s2] =	stream.indirect.scatter.add.f32 [tilespmem:s1], [sflag:$0x11], $0x8, s29, s14, $0xb8;
	[tilespmem:$0x63C0] =	vst v63  }
0xa4: {  	_ =	swait.ge [sflag:s12], $0x400  }
0xa5: {  	[sflag:s12] =	ssyncset.done $0x0  }
0xa6: {  	[sflag:s12] =	ssyncadd.s32 $0xFFFFFC00  }
0xa7: {  	_ =	swait.ge [sflag:s15], $0x400  }
0xa8: {  	[sflag:s15] =	ssyncset.done $0x0  }
0xa9: {  	s5 =	rddreg [dreg:$0x14];
	[sflag:s15] =	ssyncadd.s32 $0xFFFFFC00  }
0xaa: {  	[spmem:s2] =	stream.indirect.scatter.add.f32 [tilespmem:s22], [sflag:$0x11], $0x8, s5, s14, $0xb8;
	[tilespmem:$0x63C0] =	vst v63  }
0xab: {  	_ =	swait.ge [sflag:s12], $0x400  }
0xac: {  	[sflag:s12] =	ssyncset.done $0x0  }
0xad: {  	[sflag:s12] =	ssyncadd.s32 $0xFFFFFC00  }
0xae: {  	_ =	swait.ge [sflag:s17], $0x400  }
0xaf: {  	[sflag:s17] =	ssyncset.done $0x0  }
0xb0: {  	s7 =	rddreg [dreg:$0x15];
	[sflag:s17] =	ssyncadd.s32 $0xFFFFFC00  }
0xb1: {  	[spmem:s2] =	stream.indirect.scatter.add.f32 [tilespmem:s24], [sflag:$0x11], $0x8, s7, s14, $0xb8;
	[tilespmem:$0x63C0] =	vst v63  }
0xb2: {  	_ =	swait.ge [sflag:s12], $0x400  }
0xb3: {  	[sflag:s12] =	ssyncset.done $0x0  }
0xb4: {  	[sflag:s12] =	ssyncadd.s32 $0xFFFFFC00  }
0xb5: {  	_ =	swait.ge [sflag:s19], $0x400  }
0xb6: {  	[sflag:s19] =	ssyncset.done $0x0  }
0xb7: {  	s8 =	rddreg [dreg:$0x16];
	[sflag:s19] =	ssyncadd.s32 $0xFFFFFC00  }
0xb8: {  	[spmem:s2] =	stream.indirect.scatter.add.f32 [tilespmem:s26], [sflag:$0x11], $0x8, s8, s14, $0xb8;
	[tilespmem:$0x63C0] =	vst v63  }
0xb9: {  	_ =	swait.ge [sflag:s12], $0x400  }
0xba: {  	[sflag:s12] =	ssyncset.done $0x0  }
0xbb: {  	[sflag:s12] =	ssyncadd.s32 $0xFFFFFC00  }
0xbc: {  	_ =	swait.ge [sflag:s21], $0x400  }
0xbd: {  	[sflag:s21] =	ssyncset.done $0x0  }
0xbe: {  	s16 =	simm.s32 $0x53C0;
	s9 =	rddreg [dreg:$0x17];
	[sflag:s21] =	ssyncadd.s32 $0xFFFFFC00  }
0xbf: {  	[spmem:s2] =	stream.indirect.scatter.add.f32 [tilespmem:s16], [sflag:$0x11], $0x8, s9, s14, $0xb8;
	[tilespmem:$0x63C0] =	vst v63  }
0xc0: {  	_ =	swait.ge [sflag:s12], $0x400  }
0xc1: {  	[sflag:s12] =	ssyncset.done $0x0  }
0xc2: {  	[sflag:s12] =	ssyncadd.s32 $0xFFFFFC00  }
0xc3: {  	_ =	swait.ge [sflag:s23], $0x400  }
0xc4: {  	[sflag:s23] =	ssyncset.done $0x0  }
0xc5: {  	s20 =	simm.s32 $0x57C0;
	s18 =	rddreg [dreg:$0x18];
	[sflag:s23] =	ssyncadd.s32 $0xFFFFFC00  }
0xc6: {  	[spmem:s2] =	stream.indirect.scatter.add.f32 [tilespmem:s20], [sflag:$0x11], $0x8, s18, s14, $0xb8;
	[tilespmem:$0x63C0] =	vst v63  }
0xc7: {  	_ =	swait.ge [sflag:s12], $0x400  }
0xc8: {  	[sflag:s12] =	ssyncset.done $0x0  }
0xc9: {  	[sflag:s12] =	ssyncadd.s32 $0xFFFFFC00  }
0xca: {  	_ =	swait.ge [sflag:s25], $0x400  }
0xcb: {  	[sflag:s25] =	ssyncset.done $0x0  }
0xcc: {  	s24 =	simm.s32 $0x5BC0;
	s22 =	rddreg [dreg:$0x19];
	[sflag:s25] =	ssyncadd.s32 $0xFFFFFC00  }
0xcd: {  	[spmem:s2] =	stream.indirect.scatter.add.f32 [tilespmem:s24], [sflag:$0x11], $0x8, s22, s14, $0xb8;
	[tilespmem:$0x63C0] =	vst v63  }
0xce: {  	_ =	swait.ge [sflag:s12], $0x400  }
0xcf: {  	[sflag:s12] =	ssyncset.done $0x0  }
0xd0: {  	[sflag:s12] =	ssyncadd.s32 $0xFFFFFC00  }
0xd1: {  	_ =	swait.ge [sflag:s28], $0x400  }
0xd2: {  	s30 =	simm.s32 $0xFFFFF800;
	[sflag:s28] =	ssyncset.done $0x0  }
0xd3: {  	s29 =	simm.s32 $0x5FC0;
	s26 =	rddreg [dreg:$0x1a];
	[sflag:s28] =	ssyncadd.s32 $0xFFFFFC00  }
0xd4: {  	[spmem:s2] =	stream.indirect.scatter.add.f32 [tilespmem:s29], [sflag:$0x11], $0x8, s26, s14, $0xb8;
	[tilespmem:$0x63C0] =	vst v63  }
0xd5: {  	s31 =	simm.s32 $0xFFFFFA00;
	s0 =	sadd.s32 $0xFFFFF800, s10;
	_ =	swait.ge [sflag:s12], $0x400  }
.LBB2_2:
0xd6: {  	s1 =	sadd.s32 $0xB00, s0;
	[sflag:s12] =	ssyncset.done $0x0  }
0xd7: {  	s16 =	simm.s32 $0x0;
	s18 =	simm.s32 $0x1BC0;
	[sflag:s12] =	ssyncadd.s32 $0xFFFFFC00  }
0xd8: {  	[tilespmem:s18], [sflag:$0x11] =	stream.linear.gather [hbm4b:s1+s16], $0x800, $0x38;
	[tilespmem:$0x63C0] =	vst v63  }
0xd9: {  	_ =	swait.ge [sflag:s12], $0x800  }
0xda: {  	[sflag:s12] =	ssyncset.done $0x0  }
0xdb: {  	s22 =	simm.s32 $0x43C0;
	[sflag:s12] =	ssyncadd.s32 $0xFFFFF800  }
0xdc: {  	[tilespmem:s22], [sflag:$0x9] =	stream.indirect.gather [hbm4b:s4+s14], $0x8, s18, s14, $0xb8;
	[tilespmem:$0x63C0] =	vst v63  }
0xdd: {  	s24 =	simm.s32 $0x47C0;
	s29 =	rddreg [dreg:$0x4]  }
0xde: {  	[tilespmem:s24], [sflag:$0xA] =	stream.indirect.gather [hbm4b:s4+s14], $0x8, s29, s14, $0xb8;
	[tilespmem:$0x63C0] =	vst v63  }
0xdf: {  	s26 =	simm.s32 $0x4BC0;
	s5 =	rddreg [dreg:$0x5]  }
0xe0: {  	[tilespmem:s26], [sflag:$0xB] =	stream.indirect.gather [hbm4b:s4+s14], $0x8, s5, s14, $0xb8;
	[tilespmem:$0x63C0] =	vst v63  }
0xe1: {  	s7 =	rddreg [dreg:$0x6];
	s29 =	simm.s32 $0x4FC0  }
0xe2: {  	[tilespmem:s29], [sflag:$0xC] =	stream.indirect.gather [hbm4b:s4+s14], $0x8, s7, s14, $0xb8;
	[tilespmem:$0x63C0] =	vst v63  }
0xe3: {  	s8 =	rddreg [dreg:$0x7];
	s5 =	simm.s32 $0x53C0  }
0xe4: {  	[tilespmem:s5], [sflag:$0xD] =	stream.indirect.gather [hbm4b:s4+s14], $0x8, s8, s14, $0xb8;
	[tilespmem:$0x63C0] =	vst v63  }
0xe5: {  	s9 =	rddreg [dreg:$0x8];
	s7 =	simm.s32 $0x57C0  }
0xe6: {  	[tilespmem:s7], [sflag:$0xE] =	stream.indirect.gather [hbm4b:s4+s14], $0x8, s9, s14, $0xb8;
	[tilespmem:$0x63C0] =	vst v63  }
0xe7: {  	s18 =	rddreg [dreg:$0x9];
	s8 =	simm.s32 $0x5BC0  }
0xe8: {  	[tilespmem:s8], [sflag:$0xF] =	stream.indirect.gather [hbm4b:s4+s14], $0x8, s18, s14, $0xb8;
	[tilespmem:$0x63C0] =	vst v63  }
0xe9: {  	s1 =	simm.s32 $0x1;
	s20 =	rddreg [dreg:$0xa];
	s9 =	simm.s32 $0x5FC0  }
0xea: {  	[tilespmem:s9], [sflag:$0x10] =	stream.indirect.gather [hbm4b:s4+s14], $0x8, s20, s14, $0xb8;
	[tilespmem:$0x63C0] =	vst v63  }
0xeb: {  	_ =	swait.ge [sflag:s1], $0x400  }
0xec: {  	[sflag:s1] =	ssyncset.done $0x0  }
0xed: {  	s20 =	simm.s32 $0x23C0;
	s18 =	rddreg [dreg:$0xb];
	[sflag:s1] =	ssyncadd.s32 $0xFFFFFC00  }
0xee: {  	[spmem:s2] =	stream.indirect.scatter.add.f32 [tilespmem:s20], [sflag:$0x11], $0x8, s18, s14, $0xb8;
	[tilespmem:$0x63C0] =	vst v63  }
0xef: {  	_ =	swait.ge [sflag:s12], $0x400  }
0xf0: {  	[sflag:s12] =	ssyncset.done $0x0  }
0xf1: {  	s1 =	simm.s32 $0x2;
	[sflag:s12] =	ssyncadd.s32 $0xFFFFFC00  }
0xf2: {  	_ =	swait.ge [sflag:s1], $0x400  }
0xf3: {  	[sflag:s1] =	ssyncset.done $0x0  }
0xf4: {  	s20 =	simm.s32 $0x27C0;
	s18 =	rddreg [dreg:$0xc];
	[sflag:s1] =	ssyncadd.s32 $0xFFFFFC00  }
0xf5: {  	[spmem:s2] =	stream.indirect.scatter.add.f32 [tilespmem:s20], [sflag:$0x11], $0x8, s18, s14, $0xb8;
	[tilespmem:$0x63C0] =	vst v63  }
0xf6: {  	_ =	swait.ge [sflag:s12], $0x400  }
0xf7: {  	[sflag:s12] =	ssyncset.done $0x0  }
0xf8: {  	s1 =	simm.s32 $0x3;
	[sflag:s12] =	ssyncadd.s32 $0xFFFFFC00  }
0xf9: {  	_ =	swait.ge [sflag:s1], $0x400  }
0xfa: {  	[sflag:s1] =	ssyncset.done $0x0  }
0xfb: {  	s20 =	simm.s32 $0x2BC0;
	s18 =	rddreg [dreg:$0xd];
	[sflag:s1] =	ssyncadd.s32 $0xFFFFFC00  }
0xfc: {  	[spmem:s2] =	stream.indirect.scatter.add.f32 [tilespmem:s20], [sflag:$0x11], $0x8, s18, s14, $0xb8;
	[tilespmem:$0x63C0] =	vst v63  }
0xfd: {  	_ =	swait.ge [sflag:s12], $0x400  }
0xfe: {  	[sflag:s12] =	ssyncset.done $0x0  }
0xff: {  	s1 =	simm.s32 $0x4;
	[sflag:s12] =	ssyncadd.s32 $0xFFFFFC00  }
0x100: {  	_ =	swait.ge [sflag:s1], $0x400  }
0x101: {  	[sflag:s1] =	ssyncset.done $0x0  }
0x102: {  	s20 =	simm.s32 $0x2FC0;
	s18 =	rddreg [dreg:$0xe];
	[sflag:s1] =	ssyncadd.s32 $0xFFFFFC00  }
0x103: {  	[spmem:s2] =	stream.indirect.scatter.add.f32 [tilespmem:s20], [sflag:$0x11], $0x8, s18, s14, $0xb8;
	[tilespmem:$0x63C0] =	vst v63  }
0x104: {  	_ =	swait.ge [sflag:s12], $0x400  }
0x105: {  	[sflag:s12] =	ssyncset.done $0x0  }
0x106: {  	s1 =	simm.s32 $0x5;
	[sflag:s12] =	ssyncadd.s32 $0xFFFFFC00  }
0x107: {  	_ =	swait.ge [sflag:s1], $0x400  }
0x108: {  	[sflag:s1] =	ssyncset.done $0x0  }
0x109: {  	s20 =	simm.s32 $0x33C0;
	s18 =	rddreg [dreg:$0xf];
	[sflag:s1] =	ssyncadd.s32 $0xFFFFFC00  }
0x10a: {  	[spmem:s2] =	stream.indirect.scatter.add.f32 [tilespmem:s20], [sflag:$0x11], $0x8, s18, s14, $0xb8;
	[tilespmem:$0x63C0] =	vst v63  }
0x10b: {  	_ =	swait.ge [sflag:s12], $0x400  }
0x10c: {  	[sflag:s12] =	ssyncset.done $0x0  }
0x10d: {  	[sflag:s12] =	ssyncadd.s32 $0xFFFFFC00  }
0x10e: {  	_ =	swait.ge [sflag:s13], $0x400  }
0x10f: {  	[sflag:s13] =	ssyncset.done $0x0  }
0x110: {  	s20 =	simm.s32 $0x37C0;
	s18 =	rddreg [dreg:$0x10];
	[sflag:s13] =	ssyncadd.s32 $0xFFFFFC00  }
0x111: {  	[spmem:s2] =	stream.indirect.scatter.add.f32 [tilespmem:s20], [sflag:$0x11], $0x8, s18, s14, $0xb8;
	[tilespmem:$0x63C0] =	vst v63  }
0x112: {  	_ =	swait.ge [sflag:s12], $0x400  }
0x113: {  	[sflag:s12] =	ssyncset.done $0x0  }
0x114: {  	[sflag:s12] =	ssyncadd.s32 $0xFFFFFC00  }
0x115: {  	_ =	swait.ge [sflag:s6], $0x400  }
0x116: {  	[sflag:s6] =	ssyncset.done $0x0  }
0x117: {  	s20 =	simm.s32 $0x3BC0;
	s18 =	rddreg [dreg:$0x11];
	[sflag:s6] =	ssyncadd.s32 $0xFFFFFC00  }
0x118: {  	[spmem:s2] =	stream.indirect.scatter.add.f32 [tilespmem:s20], [sflag:$0x11], $0x8, s18, s14, $0xb8;
	[tilespmem:$0x63C0] =	vst v63  }
0x119: {  	_ =	swait.ge [sflag:s12], $0x400  }
0x11a: {  	[sflag:s12] =	ssyncset.done $0x0  }
0x11b: {  	[sflag:s12] =	ssyncadd.s32 $0xFFFFFC00  }
0x11c: {  	_ =	swait.ge [sflag:s11], $0x400  }
0x11d: {  	p1 =	seq.s32 s30, $0xFFFFFE00;
	[sflag:s11] =	ssyncset.done $0x0  }
0x11e: {  	s20 =	simm.s32 $0x3FC0;
	s18 =	rddreg [dreg:$0x12];
	[sflag:s11] =	ssyncadd.s32 $0xFFFFFC00  }
0x11f: {  	[spmem:s2] =	stream.indirect.scatter.add.f32 [tilespmem:s20], [sflag:$0x11], $0x8, s18, s14, $0xb8;
	[tilespmem:$0x63C0] =	vst v63  }
0x120: {  	s1 =	sadd.s32 @!p1 s30, s10;
	_ =	swait.ge [sflag:s12], $0x400  }
0x121: {  	s16 =	simm.s32 @!p1 $0x0;
	s1 =	sadd.s32 @!p1 $0xC00, s1;
	[sflag:s12] =	ssyncset.done $0x0  }
0x122: {  	s18 =	simm.s32 @!p1 $0x13C0;
	s20 =	simm.s32 @!p1 $0x11;
	[sflag:s12] =	ssyncadd.s32 $0xFFFFFC00  }
0x123: {  	[tilespmem:s18], [sflag:$0x11] =	stream.linear.gather @!p1 [hbm4b:s1+s16], $0x800, $0x38;
	[tilespmem:$0x63C0] =	vst v63  }
0x124: {  	s0 =	smov.u32 s31;
	_ =	swait.ge @!p1 [sflag:s20], $0x800  }
0x125: {  	s30 =	smov.u32 s0;
	[sflag:s20] =	ssyncset.done @!p1 $0x0  }
0x126: {  	s0 =	simm.s32 @!p1 $0x80;
	s1 =	simm.s32 @!p1 $0x23C0;
	[sflag:s20] =	ssyncadd.s32 @!p1 $0xFFFFF800  }
0x127: {  	[tilespmem:s1], [sflag:$0x1] =	stream.indirect.gather @!p1 [hbm4b:s4+s0], $0x8, s18, s0, $0xb8;
	[tilespmem:$0x63C0] =	vst v63  }
0x128: {  	s16 =	simm.s32 @!p1 $0x1440;
	s20 =	simm.s32 @!p1 $0x27C0  }
0x129: {  	[tilespmem:s20], [sflag:$0x2] =	stream.indirect.gather @!p1 [hbm4b:s4+s0], $0x8, s16, s0, $0xb8;
	[tilespmem:$0x63C0] =	vst v63  }
0x12a: {  	s1 =	simm.s32 @!p1 $0x14C0;
	s18 =	simm.s32 @!p1 $0x2BC0  }
0x12b: {  	[tilespmem:s18], [sflag:$0x3] =	stream.indirect.gather @!p1 [hbm4b:s4+s0], $0x8, s1, s0, $0xb8;
	[tilespmem:$0x63C0] =	vst v63  }
0x12c: {  	s16 =	simm.s32 @!p1 $0x1540;
	s20 =	simm.s32 @!p1 $0x2FC0  }
0x12d: {  	[tilespmem:s20], [sflag:$0x4] =	stream.indirect.gather @!p1 [hbm4b:s4+s0], $0x8, s16, s0, $0xb8;
	[tilespmem:$0x63C0] =	vst v63  }
0x12e: {  	s1 =	simm.s32 @!p1 $0x15C0;
	s18 =	simm.s32 @!p1 $0x33C0  }
0x12f: {  	[tilespmem:s18], [sflag:$0x5] =	stream.indirect.gather @!p1 [hbm4b:s4+s0], $0x8, s1, s0, $0xb8;
	[tilespmem:$0x63C0] =	vst v63  }
0x130: {  	s16 =	simm.s32 @!p1 $0x1640;
	s20 =	simm.s32 @!p1 $0x37C0  }
0x131: {  	[tilespmem:s20], [sflag:$0x6] =	stream.indirect.gather @!p1 [hbm4b:s4+s0], $0x8, s16, s0, $0xb8;
	[tilespmem:$0x63C0] =	vst v63  }
0x132: {  	s1 =	simm.s32 @!p1 $0x16C0;
	s18 =	simm.s32 @!p1 $0x3BC0  }
0x133: {  	[tilespmem:s18], [sflag:$0x7] =	stream.indirect.gather @!p1 [hbm4b:s4+s0], $0x8, s1, s0, $0xb8;
	[tilespmem:$0x63C0] =	vst v63  }
0x134: {  	s16 =	simm.s32 @!p1 $0x1740;
	s20 =	simm.s32 @!p1 $0x3FC0  }
0x135: {  	[tilespmem:s20], [sflag:$0x8] =	stream.indirect.gather @!p1 [hbm4b:s4+s0], $0x8, s16, s0, $0xb8;
	[tilespmem:$0x63C0] =	vst v63  }
0x136: {  	_ =	swait.ge [sflag:s3], $0x400  }
0x137: {  	[sflag:s3] =	ssyncset.done $0x0  }
0x138: {  	s1 =	rddreg [dreg:$0x13];
	[sflag:s3] =	ssyncadd.s32 $0xFFFFFC00  }
0x139: {  	[spmem:s2] =	stream.indirect.scatter.add.f32 [tilespmem:s22], [sflag:$0x11], $0x8, s1, s14, $0xb8;
	[tilespmem:$0x63C0] =	vst v63  }
0x13a: {  	_ =	swait.ge [sflag:s12], $0x400  }
0x13b: {  	[sflag:s12] =	ssyncset.done $0x0  }
0x13c: {  	[sflag:s12] =	ssyncadd.s32 $0xFFFFFC00  }
0x13d: {  	_ =	swait.ge [sflag:s15], $0x400  }
0x13e: {  	[sflag:s15] =	ssyncset.done $0x0  }
0x13f: {  	s16 =	rddreg [dreg:$0x14];
	[sflag:s15] =	ssyncadd.s32 $0xFFFFFC00  }
0x140: {  	[spmem:s2] =	stream.indirect.scatter.add.f32 [tilespmem:s24], [sflag:$0x11], $0x8, s16, s14, $0xb8;
	[tilespmem:$0x63C0] =	vst v63  }
0x141: {  	_ =	swait.ge [sflag:s12], $0x400  }
0x142: {  	[sflag:s12] =	ssyncset.done $0x0  }
0x143: {  	[sflag:s12] =	ssyncadd.s32 $0xFFFFFC00  }
0x144: {  	_ =	swait.ge [sflag:s17], $0x400  }
0x145: {  	[sflag:s17] =	ssyncset.done $0x0  }
0x146: {  	s18 =	rddreg [dreg:$0x15];
	[sflag:s17] =	ssyncadd.s32 $0xFFFFFC00  }
0x147: {  	[spmem:s2] =	stream.indirect.scatter.add.f32 [tilespmem:s26], [sflag:$0x11], $0x8, s18, s14, $0xb8;
	[tilespmem:$0x63C0] =	vst v63  }
0x148: {  	_ =	swait.ge [sflag:s12], $0x400  }
0x149: {  	[sflag:s12] =	ssyncset.done $0x0  }
0x14a: {  	[sflag:s12] =	ssyncadd.s32 $0xFFFFFC00  }
0x14b: {  	_ =	swait.ge [sflag:s19], $0x400  }
0x14c: {  	[sflag:s19] =	ssyncset.done $0x0  }
0x14d: {  	s20 =	rddreg [dreg:$0x16];
	[sflag:s19] =	ssyncadd.s32 $0xFFFFFC00  }
0x14e: {  	[spmem:s2] =	stream.indirect.scatter.add.f32 [tilespmem:s29], [sflag:$0x11], $0x8, s20, s14, $0xb8;
	[tilespmem:$0x63C0] =	vst v63  }
0x14f: {  	_ =	swait.ge [sflag:s12], $0x400  }
0x150: {  	[sflag:s12] =	ssyncset.done $0x0  }
0x151: {  	[sflag:s12] =	ssyncadd.s32 $0xFFFFFC00  }
0x152: {  	_ =	swait.ge [sflag:s21], $0x400  }
0x153: {  	[sflag:s21] =	ssyncset.done $0x0  }
0x154: {  	s22 =	rddreg [dreg:$0x17];
	[sflag:s21] =	ssyncadd.s32 $0xFFFFFC00  }
0x155: {  	[spmem:s2] =	stream.indirect.scatter.add.f32 [tilespmem:s5], [sflag:$0x11], $0x8, s22, s14, $0xb8;
	[tilespmem:$0x63C0] =	vst v63  }
0x156: {  	_ =	swait.ge [sflag:s12], $0x400  }
0x157: {  	[sflag:s12] =	ssyncset.done $0x0  }
0x158: {  	[sflag:s12] =	ssyncadd.s32 $0xFFFFFC00  }
0x159: {  	_ =	swait.ge [sflag:s23], $0x400  }
0x15a: {  	[sflag:s23] =	ssyncset.done $0x0  }
0x15b: {  	s24 =	rddreg [dreg:$0x18];
	[sflag:s23] =	ssyncadd.s32 $0xFFFFFC00  }
0x15c: {  	[spmem:s2] =	stream.indirect.scatter.add.f32 [tilespmem:s7], [sflag:$0x11], $0x8, s24, s14, $0xb8;
	[tilespmem:$0x63C0] =	vst v63  }
0x15d: {  	_ =	swait.ge [sflag:s12], $0x400  }
0x15e: {  	[sflag:s12] =	ssyncset.done $0x0  }
0x15f: {  	[sflag:s12] =	ssyncadd.s32 $0xFFFFFC00  }
0x160: {  	_ =	swait.ge [sflag:s25], $0x400  }
0x161: {  	[sflag:s25] =	ssyncset.done $0x0  }
0x162: {  	s26 =	rddreg [dreg:$0x19];
	[sflag:s25] =	ssyncadd.s32 $0xFFFFFC00  }
0x163: {  	[spmem:s2] =	stream.indirect.scatter.add.f32 [tilespmem:s8], [sflag:$0x11], $0x8, s26, s14, $0xb8;
	[tilespmem:$0x63C0] =	vst v63  }
0x164: {  	_ =	swait.ge [sflag:s12], $0x400  }
0x165: {  	s31 =	sadd.s32 $0x200, s31;
	[sflag:s12] =	ssyncset.done $0x0  }
0x166: {  	p0 =	sne.s32 s31, $0x0;
	[sflag:s12] =	ssyncadd.s32 $0xFFFFFC00  }
.Ltmp0:
0x167: {  	_ =	swait.ge [sflag:s28], $0x400;
	(pc) =	sbr.rel @p0 .LBB2_2-.Ltmp0, $4  }
0x168: {  	[sflag:s28] =	ssyncset.done $0x0  }
0x169: {  	s29 =	rddreg [dreg:$0x1a];
	[sflag:s28] =	ssyncadd.s32 $0xFFFFFC00  }
0x16a: {  	[spmem:s2] =	stream.indirect.scatter.add.f32 [tilespmem:s9], [sflag:$0x11], $0x8, s29, s14, $0xb8;
	[tilespmem:$0x63C0] =	vst v63  }
0x16b: {  	s0 =	sadd.s32 s30, s10;
	_ =	swait.ge [sflag:s12], $0x400  }
0x16c: {  	[sflag:s12] =	ssyncset.done $0x0;
	s0 =	sadd.s32 $0xB00, s0  }
0x16d: {  	s1 =	simm.s32 $0x0;
	s16 =	simm.s32 $0x1BC0;
	[sflag:s12] =	ssyncadd.s32 $0xFFFFFC00  }
0x16e: {  	[tilespmem:s16], [sflag:$0x11] =	stream.linear.gather [hbm4b:s0+s1], $0x800, $0x38;
	[tilespmem:$0x63C0] =	vst v63  }
0x16f: {  	_ =	swait.ge [sflag:s12], $0x800  }
0x170: {  	[sflag:s12] =	ssyncset.done $0x0  }
0x171: {  	s18 =	simm.s32 $0x43C0;
	[sflag:s12] =	ssyncadd.s32 $0xFFFFF800  }
0x172: {  	[tilespmem:s18], [sflag:$0x9] =	stream.indirect.gather [hbm4b:s4+s14], $0x8, s16, s14, $0xb8;
	[tilespmem:$0x63C0] =	vst v63  }
0x173: {  	s20 =	simm.s32 $0x47C0;
	s29 =	rddreg [dreg:$0x4]  }
0x174: {  	[tilespmem:s20], [sflag:$0xA] =	stream.indirect.gather [hbm4b:s4+s14], $0x8, s29, s14, $0xb8;
	[tilespmem:$0x63C0] =	vst v63  }
0x175: {  	s22 =	simm.s32 $0x4BC0;
	s31 =	rddreg [dreg:$0x5]  }
0x176: {  	[tilespmem:s22], [sflag:$0xB] =	stream.indirect.gather [hbm4b:s4+s14], $0x8, s31, s14, $0xb8;
	[tilespmem:$0x63C0] =	vst v63  }
0x177: {  	s24 =	simm.s32 $0x4FC0;
	s5 =	rddreg [dreg:$0x6]  }
0x178: {  	[tilespmem:s24], [sflag:$0xC] =	stream.indirect.gather [hbm4b:s4+s14], $0x8, s5, s14, $0xb8;
	[tilespmem:$0x63C0] =	vst v63  }
0x179: {  	s7 =	rddreg [dreg:$0x7];
	s5 =	simm.s32 $0x53C0  }
0x17a: {  	[tilespmem:s5], [sflag:$0xD] =	stream.indirect.gather [hbm4b:s4+s14], $0x8, s7, s14, $0xb8;
	[tilespmem:$0x63C0] =	vst v63  }
0x17b: {  	s8 =	rddreg [dreg:$0x8];
	s7 =	simm.s32 $0x57C0  }
0x17c: {  	[tilespmem:s7], [sflag:$0xE] =	stream.indirect.gather [hbm4b:s4+s14], $0x8, s8, s14, $0xb8;
	[tilespmem:$0x63C0] =	vst v63  }
0x17d: {  	s9 =	rddreg [dreg:$0x9];
	s8 =	simm.s32 $0x5BC0  }
0x17e: {  	[tilespmem:s8], [sflag:$0xF] =	stream.indirect.gather [hbm4b:s4+s14], $0x8, s9, s14, $0xb8;
	[tilespmem:$0x63C0] =	vst v63  }
0x17f: {  	s26 =	simm.s32 $0x1;
	s16 =	rddreg [dreg:$0xa];
	s9 =	simm.s32 $0x5FC0  }
0x180: {  	[tilespmem:s9], [sflag:$0x10] =	stream.indirect.gather [hbm4b:s4+s14], $0x8, s16, s14, $0xb8;
	[tilespmem:$0x63C0] =	vst v63  }
0x181: {  	_ =	swait.ge [sflag:s26], $0x400  }
0x182: {  	[sflag:s26] =	ssyncset.done $0x0  }
0x183: {  	s31 =	simm.s32 $0x23C0;
	s29 =	rddreg [dreg:$0xb];
	[sflag:s26] =	ssyncadd.s32 $0xFFFFFC00  }
0x184: {  	[spmem:s2] =	stream.indirect.scatter.add.f32 [tilespmem:s31], [sflag:$0x11], $0x8, s29, s14, $0xb8;
	[tilespmem:$0x63C0] =	vst v63  }
0x185: {  	_ =	swait.ge [sflag:s12], $0x400  }
0x186: {  	[sflag:s12] =	ssyncset.done $0x0  }
0x187: {  	s0 =	simm.s32 $0x2;
	[sflag:s12] =	ssyncadd.s32 $0xFFFFFC00  }
0x188: {  	_ =	swait.ge [sflag:s0], $0x400  }
0x189: {  	[sflag:s0] =	ssyncset.done $0x0  }
0x18a: {  	s26 =	simm.s32 $0x27C0;
	s16 =	rddreg [dreg:$0xc];
	[sflag:s0] =	ssyncadd.s32 $0xFFFFFC00  }
0x18b: {  	[spmem:s2] =	stream.indirect.scatter.add.f32 [tilespmem:s26], [sflag:$0x11], $0x8, s16, s14, $0xb8;
	[tilespmem:$0x63C0] =	vst v63  }
0x18c: {  	_ =	swait.ge [sflag:s12], $0x400  }
0x18d: {  	[sflag:s12] =	ssyncset.done $0x0  }
0x18e: {  	s29 =	simm.s32 $0x3;
	[sflag:s12] =	ssyncadd.s32 $0xFFFFFC00  }
0x18f: {  	_ =	swait.ge [sflag:s29], $0x400  }
0x190: {  	[sflag:s29] =	ssyncset.done $0x0  }
0x191: {  	s16 =	simm.s32 $0x2BC0;
	s31 =	rddreg [dreg:$0xd];
	[sflag:s29] =	ssyncadd.s32 $0xFFFFFC00  }
0x192: {  	[spmem:s2] =	stream.indirect.scatter.add.f32 [tilespmem:s16], [sflag:$0x11], $0x8, s31, s14, $0xb8;
	[tilespmem:$0x63C0] =	vst v63  }
0x193: {  	_ =	swait.ge [sflag:s12], $0x400  }
0x194: {  	[sflag:s12] =	ssyncset.done $0x0  }
0x195: {  	s26 =	simm.s32 $0x4;
	[sflag:s12] =	ssyncadd.s32 $0xFFFFFC00  }
0x196: {  	_ =	swait.ge [sflag:s26], $0x400  }
0x197: {  	[sflag:s26] =	ssyncset.done $0x0  }
0x198: {  	s31 =	simm.s32 $0x2FC0;
	s29 =	rddreg [dreg:$0xe];
	[sflag:s26] =	ssyncadd.s32 $0xFFFFFC00  }
0x199: {  	[spmem:s2] =	stream.indirect.scatter.add.f32 [tilespmem:s31], [sflag:$0x11], $0x8, s29, s14, $0xb8;
	[tilespmem:$0x63C0] =	vst v63  }
0x19a: {  	_ =	swait.ge [sflag:s12], $0x400  }
0x19b: {  	[sflag:s12] =	ssyncset.done $0x0  }
0x19c: {  	s0 =	simm.s32 $0x5;
	[sflag:s12] =	ssyncadd.s32 $0xFFFFFC00  }
0x19d: {  	_ =	swait.ge [sflag:s0], $0x400  }
0x19e: {  	[sflag:s0] =	ssyncset.done $0x0  }
0x19f: {  	s26 =	simm.s32 $0x33C0;
	s16 =	rddreg [dreg:$0xf];
	[sflag:s0] =	ssyncadd.s32 $0xFFFFFC00  }
0x1a0: {  	[spmem:s2] =	stream.indirect.scatter.add.f32 [tilespmem:s26], [sflag:$0x11], $0x8, s16, s14, $0xb8;
	[tilespmem:$0x63C0] =	vst v63  }
0x1a1: {  	_ =	swait.ge [sflag:s12], $0x400  }
0x1a2: {  	[sflag:s12] =	ssyncset.done $0x0  }
0x1a3: {  	[sflag:s12] =	ssyncadd.s32 $0xFFFFFC00  }
0x1a4: {  	_ =	swait.ge [sflag:s13], $0x400  }
0x1a5: {  	[sflag:s13] =	ssyncset.done $0x0  }
0x1a6: {  	s31 =	simm.s32 $0x37C0;
	s29 =	rddreg [dreg:$0x10];
	[sflag:s13] =	ssyncadd.s32 $0xFFFFFC00  }
0x1a7: {  	[spmem:s2] =	stream.indirect.scatter.add.f32 [tilespmem:s31], [sflag:$0x11], $0x8, s29, s14, $0xb8;
	[tilespmem:$0x63C0] =	vst v63  }
0x1a8: {  	_ =	swait.ge [sflag:s12], $0x400  }
0x1a9: {  	[sflag:s12] =	ssyncset.done $0x0  }
0x1aa: {  	[sflag:s12] =	ssyncadd.s32 $0xFFFFFC00  }
0x1ab: {  	_ =	swait.ge [sflag:s6], $0x400  }
0x1ac: {  	[sflag:s6] =	ssyncset.done $0x0  }
0x1ad: {  	s16 =	simm.s32 $0x3BC0;
	s1 =	rddreg [dreg:$0x11];
	[sflag:s6] =	ssyncadd.s32 $0xFFFFFC00  }
0x1ae: {  	[spmem:s2] =	stream.indirect.scatter.add.f32 [tilespmem:s16], [sflag:$0x11], $0x8, s1, s14, $0xb8;
	[tilespmem:$0x63C0] =	vst v63  }
0x1af: {  	_ =	swait.ge [sflag:s12], $0x400  }
0x1b0: {  	[sflag:s12] =	ssyncset.done $0x0  }
0x1b1: {  	[sflag:s12] =	ssyncadd.s32 $0xFFFFFC00  }
0x1b2: {  	_ =	swait.ge [sflag:s11], $0x400  }
0x1b3: {  	p0 =	seq.s32 s30, $0xFFFFFE00;
	[sflag:s11] =	ssyncset.done $0x0  }
0x1b4: {  	s29 =	simm.s32 $0x3FC0;
	s26 =	rddreg [dreg:$0x12];
	[sflag:s11] =	ssyncadd.s32 $0xFFFFFC00  }
0x1b5: {  	[spmem:s2] =	stream.indirect.scatter.add.f32 [tilespmem:s29], [sflag:$0x11], $0x8, s26, s14, $0xb8;
	[tilespmem:$0x63C0] =	vst v63  }
0x1b6: {  	s0 =	sadd.s32 @!p0 s30, s10;
	_ =	swait.ge [sflag:s12], $0x400  }
0x1b7: {  	s0 =	sadd.s32 @!p0 $0xC00, s0;
	[sflag:s12] =	ssyncset.done $0x0  }
0x1b8: {  	s1 =	simm.s32 @!p0 $0x0;
	s16 =	simm.s32 @!p0 $0x13C0;
	[sflag:s12] =	ssyncadd.s32 $0xFFFFFC00  }
0x1b9: {  	[tilespmem:s16], [sflag:$0x11] =	stream.linear.gather @!p0 [hbm4b:s0+s1], $0x800, $0x38;
	[tilespmem:$0x63C0] =	vst v63  }
0x1ba: {  	s0 =	simm.s32 @!p0 $0x11  }
0x1bb: {  	_ =	swait.ge @!p0 [sflag:s0], $0x800  }
0x1bc: {  	[sflag:s0] =	ssyncset.done @!p0 $0x0  }
0x1bd: {  	s1 =	simm.s32 @!p0 $0x80;
	[sflag:s0] =	ssyncadd.s32 @!p0 $0xFFFFF800;
	s0 =	simm.s32 @!p0 $0x23C0  }
0x1be: {  	[tilespmem:s0], [sflag:$0x1] =	stream.indirect.gather @!p0 [hbm4b:s4+s1], $0x8, s16, s1, $0xb8;
	[tilespmem:$0x63C0] =	vst v63  }
0x1bf: {  	s0 =	simm.s32 @!p0 $0x1440;
	s16 =	simm.s32 @!p0 $0x27C0  }
0x1c0: {  	[tilespmem:s16], [sflag:$0x2] =	stream.indirect.gather @!p0 [hbm4b:s4+s1], $0x8, s0, s1, $0xb8;
	[tilespmem:$0x63C0] =	vst v63  }
0x1c1: {  	s0 =	simm.s32 @!p0 $0x14C0;
	s16 =	simm.s32 @!p0 $0x2BC0  }
0x1c2: {  	[tilespmem:s16], [sflag:$0x3] =	stream.indirect.gather @!p0 [hbm4b:s4+s1], $0x8, s0, s1, $0xb8;
	[tilespmem:$0x63C0] =	vst v63  }
0x1c3: {  	s0 =	simm.s32 @!p0 $0x1540;
	s16 =	simm.s32 @!p0 $0x2FC0  }
0x1c4: {  	[tilespmem:s16], [sflag:$0x4] =	stream.indirect.gather @!p0 [hbm4b:s4+s1], $0x8, s0, s1, $0xb8;
	[tilespmem:$0x63C0] =	vst v63  }
0x1c5: {  	s0 =	simm.s32 @!p0 $0x15C0;
	s16 =	simm.s32 @!p0 $0x33C0  }
0x1c6: {  	[tilespmem:s16], [sflag:$0x5] =	stream.indirect.gather @!p0 [hbm4b:s4+s1], $0x8, s0, s1, $0xb8;
	[tilespmem:$0x63C0] =	vst v63  }
0x1c7: {  	s0 =	simm.s32 @!p0 $0x1640;
	s16 =	simm.s32 @!p0 $0x37C0  }
0x1c8: {  	[tilespmem:s16], [sflag:$0x6] =	stream.indirect.gather @!p0 [hbm4b:s4+s1], $0x8, s0, s1, $0xb8;
	[tilespmem:$0x63C0] =	vst v63  }
0x1c9: {  	s0 =	simm.s32 @!p0 $0x16C0;
	s16 =	simm.s32 @!p0 $0x3BC0  }
0x1ca: {  	[tilespmem:s16], [sflag:$0x7] =	stream.indirect.gather @!p0 [hbm4b:s4+s1], $0x8, s0, s1, $0xb8;
	[tilespmem:$0x63C0] =	vst v63  }
0x1cb: {  	s0 =	simm.s32 @!p0 $0x1740;
	s16 =	simm.s32 @!p0 $0x3FC0  }
0x1cc: {  	[tilespmem:s16], [sflag:$0x8] =	stream.indirect.gather @!p0 [hbm4b:s4+s1], $0x8, s0, s1, $0xb8;
	[tilespmem:$0x63C0] =	vst v63  }
0x1cd: {  	_ =	swait.ge [sflag:s3], $0x400  }
0x1ce: {  	[sflag:s3] =	ssyncset.done $0x0  }
0x1cf: {  	s31 =	rddreg [dreg:$0x13];
	[sflag:s3] =	ssyncadd.s32 $0xFFFFFC00  }
0x1d0: {  	[spmem:s2] =	stream.indirect.scatter.add.f32 [tilespmem:s18], [sflag:$0x11], $0x8, s31, s14, $0xb8;
	[tilespmem:$0x63C0] =	vst v63  }
0x1d1: {  	_ =	swait.ge [sflag:s12], $0x400  }
0x1d2: {  	[sflag:s12] =	ssyncset.done $0x0  }
0x1d3: {  	[sflag:s12] =	ssyncadd.s32 $0xFFFFFC00  }
0x1d4: {  	_ =	swait.ge [sflag:s15], $0x400  }
0x1d5: {  	[sflag:s15] =	ssyncset.done $0x0  }
0x1d6: {  	s1 =	rddreg [dreg:$0x14];
	[sflag:s15] =	ssyncadd.s32 $0xFFFFFC00  }
0x1d7: {  	[spmem:s2] =	stream.indirect.scatter.add.f32 [tilespmem:s20], [sflag:$0x11], $0x8, s1, s14, $0xb8;
	[tilespmem:$0x63C0] =	vst v63  }
0x1d8: {  	_ =	swait.ge [sflag:s12], $0x400  }
0x1d9: {  	[sflag:s12] =	ssyncset.done $0x0  }
0x1da: {  	[sflag:s12] =	ssyncadd.s32 $0xFFFFFC00  }
0x1db: {  	_ =	swait.ge [sflag:s17], $0x400  }
0x1dc: {  	[sflag:s17] =	ssyncset.done $0x0  }
0x1dd: {  	s16 =	rddreg [dreg:$0x15];
	[sflag:s17] =	ssyncadd.s32 $0xFFFFFC00  }
0x1de: {  	[spmem:s2] =	stream.indirect.scatter.add.f32 [tilespmem:s22], [sflag:$0x11], $0x8, s16, s14, $0xb8;
	[tilespmem:$0x63C0] =	vst v63  }
0x1df: {  	_ =	swait.ge [sflag:s12], $0x400  }
0x1e0: {  	[sflag:s12] =	ssyncset.done $0x0  }
0x1e1: {  	[sflag:s12] =	ssyncadd.s32 $0xFFFFFC00  }
0x1e2: {  	_ =	swait.ge [sflag:s19], $0x400  }
0x1e3: {  	[sflag:s19] =	ssyncset.done $0x0  }
0x1e4: {  	s18 =	rddreg [dreg:$0x16];
	[sflag:s19] =	ssyncadd.s32 $0xFFFFFC00  }
0x1e5: {  	[spmem:s2] =	stream.indirect.scatter.add.f32 [tilespmem:s24], [sflag:$0x11], $0x8, s18, s14, $0xb8;
	[tilespmem:$0x63C0] =	vst v63  }
0x1e6: {  	_ =	swait.ge [sflag:s12], $0x400  }
0x1e7: {  	[sflag:s12] =	ssyncset.done $0x0  }
0x1e8: {  	[sflag:s12] =	ssyncadd.s32 $0xFFFFFC00  }
0x1e9: {  	_ =	swait.ge [sflag:s21], $0x400  }
0x1ea: {  	[sflag:s21] =	ssyncset.done $0x0  }
0x1eb: {  	s20 =	rddreg [dreg:$0x17];
	[sflag:s21] =	ssyncadd.s32 $0xFFFFFC00  }
0x1ec: {  	[spmem:s2] =	stream.indirect.scatter.add.f32 [tilespmem:s5], [sflag:$0x11], $0x8, s20, s14, $0xb8;
	[tilespmem:$0x63C0] =	vst v63  }
0x1ed: {  	_ =	swait.ge [sflag:s12], $0x400  }
0x1ee: {  	[sflag:s12] =	ssyncset.done $0x0  }
0x1ef: {  	[sflag:s12] =	ssyncadd.s32 $0xFFFFFC00  }
0x1f0: {  	_ =	swait.ge [sflag:s23], $0x400  }
0x1f1: {  	[sflag:s23] =	ssyncset.done $0x0  }
0x1f2: {  	s22 =	rddreg [dreg:$0x18];
	[sflag:s23] =	ssyncadd.s32 $0xFFFFFC00  }
0x1f3: {  	[spmem:s2] =	stream.indirect.scatter.add.f32 [tilespmem:s7], [sflag:$0x11], $0x8, s22, s14, $0xb8;
	[tilespmem:$0x63C0] =	vst v63  }
0x1f4: {  	_ =	swait.ge [sflag:s12], $0x400  }
0x1f5: {  	[sflag:s12] =	ssyncset.done $0x0  }
0x1f6: {  	[sflag:s12] =	ssyncadd.s32 $0xFFFFFC00  }
0x1f7: {  	_ =	swait.ge [sflag:s25], $0x400  }
0x1f8: {  	[sflag:s25] =	ssyncset.done $0x0  }
0x1f9: {  	s24 =	rddreg [dreg:$0x19];
	[sflag:s25] =	ssyncadd.s32 $0xFFFFFC00  }
0x1fa: {  	[spmem:s2] =	stream.indirect.scatter.add.f32 [tilespmem:s8], [sflag:$0x11], $0x8, s24, s14, $0xb8;
	[tilespmem:$0x63C0] =	vst v63  }
0x1fb: {  	_ =	swait.ge [sflag:s12], $0x400  }
0x1fc: {  	[sflag:s12] =	ssyncset.done $0x0  }
0x1fd: {  	[sflag:s12] =	ssyncadd.s32 $0xFFFFFC00  }
0x1fe: {  	_ =	swait.ge [sflag:s28], $0x400  }
0x1ff: {  	[sflag:s28] =	ssyncset.done $0x0  }
0x200: {  	s26 =	rddreg [dreg:$0x1a];
	[sflag:s28] =	ssyncadd.s32 $0xFFFFFC00  }
0x201: {  	[spmem:s2] =	stream.indirect.scatter.add.f32 [tilespmem:s9], [sflag:$0x11], $0x8, s26, s14, $0xb8;
	[tilespmem:$0x63C0] =	vst v63  }
0x202: {  	_ =	swait.ge [sflag:s12], $0x400  }
0x203: {  	[sflag:s12] =	ssyncset.done $0x0  }
0x204: {  	[sflag:s12] =	ssyncadd.s32 $0xFFFFFC00  }
0x205: {  	[bflag:$0x0] =	sbarrier.arrive $0xFFFF  }
0x206: {  	s1 =	sld [smem:$0x7FD]  }
0x207: {  	s16 =	rddreg [dreg:$0x1c]  }
0x208: {  	s29 =	rddreg [dreg:$0x1e]  }
0x209: {  	[hbm:s29], [sflag:s16] =	dma.local [spmem:s1], $0x278  }
0x20a: {  	_ =	swait.ge [sflag:s12], $0x278  }
0x20b: {  	s30 =	sld [smem:$0x7FC];
	_ =	sdelay $0x2  }
0x20c: {  	s31 =	rddreg [dreg:$0x1f];
	s5 =	sadd.s32 $0x1, s30  }
0x20d: {  	p0 =	sne.s32 s5, s31  }
.Ltmp1:
0x20e: {  	_ = 	snop;
	(pc) =	sbr.rel @p0 .LBB2_1-.Ltmp1, $3  }
0x20f: {  	_ =	sdelay $0x1  }
0x210: {  	[sflag:s12] =	ssyncset.done $0x0  }
0x211: {  	[sflag:s12] =	ssyncadd.s32 $0xFFFFFD88  }
0x212: {  	_ =	sfence.sel $0x180000  }
0x213: {  	[bflag:$0x0] =	sbarrier.arrive $0xFFFF  }
0x214: {  	_ =	strace $0x9000004A  }
0x215: {  	s0 =	stileid.u32;
	[bflag:$0x2] =	sbarrier.arrive $0xFFFF  }
0x216: {  	p0 =	sne.s32 s0, $0x0;
	s0 =	rddreg [dreg:$0x3]  }
0x217: {  	s0 =	sadd.s32 @!p0 $0x100000, s0  }
0x218: {  	[sflag:s0] =	ssyncadd.tile.s32 @!p0 $0x1;
	_ =	shalt  }
.Lfunc_end2:
_tile_overlayer_lowered:
.L_overlay_start_2:
0x219: {  	(tag) =	ssettag $0x2  }
0x21a: {  	s0 =	rddreg [dreg:$0x0];
	s2 =	stileid.u32  }
0x21b: {  	s1 =	rddreg [dreg:$0x1];
	p0 =	sne.s32 s2, $0x0  }
0x21c: {  	s3 =	rddreg [dreg:$0x2];
	[bflag:$0x3] =	sbarrier.arrive $0xFFFF;
	s2 =	simm.s32 @!p0 $0x1C11  }
0x21d: {  	[timem:s3], [sflag:s2] =	dma.local @!p0 [hbm:s0], s1  }
0x21e: {  	s0 =	simm.s32 @!p0 $0x11  }
0x21f: {  	_ =	swait.ge @!p0 [sflag:s0], s1  }
0x220: {  	s1 =	ssub.s32 @!p0 $0x0, s1;
	[sflag:s0] =	ssyncset.done @!p0 $0x0  }
0x221: {  	[sflag:s0] =	ssyncadd.s32 @!p0 s1  }
0x222: {  	[bflag:$0x3] =	sbarrier.arrive $0xFFFF  }
0x223: {  	_ =	shalt  }

// kernel: kernel.7.cloned.1.call-start
scs
__scs_entry_jumppad:
0x0: {  	(pc) =	sbr.rel $0x88, $3  }
0x1: {  	(tag) =	ssettag $0x0;
	lr =	simm.s32 $0x1  }
0x2: {  	[smem:$0x3F99] =	sst lr;
	_ =	strace $0xD0000000  }
0x3: {  	_ = 	snop  }
0x4: {  	_ = 	snop  }
0x5: {  	_ = 	snop  }
0x6: {  	_ = 	snop  }
0x7: {  	_ = 	snop  }
__scs_overlays_trampoline_lowered:
0x8: {  	[smem:$0x3FA8] =	sst s0  }
0x9: {  	[smem:$0x3FA9] =	sst s1  }
0xa: {  	[smem:$0x3FAA] =	sst s2  }
0xb: {  	[smem:$0x3FAB] =	sst s3  }
0xc: {  	[smem:$0x3FAC] =	sst s4  }
0xd: {  	[smem:$0x3FAD] =	sst s5  }
0xe: {  	[smem:$0x3FAE] =	sst s6  }
0xf: {  	[smem:$0x3FAF] =	sst s7  }
0x10: {  	[smem:$0x3FB0] =	sst s8  }
0x11: {  	[smem:$0x3FB1] =	sst s9;
	s0 =	simm.s32 @!p0 $0x0  }
0x12: {  	s1 =	sld [smem:$0x3F97];
	s0 =	simm.s32 @p0 $0x1  }
0x13: {  	[smem:$0x3FB2] =	sst s0;
	s0 =	simm.s32 @!p1 $0x0  }
0x14: {  	s2 =	sld [smem:$0x3F96];
	s0 =	simm.s32 @p1 $0x1  }
0x15: {  	[smem:$0x3FB3] =	sst s0;
	s0 =	simm.s32 @!p2 $0x0  }
0x16: {  	s3 =	sld [smem:$0x3FDB];
	s0 =	simm.s32 @p2 $0x1  }
0x17: {  	s4 =	simm.s32 $0x1BF5;
	[smem:$0x3FB5] =	sst s0  }
0x18: {  	s0 =	sld [smem:$0x3F98];
	_ =	swait.ge [sflag:s4], $0x0  }
0x19: {  	s7 =	sld [smem:$0x3F99]  }
0x1a: {  	s8 =	sadd.s32 $0xFFFFE003, lr  }
0x1b: {  	s9 =	sadd.s32 $0xFFFFFEF7, lr;
	s5 =	simm.s32 $0xFFFFFFFF;
	p2 =	slt.u32 s8, $0xFFFFF086  }
0x1c: {  	p1 =	slt.u32 s9, $0xF7A;
	s5 =	simm.s32 @!p2 $0x0  }
0x1d: {  	s5 =	simm.s32 @p1 $0x1;
	p0 =	seq.s32 s7, s2  }
0x1e: {  	s7 =	smul.u32 @!p0 $0xF7A, s2;
	p2 =	seq.s32 @!p0 s5, $0x0  }
0x1f: {  	s9 =	smul.u32 $0xF7A, s1;
	s8 =	simm.s32 @!p0 $0x1BF5;
	p2 =	por !p2, p0  }
0x20: {  	[sflag:s8] =	ssyncset.s32 @!p0 $0xFFFFF086;
	s6 =	sadd.s32 @!p0 s3, s7;
	s7 =	simm.s32 @!p0 $0x108  }
0x21: {  	s3 =	sadd.s32 s3, s9;
	s6 =	sadd.s32 @!p0 $0x88, s6;
	s7 =	simm.s32 @p2 $0x1082  }
0x22: {  	[simem:s7], [sflag:s8] =	dma.local @!p0 [hbm:s6], $0xF7A  }
0x23: {  	s9 =	sor.u32 $0xD0000000, s2;
	s6 =	simm.s32 $0x108;
	_ =	swait.ge @!p0 [sflag:s8], $0x0  }
0x24: {  	s3 =	sadd.s32 $0x88, s3;
	s6 =	simm.s32 @!p1 $0x1082;
	[sflag:s4] =	ssyncset.s32 $0xFFFFF086  }
0x25: {  	[simem:s6], [sflag:s4] =	dma.local [hbm:s3], $0xF7A  }
0x26: {  	[smem:$0x3F99] =	sst s1;
	(tag) =	ssettag s2;
	_ =	strace s9  }
0x27: {  	s1 =	sld [smem:$0x3FA9]  }
0x28: {  	s2 =	sld [smem:$0x3FAA]  }
0x29: {  	s4 =	sld [smem:$0x3FAC]  }
0x2a: {  	p0 =	seq.s32 s5, $0x0;
	s5 =	sld [smem:$0x3FAD]  }
0x2b: {  	s6 =	sld [smem:$0x3FAE]  }
0x2c: {  	s7 =	sld [smem:$0x3FAF]  }
0x2d: {  	s3 =	simm.s32 $0x108;
	s8 =	sld [smem:$0x3FB0]  }
0x2e: {  	s3 =	simm.s32 @!p0 $0x1082;
	s9 =	sld [smem:$0x3FB1]  }
0x2f: {  	lr =	sadd.s32 s0, s3;
	s0 =	sld [smem:$0x3FA8]  }
0x30: {  	s3 =	sld [smem:$0x3FAB]  }
0x31: {  	[smem:$0x3FB4] =	sst s10  }
0x32: {  	s10 =	sld [smem:$0x3FB2];
	_ =	sdelay $0x3  }
0x33: {  	p0 =	seq.s32 s10, $0x1;
	s10 =	sld [smem:$0x3FB4];
	_ =	sdelay $0x3  }
0x34: {  	[smem:$0x3FB4] =	sst s10  }
0x35: {  	s10 =	sld [smem:$0x3FB3];
	_ =	sdelay $0x3  }
0x36: {  	p1 =	seq.s32 s10, $0x1;
	s10 =	sld [smem:$0x3FB4];
	_ =	sdelay $0x3  }
0x37: {  	[smem:$0x3FB4] =	sst s10  }
0x38: {  	s10 =	sld [smem:$0x3FB5]  }
0x39: {  	_ = 	snop;
	(pc) =	sbr.ind lr, $3  }
0x3a: {  	_ = 	snop  }
0x3b: {  	_ = 	snop  }
0x3c: {  	p2 =	seq.s32 s10, $0x1;
	s10 =	sld [smem:$0x3FB4]  }
0x3d: {  	_ =	shalt  }
0x3e: {  	_ =	shalt  }
0x3f: {  	_ =	shalt  }
0x40: {  	_ =	shalt  }
0x41: {  	_ =	shalt  }
0x42: {  	_ =	shalt  }
0x43: {  	_ =	shalt  }
0x44: {  	_ =	shalt  }
0x45: {  	_ =	shalt  }
0x46: {  	_ =	shalt  }
0x47: {  	_ =	shalt  }
0x48: {  	_ =	shalt  }
0x49: {  	_ =	shalt  }
0x4a: {  	_ =	shalt  }
0x4b: {  	_ =	shalt  }
0x4c: {  	_ =	shalt  }
0x4d: {  	_ =	shalt  }
0x4e: {  	_ =	shalt  }
0x4f: {  	_ =	shalt  }
0x50: {  	_ =	shalt  }
0x51: {  	_ =	shalt  }
0x52: {  	_ =	shalt  }
0x53: {  	_ =	shalt  }
0x54: {  	_ =	shalt  }
0x55: {  	_ =	shalt  }
0x56: {  	_ =	shalt  }
0x57: {  	_ =	shalt  }
0x58: {  	_ =	shalt  }
0x59: {  	_ =	shalt  }
0x5a: {  	_ =	shalt  }
0x5b: {  	_ =	shalt  }
0x5c: {  	_ =	shalt  }
0x5d: {  	_ =	shalt  }
0x5e: {  	_ =	shalt  }
0x5f: {  	_ =	shalt  }
0x60: {  	_ =	shalt  }
0x61: {  	_ =	shalt  }
0x62: {  	_ =	shalt  }
0x63: {  	_ =	shalt  }
0x64: {  	_ =	shalt  }
0x65: {  	_ =	shalt  }
0x66: {  	_ =	shalt  }
0x67: {  	_ =	shalt  }
0x68: {  	_ =	shalt  }
0x69: {  	_ =	shalt  }
0x6a: {  	_ =	shalt  }
0x6b: {  	_ =	shalt  }
0x6c: {  	_ =	shalt  }
0x6d: {  	_ =	shalt  }
0x6e: {  	_ =	shalt  }
0x6f: {  	_ =	shalt  }
0x70: {  	_ =	shalt  }
0x71: {  	_ =	shalt  }
0x72: {  	_ =	shalt  }
0x73: {  	_ =	shalt  }
0x74: {  	_ =	shalt  }
0x75: {  	_ =	shalt  }
0x76: {  	_ =	shalt  }
0x77: {  	_ =	shalt  }
0x78: {  	_ =	shalt  }
0x79: {  	_ =	shalt  }
0x7a: {  	_ =	shalt  }
0x7b: {  	_ =	shalt  }
0x7c: {  	_ =	shalt  }
0x7d: {  	_ =	shalt  }
0x7e: {  	_ =	shalt  }
0x7f: {  	_ =	shalt  }
0x80: {  	_ =	shalt  }
0x81: {  	_ =	shalt  }
0x82: {  	_ =	shalt  }
0x83: {  	_ =	shalt  }
0x84: {  	_ =	shalt  }
0x85: {  	_ =	shalt  }
0x86: {  	_ =	shalt  }
0x87: {  	_ =	shalt  }
.Lfunc_end0:
.L_simem_size_0:
called_computation_lowered:
.L_overlay_start_0:
0x88: {  	s2 =	sld [smem:$0x3FD9]  }
0x89: {  	s3 =	sld [smem:$0x3FFE];
	_ =	sdelay $0x1  }
0x8a: {  	s1 =	srdreg.scid  }
0x8b: {  	s0 =	sand.u32 $0x1, s1  }
0x8c: {  	s17 =	sshll.u32 s0, $0xA;
	s2 =	sadd.s32 s3, s2  }
0x8d: {  	s2 =	sadd.s32 s2, s17  }
0x8e: {  	[smem:$0x3FC0] =	sst s2  }
0x8f: {  	_ = 	snop  }
0x90: {  	s2 =	sld [smem:$0x3FD0];
	(tm) =	ssettm $0x1  }
0x91: {  	s18 =	sld [smem:$0x3FFB];
	_ =	sdelay $0x3  }
0x92: {  	_ =	strace s18  }
0x93: {  	s3 =	sld [smem:$0x3FFC];
	_ =	sdelay $0x3  }
0x94: {  	_ =	strace s3  }
0x95: {  	s3 =	sld [smem:$0x3FFD];
	_ =	sdelay $0x3  }
0x96: {  	_ =	strace s3  }
0x97: {  	_ =	strace $0x8FFFFFFF  }
0x98: {  	s19 =	sld [smem:$0x3FDB];
	_ =	sdelay $0x1  }
0x99: {  	s4 =	simm.s32 $_scs_section_size  }
0x9a: {  	s5 =	simm.s32 $_size__tile_overlayer_lowered;
	s6 =	simm.s32 $_tile_overlayer_lowered  }
0x9b: {  	s22 =	simm.s32 $0x1BFF;
	s21 =	sshll.u32 s6, $0x1;
	s3 =	sadd.s32 s4, s19  }
0x9c: {  	s7 =	simm.s32 $0x0;
	s20 =	sshll.u32 s5, $0x1;
	s5 =	sadd.s32 s21, s3  }
0x9d: {  	[timem:s7], [sflag:s22] =	dma.local [hbm:s5], s20  }
0x9e: {  	_ =	swait.ge [sflag:s22], s20  }
0x9f: {  	s4 =	ssub.s32 $0x0, s20;
	[sflag:s22] =	ssyncset.done $0x0  }
0xa0: {  	[sflag:s22] =	ssyncadd.s32 s4;
	_ =	sdelay $0x1  }
0xa1: {  	s23 =	simm.s32 $0x1B8B  }
0xa2: {  	_ =	swait.ge [sflag:s23], $0x1  }
0xa3: {  	[sflag:s23] =	ssyncset.done $0x0  }
0xa4: {  	s25 =	simm.s32 $0x1B8E;
	s24 =	sld [smem:$0x3FFE];
	[sflag:s23] =	ssyncadd.s32 $0xFFFFFFFF  }
0xa5: {  	s26 =	simm.s32 $execute0_lowered;
	[smem:$0x3FD2] =	sst s25  }
0xa6: {  	s5 =	sshll.u32 s26, $0x1;
	_ =	strace $0x80000046;
	[dreg:$0x1] =	wrdreg $0xFFFFFFFF  }
0xa7: {  	s28 =	simm.s32 $_size_execute0_lowered;
	s3 =	sadd.s32 s3, s5;
	[dreg:$0x0] =	wrdreg $0x0  }
0xa8: {  	s5 =	sshll.u32 s28, $0x1;
	[dreg:$0x2] =	wrdreg s3  }
0xa9: {  	[dreg:$0x3] =	wrdreg s5  }
0xaa: {  	[dreg:$0x4] =	wrdreg $0xC0  }
0xab: {  	_ =	task [dreg:s7], $0x5FFFF  }
0xac: {  	[dreg:$0x1] =	wrdreg $0xFFFFFFFF  }
0xad: {  	[dreg:$0x0] =	wrdreg $0x60  }
0xae: {  	[dreg:$0x2] =	wrdreg s24  }
0xaf: {  	[dreg:$0x3] =	wrdreg s2  }
0xb0: {  	[dreg:$0x4] =	wrdreg $0x0  }
0xb1: {  	[dreg:$0x5] =	wrdreg $0xB7800  }
0xb2: {  	[dreg:$0x6] =	wrdreg $0x9  }
0xb3: {  	_ =	task.clear_ibuf [dreg:s7], $0x7FFFF;
	_ =	strace $0x90000046  }
0xb4: {  	s29 =	simm.s32 $0x9;
	_ =	strace $0x80000048  }
0xb5: {  	_ =	swait.ge [sflag:s29], $0x1  }
0xb6: {  	[sflag:s29] =	ssyncadd.s32 $0xFFFFFFFF  }
0xb7: {  	_ =	strace $0x90000048  }
0xb8: {  	_ =	sfence  }
0xb9: {  	s30 =	sld [smem:$0x0];
	_ =	sdelay $0x2  }
0xba: {  	s31 =	sshll.u32 s1, $0xD;
	s1 =	sshrl.u32 s1, $0x2  }
0xbb: {  	s3 =	sand.u32 $0x4000, s31;
	s1 =	sadd.s32 s1, s30  }
0xbc: {  	s0 =	sor.u32 s3, s0;
	s1 =	sshll.u32 s1, $0x11  }
0xbd: {  	s0 =	sor.u32 s1, s0  }
0xbe: {  	s0 =	sadd.s32 $0x8F2B, s0  }
0xbf: {  	[sflag:s0] =	ssyncadd.remote.s32 $0x1  }
0xc0: {  	_ =	sfence.sel $0xFFFF  }
0xc1: {  	[dreg:$0x0] =	wrdreg $0xFFFFFFFF;
	(pc) =	sbr.abs _section_cstart, $3  }
0xc2: {  	[dreg:$0x1] =	wrdreg $0xFFFFFFFF  }
0xc3: {  	_ =	task.clear_ibuf [dreg:s7], $0x2FFFF;
	_ =	strace $0x9FFFFFFF  }
0xc4: {  	(tm) =	ssettm $0x7FFFFFFF  }
0xc5: {  	_ =	shalt  }
tec
execute0_lowered:
.L_overlay_start_1:
0x0: {  	(tag) =	ssettag $0x1  }
0x1: {  	s0 =	rddreg [dreg:$0x0]  }
0x2: {  	s1 =	rddreg [dreg:$0x1]  }
0x3: {  	s2 =	rddreg [dreg:$0x2];
	s13 =	stileid.u32  }
0x4: {  	s4 =	srdreg.scid;
	s3 =	rddreg [dreg:$0x3];
	s5 =	simm.s32 $0x0  }
0x5: {  	s23 =	simm.s32 $0x3000;
	s24 =	simm.s32 $0x3080;
	s25 =	simm.s32 $0x3100  }
0x6: {  	s26 =	simm.s32 $0x3180;
	s28 =	simm.s32 $0x3200;
	s31 =	simm.s32 $0x9  }
0x7: {  	s6 =	smul.u32 $0x2780, s13;
	s4 =	sand.u32 $0x1, s4;
	[smem:$0x7FF] =	sst s5  }
0x8: {  	s8 =	smul.u32 $0x13C0, s13;
	s5 =	sadd.s32 $0x29200, s0;
	s12 =	sadd.s32 $0x42200, s0  }
0x9: {  	s20 =	smul.u32 $0xA00, s13;
	_ =	strace $0x80000047;
	[dreg:$0xc] =	wrdreg s12  }
0xa: {  	s11 =	sadd.s32 $0x2E200, s0;
	s7 =	smul.u32 $0x27800, s4;
	[dreg:$0x5] =	wrdreg s23  }
0xb: {  	s15 =	sshll.u32 s13, $0x6;
	s10 =	smul.u32 $0x13C00, s4;
	[dreg:$0x6] =	wrdreg s24  }
0xc: {  	s29 =	ssub.s32 $0x2, s4;
	s14 =	sshll.u32 s4, $0x4;
	[dreg:$0x7] =	wrdreg s25  }
0xd: {  	s15 =	sor.u32 $0x1C11, s15;
	s17 =	smul.u32 $0xA000, s4;
	[dreg:$0x8] =	wrdreg s26  }
0xe: {  	[dreg:$0x9] =	wrdreg s28;
	s26 =	simm.s32 $0x8;
	s24 =	simm.s32 $0xA  }
0xf: {  	s25 =	simm.s32 $0xF;
	s9 =	sshrl.u32 s6, $0x3;
	s30 =	sshrl.u32 s29, $0x1  }
0x10: {  	s12 =	sor.u32 s13, s14;
	s16 =	sshrl.u32 s8, $0x3;
	[dreg:$0xe] =	wrdreg s15  }
0x11: {  	s9 =	sadd.s32 s9, s0;
	s7 =	sadd.s32 s6, s7;
	s10 =	sadd.s32 s8, s10  }
0x12: {  	s6 =	sadd.s32 s6, s2;
	s12 =	smul.u32 $0xA00, s12;
	s8 =	sadd.s32 s8, s3  }
0x13: {  	s1 =	sadd.s32 s1, s16;
	s22 =	sadd.s32 s17, s11;
	s16 =	simm.s32 $0x11  }
0x14: {  	s7 =	sshrl.u32 s7, $0x3;
	s10 =	sshrl.u32 s10, $0x3;
	s9 =	sadd.s32 $0x42400, s9  }
0x15: {  	[dreg:$0xf] =	wrdreg s1;
	s14 =	sadd.s32 s20, s22;
	s6 =	sshrl.u32 s6, $0x3  }
0x16: {  	s20 =	simm.s32 $0x80;
	s7 =	sadd.s32 s7, s0;
	[dreg:$0xd] =	wrdreg s9  }
0x17: {  	s0 =	sadd.s32 s10, s0;
	s18 =	sadd.s32 s11, s12;
	[dreg:$0x14] =	wrdreg s6  }
0x18: {  	s10 =	ssub.s32 s29, s30;
	s29 =	simm.s32 $0x3280;
	[dreg:$0x10] =	wrdreg s18  }
0x19: {  	s22 =	simm.s32 $0x10;
	s30 =	simm.s32 $0x3300;
	[dreg:$0xa] =	wrdreg s29  }
0x1a: {  	s1 =	simm.s32 $0x0;
	s19 =	sadd.s32 $0x47400, s7;
	[dreg:$0xb] =	wrdreg s30  }
0x1b: {  	s9 =	simm.s32 $0xC;
	s0 =	sadd.s32 $0x51200, s0;
	[dreg:$0x11] =	wrdreg s19  }
0x1c: {  	s12 =	simm.s32 $0xD;
	s21 =	smax.u32 s10, $0x1;
	[dreg:$0x12] =	wrdreg s0  }
0x1d: {  	s10 =	sshrl.u32 s8, $0x3;
	s18 =	simm.s32 $0xCB40;
	[dreg:$0x13] =	wrdreg s21  }
0x1e: {  	s7 =	simm.s32 $0xB;
	s8 =	simm.s32 $0xE;
	[dreg:$0x15] =	wrdreg s10  }
.LBB2_1:
0x1f: {  	[dreg:$0x16] =	wrdreg s1  }
0x20: {  	s0 =	rddreg [dreg:$0xd]  }
0x21: {  	[spmem:s6], [sflag:s15] =	dma.local [hbm:s0], $0x4F0  }
0x22: {  	_ =	swait.ge [sflag:s16], $0x4F0  }
0x23: {  	[sflag:s16] =	ssyncset.done $0x0  }
0x24: {  	s13 =	rddreg [dreg:$0xf];
	[sflag:s16] =	ssyncadd.s32 $0xFFFFFB10  }
0x25: {  	[spmem:s10], [sflag:s15] =	dma.local [hbm:s13], $0x278  }
0x26: {  	_ =	swait.ge [sflag:s16], $0x278  }
0x27: {  	[sflag:s16] =	ssyncset.done $0x0  }
0x28: {  	s15 =	simm.s32 $0x0;
	s17 =	rddreg [dreg:$0xc];
	[sflag:s16] =	ssyncadd.s32 $0xFFFFFD88  }
0x29: {  	[tilespmem:s18], [sflag:$0x11] =	stream.linear.gather [hbm4b:s17+s15], $0x400, $0x38;
	[tilespmem:$0xCF40] =	vst v63  }
0x2a: {  	_ =	swait.ge [sflag:s16], $0x400  }
0x2b: {  	[sflag:s16] =	ssyncset.done $0x0  }
0x2c: {  	[sflag:s16] =	ssyncadd.s32 $0xFFFFFC00  }
0x2d: {  	[bflag:$0x0] =	sbarrier.arrive $0xFFFF  }
0x2e: {  	s21 =	simm.s32 $0x2780;
	s19 =	rddreg [dreg:$0x10]  }
0x2f: {  	[tilespmem:s21], [sflag:$0x11] =	stream.linear.gather [hbm4b:s19+s15], $0x800, $0x38;
	[tilespmem:$0xCF40] =	vst v63  }
0x30: {  	_ =	swait.ge [sflag:s16], $0x800  }
0x31: {  	[sflag:s16] =	ssyncset.done $0x0  }
0x32: {  	s19 =	simm.s32 $0x3780;
	[sflag:s16] =	ssyncadd.s32 $0xFFFFF800  }
0x33: {  	[tilespmem:s19], [sflag:$0x1] =	stream.indirect.gather [hbm4b:s5+s20], $0x10, s21, s20, $0xb8;
	[tilespmem:$0xCF40] =	vst v63  }
0x34: {  	s23 =	simm.s32 $0x2800;
	s10 =	simm.s32 $0x3F80  }
0x35: {  	[tilespmem:s10], [sflag:$0x2] =	stream.indirect.gather [hbm4b:s5+s20], $0x10, s23, s20, $0xb8;
	[tilespmem:$0xCF40] =	vst v63  }
0x36: {  	s28 =	simm.s32 $0x2880;
	s21 =	simm.s32 $0x4780  }
0x37: {  	[tilespmem:s21], [sflag:$0x3] =	stream.indirect.gather [hbm4b:s5+s20], $0x10, s28, s20, $0xb8;
	[tilespmem:$0xCF40] =	vst v63  }
0x38: {  	s29 =	simm.s32 $0x2900;
	s30 =	simm.s32 $0x4F80  }
0x39: {  	[tilespmem:s30], [sflag:$0x4] =	stream.indirect.gather [hbm4b:s5+s20], $0x10, s29, s20, $0xb8;
	[tilespmem:$0xCF40] =	vst v63  }
0x3a: {  	s1 =	simm.s32 $0x2980;
	s4 =	simm.s32 $0x5780  }
0x3b: {  	[tilespmem:s4], [sflag:$0x5] =	stream.indirect.gather [hbm4b:s5+s20], $0x10, s1, s20, $0xb8;
	[tilespmem:$0xCF40] =	vst v63  }
0x3c: {  	s11 =	simm.s32 $0x5F80;
	s6 =	simm.s32 $0x2A00  }
0x3d: {  	[tilespmem:s11], [sflag:$0x6] =	stream.indirect.gather [hbm4b:s5+s20], $0x10, s6, s20, $0xb8;
	[tilespmem:$0xCF40] =	vst v63  }
0x3e: {  	s13 =	simm.s32 $0x2A80;
	s17 =	simm.s32 $0x6780  }
0x3f: {  	[tilespmem:s17], [sflag:$0x7] =	stream.indirect.gather [hbm4b:s5+s20], $0x10, s13, s20, $0xb8;
	[tilespmem:$0xCF40] =	vst v63  }
0x40: {  	s23 =	simm.s32 $0x2B00;
	s28 =	sadd.s32 $0xFFFFF600, s14;
	s29 =	simm.s32 $0x6F80  }
0x41: {  	[tilespmem:s29], [sflag:$0x8] =	stream.indirect.gather [hbm4b:s5+s20], $0x10, s23, s20, $0xb8;
	[tilespmem:$0xCF40] =	vst v63  }
0x42: {  	s0 =	sadd.s32 $0xB00, s28;
	s1 =	simm.s32 $0x2F80  }
0x43: {  	[tilespmem:s1], [sflag:$0x11] =	stream.linear.gather [hbm4b:s0+s15], $0x800, $0x38;
	[tilespmem:$0xCF40] =	vst v63  }
0x44: {  	_ =	swait.ge [sflag:s16], $0x800  }
0x45: {  	[sflag:s16] =	ssyncset.done $0x0  }
0x46: {  	s15 =	simm.s32 $0x7780;
	[sflag:s16] =	ssyncadd.s32 $0xFFFFF800  }
0x47: {  	[tilespmem:s15], [sflag:$0x9] =	stream.indirect.gather [hbm4b:s5+s20], $0x10, s1, s20, $0xb8;
	[tilespmem:$0xCF40] =	vst v63  }
0x48: {  	s17 =	rddreg [dreg:$0x5];
	s1 =	simm.s32 $0x7F80  }
0x49: {  	[tilespmem:s1], [sflag:$0xA] =	stream.indirect.gather [hbm4b:s5+s20], $0x10, s17, s20, $0xb8;
	[tilespmem:$0xCF40] =	vst v63  }
0x4a: {  	s23 =	rddreg [dreg:$0x6];
	s17 =	simm.s32 $0x8780  }
0x4b: {  	[tilespmem:s17], [sflag:$0xB] =	stream.indirect.gather [hbm4b:s5+s20], $0x10, s23, s20, $0xb8;
	[tilespmem:$0xCF40] =	vst v63  }
0x4c: {  	s28 =	rddreg [dreg:$0x7];
	s23 =	simm.s32 $0x8F80  }
0x4d: {  	[tilespmem:s23], [sflag:$0xC] =	stream.indirect.gather [hbm4b:s5+s20], $0x10, s28, s20, $0xb8;
	[tilespmem:$0xCF40] =	vst v63  }
0x4e: {  	s6 =	rddreg [dreg:$0x8];
	s28 =	simm.s32 $0x9780  }
0x4f: {  	[tilespmem:s28], [sflag:$0xD] =	stream.indirect.gather [hbm4b:s5+s20], $0x10, s6, s20, $0xb8;
	[tilespmem:$0xCF40] =	vst v63  }
0x50: {  	s0 =	rddreg [dreg:$0x9];
	s28 =	simm.s32 $0x9F80  }
0x51: {  	[tilespmem:s28], [sflag:$0xE] =	stream.indirect.gather [hbm4b:s5+s20], $0x10, s0, s20, $0xb8;
	[tilespmem:$0xCF40] =	vst v63  }
0x52: {  	s6 =	rddreg [dreg:$0xa];
	s28 =	simm.s32 $0xA780  }
0x53: {  	[tilespmem:s28], [sflag:$0xF] =	stream.indirect.gather [hbm4b:s5+s20], $0x10, s6, s20, $0xb8;
	[tilespmem:$0xCF40] =	vst v63  }
0x54: {  	s0 =	rddreg [dreg:$0xb];
	s6 =	simm.s32 $0xAF80  }
0x55: {  	[tilespmem:s6], [sflag:$0x10] =	stream.indirect.gather [hbm4b:s5+s20], $0x10, s0, s20, $0xb8;
	[tilespmem:$0xCF40] =	vst v63  }
0x56: {  	s6 =	simm.s32 $0x1  }
0x57: {  	_ =	swait.ge [sflag:s6], $0x800  }
0x58: {  	[sflag:s6] =	ssyncset.done $0x0  }
0x59: {  	[sflag:s6] =	ssyncadd.s32 $0xFFFFF800;
	s6 =	simm.s32 $0x2B80  }
0x5a: {  	[spmem:s2] =	stream.indirect.scatter.add.f32 [tilespmem:s19], [sflag:$0x11], $0x10, s6, s20, $0xb8;
	[tilespmem:$0xCF40] =	vst v63  }
0x5b: {  	_ =	swait.ge [sflag:s16], $0x800  }
0x5c: {  	[sflag:s16] =	ssyncset.done $0x0  }
0x5d: {  	[sflag:s16] =	ssyncadd.s32 $0xFFFFF800  }
0x5e: {  	[spmem:s3] =	stream.indirect.scatter.add.f32 [tilespmem:s18], [sflag:$0x11], $0x8, s6, s20, $0xb8;
	[tilespmem:$0xCF40] =	vst v63  }
0x5f: {  	_ =	swait.ge [sflag:s16], $0x400  }
0x60: {  	[sflag:s16] =	ssyncset.done $0x0  }
0x61: {  	s6 =	simm.s32 $0x2;
	[sflag:s16] =	ssyncadd.s32 $0xFFFFFC00  }
0x62: {  	_ =	swait.ge [sflag:s6], $0x800  }
0x63: {  	[sflag:s6] =	ssyncset.done $0x0  }
0x64: {  	s19 =	simm.s32 $0x2C00;
	[sflag:s6] =	ssyncadd.s32 $0xFFFFF800  }
0x65: {  	[spmem:s2] =	stream.indirect.scatter.add.f32 [tilespmem:s10], [sflag:$0x11], $0x10, s19, s20, $0xb8;
	[tilespmem:$0xCF40] =	vst v63  }
0x66: {  	_ =	swait.ge [sflag:s16], $0x800  }
0x67: {  	[sflag:s16] =	ssyncset.done $0x0  }
0x68: {  	[sflag:s16] =	ssyncadd.s32 $0xFFFFF800  }
0x69: {  	[spmem:s3] =	stream.indirect.scatter.add.f32 [tilespmem:s18], [sflag:$0x11], $0x8, s19, s20, $0xb8;
	[tilespmem:$0xCF40] =	vst v63  }
0x6a: {  	_ =	swait.ge [sflag:s16], $0x400  }
0x6b: {  	[sflag:s16] =	ssyncset.done $0x0  }
0x6c: {  	s6 =	simm.s32 $0x3;
	[sflag:s16] =	ssyncadd.s32 $0xFFFFFC00  }
0x6d: {  	_ =	swait.ge [sflag:s6], $0x800  }
0x6e: {  	[sflag:s6] =	ssyncset.done $0x0  }
0x6f: {  	s10 =	simm.s32 $0x2C80;
	[sflag:s6] =	ssyncadd.s32 $0xFFFFF800  }
0x70: {  	[spmem:s2] =	stream.indirect.scatter.add.f32 [tilespmem:s21], [sflag:$0x11], $0x10, s10, s20, $0xb8;
	[tilespmem:$0xCF40] =	vst v63  }
0x71: {  	_ =	swait.ge [sflag:s16], $0x800  }
0x72: {  	[sflag:s16] =	ssyncset.done $0x0  }
0x73: {  	[sflag:s16] =	ssyncadd.s32 $0xFFFFF800  }
0x74: {  	[spmem:s3] =	stream.indirect.scatter.add.f32 [tilespmem:s18], [sflag:$0x11], $0x8, s10, s20, $0xb8;
	[tilespmem:$0xCF40] =	vst v63  }
0x75: {  	_ =	swait.ge [sflag:s16], $0x400  }
0x76: {  	[sflag:s16] =	ssyncset.done $0x0  }
0x77: {  	s19 =	simm.s32 $0x4;
	[sflag:s16] =	ssyncadd.s32 $0xFFFFFC00  }
0x78: {  	_ =	swait.ge [sflag:s19], $0x800  }
0x79: {  	[sflag:s19] =	ssyncset.done $0x0  }
0x7a: {  	s21 =	simm.s32 $0x2D00;
	[sflag:s19] =	ssyncadd.s32 $0xFFFFF800  }
0x7b: {  	[spmem:s2] =	stream.indirect.scatter.add.f32 [tilespmem:s30], [sflag:$0x11], $0x10, s21, s20, $0xb8;
	[tilespmem:$0xCF40] =	vst v63  }
0x7c: {  	_ =	swait.ge [sflag:s16], $0x800  }
0x7d: {  	[sflag:s16] =	ssyncset.done $0x0  }
0x7e: {  	[sflag:s16] =	ssyncadd.s32 $0xFFFFF800  }
0x7f: {  	[spmem:s3] =	stream.indirect.scatter.add.f32 [tilespmem:s18], [sflag:$0x11], $0x8, s21, s20, $0xb8;
	[tilespmem:$0xCF40] =	vst v63  }
0x80: {  	_ =	swait.ge [sflag:s16], $0x400  }
0x81: {  	[sflag:s16] =	ssyncset.done $0x0  }
0x82: {  	s30 =	simm.s32 $0x5;
	[sflag:s16] =	ssyncadd.s32 $0xFFFFFC00  }
0x83: {  	_ =	swait.ge [sflag:s30], $0x800  }
0x84: {  	[sflag:s30] =	ssyncset.done $0x0  }
0x85: {  	s4 =	simm.s32 $0x5780;
	s6 =	simm.s32 $0x2D80;
	[sflag:s30] =	ssyncadd.s32 $0xFFFFF800  }
0x86: {  	[spmem:s2] =	stream.indirect.scatter.add.f32 [tilespmem:s4], [sflag:$0x11], $0x10, s6, s20, $0xb8;
	[tilespmem:$0xCF40] =	vst v63  }
0x87: {  	_ =	swait.ge [sflag:s16], $0x800  }
0x88: {  	[sflag:s16] =	ssyncset.done $0x0  }
0x89: {  	[sflag:s16] =	ssyncadd.s32 $0xFFFFF800  }
0x8a: {  	[spmem:s3] =	stream.indirect.scatter.add.f32 [tilespmem:s18], [sflag:$0x11], $0x8, s6, s20, $0xb8;
	[tilespmem:$0xCF40] =	vst v63  }
0x8b: {  	_ =	swait.ge [sflag:s16], $0x400  }
0x8c: {  	[sflag:s16] =	ssyncset.done $0x0  }
0x8d: {  	s10 =	simm.s32 $0x6;
	[sflag:s16] =	ssyncadd.s32 $0xFFFFFC00  }
0x8e: {  	_ =	swait.ge [sflag:s10], $0x800  }
0x8f: {  	[sflag:s10] =	ssyncset.done $0x0  }
0x90: {  	s11 =	simm.s32 $0x5F80;
	s19 =	simm.s32 $0x2E00;
	[sflag:s10] =	ssyncadd.s32 $0xFFFFF800  }
0x91: {  	[spmem:s2] =	stream.indirect.scatter.add.f32 [tilespmem:s11], [sflag:$0x11], $0x10, s19, s20, $0xb8;
	[tilespmem:$0xCF40] =	vst v63  }
0x92: {  	_ =	swait.ge [sflag:s16], $0x800  }
0x93: {  	[sflag:s16] =	ssyncset.done $0x0  }
0x94: {  	[sflag:s16] =	ssyncadd.s32 $0xFFFFF800  }
0x95: {  	[spmem:s3] =	stream.indirect.scatter.add.f32 [tilespmem:s18], [sflag:$0x11], $0x8, s19, s20, $0xb8;
	[tilespmem:$0xCF40] =	vst v63  }
0x96: {  	_ =	swait.ge [sflag:s16], $0x400  }
0x97: {  	[sflag:s16] =	ssyncset.done $0x0  }
0x98: {  	s21 =	simm.s32 $0x7;
	[sflag:s16] =	ssyncadd.s32 $0xFFFFFC00  }
0x99: {  	_ =	swait.ge [sflag:s21], $0x800  }
0x9a: {  	[sflag:s21] =	ssyncset.done $0x0  }
0x9b: {  	s13 =	simm.s32 $0x6780;
	s30 =	simm.s32 $0x2E80;
	[sflag:s21] =	ssyncadd.s32 $0xFFFFF800  }
0x9c: {  	[spmem:s2] =	stream.indirect.scatter.add.f32 [tilespmem:s13], [sflag:$0x11], $0x10, s30, s20, $0xb8;
	[tilespmem:$0xCF40] =	vst v63  }
0x9d: {  	_ =	swait.ge [sflag:s16], $0x800  }
0x9e: {  	[sflag:s16] =	ssyncset.done $0x0  }
0x9f: {  	[sflag:s16] =	ssyncadd.s32 $0xFFFFF800  }
0xa0: {  	[spmem:s3] =	stream.indirect.scatter.add.f32 [tilespmem:s18], [sflag:$0x11], $0x8, s30, s20, $0xb8;
	[tilespmem:$0xCF40] =	vst v63  }
0xa1: {  	_ =	swait.ge [sflag:s16], $0x400  }
0xa2: {  	[sflag:s16] =	ssyncset.done $0x0  }
0xa3: {  	[sflag:s16] =	ssyncadd.s32 $0xFFFFFC00  }
0xa4: {  	_ =	swait.ge [sflag:s26], $0x800  }
0xa5: {  	[sflag:s26] =	ssyncset.done $0x0  }
0xa6: {  	s4 =	simm.s32 $0x2F00;
	[sflag:s26] =	ssyncadd.s32 $0xFFFFF800  }
0xa7: {  	[spmem:s2] =	stream.indirect.scatter.add.f32 [tilespmem:s29], [sflag:$0x11], $0x10, s4, s20, $0xb8;
	[tilespmem:$0xCF40] =	vst v63  }
0xa8: {  	_ =	swait.ge [sflag:s16], $0x800  }
0xa9: {  	[sflag:s16] =	ssyncset.done $0x0  }
0xaa: {  	p0 =	por $0x0, $0x0;
	[sflag:s16] =	ssyncadd.s32 $0xFFFFF800  }
0xab: {  	[spmem:s3] =	stream.indirect.scatter.add.f32 [tilespmem:s18], [sflag:$0x11], $0x8, s4, s20, $0xb8;
	[tilespmem:$0xCF40] =	vst v63  }
0xac: {  	s0 =	sadd.s32 @!p0 $0xFFFFF600, s14;
	_ =	swait.ge [sflag:s16], $0x400  }
0xad: {  	s0 =	sadd.s32 @!p0 $0xC00, s0;
	[sflag:s16] =	ssyncset.done $0x0  }
0xae: {  	s6 =	simm.s32 @!p0 $0x0;
	s19 =	simm.s32 @!p0 $0x2780;
	[sflag:s16] =	ssyncadd.s32 $0xFFFFFC00  }
0xaf: {  	[tilespmem:s19], [sflag:$0x11] =	stream.linear.gather @!p0 [hbm4b:s0+s6], $0x800, $0x38;
	[tilespmem:$0xCF40] =	vst v63  }
0xb0: {  	s0 =	simm.s32 @!p0 $0x11  }
0xb1: {  	_ =	swait.ge @!p0 [sflag:s0], $0x800  }
0xb2: {  	[sflag:s0] =	ssyncset.done @!p0 $0x0  }
0xb3: {  	s6 =	simm.s32 @!p0 $0x80;
	[sflag:s0] =	ssyncadd.s32 @!p0 $0xFFFFF800;
	s0 =	simm.s32 @!p0 $0x3780  }
0xb4: {  	[tilespmem:s0], [sflag:$0x1] =	stream.indirect.gather @!p0 [hbm4b:s5+s6], $0x10, s19, s6, $0xb8;
	[tilespmem:$0xCF40] =	vst v63  }
0xb5: {  	s0 =	simm.s32 @!p0 $0x2800;
	s19 =	simm.s32 @!p0 $0x3F80  }
0xb6: {  	[tilespmem:s19], [sflag:$0x2] =	stream.indirect.gather @!p0 [hbm4b:s5+s6], $0x10, s0, s6, $0xb8;
	[tilespmem:$0xCF40] =	vst v63  }
0xb7: {  	s0 =	simm.s32 @!p0 $0x2880;
	s19 =	simm.s32 @!p0 $0x4780  }
0xb8: {  	[tilespmem:s19], [sflag:$0x3] =	stream.indirect.gather @!p0 [hbm4b:s5+s6], $0x10, s0, s6, $0xb8;
	[tilespmem:$0xCF40] =	vst v63  }
0xb9: {  	s0 =	simm.s32 @!p0 $0x2900;
	s19 =	simm.s32 @!p0 $0x4F80  }
0xba: {  	[tilespmem:s19], [sflag:$0x4] =	stream.indirect.gather @!p0 [hbm4b:s5+s6], $0x10, s0, s6, $0xb8;
	[tilespmem:$0xCF40] =	vst v63  }
0xbb: {  	s0 =	simm.s32 @!p0 $0x2980;
	s19 =	simm.s32 @!p0 $0x5780  }
0xbc: {  	[tilespmem:s19], [sflag:$0x5] =	stream.indirect.gather @!p0 [hbm4b:s5+s6], $0x10, s0, s6, $0xb8;
	[tilespmem:$0xCF40] =	vst v63  }
0xbd: {  	s0 =	simm.s32 @!p0 $0x2A00;
	s19 =	simm.s32 @!p0 $0x5F80  }
0xbe: {  	[tilespmem:s19], [sflag:$0x6] =	stream.indirect.gather @!p0 [hbm4b:s5+s6], $0x10, s0, s6, $0xb8;
	[tilespmem:$0xCF40] =	vst v63  }
0xbf: {  	s0 =	simm.s32 @!p0 $0x2A80;
	s19 =	simm.s32 @!p0 $0x6780  }
0xc0: {  	[tilespmem:s19], [sflag:$0x7] =	stream.indirect.gather @!p0 [hbm4b:s5+s6], $0x10, s0, s6, $0xb8;
	[tilespmem:$0xCF40] =	vst v63  }
0xc1: {  	s0 =	simm.s32 @!p0 $0x2B00;
	s19 =	simm.s32 @!p0 $0x6F80  }
0xc2: {  	[tilespmem:s19], [sflag:$0x8] =	stream.indirect.gather @!p0 [hbm4b:s5+s6], $0x10, s0, s6, $0xb8;
	[tilespmem:$0xCF40] =	vst v63  }
0xc3: {  	_ =	swait.ge [sflag:s31], $0x800  }
0xc4: {  	[sflag:s31] =	ssyncset.done $0x0  }
0xc5: {  	s6 =	simm.s32 $0x3380;
	[sflag:s31] =	ssyncadd.s32 $0xFFFFF800  }
0xc6: {  	[spmem:s2] =	stream.indirect.scatter.add.f32 [tilespmem:s15], [sflag:$0x11], $0x10, s6, s20, $0xb8;
	[tilespmem:$0xCF40] =	vst v63  }
0xc7: {  	_ =	swait.ge [sflag:s16], $0x800  }
0xc8: {  	[sflag:s16] =	ssyncset.done $0x0  }
0xc9: {  	[sflag:s16] =	ssyncadd.s32 $0xFFFFF800  }
0xca: {  	[spmem:s3] =	stream.indirect.scatter.add.f32 [tilespmem:s18], [sflag:$0x11], $0x8, s6, s20, $0xb8;
	[tilespmem:$0xCF40] =	vst v63  }
0xcb: {  	_ =	swait.ge [sflag:s16], $0x400  }
0xcc: {  	[sflag:s16] =	ssyncset.done $0x0  }
0xcd: {  	[sflag:s16] =	ssyncadd.s32 $0xFFFFFC00  }
0xce: {  	_ =	swait.ge [sflag:s24], $0x800  }
0xcf: {  	[sflag:s24] =	ssyncset.done $0x0  }
0xd0: {  	s10 =	simm.s32 $0x3400;
	[sflag:s24] =	ssyncadd.s32 $0xFFFFF800  }
0xd1: {  	[spmem:s2] =	stream.indirect.scatter.add.f32 [tilespmem:s1], [sflag:$0x11], $0x10, s10, s20, $0xb8;
	[tilespmem:$0xCF40] =	vst v63  }
0xd2: {  	_ =	swait.ge [sflag:s16], $0x800  }
0xd3: {  	[sflag:s16] =	ssyncset.done $0x0  }
0xd4: {  	[sflag:s16] =	ssyncadd.s32 $0xFFFFF800  }
0xd5: {  	[spmem:s3] =	stream.indirect.scatter.add.f32 [tilespmem:s18], [sflag:$0x11], $0x8, s10, s20, $0xb8;
	[tilespmem:$0xCF40] =	vst v63  }
0xd6: {  	_ =	swait.ge [sflag:s16], $0x400  }
0xd7: {  	[sflag:s16] =	ssyncset.done $0x0  }
0xd8: {  	[sflag:s16] =	ssyncadd.s32 $0xFFFFFC00  }
0xd9: {  	_ =	swait.ge [sflag:s7], $0x800  }
0xda: {  	[sflag:s7] =	ssyncset.done $0x0  }
0xdb: {  	s11 =	simm.s32 $0x3480;
	[sflag:s7] =	ssyncadd.s32 $0xFFFFF800  }
0xdc: {  	[spmem:s2] =	stream.indirect.scatter.add.f32 [tilespmem:s17], [sflag:$0x11], $0x10, s11, s20, $0xb8;
	[tilespmem:$0xCF40] =	vst v63  }
0xdd: {  	_ =	swait.ge [sflag:s16], $0x800  }
0xde: {  	[sflag:s16] =	ssyncset.done $0x0  }
0xdf: {  	[sflag:s16] =	ssyncadd.s32 $0xFFFFF800  }
0xe0: {  	[spmem:s3] =	stream.indirect.scatter.add.f32 [tilespmem:s18], [sflag:$0x11], $0x8, s11, s20, $0xb8;
	[tilespmem:$0xCF40] =	vst v63  }
0xe1: {  	_ =	swait.ge [sflag:s16], $0x400  }
0xe2: {  	[sflag:s16] =	ssyncset.done $0x0  }
0xe3: {  	[sflag:s16] =	ssyncadd.s32 $0xFFFFFC00  }
0xe4: {  	_ =	swait.ge [sflag:s9], $0x800  }
0xe5: {  	[sflag:s9] =	ssyncset.done $0x0  }
0xe6: {  	s13 =	simm.s32 $0x3500;
	[sflag:s9] =	ssyncadd.s32 $0xFFFFF800  }
0xe7: {  	[spmem:s2] =	stream.indirect.scatter.add.f32 [tilespmem:s23], [sflag:$0x11], $0x10, s13, s20, $0xb8;
	[tilespmem:$0xCF40] =	vst v63  }
0xe8: {  	_ =	swait.ge [sflag:s16], $0x800  }
0xe9: {  	[sflag:s16] =	ssyncset.done $0x0  }
0xea: {  	[sflag:s16] =	ssyncadd.s32 $0xFFFFF800  }
0xeb: {  	[spmem:s3] =	stream.indirect.scatter.add.f32 [tilespmem:s18], [sflag:$0x11], $0x8, s13, s20, $0xb8;
	[tilespmem:$0xCF40] =	vst v63  }
0xec: {  	_ =	swait.ge [sflag:s16], $0x400  }
0xed: {  	[sflag:s16] =	ssyncset.done $0x0  }
0xee: {  	[sflag:s16] =	ssyncadd.s32 $0xFFFFFC00  }
0xef: {  	_ =	swait.ge [sflag:s12], $0x800  }
0xf0: {  	[sflag:s12] =	ssyncset.done $0x0  }
0xf1: {  	s15 =	simm.s32 $0x3580;
	s17 =	simm.s32 $0x9780;
	[sflag:s12] =	ssyncadd.s32 $0xFFFFF800  }
0xf2: {  	[spmem:s2] =	stream.indirect.scatter.add.f32 [tilespmem:s17], [sflag:$0x11], $0x10, s15, s20, $0xb8;
	[tilespmem:$0xCF40] =	vst v63  }
0xf3: {  	_ =	swait.ge [sflag:s16], $0x800  }
0xf4: {  	[sflag:s16] =	ssyncset.done $0x0  }
0xf5: {  	[sflag:s16] =	ssyncadd.s32 $0xFFFFF800  }
0xf6: {  	[spmem:s3] =	stream.indirect.scatter.add.f32 [tilespmem:s18], [sflag:$0x11], $0x8, s15, s20, $0xb8;
	[tilespmem:$0xCF40] =	vst v63  }
0xf7: {  	_ =	swait.ge [sflag:s16], $0x400  }
0xf8: {  	[sflag:s16] =	ssyncset.done $0x0  }
0xf9: {  	[sflag:s16] =	ssyncadd.s32 $0xFFFFFC00  }
0xfa: {  	_ =	swait.ge [sflag:s8], $0x800  }
0xfb: {  	[sflag:s8] =	ssyncset.done $0x0  }
0xfc: {  	s21 =	simm.s32 $0x9F80;
	s19 =	simm.s32 $0x3600;
	[sflag:s8] =	ssyncadd.s32 $0xFFFFF800  }
0xfd: {  	[spmem:s2] =	stream.indirect.scatter.add.f32 [tilespmem:s21], [sflag:$0x11], $0x10, s19, s20, $0xb8;
	[tilespmem:$0xCF40] =	vst v63  }
0xfe: {  	_ =	swait.ge [sflag:s16], $0x800  }
0xff: {  	[sflag:s16] =	ssyncset.done $0x0  }
0x100: {  	[sflag:s16] =	ssyncadd.s32 $0xFFFFF800  }
0x101: {  	[spmem:s3] =	stream.indirect.scatter.add.f32 [tilespmem:s18], [sflag:$0x11], $0x8, s19, s20, $0xb8;
	[tilespmem:$0xCF40] =	vst v63  }
0x102: {  	_ =	swait.ge [sflag:s16], $0x400  }
0x103: {  	[sflag:s16] =	ssyncset.done $0x0  }
0x104: {  	[sflag:s16] =	ssyncadd.s32 $0xFFFFFC00  }
0x105: {  	_ =	swait.ge [sflag:s25], $0x800  }
0x106: {  	[sflag:s25] =	ssyncset.done $0x0  }
0x107: {  	s28 =	simm.s32 $0xA780;
	s23 =	simm.s32 $0x3680;
	[sflag:s25] =	ssyncadd.s32 $0xFFFFF800  }
0x108: {  	[spmem:s2] =	stream.indirect.scatter.add.f32 [tilespmem:s28], [sflag:$0x11], $0x10, s23, s20, $0xb8;
	[tilespmem:$0xCF40] =	vst v63  }
0x109: {  	_ =	swait.ge [sflag:s16], $0x800  }
0x10a: {  	[sflag:s16] =	ssyncset.done $0x0  }
0x10b: {  	[sflag:s16] =	ssyncadd.s32 $0xFFFFF800  }
0x10c: {  	[spmem:s3] =	stream.indirect.scatter.add.f32 [tilespmem:s18], [sflag:$0x11], $0x8, s23, s20, $0xb8;
	[tilespmem:$0xCF40] =	vst v63  }
0x10d: {  	_ =	swait.ge [sflag:s16], $0x400  }
0x10e: {  	[sflag:s16] =	ssyncset.done $0x0  }
0x10f: {  	[sflag:s16] =	ssyncadd.s32 $0xFFFFFC00  }
0x110: {  	_ =	swait.ge [sflag:s22], $0x800  }
0x111: {  	[sflag:s22] =	ssyncset.done $0x0  }
0x112: {  	s30 =	simm.s32 $0xAF80;
	s29 =	simm.s32 $0x3700;
	[sflag:s22] =	ssyncadd.s32 $0xFFFFF800  }
0x113: {  	[spmem:s2] =	stream.indirect.scatter.add.f32 [tilespmem:s30], [sflag:$0x11], $0x10, s29, s20, $0xb8;
	[tilespmem:$0xCF40] =	vst v63  }
0x114: {  	_ =	swait.ge [sflag:s16], $0x800  }
0x115: {  	[sflag:s16] =	ssyncset.done $0x0  }
0x116: {  	s0 =	simm.s32 $0xFFFFF800;
	[sflag:s16] =	ssyncadd.s32 $0xFFFFF800  }
0x117: {  	[spmem:s3] =	stream.indirect.scatter.add.f32 [tilespmem:s18], [sflag:$0x11], $0x8, s29, s20, $0xb8;
	[tilespmem:$0xCF40] =	vst v63  }
0x118: {  	s6 =	simm.s32 $0xFFFFFA00;
	s19 =	sadd.s32 $0xFFFFF800, s14;
	_ =	swait.ge [sflag:s16], $0x400  }
.LBB2_2:
0x119: {  	s10 =	sadd.s32 $0xB00, s19;
	[sflag:s16] =	ssyncset.done $0x0  }
0x11a: {  	s15 =	simm.s32 $0x0;
	s21 =	simm.s32 $0x2F80;
	[sflag:s16] =	ssyncadd.s32 $0xFFFFFC00  }
0x11b: {  	[tilespmem:s21], [sflag:$0x11] =	stream.linear.gather [hbm4b:s10+s15], $0x800, $0x38;
	[tilespmem:$0xCF40] =	vst v63  }
0x11c: {  	_ =	swait.ge [sflag:s16], $0x800  }
0x11d: {  	[sflag:s16] =	ssyncset.done $0x0  }
0x11e: {  	s29 =	simm.s32 $0x7780;
	[sflag:s16] =	ssyncadd.s32 $0xFFFFF800  }
0x11f: {  	[tilespmem:s29], [sflag:$0x9] =	stream.indirect.gather [hbm4b:s5+s20], $0x10, s21, s20, $0xb8;
	[tilespmem:$0xCF40] =	vst v63  }
0x120: {  	s11 =	simm.s32 $0x7F80;
	s17 =	rddreg [dreg:$0x5]  }
0x121: {  	[tilespmem:s11], [sflag:$0xA] =	stream.indirect.gather [hbm4b:s5+s20], $0x10, s17, s20, $0xb8;
	[tilespmem:$0xCF40] =	vst v63  }
0x122: {  	s13 =	simm.s32 $0x8780;
	s23 =	rddreg [dreg:$0x6]  }
0x123: {  	[tilespmem:s13], [sflag:$0xB] =	stream.indirect.gather [hbm4b:s5+s20], $0x10, s23, s20, $0xb8;
	[tilespmem:$0xCF40] =	vst v63  }
0x124: {  	s28 =	rddreg [dreg:$0x7];
	s17 =	simm.s32 $0x8F80  }
0x125: {  	[tilespmem:s17], [sflag:$0xC] =	stream.indirect.gather [hbm4b:s5+s20], $0x10, s28, s20, $0xb8;
	[tilespmem:$0xCF40] =	vst v63  }
0x126: {  	s4 =	simm.s32 $0x9780;
	s30 =	rddreg [dreg:$0x8]  }
0x127: {  	[tilespmem:s4], [sflag:$0xD] =	stream.indirect.gather [hbm4b:s5+s20], $0x10, s30, s20, $0xb8;
	[tilespmem:$0xCF40] =	vst v63  }
0x128: {  	s1 =	rddreg [dreg:$0x9];
	s23 =	simm.s32 $0x9F80  }
0x129: {  	[tilespmem:s23], [sflag:$0xE] =	stream.indirect.gather [hbm4b:s5+s20], $0x10, s1, s20, $0xb8;
	[tilespmem:$0xCF40] =	vst v63  }
0x12a: {  	s21 =	rddreg [dreg:$0xa];
	s28 =	simm.s32 $0xA780  }
0x12b: {  	[tilespmem:s28], [sflag:$0xF] =	stream.indirect.gather [hbm4b:s5+s20], $0x10, s21, s20, $0xb8;
	[tilespmem:$0xCF40] =	vst v63  }
0x12c: {  	s15 =	simm.s32 $0x1;
	s30 =	rddreg [dreg:$0xb];
	s1 =	simm.s32 $0xAF80  }
0x12d: {  	[tilespmem:s1], [sflag:$0x10] =	stream.indirect.gather [hbm4b:s5+s20], $0x10, s30, s20, $0xb8;
	[tilespmem:$0xCF40] =	vst v63  }
0x12e: {  	_ =	swait.ge [sflag:s15], $0x800  }
0x12f: {  	[sflag:s15] =	ssyncset.done $0x0  }
0x130: {  	s21 =	simm.s32 $0x3780;
	s30 =	simm.s32 $0x2B80;
	[sflag:s15] =	ssyncadd.s32 $0xFFFFF800  }
0x131: {  	[spmem:s2] =	stream.indirect.scatter.add.f32 [tilespmem:s21], [sflag:$0x11], $0x10, s30, s20, $0xb8;
	[tilespmem:$0xCF40] =	vst v63  }
0x132: {  	_ =	swait.ge [sflag:s16], $0x800  }
0x133: {  	[sflag:s16] =	ssyncset.done $0x0  }
0x134: {  	[sflag:s16] =	ssyncadd.s32 $0xFFFFF800  }
0x135: {  	[spmem:s3] =	stream.indirect.scatter.add.f32 [tilespmem:s18], [sflag:$0x11], $0x8, s30, s20, $0xb8;
	[tilespmem:$0xCF40] =	vst v63  }
0x136: {  	_ =	swait.ge [sflag:s16], $0x400  }
0x137: {  	[sflag:s16] =	ssyncset.done $0x0  }
0x138: {  	s15 =	simm.s32 $0x2;
	[sflag:s16] =	ssyncadd.s32 $0xFFFFFC00  }
0x139: {  	_ =	swait.ge [sflag:s15], $0x800  }
0x13a: {  	[sflag:s15] =	ssyncset.done $0x0  }
0x13b: {  	s21 =	simm.s32 $0x3F80;
	s30 =	simm.s32 $0x2C00;
	[sflag:s15] =	ssyncadd.s32 $0xFFFFF800  }
0x13c: {  	[spmem:s2] =	stream.indirect.scatter.add.f32 [tilespmem:s21], [sflag:$0x11], $0x10, s30, s20, $0xb8;
	[tilespmem:$0xCF40] =	vst v63  }
0x13d: {  	_ =	swait.ge [sflag:s16], $0x800  }
0x13e: {  	[sflag:s16] =	ssyncset.done $0x0  }
0x13f: {  	[sflag:s16] =	ssyncadd.s32 $0xFFFFF800  }
0x140: {  	[spmem:s3] =	stream.indirect.scatter.add.f32 [tilespmem:s18], [sflag:$0x11], $0x8, s30, s20, $0xb8;
	[tilespmem:$0xCF40] =	vst v63  }
0x141: {  	_ =	swait.ge [sflag:s16], $0x400  }
0x142: {  	[sflag:s16] =	ssyncset.done $0x0  }
0x143: {  	s15 =	simm.s32 $0x3;
	[sflag:s16] =	ssyncadd.s32 $0xFFFFFC00  }
0x144: {  	_ =	swait.ge [sflag:s15], $0x800  }
0x145: {  	[sflag:s15] =	ssyncset.done $0x0  }
0x146: {  	s21 =	simm.s32 $0x4780;
	s30 =	simm.s32 $0x2C80;
	[sflag:s15] =	ssyncadd.s32 $0xFFFFF800  }
0x147: {  	[spmem:s2] =	stream.indirect.scatter.add.f32 [tilespmem:s21], [sflag:$0x11], $0x10, s30, s20, $0xb8;
	[tilespmem:$0xCF40] =	vst v63  }
0x148: {  	_ =	swait.ge [sflag:s16], $0x800  }
0x149: {  	[sflag:s16] =	ssyncset.done $0x0  }
0x14a: {  	[sflag:s16] =	ssyncadd.s32 $0xFFFFF800  }
0x14b: {  	[spmem:s3] =	stream.indirect.scatter.add.f32 [tilespmem:s18], [sflag:$0x11], $0x8, s30, s20, $0xb8;
	[tilespmem:$0xCF40] =	vst v63  }
0x14c: {  	_ =	swait.ge [sflag:s16], $0x400  }
0x14d: {  	[sflag:s16] =	ssyncset.done $0x0  }
0x14e: {  	s15 =	simm.s32 $0x4;
	[sflag:s16] =	ssyncadd.s32 $0xFFFFFC00  }
0x14f: {  	_ =	swait.ge [sflag:s15], $0x800  }
0x150: {  	[sflag:s15] =	ssyncset.done $0x0  }
0x151: {  	s21 =	simm.s32 $0x4F80;
	s30 =	simm.s32 $0x2D00;
	[sflag:s15] =	ssyncadd.s32 $0xFFFFF800  }
0x152: {  	[spmem:s2] =	stream.indirect.scatter.add.f32 [tilespmem:s21], [sflag:$0x11], $0x10, s30, s20, $0xb8;
	[tilespmem:$0xCF40] =	vst v63  }
0x153: {  	_ =	swait.ge [sflag:s16], $0x800  }
0x154: {  	[sflag:s16] =	ssyncset.done $0x0  }
0x155: {  	[sflag:s16] =	ssyncadd.s32 $0xFFFFF800  }
0x156: {  	[spmem:s3] =	stream.indirect.scatter.add.f32 [tilespmem:s18], [sflag:$0x11], $0x8, s30, s20, $0xb8;
	[tilespmem:$0xCF40] =	vst v63  }
0x157: {  	_ =	swait.ge [sflag:s16], $0x400  }
0x158: {  	[sflag:s16] =	ssyncset.done $0x0  }
0x159: {  	s15 =	simm.s32 $0x5;
	[sflag:s16] =	ssyncadd.s32 $0xFFFFFC00  }
0x15a: {  	_ =	swait.ge [sflag:s15], $0x800  }
0x15b: {  	[sflag:s15] =	ssyncset.done $0x0  }
0x15c: {  	s21 =	simm.s32 $0x5780;
	s30 =	simm.s32 $0x2D80;
	[sflag:s15] =	ssyncadd.s32 $0xFFFFF800  }
0x15d: {  	[spmem:s2] =	stream.indirect.scatter.add.f32 [tilespmem:s21], [sflag:$0x11], $0x10, s30, s20, $0xb8;
	[tilespmem:$0xCF40] =	vst v63  }
0x15e: {  	_ =	swait.ge [sflag:s16], $0x800  }
0x15f: {  	[sflag:s16] =	ssyncset.done $0x0  }
0x160: {  	[sflag:s16] =	ssyncadd.s32 $0xFFFFF800  }
0x161: {  	[spmem:s3] =	stream.indirect.scatter.add.f32 [tilespmem:s18], [sflag:$0x11], $0x8, s30, s20, $0xb8;
	[tilespmem:$0xCF40] =	vst v63  }
0x162: {  	_ =	swait.ge [sflag:s16], $0x400  }
0x163: {  	[sflag:s16] =	ssyncset.done $0x0  }
0x164: {  	s15 =	simm.s32 $0x6;
	[sflag:s16] =	ssyncadd.s32 $0xFFFFFC00  }
0x165: {  	_ =	swait.ge [sflag:s15], $0x800  }
0x166: {  	[sflag:s15] =	ssyncset.done $0x0  }
0x167: {  	s21 =	simm.s32 $0x5F80;
	s30 =	simm.s32 $0x2E00;
	[sflag:s15] =	ssyncadd.s32 $0xFFFFF800  }
0x168: {  	[spmem:s2] =	stream.indirect.scatter.add.f32 [tilespmem:s21], [sflag:$0x11], $0x10, s30, s20, $0xb8;
	[tilespmem:$0xCF40] =	vst v63  }
0x169: {  	_ =	swait.ge [sflag:s16], $0x800  }
0x16a: {  	[sflag:s16] =	ssyncset.done $0x0  }
0x16b: {  	[sflag:s16] =	ssyncadd.s32 $0xFFFFF800  }
0x16c: {  	[spmem:s3] =	stream.indirect.scatter.add.f32 [tilespmem:s18], [sflag:$0x11], $0x8, s30, s20, $0xb8;
	[tilespmem:$0xCF40] =	vst v63  }
0x16d: {  	_ =	swait.ge [sflag:s16], $0x400  }
0x16e: {  	[sflag:s16] =	ssyncset.done $0x0  }
0x16f: {  	s15 =	simm.s32 $0x7;
	[sflag:s16] =	ssyncadd.s32 $0xFFFFFC00  }
0x170: {  	_ =	swait.ge [sflag:s15], $0x800  }
0x171: {  	[sflag:s15] =	ssyncset.done $0x0  }
0x172: {  	s21 =	simm.s32 $0x6780;
	s30 =	simm.s32 $0x2E80;
	[sflag:s15] =	ssyncadd.s32 $0xFFFFF800  }
0x173: {  	[spmem:s2] =	stream.indirect.scatter.add.f32 [tilespmem:s21], [sflag:$0x11], $0x10, s30, s20, $0xb8;
	[tilespmem:$0xCF40] =	vst v63  }
0x174: {  	_ =	swait.ge [sflag:s16], $0x800  }
0x175: {  	[sflag:s16] =	ssyncset.done $0x0  }
0x176: {  	[sflag:s16] =	ssyncadd.s32 $0xFFFFF800  }
0x177: {  	[spmem:s3] =	stream.indirect.scatter.add.f32 [tilespmem:s18], [sflag:$0x11], $0x8, s30, s20, $0xb8;
	[tilespmem:$0xCF40] =	vst v63  }
0x178: {  	_ =	swait.ge [sflag:s16], $0x400  }
0x179: {  	[sflag:s16] =	ssyncset.done $0x0  }
0x17a: {  	[sflag:s16] =	ssyncadd.s32 $0xFFFFFC00  }
0x17b: {  	_ =	swait.ge [sflag:s26], $0x800  }
0x17c: {  	[sflag:s26] =	ssyncset.done $0x0  }
0x17d: {  	s21 =	simm.s32 $0x6F80;
	s30 =	simm.s32 $0x2F00;
	[sflag:s26] =	ssyncadd.s32 $0xFFFFF800  }
0x17e: {  	[spmem:s2] =	stream.indirect.scatter.add.f32 [tilespmem:s21], [sflag:$0x11], $0x10, s30, s20, $0xb8;
	[tilespmem:$0xCF40] =	vst v63  }
0x17f: {  	_ =	swait.ge [sflag:s16], $0x800  }
0x180: {  	[sflag:s16] =	ssyncset.done $0x0  }
0x181: {  	p1 =	seq.s32 s0, $0xFFFFFE00;
	[sflag:s16] =	ssyncadd.s32 $0xFFFFF800  }
0x182: {  	[spmem:s3] =	stream.indirect.scatter.add.f32 [tilespmem:s18], [sflag:$0x11], $0x8, s30, s20, $0xb8;
	[tilespmem:$0xCF40] =	vst v63  }
0x183: {  	s0 =	sadd.s32 @!p1 s0, s14;
	_ =	swait.ge [sflag:s16], $0x400  }
0x184: {  	s10 =	simm.s32 @!p1 $0x0;
	s15 =	sadd.s32 @!p1 $0xC00, s0;
	[sflag:s16] =	ssyncset.done $0x0  }
0x185: {  	s21 =	simm.s32 @!p1 $0x2780;
	s30 =	simm.s32 @!p1 $0x11;
	[sflag:s16] =	ssyncadd.s32 $0xFFFFFC00  }
0x186: {  	[tilespmem:s21], [sflag:$0x11] =	stream.linear.gather @!p1 [hbm4b:s15+s10], $0x800, $0x38;
	[tilespmem:$0xCF40] =	vst v63  }
0x187: {  	_ =	swait.ge @!p1 [sflag:s30], $0x800  }
0x188: {  	s19 =	smov.u32 s6;
	[sflag:s30] =	ssyncset.done @!p1 $0x0  }
0x189: {  	s10 =	simm.s32 @!p1 $0x80;
	s15 =	simm.s32 @!p1 $0x3780;
	[sflag:s30] =	ssyncadd.s32 @!p1 $0xFFFFF800  }
0x18a: {  	[tilespmem:s15], [sflag:$0x1] =	stream.indirect.gather @!p1 [hbm4b:s5+s10], $0x10, s21, s10, $0xb8;
	[tilespmem:$0xCF40] =	vst v63  }
0x18b: {  	s0 =	smov.u32 s19;
	s19 =	simm.s32 @!p1 $0x2800;
	s30 =	simm.s32 @!p1 $0x3F80  }
0x18c: {  	[tilespmem:s30], [sflag:$0x2] =	stream.indirect.gather @!p1 [hbm4b:s5+s10], $0x10, s19, s10, $0xb8;
	[tilespmem:$0xCF40] =	vst v63  }
0x18d: {  	s15 =	simm.s32 @!p1 $0x2880;
	s21 =	simm.s32 @!p1 $0x4780  }
0x18e: {  	[tilespmem:s21], [sflag:$0x3] =	stream.indirect.gather @!p1 [hbm4b:s5+s10], $0x10, s15, s10, $0xb8;
	[tilespmem:$0xCF40] =	vst v63  }
0x18f: {  	s19 =	simm.s32 @!p1 $0x2900;
	s30 =	simm.s32 @!p1 $0x4F80  }
0x190: {  	[tilespmem:s30], [sflag:$0x4] =	stream.indirect.gather @!p1 [hbm4b:s5+s10], $0x10, s19, s10, $0xb8;
	[tilespmem:$0xCF40] =	vst v63  }
0x191: {  	s15 =	simm.s32 @!p1 $0x2980;
	s21 =	simm.s32 @!p1 $0x5780  }
0x192: {  	[tilespmem:s21], [sflag:$0x5] =	stream.indirect.gather @!p1 [hbm4b:s5+s10], $0x10, s15, s10, $0xb8;
	[tilespmem:$0xCF40] =	vst v63  }
0x193: {  	s19 =	simm.s32 @!p1 $0x2A00;
	s30 =	simm.s32 @!p1 $0x5F80  }
0x194: {  	[tilespmem:s30], [sflag:$0x6] =	stream.indirect.gather @!p1 [hbm4b:s5+s10], $0x10, s19, s10, $0xb8;
	[tilespmem:$0xCF40] =	vst v63  }
0x195: {  	s15 =	simm.s32 @!p1 $0x2A80;
	s21 =	simm.s32 @!p1 $0x6780  }
0x196: {  	[tilespmem:s21], [sflag:$0x7] =	stream.indirect.gather @!p1 [hbm4b:s5+s10], $0x10, s15, s10, $0xb8;
	[tilespmem:$0xCF40] =	vst v63  }
0x197: {  	s19 =	simm.s32 @!p1 $0x2B00;
	s30 =	simm.s32 @!p1 $0x6F80  }
0x198: {  	[tilespmem:s30], [sflag:$0x8] =	stream.indirect.gather @!p1 [hbm4b:s5+s10], $0x10, s19, s10, $0xb8;
	[tilespmem:$0xCF40] =	vst v63  }
0x199: {  	_ =	swait.ge [sflag:s31], $0x800  }
0x19a: {  	[sflag:s31] =	ssyncset.done $0x0  }
0x19b: {  	s21 =	simm.s32 $0x3380;
	[sflag:s31] =	ssyncadd.s32 $0xFFFFF800  }
0x19c: {  	[spmem:s2] =	stream.indirect.scatter.add.f32 [tilespmem:s29], [sflag:$0x11], $0x10, s21, s20, $0xb8;
	[tilespmem:$0xCF40] =	vst v63  }
0x19d: {  	_ =	swait.ge [sflag:s16], $0x800  }
0x19e: {  	[sflag:s16] =	ssyncset.done $0x0  }
0x19f: {  	[sflag:s16] =	ssyncadd.s32 $0xFFFFF800  }
0x1a0: {  	[spmem:s3] =	stream.indirect.scatter.add.f32 [tilespmem:s18], [sflag:$0x11], $0x8, s21, s20, $0xb8;
	[tilespmem:$0xCF40] =	vst v63  }
0x1a1: {  	_ =	swait.ge [sflag:s16], $0x400  }
0x1a2: {  	[sflag:s16] =	ssyncset.done $0x0  }
0x1a3: {  	[sflag:s16] =	ssyncadd.s32 $0xFFFFFC00  }
0x1a4: {  	_ =	swait.ge [sflag:s24], $0x800  }
0x1a5: {  	[sflag:s24] =	ssyncset.done $0x0  }
0x1a6: {  	s30 =	simm.s32 $0x3400;
	[sflag:s24] =	ssyncadd.s32 $0xFFFFF800  }
0x1a7: {  	[spmem:s2] =	stream.indirect.scatter.add.f32 [tilespmem:s11], [sflag:$0x11], $0x10, s30, s20, $0xb8;
	[tilespmem:$0xCF40] =	vst v63  }
0x1a8: {  	_ =	swait.ge [sflag:s16], $0x800  }
0x1a9: {  	[sflag:s16] =	ssyncset.done $0x0  }
0x1aa: {  	[sflag:s16] =	ssyncadd.s32 $0xFFFFF800  }
0x1ab: {  	[spmem:s3] =	stream.indirect.scatter.add.f32 [tilespmem:s18], [sflag:$0x11], $0x8, s30, s20, $0xb8;
	[tilespmem:$0xCF40] =	vst v63  }
0x1ac: {  	_ =	swait.ge [sflag:s16], $0x400  }
0x1ad: {  	[sflag:s16] =	ssyncset.done $0x0  }
0x1ae: {  	[sflag:s16] =	ssyncadd.s32 $0xFFFFFC00  }
0x1af: {  	_ =	swait.ge [sflag:s7], $0x800  }
0x1b0: {  	[sflag:s7] =	ssyncset.done $0x0  }
0x1b1: {  	s11 =	simm.s32 $0x3480;
	[sflag:s7] =	ssyncadd.s32 $0xFFFFF800  }
0x1b2: {  	[spmem:s2] =	stream.indirect.scatter.add.f32 [tilespmem:s13], [sflag:$0x11], $0x10, s11, s20, $0xb8;
	[tilespmem:$0xCF40] =	vst v63  }
0x1b3: {  	_ =	swait.ge [sflag:s16], $0x800  }
0x1b4: {  	[sflag:s16] =	ssyncset.done $0x0  }
0x1b5: {  	[sflag:s16] =	ssyncadd.s32 $0xFFFFF800  }
0x1b6: {  	[spmem:s3] =	stream.indirect.scatter.add.f32 [tilespmem:s18], [sflag:$0x11], $0x8, s11, s20, $0xb8;
	[tilespmem:$0xCF40] =	vst v63  }
0x1b7: {  	_ =	swait.ge [sflag:s16], $0x400  }
0x1b8: {  	[sflag:s16] =	ssyncset.done $0x0  }
0x1b9: {  	[sflag:s16] =	ssyncadd.s32 $0xFFFFFC00  }
0x1ba: {  	_ =	swait.ge [sflag:s9], $0x800  }
0x1bb: {  	[sflag:s9] =	ssyncset.done $0x0  }
0x1bc: {  	s15 =	simm.s32 $0x3500;
	[sflag:s9] =	ssyncadd.s32 $0xFFFFF800  }
0x1bd: {  	[spmem:s2] =	stream.indirect.scatter.add.f32 [tilespmem:s17], [sflag:$0x11], $0x10, s15, s20, $0xb8;
	[tilespmem:$0xCF40] =	vst v63  }
0x1be: {  	_ =	swait.ge [sflag:s16], $0x800  }
0x1bf: {  	[sflag:s16] =	ssyncset.done $0x0  }
0x1c0: {  	[sflag:s16] =	ssyncadd.s32 $0xFFFFF800  }
0x1c1: {  	[spmem:s3] =	stream.indirect.scatter.add.f32 [tilespmem:s18], [sflag:$0x11], $0x8, s15, s20, $0xb8;
	[tilespmem:$0xCF40] =	vst v63  }
0x1c2: {  	_ =	swait.ge [sflag:s16], $0x400  }
0x1c3: {  	[sflag:s16] =	ssyncset.done $0x0  }
0x1c4: {  	[sflag:s16] =	ssyncadd.s32 $0xFFFFFC00  }
0x1c5: {  	_ =	swait.ge [sflag:s12], $0x800  }
0x1c6: {  	[sflag:s12] =	ssyncset.done $0x0  }
0x1c7: {  	s19 =	simm.s32 $0x3580;
	[sflag:s12] =	ssyncadd.s32 $0xFFFFF800  }
0x1c8: {  	[spmem:s2] =	stream.indirect.scatter.add.f32 [tilespmem:s4], [sflag:$0x11], $0x10, s19, s20, $0xb8;
	[tilespmem:$0xCF40] =	vst v63  }
0x1c9: {  	_ =	swait.ge [sflag:s16], $0x800  }
0x1ca: {  	[sflag:s16] =	ssyncset.done $0x0  }
0x1cb: {  	[sflag:s16] =	ssyncadd.s32 $0xFFFFF800  }
0x1cc: {  	[spmem:s3] =	stream.indirect.scatter.add.f32 [tilespmem:s18], [sflag:$0x11], $0x8, s19, s20, $0xb8;
	[tilespmem:$0xCF40] =	vst v63  }
0x1cd: {  	_ =	swait.ge [sflag:s16], $0x400  }
0x1ce: {  	[sflag:s16] =	ssyncset.done $0x0  }
0x1cf: {  	[sflag:s16] =	ssyncadd.s32 $0xFFFFFC00  }
0x1d0: {  	_ =	swait.ge [sflag:s8], $0x800  }
0x1d1: {  	[sflag:s8] =	ssyncset.done $0x0  }
0x1d2: {  	s21 =	simm.s32 $0x3600;
	[sflag:s8] =	ssyncadd.s32 $0xFFFFF800  }
0x1d3: {  	[spmem:s2] =	stream.indirect.scatter.add.f32 [tilespmem:s23], [sflag:$0x11], $0x10, s21, s20, $0xb8;
	[tilespmem:$0xCF40] =	vst v63  }
0x1d4: {  	_ =	swait.ge [sflag:s16], $0x800  }
0x1d5: {  	[sflag:s16] =	ssyncset.done $0x0  }
0x1d6: {  	[sflag:s16] =	ssyncadd.s32 $0xFFFFF800  }
0x1d7: {  	[spmem:s3] =	stream.indirect.scatter.add.f32 [tilespmem:s18], [sflag:$0x11], $0x8, s21, s20, $0xb8;
	[tilespmem:$0xCF40] =	vst v63  }
0x1d8: {  	_ =	swait.ge [sflag:s16], $0x400  }
0x1d9: {  	[sflag:s16] =	ssyncset.done $0x0  }
0x1da: {  	[sflag:s16] =	ssyncadd.s32 $0xFFFFFC00  }
0x1db: {  	_ =	swait.ge [sflag:s25], $0x800  }
0x1dc: {  	[sflag:s25] =	ssyncset.done $0x0  }
0x1dd: {  	s29 =	simm.s32 $0x3680;
	[sflag:s25] =	ssyncadd.s32 $0xFFFFF800  }
0x1de: {  	[spmem:s2] =	stream.indirect.scatter.add.f32 [tilespmem:s28], [sflag:$0x11], $0x10, s29, s20, $0xb8;
	[tilespmem:$0xCF40] =	vst v63  }
0x1df: {  	_ =	swait.ge [sflag:s16], $0x800  }
0x1e0: {  	[sflag:s16] =	ssyncset.done $0x0  }
0x1e1: {  	[sflag:s16] =	ssyncadd.s32 $0xFFFFF800  }
0x1e2: {  	[spmem:s3] =	stream.indirect.scatter.add.f32 [tilespmem:s18], [sflag:$0x11], $0x8, s29, s20, $0xb8;
	[tilespmem:$0xCF40] =	vst v63  }
0x1e3: {  	_ =	swait.ge [sflag:s16], $0x400  }
0x1e4: {  	[sflag:s16] =	ssyncset.done $0x0  }
0x1e5: {  	[sflag:s16] =	ssyncadd.s32 $0xFFFFFC00  }
0x1e6: {  	_ =	swait.ge [sflag:s22], $0x800  }
0x1e7: {  	s6 =	sadd.s32 $0x200, s6;
	[sflag:s22] =	ssyncset.done $0x0  }
0x1e8: {  	p0 =	sne.s32 s6, $0x0;
	s30 =	simm.s32 $0x3700;
	[sflag:s22] =	ssyncadd.s32 $0xFFFFF800  }
0x1e9: {  	[spmem:s2] =	stream.indirect.scatter.add.f32 [tilespmem:s1], [sflag:$0x11], $0x10, s30, s20, $0xb8;
	[tilespmem:$0xCF40] =	vst v63  }
.Ltmp0:
0x1ea: {  	_ =	swait.ge [sflag:s16], $0x800;
	(pc) =	sbr.rel @p0 .LBB2_2-.Ltmp0, $4  }
0x1eb: {  	[sflag:s16] =	ssyncset.done $0x0  }
0x1ec: {  	[sflag:s16] =	ssyncadd.s32 $0xFFFFF800  }
0x1ed: {  	[spmem:s3] =	stream.indirect.scatter.add.f32 [tilespmem:s18], [sflag:$0x11], $0x8, s30, s20, $0xb8;
	[tilespmem:$0xCF40] =	vst v63  }
0x1ee: {  	s19 =	sadd.s32 s0, s14;
	_ =	swait.ge [sflag:s16], $0x400  }
0x1ef: {  	[sflag:s16] =	ssyncset.done $0x0;
	s6 =	sadd.s32 $0xB00, s19  }
0x1f0: {  	s10 =	simm.s32 $0x0;
	s15 =	simm.s32 $0x2F80;
	[sflag:s16] =	ssyncadd.s32 $0xFFFFFC00  }
0x1f1: {  	[tilespmem:s15], [sflag:$0x11] =	stream.linear.gather [hbm4b:s6+s10], $0x800, $0x38;
	[tilespmem:$0xCF40] =	vst v63  }
0x1f2: {  	_ =	swait.ge [sflag:s16], $0x800  }
0x1f3: {  	[sflag:s16] =	ssyncset.done $0x0  }
0x1f4: {  	s19 =	simm.s32 $0x7780;
	[sflag:s16] =	ssyncadd.s32 $0xFFFFF800  }
0x1f5: {  	[tilespmem:s19], [sflag:$0x9] =	stream.indirect.gather [hbm4b:s5+s20], $0x10, s15, s20, $0xb8;
	[tilespmem:$0xCF40] =	vst v63  }
0x1f6: {  	s11 =	simm.s32 $0x7F80;
	s13 =	rddreg [dreg:$0x5]  }
0x1f7: {  	[tilespmem:s11], [sflag:$0xA] =	stream.indirect.gather [hbm4b:s5+s20], $0x10, s13, s20, $0xb8;
	[tilespmem:$0xCF40] =	vst v63  }
0x1f8: {  	s15 =	rddreg [dreg:$0x6];
	s13 =	simm.s32 $0x8780  }
0x1f9: {  	[tilespmem:s13], [sflag:$0xB] =	stream.indirect.gather [hbm4b:s5+s20], $0x10, s15, s20, $0xb8;
	[tilespmem:$0xCF40] =	vst v63  }
0x1fa: {  	s17 =	rddreg [dreg:$0x7];
	s15 =	simm.s32 $0x8F80  }
0x1fb: {  	[tilespmem:s15], [sflag:$0xC] =	stream.indirect.gather [hbm4b:s5+s20], $0x10, s17, s20, $0xb8;
	[tilespmem:$0xCF40] =	vst v63  }
0x1fc: {  	s4 =	simm.s32 $0x9780;
	s21 =	rddreg [dreg:$0x8]  }
0x1fd: {  	[tilespmem:s4], [sflag:$0xD] =	stream.indirect.gather [hbm4b:s5+s20], $0x10, s21, s20, $0xb8;
	[tilespmem:$0xCF40] =	vst v63  }
0x1fe: {  	s23 =	rddreg [dreg:$0x9];
	s17 =	simm.s32 $0x9F80  }
0x1ff: {  	[tilespmem:s17], [sflag:$0xE] =	stream.indirect.gather [hbm4b:s5+s20], $0x10, s23, s20, $0xb8;
	[tilespmem:$0xCF40] =	vst v63  }
0x200: {  	s28 =	rddreg [dreg:$0xa];
	s21 =	simm.s32 $0xA780  }
0x201: {  	[tilespmem:s21], [sflag:$0xF] =	stream.indirect.gather [hbm4b:s5+s20], $0x10, s28, s20, $0xb8;
	[tilespmem:$0xCF40] =	vst v63  }
0x202: {  	s1 =	simm.s32 $0xAF80;
	s30 =	simm.s32 $0x1;
	s29 =	rddreg [dreg:$0xb]  }
0x203: {  	[tilespmem:s1], [sflag:$0x10] =	stream.indirect.gather [hbm4b:s5+s20], $0x10, s29, s20, $0xb8;
	[tilespmem:$0xCF40] =	vst v63  }
0x204: {  	_ =	swait.ge [sflag:s30], $0x800  }
0x205: {  	[sflag:s30] =	ssyncset.done $0x0  }
0x206: {  	s10 =	simm.s32 $0x3780;
	s23 =	simm.s32 $0x2B80;
	[sflag:s30] =	ssyncadd.s32 $0xFFFFF800  }
0x207: {  	[spmem:s2] =	stream.indirect.scatter.add.f32 [tilespmem:s10], [sflag:$0x11], $0x10, s23, s20, $0xb8;
	[tilespmem:$0xCF40] =	vst v63  }
0x208: {  	_ =	swait.ge [sflag:s16], $0x800  }
0x209: {  	[sflag:s16] =	ssyncset.done $0x0  }
0x20a: {  	[sflag:s16] =	ssyncadd.s32 $0xFFFFF800  }
0x20b: {  	[spmem:s3] =	stream.indirect.scatter.add.f32 [tilespmem:s18], [sflag:$0x11], $0x8, s23, s20, $0xb8;
	[tilespmem:$0xCF40] =	vst v63  }
0x20c: {  	_ =	swait.ge [sflag:s16], $0x400  }
0x20d: {  	[sflag:s16] =	ssyncset.done $0x0  }
0x20e: {  	s28 =	simm.s32 $0x2;
	[sflag:s16] =	ssyncadd.s32 $0xFFFFFC00  }
0x20f: {  	_ =	swait.ge [sflag:s28], $0x800  }
0x210: {  	[sflag:s28] =	ssyncset.done $0x0  }
0x211: {  	s29 =	simm.s32 $0x3F80;
	s30 =	simm.s32 $0x2C00;
	[sflag:s28] =	ssyncadd.s32 $0xFFFFF800  }
0x212: {  	[spmem:s2] =	stream.indirect.scatter.add.f32 [tilespmem:s29], [sflag:$0x11], $0x10, s30, s20, $0xb8;
	[tilespmem:$0xCF40] =	vst v63  }
0x213: {  	_ =	swait.ge [sflag:s16], $0x800  }
0x214: {  	[sflag:s16] =	ssyncset.done $0x0  }
0x215: {  	[sflag:s16] =	ssyncadd.s32 $0xFFFFF800  }
0x216: {  	[spmem:s3] =	stream.indirect.scatter.add.f32 [tilespmem:s18], [sflag:$0x11], $0x8, s30, s20, $0xb8;
	[tilespmem:$0xCF40] =	vst v63  }
0x217: {  	_ =	swait.ge [sflag:s16], $0x400  }
0x218: {  	[sflag:s16] =	ssyncset.done $0x0  }
0x219: {  	s23 =	simm.s32 $0x3;
	[sflag:s16] =	ssyncadd.s32 $0xFFFFFC00  }
0x21a: {  	_ =	swait.ge [sflag:s23], $0x800  }
0x21b: {  	[sflag:s23] =	ssyncset.done $0x0  }
0x21c: {  	s28 =	simm.s32 $0x4780;
	s29 =	simm.s32 $0x2C80;
	[sflag:s23] =	ssyncadd.s32 $0xFFFFF800  }
0x21d: {  	[spmem:s2] =	stream.indirect.scatter.add.f32 [tilespmem:s28], [sflag:$0x11], $0x10, s29, s20, $0xb8;
	[tilespmem:$0xCF40] =	vst v63  }
0x21e: {  	_ =	swait.ge [sflag:s16], $0x800  }
0x21f: {  	[sflag:s16] =	ssyncset.done $0x0  }
0x220: {  	[sflag:s16] =	ssyncadd.s32 $0xFFFFF800  }
0x221: {  	[spmem:s3] =	stream.indirect.scatter.add.f32 [tilespmem:s18], [sflag:$0x11], $0x8, s29, s20, $0xb8;
	[tilespmem:$0xCF40] =	vst v63  }
0x222: {  	_ =	swait.ge [sflag:s16], $0x400  }
0x223: {  	[sflag:s16] =	ssyncset.done $0x0  }
0x224: {  	s30 =	simm.s32 $0x4;
	[sflag:s16] =	ssyncadd.s32 $0xFFFFFC00  }
0x225: {  	_ =	swait.ge [sflag:s30], $0x800  }
0x226: {  	[sflag:s30] =	ssyncset.done $0x0  }
0x227: {  	s10 =	simm.s32 $0x4F80;
	s23 =	simm.s32 $0x2D00;
	[sflag:s30] =	ssyncadd.s32 $0xFFFFF800  }
0x228: {  	[spmem:s2] =	stream.indirect.scatter.add.f32 [tilespmem:s10], [sflag:$0x11], $0x10, s23, s20, $0xb8;
	[tilespmem:$0xCF40] =	vst v63  }
0x229: {  	_ =	swait.ge [sflag:s16], $0x800  }
0x22a: {  	[sflag:s16] =	ssyncset.done $0x0  }
0x22b: {  	[sflag:s16] =	ssyncadd.s32 $0xFFFFF800  }
0x22c: {  	[spmem:s3] =	stream.indirect.scatter.add.f32 [tilespmem:s18], [sflag:$0x11], $0x8, s23, s20, $0xb8;
	[tilespmem:$0xCF40] =	vst v63  }
0x22d: {  	_ =	swait.ge [sflag:s16], $0x400  }
0x22e: {  	[sflag:s16] =	ssyncset.done $0x0  }
0x22f: {  	s28 =	simm.s32 $0x5;
	[sflag:s16] =	ssyncadd.s32 $0xFFFFFC00  }
0x230: {  	_ =	swait.ge [sflag:s28], $0x800  }
0x231: {  	[sflag:s28] =	ssyncset.done $0x0  }
0x232: {  	s29 =	simm.s32 $0x5780;
	s30 =	simm.s32 $0x2D80;
	[sflag:s28] =	ssyncadd.s32 $0xFFFFF800  }
0x233: {  	[spmem:s2] =	stream.indirect.scatter.add.f32 [tilespmem:s29], [sflag:$0x11], $0x10, s30, s20, $0xb8;
	[tilespmem:$0xCF40] =	vst v63  }
0x234: {  	_ =	swait.ge [sflag:s16], $0x800  }
0x235: {  	[sflag:s16] =	ssyncset.done $0x0  }
0x236: {  	[sflag:s16] =	ssyncadd.s32 $0xFFFFF800  }
0x237: {  	[spmem:s3] =	stream.indirect.scatter.add.f32 [tilespmem:s18], [sflag:$0x11], $0x8, s30, s20, $0xb8;
	[tilespmem:$0xCF40] =	vst v63  }
0x238: {  	_ =	swait.ge [sflag:s16], $0x400  }
0x239: {  	[sflag:s16] =	ssyncset.done $0x0  }
0x23a: {  	s23 =	simm.s32 $0x6;
	[sflag:s16] =	ssyncadd.s32 $0xFFFFFC00  }
0x23b: {  	_ =	swait.ge [sflag:s23], $0x800  }
0x23c: {  	[sflag:s23] =	ssyncset.done $0x0  }
0x23d: {  	s28 =	simm.s32 $0x5F80;
	s29 =	simm.s32 $0x2E00;
	[sflag:s23] =	ssyncadd.s32 $0xFFFFF800  }
0x23e: {  	[spmem:s2] =	stream.indirect.scatter.add.f32 [tilespmem:s28], [sflag:$0x11], $0x10, s29, s20, $0xb8;
	[tilespmem:$0xCF40] =	vst v63  }
0x23f: {  	_ =	swait.ge [sflag:s16], $0x800  }
0x240: {  	[sflag:s16] =	ssyncset.done $0x0  }
0x241: {  	[sflag:s16] =	ssyncadd.s32 $0xFFFFF800  }
0x242: {  	[spmem:s3] =	stream.indirect.scatter.add.f32 [tilespmem:s18], [sflag:$0x11], $0x8, s29, s20, $0xb8;
	[tilespmem:$0xCF40] =	vst v63  }
0x243: {  	_ =	swait.ge [sflag:s16], $0x400  }
0x244: {  	[sflag:s16] =	ssyncset.done $0x0  }
0x245: {  	s30 =	simm.s32 $0x7;
	[sflag:s16] =	ssyncadd.s32 $0xFFFFFC00  }
0x246: {  	_ =	swait.ge [sflag:s30], $0x800  }
0x247: {  	[sflag:s30] =	ssyncset.done $0x0  }
0x248: {  	s10 =	simm.s32 $0x6780;
	s23 =	simm.s32 $0x2E80;
	[sflag:s30] =	ssyncadd.s32 $0xFFFFF800  }
0x249: {  	[spmem:s2] =	stream.indirect.scatter.add.f32 [tilespmem:s10], [sflag:$0x11], $0x10, s23, s20, $0xb8;
	[tilespmem:$0xCF40] =	vst v63  }
0x24a: {  	_ =	swait.ge [sflag:s16], $0x800  }
0x24b: {  	[sflag:s16] =	ssyncset.done $0x0  }
0x24c: {  	[sflag:s16] =	ssyncadd.s32 $0xFFFFF800  }
0x24d: {  	[spmem:s3] =	stream.indirect.scatter.add.f32 [tilespmem:s18], [sflag:$0x11], $0x8, s23, s20, $0xb8;
	[tilespmem:$0xCF40] =	vst v63  }
0x24e: {  	_ =	swait.ge [sflag:s16], $0x400  }
0x24f: {  	[sflag:s16] =	ssyncset.done $0x0  }
0x250: {  	[sflag:s16] =	ssyncadd.s32 $0xFFFFFC00  }
0x251: {  	_ =	swait.ge [sflag:s26], $0x800  }
0x252: {  	[sflag:s26] =	ssyncset.done $0x0  }
0x253: {  	s28 =	simm.s32 $0x6F80;
	s29 =	simm.s32 $0x2F00;
	[sflag:s26] =	ssyncadd.s32 $0xFFFFF800  }
0x254: {  	[spmem:s2] =	stream.indirect.scatter.add.f32 [tilespmem:s28], [sflag:$0x11], $0x10, s29, s20, $0xb8;
	[tilespmem:$0xCF40] =	vst v63  }
0x255: {  	_ =	swait.ge [sflag:s16], $0x800  }
0x256: {  	[sflag:s16] =	ssyncset.done $0x0  }
0x257: {  	[sflag:s16] =	ssyncadd.s32 $0xFFFFF800  }
0x258: {  	[spmem:s3] =	stream.indirect.scatter.add.f32 [tilespmem:s18], [sflag:$0x11], $0x8, s29, s20, $0xb8;
	[tilespmem:$0xCF40] =	vst v63  }
0x259: {  	p0 =	seq.s32 s0, $0xFFFFFE00;
	_ =	swait.ge [sflag:s16], $0x400  }
0x25a: {  	s0 =	sadd.s32 @!p0 s0, s14;
	s6 =	simm.s32 @!p0 $0x0;
	[sflag:s16] =	ssyncset.done $0x0  }
0x25b: {  	s0 =	sadd.s32 @!p0 $0xC00, s0;
	s10 =	simm.s32 @!p0 $0x2780;
	[sflag:s16] =	ssyncadd.s32 $0xFFFFFC00  }
0x25c: {  	[tilespmem:s10], [sflag:$0x11] =	stream.linear.gather @!p0 [hbm4b:s0+s6], $0x800, $0x38;
	[tilespmem:$0xCF40] =	vst v63  }
0x25d: {  	s0 =	simm.s32 @!p0 $0x11  }
0x25e: {  	_ =	swait.ge @!p0 [sflag:s0], $0x800  }
0x25f: {  	[sflag:s0] =	ssyncset.done @!p0 $0x0  }
0x260: {  	s6 =	simm.s32 @!p0 $0x80;
	[sflag:s0] =	ssyncadd.s32 @!p0 $0xFFFFF800;
	s0 =	simm.s32 @!p0 $0x3780  }
0x261: {  	[tilespmem:s0], [sflag:$0x1] =	stream.indirect.gather @!p0 [hbm4b:s5+s6], $0x10, s10, s6, $0xb8;
	[tilespmem:$0xCF40] =	vst v63  }
0x262: {  	s0 =	simm.s32 @!p0 $0x2800;
	s10 =	simm.s32 @!p0 $0x3F80  }
0x263: {  	[tilespmem:s10], [sflag:$0x2] =	stream.indirect.gather @!p0 [hbm4b:s5+s6], $0x10, s0, s6, $0xb8;
	[tilespmem:$0xCF40] =	vst v63  }
0x264: {  	s0 =	simm.s32 @!p0 $0x2880;
	s10 =	simm.s32 @!p0 $0x4780  }
0x265: {  	[tilespmem:s10], [sflag:$0x3] =	stream.indirect.gather @!p0 [hbm4b:s5+s6], $0x10, s0, s6, $0xb8;
	[tilespmem:$0xCF40] =	vst v63  }
0x266: {  	s0 =	simm.s32 @!p0 $0x2900;
	s10 =	simm.s32 @!p0 $0x4F80  }
0x267: {  	[tilespmem:s10], [sflag:$0x4] =	stream.indirect.gather @!p0 [hbm4b:s5+s6], $0x10, s0, s6, $0xb8;
	[tilespmem:$0xCF40] =	vst v63  }
0x268: {  	s0 =	simm.s32 @!p0 $0x2980;
	s10 =	simm.s32 @!p0 $0x5780  }
0x269: {  	[tilespmem:s10], [sflag:$0x5] =	stream.indirect.gather @!p0 [hbm4b:s5+s6], $0x10, s0, s6, $0xb8;
	[tilespmem:$0xCF40] =	vst v63  }
0x26a: {  	s0 =	simm.s32 @!p0 $0x2A00;
	s10 =	simm.s32 @!p0 $0x5F80  }
0x26b: {  	[tilespmem:s10], [sflag:$0x6] =	stream.indirect.gather @!p0 [hbm4b:s5+s6], $0x10, s0, s6, $0xb8;
	[tilespmem:$0xCF40] =	vst v63  }
0x26c: {  	s0 =	simm.s32 @!p0 $0x2A80;
	s10 =	simm.s32 @!p0 $0x6780  }
0x26d: {  	[tilespmem:s10], [sflag:$0x7] =	stream.indirect.gather @!p0 [hbm4b:s5+s6], $0x10, s0, s6, $0xb8;
	[tilespmem:$0xCF40] =	vst v63  }
0x26e: {  	s0 =	simm.s32 @!p0 $0x2B00;
	s10 =	simm.s32 @!p0 $0x6F80  }
0x26f: {  	[tilespmem:s10], [sflag:$0x8] =	stream.indirect.gather @!p0 [hbm4b:s5+s6], $0x10, s0, s6, $0xb8;
	[tilespmem:$0xCF40] =	vst v63  }
0x270: {  	_ =	swait.ge [sflag:s31], $0x800  }
0x271: {  	[sflag:s31] =	ssyncset.done $0x0  }
0x272: {  	s30 =	simm.s32 $0x3380;
	[sflag:s31] =	ssyncadd.s32 $0xFFFFF800  }
0x273: {  	[spmem:s2] =	stream.indirect.scatter.add.f32 [tilespmem:s19], [sflag:$0x11], $0x10, s30, s20, $0xb8;
	[tilespmem:$0xCF40] =	vst v63  }
0x274: {  	_ =	swait.ge [sflag:s16], $0x800  }
0x275: {  	[sflag:s16] =	ssyncset.done $0x0  }
0x276: {  	[sflag:s16] =	ssyncadd.s32 $0xFFFFF800  }
0x277: {  	[spmem:s3] =	stream.indirect.scatter.add.f32 [tilespmem:s18], [sflag:$0x11], $0x8, s30, s20, $0xb8;
	[tilespmem:$0xCF40] =	vst v63  }
0x278: {  	_ =	swait.ge [sflag:s16], $0x400  }
0x279: {  	[sflag:s16] =	ssyncset.done $0x0  }
0x27a: {  	[sflag:s16] =	ssyncadd.s32 $0xFFFFFC00  }
0x27b: {  	_ =	swait.ge [sflag:s24], $0x800  }
0x27c: {  	[sflag:s24] =	ssyncset.done $0x0  }
0x27d: {  	s6 =	simm.s32 $0x3400;
	[sflag:s24] =	ssyncadd.s32 $0xFFFFF800  }
0x27e: {  	[spmem:s2] =	stream.indirect.scatter.add.f32 [tilespmem:s11], [sflag:$0x11], $0x10, s6, s20, $0xb8;
	[tilespmem:$0xCF40] =	vst v63  }
0x27f: {  	_ =	swait.ge [sflag:s16], $0x800  }
0x280: {  	[sflag:s16] =	ssyncset.done $0x0  }
0x281: {  	[sflag:s16] =	ssyncadd.s32 $0xFFFFF800  }
0x282: {  	[spmem:s3] =	stream.indirect.scatter.add.f32 [tilespmem:s18], [sflag:$0x11], $0x8, s6, s20, $0xb8;
	[tilespmem:$0xCF40] =	vst v63  }
0x283: {  	_ =	swait.ge [sflag:s16], $0x400  }
0x284: {  	[sflag:s16] =	ssyncset.done $0x0  }
0x285: {  	[sflag:s16] =	ssyncadd.s32 $0xFFFFFC00  }
0x286: {  	_ =	swait.ge [sflag:s7], $0x800  }
0x287: {  	[sflag:s7] =	ssyncset.done $0x0  }
0x288: {  	s10 =	simm.s32 $0x3480;
	[sflag:s7] =	ssyncadd.s32 $0xFFFFF800  }
0x289: {  	[spmem:s2] =	stream.indirect.scatter.add.f32 [tilespmem:s13], [sflag:$0x11], $0x10, s10, s20, $0xb8;
	[tilespmem:$0xCF40] =	vst v63  }
0x28a: {  	_ =	swait.ge [sflag:s16], $0x800  }
0x28b: {  	[sflag:s16] =	ssyncset.done $0x0  }
0x28c: {  	[sflag:s16] =	ssyncadd.s32 $0xFFFFF800  }
0x28d: {  	[spmem:s3] =	stream.indirect.scatter.add.f32 [tilespmem:s18], [sflag:$0x11], $0x8, s10, s20, $0xb8;
	[tilespmem:$0xCF40] =	vst v63  }
0x28e: {  	_ =	swait.ge [sflag:s16], $0x400  }
0x28f: {  	[sflag:s16] =	ssyncset.done $0x0  }
0x290: {  	[sflag:s16] =	ssyncadd.s32 $0xFFFFFC00  }
0x291: {  	_ =	swait.ge [sflag:s9], $0x800  }
0x292: {  	[sflag:s9] =	ssyncset.done $0x0  }
0x293: {  	s11 =	simm.s32 $0x3500;
	[sflag:s9] =	ssyncadd.s32 $0xFFFFF800  }
0x294: {  	[spmem:s2] =	stream.indirect.scatter.add.f32 [tilespmem:s15], [sflag:$0x11], $0x10, s11, s20, $0xb8;
	[tilespmem:$0xCF40] =	vst v63  }
0x295: {  	_ =	swait.ge [sflag:s16], $0x800  }
0x296: {  	[sflag:s16] =	ssyncset.done $0x0  }
0x297: {  	[sflag:s16] =	ssyncadd.s32 $0xFFFFF800  }
0x298: {  	[spmem:s3] =	stream.indirect.scatter.add.f32 [tilespmem:s18], [sflag:$0x11], $0x8, s11, s20, $0xb8;
	[tilespmem:$0xCF40] =	vst v63  }
0x299: {  	_ =	swait.ge [sflag:s16], $0x400  }
0x29a: {  	[sflag:s16] =	ssyncset.done $0x0  }
0x29b: {  	[sflag:s16] =	ssyncadd.s32 $0xFFFFFC00  }
0x29c: {  	_ =	swait.ge [sflag:s12], $0x800  }
0x29d: {  	[sflag:s12] =	ssyncset.done $0x0  }
0x29e: {  	s13 =	simm.s32 $0x3580;
	[sflag:s12] =	ssyncadd.s32 $0xFFFFF800  }
0x29f: {  	[spmem:s2] =	stream.indirect.scatter.add.f32 [tilespmem:s4], [sflag:$0x11], $0x10, s13, s20, $0xb8;
	[tilespmem:$0xCF40] =	vst v63  }
0x2a0: {  	_ =	swait.ge [sflag:s16], $0x800  }
0x2a1: {  	[sflag:s16] =	ssyncset.done $0x0  }
0x2a2: {  	[sflag:s16] =	ssyncadd.s32 $0xFFFFF800  }
0x2a3: {  	[spmem:s3] =	stream.indirect.scatter.add.f32 [tilespmem:s18], [sflag:$0x11], $0x8, s13, s20, $0xb8;
	[tilespmem:$0xCF40] =	vst v63  }
0x2a4: {  	_ =	swait.ge [sflag:s16], $0x400  }
0x2a5: {  	[sflag:s16] =	ssyncset.done $0x0  }
0x2a6: {  	[sflag:s16] =	ssyncadd.s32 $0xFFFFFC00  }
0x2a7: {  	_ =	swait.ge [sflag:s8], $0x800  }
0x2a8: {  	[sflag:s8] =	ssyncset.done $0x0  }
0x2a9: {  	s15 =	simm.s32 $0x3600;
	[sflag:s8] =	ssyncadd.s32 $0xFFFFF800  }
0x2aa: {  	[spmem:s2] =	stream.indirect.scatter.add.f32 [tilespmem:s17], [sflag:$0x11], $0x10, s15, s20, $0xb8;
	[tilespmem:$0xCF40] =	vst v63  }
0x2ab: {  	_ =	swait.ge [sflag:s16], $0x800  }
0x2ac: {  	[sflag:s16] =	ssyncset.done $0x0  }
0x2ad: {  	[sflag:s16] =	ssyncadd.s32 $0xFFFFF800  }
0x2ae: {  	[spmem:s3] =	stream.indirect.scatter.add.f32 [tilespmem:s18], [sflag:$0x11], $0x8, s15, s20, $0xb8;
	[tilespmem:$0xCF40] =	vst v63  }
0x2af: {  	_ =	swait.ge [sflag:s16], $0x400  }
0x2b0: {  	[sflag:s16] =	ssyncset.done $0x0  }
0x2b1: {  	[sflag:s16] =	ssyncadd.s32 $0xFFFFFC00  }
0x2b2: {  	_ =	swait.ge [sflag:s25], $0x800  }
0x2b3: {  	[sflag:s25] =	ssyncset.done $0x0  }
0x2b4: {  	s19 =	simm.s32 $0x3680;
	[sflag:s25] =	ssyncadd.s32 $0xFFFFF800  }
0x2b5: {  	[spmem:s2] =	stream.indirect.scatter.add.f32 [tilespmem:s21], [sflag:$0x11], $0x10, s19, s20, $0xb8;
	[tilespmem:$0xCF40] =	vst v63  }
0x2b6: {  	_ =	swait.ge [sflag:s16], $0x800  }
0x2b7: {  	[sflag:s16] =	ssyncset.done $0x0  }
0x2b8: {  	[sflag:s16] =	ssyncadd.s32 $0xFFFFF800  }
0x2b9: {  	[spmem:s3] =	stream.indirect.scatter.add.f32 [tilespmem:s18], [sflag:$0x11], $0x8, s19, s20, $0xb8;
	[tilespmem:$0xCF40] =	vst v63  }
0x2ba: {  	_ =	swait.ge [sflag:s16], $0x400  }
0x2bb: {  	[sflag:s16] =	ssyncset.done $0x0  }
0x2bc: {  	[sflag:s16] =	ssyncadd.s32 $0xFFFFFC00  }
0x2bd: {  	_ =	swait.ge [sflag:s22], $0x800  }
0x2be: {  	[sflag:s22] =	ssyncset.done $0x0  }
0x2bf: {  	s21 =	simm.s32 $0x3700;
	[sflag:s22] =	ssyncadd.s32 $0xFFFFF800  }
0x2c0: {  	[spmem:s2] =	stream.indirect.scatter.add.f32 [tilespmem:s1], [sflag:$0x11], $0x10, s21, s20, $0xb8;
	[tilespmem:$0xCF40] =	vst v63  }
0x2c1: {  	_ =	swait.ge [sflag:s16], $0x800  }
0x2c2: {  	[sflag:s16] =	ssyncset.done $0x0  }
0x2c3: {  	[sflag:s16] =	ssyncadd.s32 $0xFFFFF800  }
0x2c4: {  	[spmem:s3] =	stream.indirect.scatter.add.f32 [tilespmem:s18], [sflag:$0x11], $0x8, s21, s20, $0xb8;
	[tilespmem:$0xCF40] =	vst v63  }
0x2c5: {  	_ =	swait.ge [sflag:s16], $0x400  }
0x2c6: {  	[sflag:s16] =	ssyncset.done $0x0  }
0x2c7: {  	[sflag:s16] =	ssyncadd.s32 $0xFFFFFC00  }
0x2c8: {  	[bflag:$0x0] =	sbarrier.arrive $0xFFFF  }
0x2c9: {  	s15 =	rddreg [dreg:$0xe]  }
0x2ca: {  	s23 =	rddreg [dreg:$0x11]  }
0x2cb: {  	s6 =	rddreg [dreg:$0x14]  }
0x2cc: {  	[hbm:s23], [sflag:s15] =	dma.local [spmem:s6], $0x4F0  }
0x2cd: {  	_ =	swait.ge [sflag:s16], $0x4F0  }
0x2ce: {  	[sflag:s16] =	ssyncset.done $0x0;
	s28 =	rddreg [dreg:$0x12]  }
0x2cf: {  	s10 =	rddreg [dreg:$0x15];
	[sflag:s16] =	ssyncadd.s32 $0xFFFFFB10  }
0x2d0: {  	[hbm:s28], [sflag:s15] =	dma.local [spmem:s10], $0x278  }
0x2d1: {  	_ =	swait.ge [sflag:s16], $0x278  }
0x2d2: {  	s29 =	rddreg [dreg:$0x16]  }
0x2d3: {  	s30 =	rddreg [dreg:$0x13];
	s1 =	sadd.s32 $0x1, s29  }
0x2d4: {  	p0 =	sne.s32 s1, s30  }
.Ltmp1:
0x2d5: {  	_ = 	snop;
	(pc) =	sbr.rel @p0 .LBB2_1-.Ltmp1, $3  }
0x2d6: {  	_ =	sdelay $0x1  }
0x2d7: {  	[sflag:s16] =	ssyncset.done $0x0  }
0x2d8: {  	[sflag:s16] =	ssyncadd.s32 $0xFFFFFD88  }
0x2d9: {  	_ =	sfence.sel $0x180000  }
0x2da: {  	[bflag:$0x0] =	sbarrier.arrive $0xFFFF  }
0x2db: {  	_ =	strace $0x90000047  }
0x2dc: {  	s0 =	stileid.u32;
	[bflag:$0x2] =	sbarrier.arrive $0xFFFF  }
0x2dd: {  	p0 =	sne.s32 s0, $0x0;
	s0 =	rddreg [dreg:$0x4]  }
0x2de: {  	s0 =	sadd.s32 @!p0 $0x100000, s0  }
0x2df: {  	[sflag:s0] =	ssyncadd.tile.s32 @!p0 $0x1;
	_ =	shalt  }
.Lfunc_end2:
_tile_overlayer_lowered:
.L_overlay_start_2:
0x2e0: {  	(tag) =	ssettag $0x2  }
0x2e1: {  	s0 =	rddreg [dreg:$0x0];
	s2 =	stileid.u32  }
0x2e2: {  	s1 =	rddreg [dreg:$0x1];
	p0 =	sne.s32 s2, $0x0  }
0x2e3: {  	s3 =	rddreg [dreg:$0x2];
	[bflag:$0x3] =	sbarrier.arrive $0xFFFF;
	s2 =	simm.s32 @!p0 $0x1C11  }
0x2e4: {  	[timem:s3], [sflag:s2] =	dma.local @!p0 [hbm:s0], s1  }
0x2e5: {  	s0 =	simm.s32 @!p0 $0x11  }
0x2e6: {  	_ =	swait.ge @!p0 [sflag:s0], s1  }
0x2e7: {  	s1 =	ssub.s32 @!p0 $0x0, s1;
	[sflag:s0] =	ssyncset.done @!p0 $0x0  }
0x2e8: {  	[sflag:s0] =	ssyncadd.s32 @!p0 s1  }
0x2e9: {  	[bflag:$0x3] =	sbarrier.arrive $0xFFFF  }
0x2ea: {  	_ =	shalt  }

</sc_bundles>
